<compile_context>
chip_gen: v7x
topology: tpu7x:2x2x1
jax: 0.10.2.dev20260603
libtpu: 0.0.44.dev20260713+nightly
codegen_flags: <defaults>
</compile_context>

<pallas_src>
import functools

import jax
import jax.numpy as jnp
from jax import lax
from jax.experimental import pallas as pl
from jax.experimental.pallas import tpu as pltpu
from jax.experimental.pallas import tpu_sc as plsc

_NC = 2
_NS = 16
_NW = _NC * _NS
_L = 16
_BB = 128
_ET = 8


def _emb_body(seq, emb, ids_t, tok, pos, out,
              ids_v, pos_v, rows_v, dst_v,
              sem_g0, sem_g1, sem_g2, sem_g3, sem_g4, sem_g5, sem_g6, sem_g7,
              sem_w0, sem_w1):
    wid = lax.axis_index("s") * _NC + lax.axis_index("c")
    bb = wid
    b0 = pl.multiple_of(bb * _BB, 8)
    sem_g = (sem_g0, sem_g1, sem_g2, sem_g3, sem_g4, sem_g5, sem_g6, sem_g7)
    sem_w = (sem_w0, sem_w1)

    pltpu.sync_copy(ids_t.at[:, pl.ds(b0, _BB)], ids_v)
    pltpu.sync_copy(pos, pos_v)

    def start_gather(s, b):
        pltpu.async_copy(tok.at[ids_v.at[s]], rows_v.at[b], sem_g[b])

    def wait_gather(b):
        pltpu.make_async_copy(tok.at[ids_v.at[0]], rows_v.at[b],
                              sem_g[b]).wait()

    def start_wb(s, b):
        pltpu.async_copy(dst_v.at[b, :, :, pl.ds(0, _BB)], out.at[s, :, bb],
                         sem_w[b])

    def wait_wb(b):
        pltpu.make_async_copy(dst_v.at[b, :, :, pl.ds(0, _BB)],
                              out.at[0, :, bb], sem_w[b]).wait()

    iota = lax.iota(jnp.int32, _L)
    et_vec = [(iota + d * _L) // _ET for d in range(emb // _L)]
    ei_vec = [lax.rem(iota + d * _L, _ET) for d in range(emb // _L)]

    def transpose_add(s, rb, wb):
        rows = rows_v.at[rb]
        dst = dst_v.at[wb]
        pvec = [pos_v[s, pl.ds(d * _L, _L)] for d in range(emb // _L)]

        @plsc.parallel_loop(0, _BB, unroll=4)
        def _(bl):
            b_vec = jnp.full((_L,), bl, jnp.int32)
            for d in range(emb // _L):
                v = rows[bl, pl.ds(d * _L, _L)] + pvec[d]
                plsc.store_scatter(dst, [et_vec[d], ei_vec[d], b_vec], v)

    nb = 8
    ahead = 6
    for s in range(ahead):
        start_gather(s, s)

    def step(t, carry):
        for k in range(nb):
            s = t * nb + k

            if k < nb - ahead:
                start_gather(s + ahead, (k + ahead) % nb)
            else:
                @pl.when(t <= seq // nb - 2)
                def _():
                    start_gather(s + ahead, (k + ahead) % nb)

            wait_gather(k)

            if k < 2:
                @pl.when(t >= 1)
                def _():
                    wait_wb(k % 2)
            else:
                wait_wb(k % 2)

            transpose_add(s, k, k % 2)
            start_wb(s, k % 2)
        return carry

    lax.fori_loop(0, seq // nb, step, 0)
    wait_wb(0)
    wait_wb(1)


@functools.partial(jax.jit, static_argnames=("batch", "seq", "emb"))
def _emb_call(ids_t, token_table, pos_table, *, batch, seq, emb):
    mesh = plsc.VectorSubcoreMesh(core_axis_name="c", subcore_axis_name="s")
    kern = functools.partial(
        pl.kernel,
        out_type=jax.ShapeDtypeStruct(
            (seq, emb // _ET, batch // _BB, _ET, _BB), jnp.float32),
        mesh=mesh,
        scratch_types=[
            pltpu.VMEM((seq, _BB), jnp.int32),
            pltpu.VMEM((seq, emb), jnp.float32),
            pltpu.VMEM((8, _BB, emb), jnp.float32),
            pltpu.VMEM((2, emb // _ET, _ET, _BB + 1), jnp.float32),
        ] + [pltpu.SemaphoreType.DMA] * 10,
        compiler_params=pltpu.CompilerParams(use_tc_tiling_on_sc=False,
                                             needs_layout_passes=False),
    )(functools.partial(_emb_body, seq, emb))
    return kern(ids_t, token_table, pos_table)


def kernel(input_ids, token_table, pos_table):
    batch, seq = input_ids.shape
    emb = token_table.shape[1]
    ids_t = input_ids.astype(jnp.int32).T
    out5 = _emb_call(ids_t, token_table, pos_table,
                     batch=batch, seq=seq, emb=emb)
    return out5.transpose(2, 4, 0, 1, 3).reshape(batch, seq, emb)

# --- scband reference (transcript-rebuilt; emitter-appended) ---
"""Pipeline reference for scband-embedding-layer-26431228739831 (READ-ONLY COPY).

The authoritative reference and input builder live on the scoring server;
editing this copy changes nothing except your own understanding.
"""

import jax, jax.numpy as jnp
import numpy as np

VOCAB = 1000000
EMB = 64
CTX = 200
BATCH = 4096
SEQ = 200

def setup_inputs(seed: int = 0) -> dict:
    key = jax.random.key(seed)
    k1, k2, k3 = jax.random.split(key, 3)
    input_ids = jax.random.randint(k1, (BATCH, SEQ), 0, VOCAB, dtype=jnp.int64 if jax.config.jax_enable_x64 else jnp.int32)
    token_table = jax.random.normal(k2, (VOCAB, EMB), dtype=jnp.float32) * 0.02
    pos_table = jax.random.normal(k3, (CTX, EMB), dtype=jnp.float32) * 0.02
    return {"input_ids": input_ids, "token_table": token_table, "pos_table": pos_table}

def reference(input_ids, token_table, pos_table):
    batch_size, seq_len = input_ids.shape
    token_emb = jnp.take(token_table, input_ids, axis=0)
    pos_vec = jnp.arange(seq_len)
    pos_emb = jnp.take(pos_table, pos_vec, axis=0)
    return token_emb + pos_emb

if __name__ == "__main__":
    import jax
    _d = setup_inputs()
    print(jax.jit(kernel)(*tuple(_d.values())))

</pallas_src>

<mosaic_0001>
#map = affine_map<(d0, d1) -> (0, 0)>
#map1 = affine_map<(d0, d1) -> (0, 0, 0, 0, 0)>
module attributes {stable_mosaic.version = 14 : i64} {
  func.func @_emb_body(%arg0: i32, %arg1: i32, %arg2: memref<200x4096xi32, #tpu.memory_space<hbm>>, %arg3: memref<1000000x64xf32, #tpu.memory_space<hbm>>, %arg4: memref<200x64xf32, #tpu.memory_space<hbm>>, %arg5: memref<200x8x32x8x128xf32, #tpu.memory_space<hbm>>, %arg6: memref<200x128xi32, #tpu.memory_space<vmem>>, %arg7: memref<200x64xf32, #tpu.memory_space<vmem>>, %arg8: memref<8x128x64xf32, #tpu.memory_space<vmem>>, %arg9: memref<2x8x8x129xf32, #tpu.memory_space<vmem>>, %arg10: memref<!tpu.dma_semaphore, #tpu.memory_space<semaphore_mem>>, %arg11: memref<!tpu.dma_semaphore, #tpu.memory_space<semaphore_mem>>, %arg12: memref<!tpu.dma_semaphore, #tpu.memory_space<semaphore_mem>>, %arg13: memref<!tpu.dma_semaphore, #tpu.memory_space<semaphore_mem>>, %arg14: memref<!tpu.dma_semaphore, #tpu.memory_space<semaphore_mem>>, %arg15: memref<!tpu.dma_semaphore, #tpu.memory_space<semaphore_mem>>, %arg16: memref<!tpu.dma_semaphore, #tpu.memory_space<semaphore_mem>>, %arg17: memref<!tpu.dma_semaphore, #tpu.memory_space<semaphore_mem>>, %arg18: memref<!tpu.dma_semaphore, #tpu.memory_space<semaphore_mem>>, %arg19: memref<!tpu.dma_semaphore, #tpu.memory_space<semaphore_mem>>) attributes {dimension_semantics = [#tpu.dimension_semantics<core_parallel>, #tpu.dimension_semantics<subcore_parallel>], iteration_bounds = array<i64: 2, 16>, scalar_prefetch = 0 : i64, scratch_operands = 14 : i64, tpu.core_type = #tpu.core_type<sc_vector_subcore>, window_params = [{transform_indices = #map}, {transform_indices = #map}, {transform_indices = #map}, {transform_indices = #map1}]} {
    %mul3A = arith.constant 2 : i32
    %mul3A_0 = arith.muli %arg1, %mul3A : i32
    %add3A = arith.addi %mul3A_0, %arg0 : i32
    %mul3A_1 = arith.constant 128 : i32
    %mul3A_2 = arith.muli %add3A, %mul3A_1 : i32
    %multiple_of3A = tpu.assume_multiple %mul3A_2, 8 : i32
    "tpu.region"() ({
      %run_scoped3A = tpu.sem_alloc : memref<!tpu.dma_semaphore, #tpu.memory_space<semaphore_mem>>
      %dma_start3A_274 = arith.constant 0 : i32
      %dma_start3A_275 = tpu.memref_slice %arg2[%dma_start3A_274, %multiple_of3A] : memref<200x4096xi32, #tpu.memory_space<hbm>> -> memref<200x128xi32, #tpu.memory_space<hbm>>
      %dma_start3A_276 = arith.constant 0 : i32
      %dma_start3A_277 = tpu.memref_slice %arg2[%dma_start3A_276, %multiple_of3A] : memref<200x4096xi32, #tpu.memory_space<hbm>> -> memref<200x128xi32, #tpu.memory_space<hbm>>
      tpu.enqueue_dma source(%dma_start3A_277 : memref<200x128xi32, #tpu.memory_space<hbm>>) target(%arg6 : memref<200x128xi32, #tpu.memory_space<vmem>>) target_semaphore(%run_scoped3A : memref<!tpu.dma_semaphore, #tpu.memory_space<semaphore_mem>>)
      %dma_wait3A_278 = arith.constant 0 : i32
      %dma_wait3A_279 = tpu.memref_slice %arg2[%dma_wait3A_278, %multiple_of3A] : memref<200x4096xi32, #tpu.memory_space<hbm>> -> memref<200x128xi32, #tpu.memory_space<hbm>>
      %dma_wait3A_280 = arith.constant 0 : i32
      %dma_wait3A_281 = tpu.memref_slice %arg2[%dma_wait3A_280, %multiple_of3A] : memref<200x4096xi32, #tpu.memory_space<hbm>> -> memref<200x128xi32, #tpu.memory_space<hbm>>
      tpu.wait_dma2 semaphore(%run_scoped3A : memref<!tpu.dma_semaphore, #tpu.memory_space<semaphore_mem>>) src(%dma_wait3A_281 : memref<200x128xi32, #tpu.memory_space<hbm>>) dst(%arg6 : memref<200x128xi32, #tpu.memory_space<vmem>>)
      tpu.yield
    }) : () -> ()
    "tpu.region"() ({
      %run_scoped3A = tpu.sem_alloc : memref<!tpu.dma_semaphore, #tpu.memory_space<semaphore_mem>>
      tpu.enqueue_dma source(%arg4 : memref<200x64xf32, #tpu.memory_space<hbm>>) target(%arg7 : memref<200x64xf32, #tpu.memory_space<vmem>>) target_semaphore(%run_scoped3A : memref<!tpu.dma_semaphore, #tpu.memory_space<semaphore_mem>>)
      tpu.wait_dma2 semaphore(%run_scoped3A : memref<!tpu.dma_semaphore, #tpu.memory_space<semaphore_mem>>) src(%arg4 : memref<200x64xf32, #tpu.memory_space<hbm>>) dst(%arg7 : memref<200x64xf32, #tpu.memory_space<vmem>>)
      tpu.yield
    }) : () -> ()
    %iota3A = tpu.iota {dimensions = array<i32: 0>} : vector<16xi32>
    %add3A_3 = arith.constant 0 : i32
    %add3A_4 = vector.broadcast %add3A_3 : i32 to vector<16xi32>
    %add3A_5 = arith.addi %iota3A, %add3A_4 : vector<16xi32>
    %jit3A = arith.constant 8 : i32
    %div3A = vector.broadcast %jit3A : i32 to vector<16xi32>
    %div3A_6 = arith.divsi %add3A_5, %div3A : vector<16xi32>
    %sign3A = arith.constant 0 : i32
    %sign3A_7 = vector.broadcast %sign3A : i32 to vector<16xi32>
    %sign3A_8 = arith.cmpi sgt, %add3A_5, %sign3A_7 : vector<16xi32>
    %sign3A_9 = arith.extui %sign3A_8 : vector<16xi1> to vector<16xi32>
    %sign3A_10 = arith.constant 0 : i32
    %sign3A_11 = vector.broadcast %sign3A_10 : i32 to vector<16xi32>
    %sign3A_12 = arith.cmpi slt, %add3A_5, %sign3A_11 : vector<16xi32>
    %sign3A_13 = arith.extui %sign3A_12 : vector<16xi1> to vector<16xi32>
    %sign3A_14 = arith.subi %sign3A_9, %sign3A_13 : vector<16xi32>
    %sign3A_15 = arith.constant 0 : i32
    %sign3A_16 = arith.cmpi sgt, %jit3A, %sign3A_15 : i32
    %sign3A_17 = arith.extui %sign3A_16 : i1 to i32
    %sign3A_18 = arith.constant 0 : i32
    %sign3A_19 = arith.cmpi slt, %jit3A, %sign3A_18 : i32
    %sign3A_20 = arith.extui %sign3A_19 : i1 to i32
    %sign3A_21 = arith.subi %sign3A_17, %sign3A_20 : i32
    %ne3A = vector.broadcast %sign3A_21 : i32 to vector<16xi32>
    %ne3A_22 = arith.cmpi ne, %sign3A_14, %ne3A : vector<16xi32>
    %rem3A = vector.broadcast %jit3A : i32 to vector<16xi32>
    %rem3A_23 = arith.remsi %add3A_5, %rem3A : vector<16xi32>
    %ne3A_24 = arith.constant 0 : i32
    %ne3A_25 = vector.broadcast %ne3A_24 : i32 to vector<16xi32>
    %ne3A_26 = arith.cmpi ne, %rem3A_23, %ne3A_25 : vector<16xi32>
    %and3A = arith.andi %ne3A_22, %ne3A_26 : vector<16xi1>
    %sub3A = arith.constant 1 : i32
    %sub3A_27 = vector.broadcast %sub3A : i32 to vector<16xi32>
    %sub3A_28 = arith.subi %div3A_6, %sub3A_27 : vector<16xi32>
    %select_n3A = arith.select %and3A, %sub3A_28, %div3A_6 : vector<16xi1>, vector<16xi32>
    %add3A_29 = arith.constant 16 : i32
    %add3A_30 = vector.broadcast %add3A_29 : i32 to vector<16xi32>
    %add3A_31 = arith.addi %iota3A, %add3A_30 : vector<16xi32>
    %jit3A_32 = arith.constant 8 : i32
    %div3A_33 = vector.broadcast %jit3A_32 : i32 to vector<16xi32>
    %div3A_34 = arith.divsi %add3A_31, %div3A_33 : vector<16xi32>
    %sign3A_35 = arith.constant 0 : i32
    %sign3A_36 = vector.broadcast %sign3A_35 : i32 to vector<16xi32>
    %sign3A_37 = arith.cmpi sgt, %add3A_31, %sign3A_36 : vector<16xi32>
    %sign3A_38 = arith.extui %sign3A_37 : vector<16xi1> to vector<16xi32>
    %sign3A_39 = arith.constant 0 : i32
    %sign3A_40 = vector.broadcast %sign3A_39 : i32 to vector<16xi32>
    %sign3A_41 = arith.cmpi slt, %add3A_31, %sign3A_40 : vector<16xi32>
    %sign3A_42 = arith.extui %sign3A_41 : vector<16xi1> to vector<16xi32>
    %sign3A_43 = arith.subi %sign3A_38, %sign3A_42 : vector<16xi32>
    %sign3A_44 = arith.constant 0 : i32
    %sign3A_45 = arith.cmpi sgt, %jit3A_32, %sign3A_44 : i32
    %sign3A_46 = arith.extui %sign3A_45 : i1 to i32
    %sign3A_47 = arith.constant 0 : i32
    %sign3A_48 = arith.cmpi slt, %jit3A_32, %sign3A_47 : i32
    %sign3A_49 = arith.extui %sign3A_48 : i1 to i32
    %sign3A_50 = arith.subi %sign3A_46, %sign3A_49 : i32
    %ne3A_51 = vector.broadcast %sign3A_50 : i32 to vector<16xi32>
    %ne3A_52 = arith.cmpi ne, %sign3A_43, %ne3A_51 : vector<16xi32>
    %rem3A_53 = vector.broadcast %jit3A_32 : i32 to vector<16xi32>
    %rem3A_54 = arith.remsi %add3A_31, %rem3A_53 : vector<16xi32>
    %ne3A_55 = arith.constant 0 : i32
    %ne3A_56 = vector.broadcast %ne3A_55 : i32 to vector<16xi32>
    %ne3A_57 = arith.cmpi ne, %rem3A_54, %ne3A_56 : vector<16xi32>
    %and3A_58 = arith.andi %ne3A_52, %ne3A_57 : vector<16xi1>
    %sub3A_59 = arith.constant 1 : i32
    %sub3A_60 = vector.broadcast %sub3A_59 : i32 to vector<16xi32>
    %sub3A_61 = arith.subi %div3A_34, %sub3A_60 : vector<16xi32>
    %select_n3A_62 = arith.select %and3A_58, %sub3A_61, %div3A_34 : vector<16xi1>, vector<16xi32>
    %add3A_63 = arith.constant 32 : i32
    %add3A_64 = vector.broadcast %add3A_63 : i32 to vector<16xi32>
    %add3A_65 = arith.addi %iota3A, %add3A_64 : vector<16xi32>
    %jit3A_66 = arith.constant 8 : i32
    %div3A_67 = vector.broadcast %jit3A_66 : i32 to vector<16xi32>
    %div3A_68 = arith.divsi %add3A_65, %div3A_67 : vector<16xi32>
    %sign3A_69 = arith.constant 0 : i32
    %sign3A_70 = vector.broadcast %sign3A_69 : i32 to vector<16xi32>
    %sign3A_71 = arith.cmpi sgt, %add3A_65, %sign3A_70 : vector<16xi32>
    %sign3A_72 = arith.extui %sign3A_71 : vector<16xi1> to vector<16xi32>
    %sign3A_73 = arith.constant 0 : i32
    %sign3A_74 = vector.broadcast %sign3A_73 : i32 to vector<16xi32>
    %sign3A_75 = arith.cmpi slt, %add3A_65, %sign3A_74 : vector<16xi32>
    %sign3A_76 = arith.extui %sign3A_75 : vector<16xi1> to vector<16xi32>
    %sign3A_77 = arith.subi %sign3A_72, %sign3A_76 : vector<16xi32>
    %sign3A_78 = arith.constant 0 : i32
    %sign3A_79 = arith.cmpi sgt, %jit3A_66, %sign3A_78 : i32
    %sign3A_80 = arith.extui %sign3A_79 : i1 to i32
    %sign3A_81 = arith.constant 0 : i32
    %sign3A_82 = arith.cmpi slt, %jit3A_66, %sign3A_81 : i32
    %sign3A_83 = arith.extui %sign3A_82 : i1 to i32
    %sign3A_84 = arith.subi %sign3A_80, %sign3A_83 : i32
    %ne3A_85 = vector.broadcast %sign3A_84 : i32 to vector<16xi32>
    %ne3A_86 = arith.cmpi ne, %sign3A_77, %ne3A_85 : vector<16xi32>
    %rem3A_87 = vector.broadcast %jit3A_66 : i32 to vector<16xi32>
    %rem3A_88 = arith.remsi %add3A_65, %rem3A_87 : vector<16xi32>
    %ne3A_89 = arith.constant 0 : i32
    %ne3A_90 = vector.broadcast %ne3A_89 : i32 to vector<16xi32>
    %ne3A_91 = arith.cmpi ne, %rem3A_88, %ne3A_90 : vector<16xi32>
    %and3A_92 = arith.andi %ne3A_86, %ne3A_91 : vector<16xi1>
    %sub3A_93 = arith.constant 1 : i32
    %sub3A_94 = vector.broadcast %sub3A_93 : i32 to vector<16xi32>
    %sub3A_95 = arith.subi %div3A_68, %sub3A_94 : vector<16xi32>
    %select_n3A_96 = arith.select %and3A_92, %sub3A_95, %div3A_68 : vector<16xi1>, vector<16xi32>
    %add3A_97 = arith.constant 48 : i32
    %add3A_98 = vector.broadcast %add3A_97 : i32 to vector<16xi32>
    %add3A_99 = arith.addi %iota3A, %add3A_98 : vector<16xi32>
    %jit3A_100 = arith.constant 8 : i32
    %div3A_101 = vector.broadcast %jit3A_100 : i32 to vector<16xi32>
    %div3A_102 = arith.divsi %add3A_99, %div3A_101 : vector<16xi32>
    %sign3A_103 = arith.constant 0 : i32
    %sign3A_104 = vector.broadcast %sign3A_103 : i32 to vector<16xi32>
    %sign3A_105 = arith.cmpi sgt, %add3A_99, %sign3A_104 : vector<16xi32>
    %sign3A_106 = arith.extui %sign3A_105 : vector<16xi1> to vector<16xi32>
    %sign3A_107 = arith.constant 0 : i32
    %sign3A_108 = vector.broadcast %sign3A_107 : i32 to vector<16xi32>
    %sign3A_109 = arith.cmpi slt, %add3A_99, %sign3A_108 : vector<16xi32>
    %sign3A_110 = arith.extui %sign3A_109 : vector<16xi1> to vector<16xi32>
    %sign3A_111 = arith.subi %sign3A_106, %sign3A_110 : vector<16xi32>
    %sign3A_112 = arith.constant 0 : i32
    %sign3A_113 = arith.cmpi sgt, %jit3A_100, %sign3A_112 : i32
    %sign3A_114 = arith.extui %sign3A_113 : i1 to i32
    %sign3A_115 = arith.constant 0 : i32
    %sign3A_116 = arith.cmpi slt, %jit3A_100, %sign3A_115 : i32
    %sign3A_117 = arith.extui %sign3A_116 : i1 to i32
    %sign3A_118 = arith.subi %sign3A_114, %sign3A_117 : i32
    %ne3A_119 = vector.broadcast %sign3A_118 : i32 to vector<16xi32>
    %ne3A_120 = arith.cmpi ne, %sign3A_111, %ne3A_119 : vector<16xi32>
    %rem3A_121 = vector.broadcast %jit3A_100 : i32 to vector<16xi32>
    %rem3A_122 = arith.remsi %add3A_99, %rem3A_121 : vector<16xi32>
    %ne3A_123 = arith.constant 0 : i32
    %ne3A_124 = vector.broadcast %ne3A_123 : i32 to vector<16xi32>
    %ne3A_125 = arith.cmpi ne, %rem3A_122, %ne3A_124 : vector<16xi32>
    %and3A_126 = arith.andi %ne3A_120, %ne3A_125 : vector<16xi1>
    %sub3A_127 = arith.constant 1 : i32
    %sub3A_128 = vector.broadcast %sub3A_127 : i32 to vector<16xi32>
    %sub3A_129 = arith.subi %div3A_102, %sub3A_128 : vector<16xi32>
    %select_n3A_130 = arith.select %and3A_126, %sub3A_129, %div3A_102 : vector<16xi1>, vector<16xi32>
    %add3A_131 = arith.constant 0 : i32
    %add3A_132 = vector.broadcast %add3A_131 : i32 to vector<16xi32>
    %add3A_133 = arith.addi %iota3A, %add3A_132 : vector<16xi32>
    %rem3A_134 = arith.constant 8 : i32
    %rem3A_135 = vector.broadcast %rem3A_134 : i32 to vector<16xi32>
    %rem3A_136 = arith.remsi %add3A_133, %rem3A_135 : vector<16xi32>
    %add3A_137 = arith.constant 16 : i32
    %add3A_138 = vector.broadcast %add3A_137 : i32 to vector<16xi32>
    %add3A_139 = arith.addi %iota3A, %add3A_138 : vector<16xi32>
    %rem3A_140 = arith.constant 8 : i32
    %rem3A_141 = vector.broadcast %rem3A_140 : i32 to vector<16xi32>
    %rem3A_142 = arith.remsi %add3A_139, %rem3A_141 : vector<16xi32>
    %add3A_143 = arith.constant 32 : i32
    %add3A_144 = vector.broadcast %add3A_143 : i32 to vector<16xi32>
    %add3A_145 = arith.addi %iota3A, %add3A_144 : vector<16xi32>
    %rem3A_146 = arith.constant 8 : i32
    %rem3A_147 = vector.broadcast %rem3A_146 : i32 to vector<16xi32>
    %rem3A_148 = arith.remsi %add3A_145, %rem3A_147 : vector<16xi32>
    %add3A_149 = arith.constant 48 : i32
    %add3A_150 = vector.broadcast %add3A_149 : i32 to vector<16xi32>
    %add3A_151 = arith.addi %iota3A, %add3A_150 : vector<16xi32>
    %rem3A_152 = arith.constant 8 : i32
    %rem3A_153 = vector.broadcast %rem3A_152 : i32 to vector<16xi32>
    %rem3A_154 = arith.remsi %add3A_151, %rem3A_153 : vector<16xi32>
    %dma_start3A = arith.constant 0 : i32
    %dma_start3A_155 = arith.constant 0 : i32
    %dma_start3A_156 = arith.constant 0 : i32
    %dma_start3A_157 = arith.constant 0 : i32
    %dma_start3A_158 = tpu.memref_slice %arg8[%dma_start3A_155, %dma_start3A_156, %dma_start3A_157] : memref<8x128x64xf32, #tpu.memory_space<vmem>> -> memref<1x128x64xf32, #tpu.memory_space<vmem>>
    %dma_start3A_159 = tpu.memref_squeeze %dma_start3A_158 : memref<1x128x64xf32, #tpu.memory_space<vmem>> -> memref<128x64xf32, #tpu.memory_space<vmem>>
    %dma_start3A_160 = arith.constant 0 : i32
    %dma_start3A_161 = tpu.memref_slice %arg6[%dma_start3A, %dma_start3A_160] : memref<200x128xi32, #tpu.memory_space<vmem>> -> memref<1x128xi32, #tpu.memory_space<vmem>>
    %dma_start3A_162 = tpu.memref_squeeze %dma_start3A_161 : memref<1x128xi32, #tpu.memory_space<vmem>> -> memref<128xi32, #tpu.memory_space<vmem>>
    %dma_start3A_163 = arith.constant 0 : i32
    %dma_start3A_164 = arith.constant 0 : i32
    %dma_start3A_165 = tpu.memref_slice %arg3[%dma_start3A_163, %dma_start3A_164] : memref<1000000x64xf32, #tpu.memory_space<hbm>> -> memref<1000000x64xf32, #tpu.memory_space<hbm>>
    tpu.enqueue_indirect_dma source(%dma_start3A_165 : memref<1000000x64xf32, #tpu.memory_space<hbm>>) target(%dma_start3A_159 : memref<128x64xf32, #tpu.memory_space<vmem>>) offsets(%dma_start3A_162 : memref<128xi32, #tpu.memory_space<vmem>>) semaphore(%arg10 : memref<!tpu.dma_semaphore, #tpu.memory_space<semaphore_mem>>)
    %dma_start3A_166 = arith.constant 1 : i32
    %dma_start3A_167 = arith.constant 1 : i32
    %dma_start3A_168 = arith.constant 0 : i32
    %dma_start3A_169 = arith.constant 0 : i32
    %dma_start3A_170 = tpu.memref_slice %arg8[%dma_start3A_167, %dma_start3A_168, %dma_start3A_169] : memref<8x128x64xf32, #tpu.memory_space<vmem>> -> memref<1x128x64xf32, #tpu.memory_space<vmem>>
    %dma_start3A_171 = tpu.memref_squeeze %dma_start3A_170 : memref<1x128x64xf32, #tpu.memory_space<vmem>> -> memref<128x64xf32, #tpu.memory_space<vmem>>
    %dma_start3A_172 = arith.constant 0 : i32
    %dma_start3A_173 = tpu.memref_slice %arg6[%dma_start3A_166, %dma_start3A_172] : memref<200x128xi32, #tpu.memory_space<vmem>> -> memref<1x128xi32, #tpu.memory_space<vmem>>
    %dma_start3A_174 = tpu.memref_squeeze %dma_start3A_173 : memref<1x128xi32, #tpu.memory_space<vmem>> -> memref<128xi32, #tpu.memory_space<vmem>>
    %dma_start3A_175 = arith.constant 0 : i32
    %dma_start3A_176 = arith.constant 0 : i32
    %dma_start3A_177 = tpu.memref_slice %arg3[%dma_start3A_175, %dma_start3A_176] : memref<1000000x64xf32, #tpu.memory_space<hbm>> -> memref<1000000x64xf32, #tpu.memory_space<hbm>>
    tpu.enqueue_indirect_dma source(%dma_start3A_177 : memref<1000000x64xf32, #tpu.memory_space<hbm>>) target(%dma_start3A_171 : memref<128x64xf32, #tpu.memory_space<vmem>>) offsets(%dma_start3A_174 : memref<128xi32, #tpu.memory_space<vmem>>) semaphore(%arg11 : memref<!tpu.dma_semaphore, #tpu.memory_space<semaphore_mem>>)
    %dma_start3A_178 = arith.constant 2 : i32
    %dma_start3A_179 = arith.constant 2 : i32
    %dma_start3A_180 = arith.constant 0 : i32
    %dma_start3A_181 = arith.constant 0 : i32
    %dma_start3A_182 = tpu.memref_slice %arg8[%dma_start3A_179, %dma_start3A_180, %dma_start3A_181] : memref<8x128x64xf32, #tpu.memory_space<vmem>> -> memref<1x128x64xf32, #tpu.memory_space<vmem>>
    %dma_start3A_183 = tpu.memref_squeeze %dma_start3A_182 : memref<1x128x64xf32, #tpu.memory_space<vmem>> -> memref<128x64xf32, #tpu.memory_space<vmem>>
    %dma_start3A_184 = arith.constant 0 : i32
    %dma_start3A_185 = tpu.memref_slice %arg6[%dma_start3A_178, %dma_start3A_184] : memref<200x128xi32, #tpu.memory_space<vmem>> -> memref<1x128xi32, #tpu.memory_space<vmem>>
    %dma_start3A_186 = tpu.memref_squeeze %dma_start3A_185 : memref<1x128xi32, #tpu.memory_space<vmem>> -> memref<128xi32, #tpu.memory_space<vmem>>
    %dma_start3A_187 = arith.constant 0 : i32
    %dma_start3A_188 = arith.constant 0 : i32
    %dma_start3A_189 = tpu.memref_slice %arg3[%dma_start3A_187, %dma_start3A_188] : memref<1000000x64xf32, #tpu.memory_space<hbm>> -> memref<1000000x64xf32, #tpu.memory_space<hbm>>
    tpu.enqueue_indirect_dma source(%dma_start3A_189 : memref<1000000x64xf32, #tpu.memory_space<hbm>>) target(%dma_start3A_183 : memref<128x64xf32, #tpu.memory_space<vmem>>) offsets(%dma_start3A_186 : memref<128xi32, #tpu.memory_space<vmem>>) semaphore(%arg12 : memref<!tpu.dma_semaphore, #tpu.memory_space<semaphore_mem>>)
    %dma_start3A_190 = arith.constant 3 : i32
    %dma_start3A_191 = arith.constant 3 : i32
    %dma_start3A_192 = arith.constant 0 : i32
    %dma_start3A_193 = arith.constant 0 : i32
    %dma_start3A_194 = tpu.memref_slice %arg8[%dma_start3A_191, %dma_start3A_192, %dma_start3A_193] : memref<8x128x64xf32, #tpu.memory_space<vmem>> -> memref<1x128x64xf32, #tpu.memory_space<vmem>>
    %dma_start3A_195 = tpu.memref_squeeze %dma_start3A_194 : memref<1x128x64xf32, #tpu.memory_space<vmem>> -> memref<128x64xf32, #tpu.memory_space<vmem>>
    %dma_start3A_196 = arith.constant 0 : i32
    %dma_start3A_197 = tpu.memref_slice %arg6[%dma_start3A_190, %dma_start3A_196] : memref<200x128xi32, #tpu.memory_space<vmem>> -> memref<1x128xi32, #tpu.memory_space<vmem>>
    %dma_start3A_198 = tpu.memref_squeeze %dma_start3A_197 : memref<1x128xi32, #tpu.memory_space<vmem>> -> memref<128xi32, #tpu.memory_space<vmem>>
    %dma_start3A_199 = arith.constant 0 : i32
    %dma_start3A_200 = arith.constant 0 : i32
    %dma_start3A_201 = tpu.memref_slice %arg3[%dma_start3A_199, %dma_start3A_200] : memref<1000000x64xf32, #tpu.memory_space<hbm>> -> memref<1000000x64xf32, #tpu.memory_space<hbm>>
    tpu.enqueue_indirect_dma source(%dma_start3A_201 : memref<1000000x64xf32, #tpu.memory_space<hbm>>) target(%dma_start3A_195 : memref<128x64xf32, #tpu.memory_space<vmem>>) offsets(%dma_start3A_198 : memref<128xi32, #tpu.memory_space<vmem>>) semaphore(%arg13 : memref<!tpu.dma_semaphore, #tpu.memory_space<semaphore_mem>>)
    %dma_start3A_202 = arith.constant 4 : i32
    %dma_start3A_203 = arith.constant 4 : i32
    %dma_start3A_204 = arith.constant 0 : i32
    %dma_start3A_205 = arith.constant 0 : i32
    %dma_start3A_206 = tpu.memref_slice %arg8[%dma_start3A_203, %dma_start3A_204, %dma_start3A_205] : memref<8x128x64xf32, #tpu.memory_space<vmem>> -> memref<1x128x64xf32, #tpu.memory_space<vmem>>
    %dma_start3A_207 = tpu.memref_squeeze %dma_start3A_206 : memref<1x128x64xf32, #tpu.memory_space<vmem>> -> memref<128x64xf32, #tpu.memory_space<vmem>>
    %dma_start3A_208 = arith.constant 0 : i32
    %dma_start3A_209 = tpu.memref_slice %arg6[%dma_start3A_202, %dma_start3A_208] : memref<200x128xi32, #tpu.memory_space<vmem>> -> memref<1x128xi32, #tpu.memory_space<vmem>>
    %dma_start3A_210 = tpu.memref_squeeze %dma_start3A_209 : memref<1x128xi32, #tpu.memory_space<vmem>> -> memref<128xi32, #tpu.memory_space<vmem>>
    %dma_start3A_211 = arith.constant 0 : i32
    %dma_start3A_212 = arith.constant 0 : i32
    %dma_start3A_213 = tpu.memref_slice %arg3[%dma_start3A_211, %dma_start3A_212] : memref<1000000x64xf32, #tpu.memory_space<hbm>> -> memref<1000000x64xf32, #tpu.memory_space<hbm>>
    tpu.enqueue_indirect_dma source(%dma_start3A_213 : memref<1000000x64xf32, #tpu.memory_space<hbm>>) target(%dma_start3A_207 : memref<128x64xf32, #tpu.memory_space<vmem>>) offsets(%dma_start3A_210 : memref<128xi32, #tpu.memory_space<vmem>>) semaphore(%arg14 : memref<!tpu.dma_semaphore, #tpu.memory_space<semaphore_mem>>)
    %dma_start3A_214 = arith.constant 5 : i32
    %dma_start3A_215 = arith.constant 5 : i32
    %dma_start3A_216 = arith.constant 0 : i32
    %dma_start3A_217 = arith.constant 0 : i32
    %dma_start3A_218 = tpu.memref_slice %arg8[%dma_start3A_215, %dma_start3A_216, %dma_start3A_217] : memref<8x128x64xf32, #tpu.memory_space<vmem>> -> memref<1x128x64xf32, #tpu.memory_space<vmem>>
    %dma_start3A_219 = tpu.memref_squeeze %dma_start3A_218 : memref<1x128x64xf32, #tpu.memory_space<vmem>> -> memref<128x64xf32, #tpu.memory_space<vmem>>
    %dma_start3A_220 = arith.constant 0 : i32
    %dma_start3A_221 = tpu.memref_slice %arg6[%dma_start3A_214, %dma_start3A_220] : memref<200x128xi32, #tpu.memory_space<vmem>> -> memref<1x128xi32, #tpu.memory_space<vmem>>
    %dma_start3A_222 = tpu.memref_squeeze %dma_start3A_221 : memref<1x128xi32, #tpu.memory_space<vmem>> -> memref<128xi32, #tpu.memory_space<vmem>>
    %dma_start3A_223 = arith.constant 0 : i32
    %dma_start3A_224 = arith.constant 0 : i32
    %dma_start3A_225 = tpu.memref_slice %arg3[%dma_start3A_223, %dma_start3A_224] : memref<1000000x64xf32, #tpu.memory_space<hbm>> -> memref<1000000x64xf32, #tpu.memory_space<hbm>>
    tpu.enqueue_indirect_dma source(%dma_start3A_225 : memref<1000000x64xf32, #tpu.memory_space<hbm>>) target(%dma_start3A_219 : memref<128x64xf32, #tpu.memory_space<vmem>>) offsets(%dma_start3A_222 : memref<128xi32, #tpu.memory_space<vmem>>) semaphore(%arg15 : memref<!tpu.dma_semaphore, #tpu.memory_space<semaphore_mem>>)
    %scan3A = arith.constant 0 : i32
    %scan3A_226 = arith.constant 0 : i32
    %scan3A_227 = arith.constant 25 : i32
    %scan3A_228 = arith.addi %scan3A_226, %scan3A_227 : i32
    %scan3A_229 = arith.constant 1 : i32
    scf.for %scan3A_274 = %scan3A_226 to %scan3A_228 step %scan3A_229  : i32 {
      %mul3A_275 = arith.constant 8 : i32
      %mul3A_276 = arith.muli %scan3A_274, %mul3A_275 : i32
      %add3A_277 = arith.constant 0 : i32
      %add3A_278 = arith.addi %mul3A_276, %add3A_277 : i32
      %add3A_279 = arith.constant 6 : i32
      %add3A_280 = arith.addi %add3A_278, %add3A_279 : i32
      %dma_start3A_281 = arith.constant 6 : i32
      %dma_start3A_282 = arith.constant 0 : i32
      %dma_start3A_283 = arith.constant 0 : i32
      %dma_start3A_284 = tpu.memref_slice %arg8[%dma_start3A_281, %dma_start3A_282, %dma_start3A_283] : memref<8x128x64xf32, #tpu.memory_space<vmem>> -> memref<1x128x64xf32, #tpu.memory_space<vmem>>
      %dma_start3A_285 = tpu.memref_squeeze %dma_start3A_284 : memref<1x128x64xf32, #tpu.memory_space<vmem>> -> memref<128x64xf32, #tpu.memory_space<vmem>>
      %dma_start3A_286 = arith.constant 0 : i32
      %dma_start3A_287 = tpu.memref_slice %arg6[%add3A_280, %dma_start3A_286] : memref<200x128xi32, #tpu.memory_space<vmem>> -> memref<1x128xi32, #tpu.memory_space<vmem>>
      %dma_start3A_288 = tpu.memref_squeeze %dma_start3A_287 : memref<1x128xi32, #tpu.memory_space<vmem>> -> memref<128xi32, #tpu.memory_space<vmem>>
      %dma_start3A_289 = arith.constant 0 : i32
      %dma_start3A_290 = arith.constant 0 : i32
      %dma_start3A_291 = tpu.memref_slice %arg3[%dma_start3A_289, %dma_start3A_290] : memref<1000000x64xf32, #tpu.memory_space<hbm>> -> memref<1000000x64xf32, #tpu.memory_space<hbm>>
      tpu.enqueue_indirect_dma source(%dma_start3A_291 : memref<1000000x64xf32, #tpu.memory_space<hbm>>) target(%dma_start3A_285 : memref<128x64xf32, #tpu.memory_space<vmem>>) offsets(%dma_start3A_288 : memref<128xi32, #tpu.memory_space<vmem>>) semaphore(%arg16 : memref<!tpu.dma_semaphore, #tpu.memory_space<semaphore_mem>>)
      %dma_wait3A_292 = arith.constant 0 : i32
      %dma_wait3A_293 = arith.constant 0 : i32
      %dma_wait3A_294 = arith.constant 0 : i32
      %dma_wait3A_295 = arith.constant 0 : i32
      %dma_wait3A_296 = tpu.memref_slice %arg8[%dma_wait3A_293, %dma_wait3A_294, %dma_wait3A_295] : memref<8x128x64xf32, #tpu.memory_space<vmem>> -> memref<1x128x64xf32, #tpu.memory_space<vmem>>
      %dma_wait3A_297 = tpu.memref_squeeze %dma_wait3A_296 : memref<1x128x64xf32, #tpu.memory_space<vmem>> -> memref<128x64xf32, #tpu.memory_space<vmem>>
      %dma_wait3A_298 = arith.constant 0 : i32
      %dma_wait3A_299 = tpu.memref_slice %arg6[%dma_wait3A_292, %dma_wait3A_298] : memref<200x128xi32, #tpu.memory_space<vmem>> -> memref<1x128xi32, #tpu.memory_space<vmem>>
      %dma_wait3A_300 = tpu.memref_squeeze %dma_wait3A_299 : memref<1x128xi32, #tpu.memory_space<vmem>> -> memref<128xi32, #tpu.memory_space<vmem>>
      %dma_wait3A_301 = arith.constant 0 : i32
      %dma_wait3A_302 = arith.constant 0 : i32
      %dma_wait3A_303 = tpu.memref_slice %arg3[%dma_wait3A_301, %dma_wait3A_302] : memref<1000000x64xf32, #tpu.memory_space<hbm>> -> memref<1000000x64xf32, #tpu.memory_space<hbm>>
      tpu.wait_indirect_dma semaphore(%arg10 : memref<!tpu.dma_semaphore, #tpu.memory_space<semaphore_mem>>) src(%dma_wait3A_303 : memref<1000000x64xf32, #tpu.memory_space<hbm>>) dst(%dma_wait3A_297 : memref<128x64xf32, #tpu.memory_space<vmem>>)
      %ge3A = arith.constant 1 : i32
      %ge3A_304 = arith.cmpi sge, %scan3A_274, %ge3A : i32
      %convert_element_type3A = arith.extui %ge3A_304 : i1 to i32
      %cond3A = arith.constant 0 : i32
      %cond3A_305 = arith.cmpi ne, %convert_element_type3A, %cond3A : i32
      scf.if %cond3A_305 {
        %dma_wait3A_899 = arith.constant 0 : i32
        %dma_wait3A_900 = arith.constant 0 : i32
        %dma_wait3A_901 = arith.constant 0 : i32
        %dma_wait3A_902 = arith.constant 0 : i32
        %dma_wait3A_903 = arith.constant 0 : i32
        %dma_wait3A_904 = tpu.memref_slice %arg9[%dma_wait3A_899, %dma_wait3A_901, %dma_wait3A_902, %dma_wait3A_903] : memref<2x8x8x129xf32, #tpu.memory_space<vmem>> -> memref<1x8x8x128xf32, #tpu.memory_space<vmem>>
        %dma_wait3A_905 = tpu.memref_squeeze %dma_wait3A_904 : memref<1x8x8x128xf32, #tpu.memory_space<vmem>> -> memref<8x8x128xf32, #tpu.memory_space<vmem>>
        %dma_wait3A_906 = arith.constant 0 : i32
        %dma_wait3A_907 = arith.constant 0 : i32
        %dma_wait3A_908 = arith.constant 0 : i32
        %dma_wait3A_909 = tpu.memref_slice %arg5[%dma_wait3A_900, %dma_wait3A_906, %add3A, %dma_wait3A_907, %dma_wait3A_908] : memref<200x8x32x8x128xf32, #tpu.memory_space<hbm>> -> memref<1x8x1x8x128xf32, #tpu.memory_space<hbm>>
        %dma_wait3A_910 = tpu.memref_squeeze %dma_wait3A_909 : memref<1x8x1x8x128xf32, #tpu.memory_space<hbm>> -> memref<8x8x128xf32, #tpu.memory_space<hbm>>
        %dma_wait3A_911 = arith.constant 0 : i32
        %dma_wait3A_912 = arith.constant 0 : i32
        %dma_wait3A_913 = arith.constant 0 : i32
        %dma_wait3A_914 = tpu.memref_slice %arg5[%dma_wait3A_900, %dma_wait3A_911, %add3A, %dma_wait3A_912, %dma_wait3A_913] : memref<200x8x32x8x128xf32, #tpu.memory_space<hbm>> -> memref<1x8x1x8x128xf32, #tpu.memory_space<hbm>>
        %dma_wait3A_915 = tpu.memref_squeeze %dma_wait3A_914 : memref<1x8x1x8x128xf32, #tpu.memory_space<hbm>> -> memref<8x8x128xf32, #tpu.memory_space<hbm>>
        %dma_wait3A_916 = arith.constant 0 : i32
        %dma_wait3A_917 = arith.constant 0 : i32
        %dma_wait3A_918 = arith.constant 0 : i32
        %dma_wait3A_919 = tpu.memref_slice %arg9[%dma_wait3A_899, %dma_wait3A_916, %dma_wait3A_917, %dma_wait3A_918] : memref<2x8x8x129xf32, #tpu.memory_space<vmem>> -> memref<1x8x8x128xf32, #tpu.memory_space<vmem>>
        %dma_wait3A_920 = tpu.memref_squeeze %dma_wait3A_919 : memref<1x8x8x128xf32, #tpu.memory_space<vmem>> -> memref<8x8x128xf32, #tpu.memory_space<vmem>>
        tpu.wait_dma2 semaphore(%arg18 : memref<!tpu.dma_semaphore, #tpu.memory_space<semaphore_mem>>) src(%dma_wait3A_920 : memref<8x8x128xf32, #tpu.memory_space<vmem>>) dst(%dma_wait3A_915 : memref<8x8x128xf32, #tpu.memory_space<hbm>>)
      } else {
      }
      %get3A = arith.index_cast %add3A_278 : i32 to index
      %get3A_306 = arith.constant 0 : index
      %get3A_307 = tpu.vector_load %arg7[%get3A, %get3A_306] {strides = array<i32>} : memref<200x64xf32, #tpu.memory_space<vmem>>, vector<16xf32>,
      %get3A_308 = arith.index_cast %add3A_278 : i32 to index
      %get3A_309 = arith.constant 16 : index
      %get3A_310 = tpu.vector_load %arg7[%get3A_308, %get3A_309] {strides = array<i32>} : memref<200x64xf32, #tpu.memory_space<vmem>>, vector<16xf32>,
      %get3A_311 = arith.index_cast %add3A_278 : i32 to index
      %get3A_312 = arith.constant 32 : index
      %get3A_313 = tpu.vector_load %arg7[%get3A_311, %get3A_312] {strides = array<i32>} : memref<200x64xf32, #tpu.memory_space<vmem>>, vector<16xf32>,
      %get3A_314 = arith.index_cast %add3A_278 : i32 to index
      %get3A_315 = arith.constant 48 : index
      %get3A_316 = tpu.vector_load %arg7[%get3A_314, %get3A_315] {strides = array<i32>} : memref<200x64xf32, #tpu.memory_space<vmem>>, vector<16xf32>,
      %parallel_loop3A = arith.constant 0 : i32
      %parallel_loop3A_317 = arith.constant 128 : i32
      %parallel_loop3A_318 = arith.constant 1 : i32
      %parallel_loop3A_319 = arith.constant 0 : i32
      %parallel_loop3A_320 = arith.constant 0 : i32
      scf.for %parallel_loop3A_899 = %parallel_loop3A to %parallel_loop3A_317 step %parallel_loop3A_318  : i32 {
        %parallel_loop3A_900 = vector.broadcast %parallel_loop3A_899 : i32 to vector<16xi32>
        %parallel_loop3A_901 = arith.constant 0 : i32
        %parallel_loop3A_902 = arith.constant 0 : i32
        %parallel_loop3A_903 = tpu.memref_slice %arg8[%parallel_loop3A_319, %parallel_loop3A_901, %parallel_loop3A_902] : memref<8x128x64xf32, #tpu.memory_space<vmem>> -> memref<1x128x64xf32, #tpu.memory_space<vmem>>
        %parallel_loop3A_904 = tpu.memref_squeeze %parallel_loop3A_903 : memref<1x128x64xf32, #tpu.memory_space<vmem>> -> memref<128x64xf32, #tpu.memory_space<vmem>>
        %parallel_loop3A_905 = arith.index_cast %parallel_loop3A_899 : i32 to index
        %parallel_loop3A_906 = arith.constant 0 : index
        %parallel_loop3A_907 = tpu.vector_load %parallel_loop3A_904[%parallel_loop3A_905, %parallel_loop3A_906] {strides = array<i32>} : memref<128x64xf32, #tpu.memory_space<vmem>>, vector<16xf32>,
        %parallel_loop3A_908 = arith.addf %parallel_loop3A_907, %get3A_307 : vector<16xf32>
        %parallel_loop3A_909 = arith.constant 0 : i32
        %parallel_loop3A_910 = arith.constant 0 : i32
        %parallel_loop3A_911 = arith.constant 0 : i32
        %parallel_loop3A_912 = tpu.memref_slice %arg9[%parallel_loop3A_320, %parallel_loop3A_909, %parallel_loop3A_910, %parallel_loop3A_911] : memref<2x8x8x129xf32, #tpu.memory_space<vmem>> -> memref<1x8x8x129xf32, #tpu.memory_space<vmem>>
        %parallel_loop3A_913 = tpu.memref_squeeze %parallel_loop3A_912 : memref<1x8x8x129xf32, #tpu.memory_space<vmem>> -> memref<8x8x129xf32, #tpu.memory_space<vmem>>
        tpu.vector_store_idx %parallel_loop3A_913[%select_n3A, %rem3A_136, %parallel_loop3A_900], %parallel_loop3A_908 : memref<8x8x129xf32, #tpu.memory_space<vmem>>[vector<16xi32>, vector<16xi32>, vector<16xi32>], vector<16xf32>,
        %parallel_loop3A_914 = arith.constant 0 : i32
        %parallel_loop3A_915 = arith.constant 0 : i32
        %parallel_loop3A_916 = tpu.memref_slice %arg8[%parallel_loop3A_319, %parallel_loop3A_914, %parallel_loop3A_915] : memref<8x128x64xf32, #tpu.memory_space<vmem>> -> memref<1x128x64xf32, #tpu.memory_space<vmem>>
        %parallel_loop3A_917 = tpu.memref_squeeze %parallel_loop3A_916 : memref<1x128x64xf32, #tpu.memory_space<vmem>> -> memref<128x64xf32, #tpu.memory_space<vmem>>
        %parallel_loop3A_918 = arith.index_cast %parallel_loop3A_899 : i32 to index
        %parallel_loop3A_919 = arith.constant 16 : index
        %parallel_loop3A_920 = tpu.vector_load %parallel_loop3A_917[%parallel_loop3A_918, %parallel_loop3A_919] {strides = array<i32>} : memref<128x64xf32, #tpu.memory_space<vmem>>, vector<16xf32>,
        %parallel_loop3A_921 = arith.addf %parallel_loop3A_920, %get3A_310 : vector<16xf32>
        %parallel_loop3A_922 = arith.constant 0 : i32
        %parallel_loop3A_923 = arith.constant 0 : i32
        %parallel_loop3A_924 = arith.constant 0 : i32
        %parallel_loop3A_925 = tpu.memref_slice %arg9[%parallel_loop3A_320, %parallel_loop3A_922, %parallel_loop3A_923, %parallel_loop3A_924] : memref<2x8x8x129xf32, #tpu.memory_space<vmem>> -> memref<1x8x8x129xf32, #tpu.memory_space<vmem>>
        %parallel_loop3A_926 = tpu.memref_squeeze %parallel_loop3A_925 : memref<1x8x8x129xf32, #tpu.memory_space<vmem>> -> memref<8x8x129xf32, #tpu.memory_space<vmem>>
        tpu.vector_store_idx %parallel_loop3A_926[%select_n3A_62, %rem3A_142, %parallel_loop3A_900], %parallel_loop3A_921 : memref<8x8x129xf32, #tpu.memory_space<vmem>>[vector<16xi32>, vector<16xi32>, vector<16xi32>], vector<16xf32>,
        %parallel_loop3A_927 = arith.constant 0 : i32
        %parallel_loop3A_928 = arith.constant 0 : i32
        %parallel_loop3A_929 = tpu.memref_slice %arg8[%parallel_loop3A_319, %parallel_loop3A_927, %parallel_loop3A_928] : memref<8x128x64xf32, #tpu.memory_space<vmem>> -> memref<1x128x64xf32, #tpu.memory_space<vmem>>
        %parallel_loop3A_930 = tpu.memref_squeeze %parallel_loop3A_929 : memref<1x128x64xf32, #tpu.memory_space<vmem>> -> memref<128x64xf32, #tpu.memory_space<vmem>>
        %parallel_loop3A_931 = arith.index_cast %parallel_loop3A_899 : i32 to index
        %parallel_loop3A_932 = arith.constant 32 : index
        %parallel_loop3A_933 = tpu.vector_load %parallel_loop3A_930[%parallel_loop3A_931, %parallel_loop3A_932] {strides = array<i32>} : memref<128x64xf32, #tpu.memory_space<vmem>>, vector<16xf32>,
        %parallel_loop3A_934 = arith.addf %parallel_loop3A_933, %get3A_313 : vector<16xf32>
        %parallel_loop3A_935 = arith.constant 0 : i32
        %parallel_loop3A_936 = arith.constant 0 : i32
        %parallel_loop3A_937 = arith.constant 0 : i32
        %parallel_loop3A_938 = tpu.memref_slice %arg9[%parallel_loop3A_320, %parallel_loop3A_935, %parallel_loop3A_936, %parallel_loop3A_937] : memref<2x8x8x129xf32, #tpu.memory_space<vmem>> -> memref<1x8x8x129xf32, #tpu.memory_space<vmem>>
        %parallel_loop3A_939 = tpu.memref_squeeze %parallel_loop3A_938 : memref<1x8x8x129xf32, #tpu.memory_space<vmem>> -> memref<8x8x129xf32, #tpu.memory_space<vmem>>
        tpu.vector_store_idx %parallel_loop3A_939[%select_n3A_96, %rem3A_148, %parallel_loop3A_900], %parallel_loop3A_934 : memref<8x8x129xf32, #tpu.memory_space<vmem>>[vector<16xi32>, vector<16xi32>, vector<16xi32>], vector<16xf32>,
        %parallel_loop3A_940 = arith.constant 0 : i32
        %parallel_loop3A_941 = arith.constant 0 : i32
        %parallel_loop3A_942 = tpu.memref_slice %arg8[%parallel_loop3A_319, %parallel_loop3A_940, %parallel_loop3A_941] : memref<8x128x64xf32, #tpu.memory_space<vmem>> -> memref<1x128x64xf32, #tpu.memory_space<vmem>>
        %parallel_loop3A_943 = tpu.memref_squeeze %parallel_loop3A_942 : memref<1x128x64xf32, #tpu.memory_space<vmem>> -> memref<128x64xf32, #tpu.memory_space<vmem>>
        %parallel_loop3A_944 = arith.index_cast %parallel_loop3A_899 : i32 to index
        %parallel_loop3A_945 = arith.constant 48 : index
        %parallel_loop3A_946 = tpu.vector_load %parallel_loop3A_943[%parallel_loop3A_944, %parallel_loop3A_945] {strides = array<i32>} : memref<128x64xf32, #tpu.memory_space<vmem>>, vector<16xf32>,
        %parallel_loop3A_947 = arith.addf %parallel_loop3A_946, %get3A_316 : vector<16xf32>
        %parallel_loop3A_948 = arith.constant 0 : i32
        %parallel_loop3A_949 = arith.constant 0 : i32
        %parallel_loop3A_950 = arith.constant 0 : i32
        %parallel_loop3A_951 = tpu.memref_slice %arg9[%parallel_loop3A_320, %parallel_loop3A_948, %parallel_loop3A_949, %parallel_loop3A_950] : memref<2x8x8x129xf32, #tpu.memory_space<vmem>> -> memref<1x8x8x129xf32, #tpu.memory_space<vmem>>
        %parallel_loop3A_952 = tpu.memref_squeeze %parallel_loop3A_951 : memref<1x8x8x129xf32, #tpu.memory_space<vmem>> -> memref<8x8x129xf32, #tpu.memory_space<vmem>>
        tpu.vector_store_idx %parallel_loop3A_952[%select_n3A_130, %rem3A_154, %parallel_loop3A_900], %parallel_loop3A_947 : memref<8x8x129xf32, #tpu.memory_space<vmem>>[vector<16xi32>, vector<16xi32>, vector<16xi32>], vector<16xf32>,
      } {sc.loop_unroll_factor = 4 : i64, sc.parallel_access}
      %dma_start3A_321 = arith.constant 0 : i32
      %dma_start3A_322 = arith.constant 0 : i32
      %dma_start3A_323 = arith.constant 0 : i32
      %dma_start3A_324 = arith.constant 0 : i32
      %dma_start3A_325 = tpu.memref_slice %arg9[%dma_start3A_321, %dma_start3A_322, %dma_start3A_323, %dma_start3A_324] : memref<2x8x8x129xf32, #tpu.memory_space<vmem>> -> memref<1x8x8x128xf32, #tpu.memory_space<vmem>>
      %dma_start3A_326 = tpu.memref_squeeze %dma_start3A_325 : memref<1x8x8x128xf32, #tpu.memory_space<vmem>> -> memref<8x8x128xf32, #tpu.memory_space<vmem>>
      %dma_start3A_327 = arith.constant 0 : i32
      %dma_start3A_328 = arith.constant 0 : i32
      %dma_start3A_329 = arith.constant 0 : i32
      %dma_start3A_330 = tpu.memref_slice %arg5[%add3A_278, %dma_start3A_327, %add3A, %dma_start3A_328, %dma_start3A_329] : memref<200x8x32x8x128xf32, #tpu.memory_space<hbm>> -> memref<1x8x1x8x128xf32, #tpu.memory_space<hbm>>
      %dma_start3A_331 = tpu.memref_squeeze %dma_start3A_330 : memref<1x8x1x8x128xf32, #tpu.memory_space<hbm>> -> memref<8x8x128xf32, #tpu.memory_space<hbm>>
      %dma_start3A_332 = arith.constant 0 : i32
      %dma_start3A_333 = arith.constant 0 : i32
      %dma_start3A_334 = arith.constant 0 : i32
      %dma_start3A_335 = tpu.memref_slice %arg5[%add3A_278, %dma_start3A_332, %add3A, %dma_start3A_333, %dma_start3A_334] : memref<200x8x32x8x128xf32, #tpu.memory_space<hbm>> -> memref<1x8x1x8x128xf32, #tpu.memory_space<hbm>>
      %dma_start3A_336 = tpu.memref_squeeze %dma_start3A_335 : memref<1x8x1x8x128xf32, #tpu.memory_space<hbm>> -> memref<8x8x128xf32, #tpu.memory_space<hbm>>
      %dma_start3A_337 = arith.constant 0 : i32
      %dma_start3A_338 = arith.constant 0 : i32
      %dma_start3A_339 = arith.constant 0 : i32
      %dma_start3A_340 = tpu.memref_slice %arg9[%dma_start3A_321, %dma_start3A_337, %dma_start3A_338, %dma_start3A_339] : memref<2x8x8x129xf32, #tpu.memory_space<vmem>> -> memref<1x8x8x128xf32, #tpu.memory_space<vmem>>
      %dma_start3A_341 = tpu.memref_squeeze %dma_start3A_340 : memref<1x8x8x128xf32, #tpu.memory_space<vmem>> -> memref<8x8x128xf32, #tpu.memory_space<vmem>>
      tpu.enqueue_dma source(%dma_start3A_341 : memref<8x8x128xf32, #tpu.memory_space<vmem>>) target(%dma_start3A_336 : memref<8x8x128xf32, #tpu.memory_space<hbm>>) target_semaphore(%arg18 : memref<!tpu.dma_semaphore, #tpu.memory_space<semaphore_mem>>)
      %mul3A_342 = arith.constant 8 : i32
      %mul3A_343 = arith.muli %scan3A_274, %mul3A_342 : i32
      %add3A_344 = arith.constant 1 : i32
      %add3A_345 = arith.addi %mul3A_343, %add3A_344 : i32
      %add3A_346 = arith.constant 6 : i32
      %add3A_347 = arith.addi %add3A_345, %add3A_346 : i32
      %dma_start3A_348 = arith.constant 7 : i32
      %dma_start3A_349 = arith.constant 0 : i32
      %dma_start3A_350 = arith.constant 0 : i32
      %dma_start3A_351 = tpu.memref_slice %arg8[%dma_start3A_348, %dma_start3A_349, %dma_start3A_350] : memref<8x128x64xf32, #tpu.memory_space<vmem>> -> memref<1x128x64xf32, #tpu.memory_space<vmem>>
      %dma_start3A_352 = tpu.memref_squeeze %dma_start3A_351 : memref<1x128x64xf32, #tpu.memory_space<vmem>> -> memref<128x64xf32, #tpu.memory_space<vmem>>
      %dma_start3A_353 = arith.constant 0 : i32
      %dma_start3A_354 = tpu.memref_slice %arg6[%add3A_347, %dma_start3A_353] : memref<200x128xi32, #tpu.memory_space<vmem>> -> memref<1x128xi32, #tpu.memory_space<vmem>>
      %dma_start3A_355 = tpu.memref_squeeze %dma_start3A_354 : memref<1x128xi32, #tpu.memory_space<vmem>> -> memref<128xi32, #tpu.memory_space<vmem>>
      %dma_start3A_356 = arith.constant 0 : i32
      %dma_start3A_357 = arith.constant 0 : i32
      %dma_start3A_358 = tpu.memref_slice %arg3[%dma_start3A_356, %dma_start3A_357] : memref<1000000x64xf32, #tpu.memory_space<hbm>> -> memref<1000000x64xf32, #tpu.memory_space<hbm>>
      tpu.enqueue_indirect_dma source(%dma_start3A_358 : memref<1000000x64xf32, #tpu.memory_space<hbm>>) target(%dma_start3A_352 : memref<128x64xf32, #tpu.memory_space<vmem>>) offsets(%dma_start3A_355 : memref<128xi32, #tpu.memory_space<vmem>>) semaphore(%arg17 : memref<!tpu.dma_semaphore, #tpu.memory_space<semaphore_mem>>)
      %dma_wait3A_359 = arith.constant 0 : i32
      %dma_wait3A_360 = arith.constant 1 : i32
      %dma_wait3A_361 = arith.constant 0 : i32
      %dma_wait3A_362 = arith.constant 0 : i32
      %dma_wait3A_363 = tpu.memref_slice %arg8[%dma_wait3A_360, %dma_wait3A_361, %dma_wait3A_362] : memref<8x128x64xf32, #tpu.memory_space<vmem>> -> memref<1x128x64xf32, #tpu.memory_space<vmem>>
      %dma_wait3A_364 = tpu.memref_squeeze %dma_wait3A_363 : memref<1x128x64xf32, #tpu.memory_space<vmem>> -> memref<128x64xf32, #tpu.memory_space<vmem>>
      %dma_wait3A_365 = arith.constant 0 : i32
      %dma_wait3A_366 = tpu.memref_slice %arg6[%dma_wait3A_359, %dma_wait3A_365] : memref<200x128xi32, #tpu.memory_space<vmem>> -> memref<1x128xi32, #tpu.memory_space<vmem>>
      %dma_wait3A_367 = tpu.memref_squeeze %dma_wait3A_366 : memref<1x128xi32, #tpu.memory_space<vmem>> -> memref<128xi32, #tpu.memory_space<vmem>>
      %dma_wait3A_368 = arith.constant 0 : i32
      %dma_wait3A_369 = arith.constant 0 : i32
      %dma_wait3A_370 = tpu.memref_slice %arg3[%dma_wait3A_368, %dma_wait3A_369] : memref<1000000x64xf32, #tpu.memory_space<hbm>> -> memref<1000000x64xf32, #tpu.memory_space<hbm>>
      tpu.wait_indirect_dma semaphore(%arg11 : memref<!tpu.dma_semaphore, #tpu.memory_space<semaphore_mem>>) src(%dma_wait3A_370 : memref<1000000x64xf32, #tpu.memory_space<hbm>>) dst(%dma_wait3A_364 : memref<128x64xf32, #tpu.memory_space<vmem>>)
      %ge3A_371 = arith.constant 1 : i32
      %ge3A_372 = arith.cmpi sge, %scan3A_274, %ge3A_371 : i32
      %convert_element_type3A_373 = arith.extui %ge3A_372 : i1 to i32
      %cond3A_374 = arith.constant 0 : i32
      %cond3A_375 = arith.cmpi ne, %convert_element_type3A_373, %cond3A_374 : i32
      scf.if %cond3A_375 {
        %dma_wait3A_899 = arith.constant 1 : i32
        %dma_wait3A_900 = arith.constant 0 : i32
        %dma_wait3A_901 = arith.constant 0 : i32
        %dma_wait3A_902 = arith.constant 0 : i32
        %dma_wait3A_903 = arith.constant 0 : i32
        %dma_wait3A_904 = tpu.memref_slice %arg9[%dma_wait3A_899, %dma_wait3A_901, %dma_wait3A_902, %dma_wait3A_903] : memref<2x8x8x129xf32, #tpu.memory_space<vmem>> -> memref<1x8x8x128xf32, #tpu.memory_space<vmem>>
        %dma_wait3A_905 = tpu.memref_squeeze %dma_wait3A_904 : memref<1x8x8x128xf32, #tpu.memory_space<vmem>> -> memref<8x8x128xf32, #tpu.memory_space<vmem>>
        %dma_wait3A_906 = arith.constant 0 : i32
        %dma_wait3A_907 = arith.constant 0 : i32
        %dma_wait3A_908 = arith.constant 0 : i32
        %dma_wait3A_909 = tpu.memref_slice %arg5[%dma_wait3A_900, %dma_wait3A_906, %add3A, %dma_wait3A_907, %dma_wait3A_908] : memref<200x8x32x8x128xf32, #tpu.memory_space<hbm>> -> memref<1x8x1x8x128xf32, #tpu.memory_space<hbm>>
        %dma_wait3A_910 = tpu.memref_squeeze %dma_wait3A_909 : memref<1x8x1x8x128xf32, #tpu.memory_space<hbm>> -> memref<8x8x128xf32, #tpu.memory_space<hbm>>
        %dma_wait3A_911 = arith.constant 0 : i32
        %dma_wait3A_912 = arith.constant 0 : i32
        %dma_wait3A_913 = arith.constant 0 : i32
        %dma_wait3A_914 = tpu.memref_slice %arg5[%dma_wait3A_900, %dma_wait3A_911, %add3A, %dma_wait3A_912, %dma_wait3A_913] : memref<200x8x32x8x128xf32, #tpu.memory_space<hbm>> -> memref<1x8x1x8x128xf32, #tpu.memory_space<hbm>>
        %dma_wait3A_915 = tpu.memref_squeeze %dma_wait3A_914 : memref<1x8x1x8x128xf32, #tpu.memory_space<hbm>> -> memref<8x8x128xf32, #tpu.memory_space<hbm>>
        %dma_wait3A_916 = arith.constant 0 : i32
        %dma_wait3A_917 = arith.constant 0 : i32
        %dma_wait3A_918 = arith.constant 0 : i32
        %dma_wait3A_919 = tpu.memref_slice %arg9[%dma_wait3A_899, %dma_wait3A_916, %dma_wait3A_917, %dma_wait3A_918] : memref<2x8x8x129xf32, #tpu.memory_space<vmem>> -> memref<1x8x8x128xf32, #tpu.memory_space<vmem>>
        %dma_wait3A_920 = tpu.memref_squeeze %dma_wait3A_919 : memref<1x8x8x128xf32, #tpu.memory_space<vmem>> -> memref<8x8x128xf32, #tpu.memory_space<vmem>>
        tpu.wait_dma2 semaphore(%arg19 : memref<!tpu.dma_semaphore, #tpu.memory_space<semaphore_mem>>) src(%dma_wait3A_920 : memref<8x8x128xf32, #tpu.memory_space<vmem>>) dst(%dma_wait3A_915 : memref<8x8x128xf32, #tpu.memory_space<hbm>>)
      } else {
      }
      %get3A_376 = arith.index_cast %add3A_345 : i32 to index
      %get3A_377 = arith.constant 0 : index
      %get3A_378 = tpu.vector_load %arg7[%get3A_376, %get3A_377] {strides = array<i32>} : memref<200x64xf32, #tpu.memory_space<vmem>>, vector<16xf32>,
      %get3A_379 = arith.index_cast %add3A_345 : i32 to index
      %get3A_380 = arith.constant 16 : index
      %get3A_381 = tpu.vector_load %arg7[%get3A_379, %get3A_380] {strides = array<i32>} : memref<200x64xf32, #tpu.memory_space<vmem>>, vector<16xf32>,
      %get3A_382 = arith.index_cast %add3A_345 : i32 to index
      %get3A_383 = arith.constant 32 : index
      %get3A_384 = tpu.vector_load %arg7[%get3A_382, %get3A_383] {strides = array<i32>} : memref<200x64xf32, #tpu.memory_space<vmem>>, vector<16xf32>,
      %get3A_385 = arith.index_cast %add3A_345 : i32 to index
      %get3A_386 = arith.constant 48 : index
      %get3A_387 = tpu.vector_load %arg7[%get3A_385, %get3A_386] {strides = array<i32>} : memref<200x64xf32, #tpu.memory_space<vmem>>, vector<16xf32>,
      %parallel_loop3A_388 = arith.constant 0 : i32
      %parallel_loop3A_389 = arith.constant 128 : i32
      %parallel_loop3A_390 = arith.constant 1 : i32
      %parallel_loop3A_391 = arith.constant 1 : i32
      %parallel_loop3A_392 = arith.constant 1 : i32
      scf.for %parallel_loop3A_899 = %parallel_loop3A_388 to %parallel_loop3A_389 step %parallel_loop3A_390  : i32 {
        %parallel_loop3A_900 = vector.broadcast %parallel_loop3A_899 : i32 to vector<16xi32>
        %parallel_loop3A_901 = arith.constant 0 : i32
        %parallel_loop3A_902 = arith.constant 0 : i32
        %parallel_loop3A_903 = tpu.memref_slice %arg8[%parallel_loop3A_391, %parallel_loop3A_901, %parallel_loop3A_902] : memref<8x128x64xf32, #tpu.memory_space<vmem>> -> memref<1x128x64xf32, #tpu.memory_space<vmem>>
        %parallel_loop3A_904 = tpu.memref_squeeze %parallel_loop3A_903 : memref<1x128x64xf32, #tpu.memory_space<vmem>> -> memref<128x64xf32, #tpu.memory_space<vmem>>
        %parallel_loop3A_905 = arith.index_cast %parallel_loop3A_899 : i32 to index
        %parallel_loop3A_906 = arith.constant 0 : index
        %parallel_loop3A_907 = tpu.vector_load %parallel_loop3A_904[%parallel_loop3A_905, %parallel_loop3A_906] {strides = array<i32>} : memref<128x64xf32, #tpu.memory_space<vmem>>, vector<16xf32>,
        %parallel_loop3A_908 = arith.addf %parallel_loop3A_907, %get3A_378 : vector<16xf32>
        %parallel_loop3A_909 = arith.constant 0 : i32
        %parallel_loop3A_910 = arith.constant 0 : i32
        %parallel_loop3A_911 = arith.constant 0 : i32
        %parallel_loop3A_912 = tpu.memref_slice %arg9[%parallel_loop3A_392, %parallel_loop3A_909, %parallel_loop3A_910, %parallel_loop3A_911] : memref<2x8x8x129xf32, #tpu.memory_space<vmem>> -> memref<1x8x8x129xf32, #tpu.memory_space<vmem>>
        %parallel_loop3A_913 = tpu.memref_squeeze %parallel_loop3A_912 : memref<1x8x8x129xf32, #tpu.memory_space<vmem>> -> memref<8x8x129xf32, #tpu.memory_space<vmem>>
        tpu.vector_store_idx %parallel_loop3A_913[%select_n3A, %rem3A_136, %parallel_loop3A_900], %parallel_loop3A_908 : memref<8x8x129xf32, #tpu.memory_space<vmem>>[vector<16xi32>, vector<16xi32>, vector<16xi32>], vector<16xf32>,
        %parallel_loop3A_914 = arith.constant 0 : i32
        %parallel_loop3A_915 = arith.constant 0 : i32
        %parallel_loop3A_916 = tpu.memref_slice %arg8[%parallel_loop3A_391, %parallel_loop3A_914, %parallel_loop3A_915] : memref<8x128x64xf32, #tpu.memory_space<vmem>> -> memref<1x128x64xf32, #tpu.memory_space<vmem>>
        %parallel_loop3A_917 = tpu.memref_squeeze %parallel_loop3A_916 : memref<1x128x64xf32, #tpu.memory_space<vmem>> -> memref<128x64xf32, #tpu.memory_space<vmem>>
        %parallel_loop3A_918 = arith.index_cast %parallel_loop3A_899 : i32 to index
        %parallel_loop3A_919 = arith.constant 16 : index
        %parallel_loop3A_920 = tpu.vector_load %parallel_loop3A_917[%parallel_loop3A_918, %parallel_loop3A_919] {strides = array<i32>} : memref<128x64xf32, #tpu.memory_space<vmem>>, vector<16xf32>,
        %parallel_loop3A_921 = arith.addf %parallel_loop3A_920, %get3A_381 : vector<16xf32>
        %parallel_loop3A_922 = arith.constant 0 : i32
        %parallel_loop3A_923 = arith.constant 0 : i32
        %parallel_loop3A_924 = arith.constant 0 : i32
        %parallel_loop3A_925 = tpu.memref_slice %arg9[%parallel_loop3A_392, %parallel_loop3A_922, %parallel_loop3A_923, %parallel_loop3A_924] : memref<2x8x8x129xf32, #tpu.memory_space<vmem>> -> memref<1x8x8x129xf32, #tpu.memory_space<vmem>>
        %parallel_loop3A_926 = tpu.memref_squeeze %parallel_loop3A_925 : memref<1x8x8x129xf32, #tpu.memory_space<vmem>> -> memref<8x8x129xf32, #tpu.memory_space<vmem>>
        tpu.vector_store_idx %parallel_loop3A_926[%select_n3A_62, %rem3A_142, %parallel_loop3A_900], %parallel_loop3A_921 : memref<8x8x129xf32, #tpu.memory_space<vmem>>[vector<16xi32>, vector<16xi32>, vector<16xi32>], vector<16xf32>,
        %parallel_loop3A_927 = arith.constant 0 : i32
        %parallel_loop3A_928 = arith.constant 0 : i32
        %parallel_loop3A_929 = tpu.memref_slice %arg8[%parallel_loop3A_391, %parallel_loop3A_927, %parallel_loop3A_928] : memref<8x128x64xf32, #tpu.memory_space<vmem>> -> memref<1x128x64xf32, #tpu.memory_space<vmem>>
        %parallel_loop3A_930 = tpu.memref_squeeze %parallel_loop3A_929 : memref<1x128x64xf32, #tpu.memory_space<vmem>> -> memref<128x64xf32, #tpu.memory_space<vmem>>
        %parallel_loop3A_931 = arith.index_cast %parallel_loop3A_899 : i32 to index
        %parallel_loop3A_932 = arith.constant 32 : index
        %parallel_loop3A_933 = tpu.vector_load %parallel_loop3A_930[%parallel_loop3A_931, %parallel_loop3A_932] {strides = array<i32>} : memref<128x64xf32, #tpu.memory_space<vmem>>, vector<16xf32>,
        %parallel_loop3A_934 = arith.addf %parallel_loop3A_933, %get3A_384 : vector<16xf32>
        %parallel_loop3A_935 = arith.constant 0 : i32
        %parallel_loop3A_936 = arith.constant 0 : i32
        %parallel_loop3A_937 = arith.constant 0 : i32
        %parallel_loop3A_938 = tpu.memref_slice %arg9[%parallel_loop3A_392, %parallel_loop3A_935, %parallel_loop3A_936, %parallel_loop3A_937] : memref<2x8x8x129xf32, #tpu.memory_space<vmem>> -> memref<1x8x8x129xf32, #tpu.memory_space<vmem>>
        %parallel_loop3A_939 = tpu.memref_squeeze %parallel_loop3A_938 : memref<1x8x8x129xf32, #tpu.memory_space<vmem>> -> memref<8x8x129xf32, #tpu.memory_space<vmem>>
        tpu.vector_store_idx %parallel_loop3A_939[%select_n3A_96, %rem3A_148, %parallel_loop3A_900], %parallel_loop3A_934 : memref<8x8x129xf32, #tpu.memory_space<vmem>>[vector<16xi32>, vector<16xi32>, vector<16xi32>], vector<16xf32>,
        %parallel_loop3A_940 = arith.constant 0 : i32
        %parallel_loop3A_941 = arith.constant 0 : i32
        %parallel_loop3A_942 = tpu.memref_slice %arg8[%parallel_loop3A_391, %parallel_loop3A_940, %parallel_loop3A_941] : memref<8x128x64xf32, #tpu.memory_space<vmem>> -> memref<1x128x64xf32, #tpu.memory_space<vmem>>
        %parallel_loop3A_943 = tpu.memref_squeeze %parallel_loop3A_942 : memref<1x128x64xf32, #tpu.memory_space<vmem>> -> memref<128x64xf32, #tpu.memory_space<vmem>>
        %parallel_loop3A_944 = arith.index_cast %parallel_loop3A_899 : i32 to index
        %parallel_loop3A_945 = arith.constant 48 : index
        %parallel_loop3A_946 = tpu.vector_load %parallel_loop3A_943[%parallel_loop3A_944, %parallel_loop3A_945] {strides = array<i32>} : memref<128x64xf32, #tpu.memory_space<vmem>>, vector<16xf32>,
        %parallel_loop3A_947 = arith.addf %parallel_loop3A_946, %get3A_387 : vector<16xf32>
        %parallel_loop3A_948 = arith.constant 0 : i32
        %parallel_loop3A_949 = arith.constant 0 : i32
        %parallel_loop3A_950 = arith.constant 0 : i32
        %parallel_loop3A_951 = tpu.memref_slice %arg9[%parallel_loop3A_392, %parallel_loop3A_948, %parallel_loop3A_949, %parallel_loop3A_950] : memref<2x8x8x129xf32, #tpu.memory_space<vmem>> -> memref<1x8x8x129xf32, #tpu.memory_space<vmem>>
        %parallel_loop3A_952 = tpu.memref_squeeze %parallel_loop3A_951 : memref<1x8x8x129xf32, #tpu.memory_space<vmem>> -> memref<8x8x129xf32, #tpu.memory_space<vmem>>
        tpu.vector_store_idx %parallel_loop3A_952[%select_n3A_130, %rem3A_154, %parallel_loop3A_900], %parallel_loop3A_947 : memref<8x8x129xf32, #tpu.memory_space<vmem>>[vector<16xi32>, vector<16xi32>, vector<16xi32>], vector<16xf32>,
      } {sc.loop_unroll_factor = 4 : i64, sc.parallel_access}
      %dma_start3A_393 = arith.constant 1 : i32
      %dma_start3A_394 = arith.constant 0 : i32
      %dma_start3A_395 = arith.constant 0 : i32
      %dma_start3A_396 = arith.constant 0 : i32
      %dma_start3A_397 = tpu.memref_slice %arg9[%dma_start3A_393, %dma_start3A_394, %dma_start3A_395, %dma_start3A_396] : memref<2x8x8x129xf32, #tpu.memory_space<vmem>> -> memref<1x8x8x128xf32, #tpu.memory_space<vmem>>
      %dma_start3A_398 = tpu.memref_squeeze %dma_start3A_397 : memref<1x8x8x128xf32, #tpu.memory_space<vmem>> -> memref<8x8x128xf32, #tpu.memory_space<vmem>>
      %dma_start3A_399 = arith.constant 0 : i32
      %dma_start3A_400 = arith.constant 0 : i32
      %dma_start3A_401 = arith.constant 0 : i32
      %dma_start3A_402 = tpu.memref_slice %arg5[%add3A_345, %dma_start3A_399, %add3A, %dma_start3A_400, %dma_start3A_401] : memref<200x8x32x8x128xf32, #tpu.memory_space<hbm>> -> memref<1x8x1x8x128xf32, #tpu.memory_space<hbm>>
      %dma_start3A_403 = tpu.memref_squeeze %dma_start3A_402 : memref<1x8x1x8x128xf32, #tpu.memory_space<hbm>> -> memref<8x8x128xf32, #tpu.memory_space<hbm>>
      %dma_start3A_404 = arith.constant 0 : i32
      %dma_start3A_405 = arith.constant 0 : i32
      %dma_start3A_406 = arith.constant 0 : i32
      %dma_start3A_407 = tpu.memref_slice %arg5[%add3A_345, %dma_start3A_404, %add3A, %dma_start3A_405, %dma_start3A_406] : memref<200x8x32x8x128xf32, #tpu.memory_space<hbm>> -> memref<1x8x1x8x128xf32, #tpu.memory_space<hbm>>
      %dma_start3A_408 = tpu.memref_squeeze %dma_start3A_407 : memref<1x8x1x8x128xf32, #tpu.memory_space<hbm>> -> memref<8x8x128xf32, #tpu.memory_space<hbm>>
      %dma_start3A_409 = arith.constant 0 : i32
      %dma_start3A_410 = arith.constant 0 : i32
      %dma_start3A_411 = arith.constant 0 : i32
      %dma_start3A_412 = tpu.memref_slice %arg9[%dma_start3A_393, %dma_start3A_409, %dma_start3A_410, %dma_start3A_411] : memref<2x8x8x129xf32, #tpu.memory_space<vmem>> -> memref<1x8x8x128xf32, #tpu.memory_space<vmem>>
      %dma_start3A_413 = tpu.memref_squeeze %dma_start3A_412 : memref<1x8x8x128xf32, #tpu.memory_space<vmem>> -> memref<8x8x128xf32, #tpu.memory_space<vmem>>
      tpu.enqueue_dma source(%dma_start3A_413 : memref<8x8x128xf32, #tpu.memory_space<vmem>>) target(%dma_start3A_408 : memref<8x8x128xf32, #tpu.memory_space<hbm>>) target_semaphore(%arg19 : memref<!tpu.dma_semaphore, #tpu.memory_space<semaphore_mem>>)
      %mul3A_414 = arith.constant 8 : i32
      %mul3A_415 = arith.muli %scan3A_274, %mul3A_414 : i32
      %add3A_416 = arith.constant 2 : i32
      %add3A_417 = arith.addi %mul3A_415, %add3A_416 : i32
      %le3A = arith.constant 23 : i32
      %le3A_418 = arith.cmpi sle, %scan3A_274, %le3A : i32
      %convert_element_type3A_419 = arith.extui %le3A_418 : i1 to i32
      %cond3A_420 = arith.constant 0 : i32
      %cond3A_421 = arith.cmpi ne, %convert_element_type3A_419, %cond3A_420 : i32
      scf.if %cond3A_421 {
        %add3A_899 = arith.constant 6 : i32
        %add3A_900 = arith.addi %add3A_417, %add3A_899 : i32
        %dma_start3A_901 = arith.constant 0 : i32
        %dma_start3A_902 = arith.constant 0 : i32
        %dma_start3A_903 = arith.constant 0 : i32
        %dma_start3A_904 = tpu.memref_slice %arg8[%dma_start3A_901, %dma_start3A_902, %dma_start3A_903] : memref<8x128x64xf32, #tpu.memory_space<vmem>> -> memref<1x128x64xf32, #tpu.memory_space<vmem>>
        %dma_start3A_905 = tpu.memref_squeeze %dma_start3A_904 : memref<1x128x64xf32, #tpu.memory_space<vmem>> -> memref<128x64xf32, #tpu.memory_space<vmem>>
        %dma_start3A_906 = arith.constant 0 : i32
        %dma_start3A_907 = tpu.memref_slice %arg6[%add3A_900, %dma_start3A_906] : memref<200x128xi32, #tpu.memory_space<vmem>> -> memref<1x128xi32, #tpu.memory_space<vmem>>
        %dma_start3A_908 = tpu.memref_squeeze %dma_start3A_907 : memref<1x128xi32, #tpu.memory_space<vmem>> -> memref<128xi32, #tpu.memory_space<vmem>>
        %dma_start3A_909 = arith.constant 0 : i32
        %dma_start3A_910 = arith.constant 0 : i32
        %dma_start3A_911 = tpu.memref_slice %arg3[%dma_start3A_909, %dma_start3A_910] : memref<1000000x64xf32, #tpu.memory_space<hbm>> -> memref<1000000x64xf32, #tpu.memory_space<hbm>>
        tpu.enqueue_indirect_dma source(%dma_start3A_911 : memref<1000000x64xf32, #tpu.memory_space<hbm>>) target(%dma_start3A_905 : memref<128x64xf32, #tpu.memory_space<vmem>>) offsets(%dma_start3A_908 : memref<128xi32, #tpu.memory_space<vmem>>) semaphore(%arg10 : memref<!tpu.dma_semaphore, #tpu.memory_space<semaphore_mem>>)
      } else {
      }
      %dma_wait3A_422 = arith.constant 0 : i32
      %dma_wait3A_423 = arith.constant 2 : i32
      %dma_wait3A_424 = arith.constant 0 : i32
      %dma_wait3A_425 = arith.constant 0 : i32
      %dma_wait3A_426 = tpu.memref_slice %arg8[%dma_wait3A_423, %dma_wait3A_424, %dma_wait3A_425] : memref<8x128x64xf32, #tpu.memory_space<vmem>> -> memref<1x128x64xf32, #tpu.memory_space<vmem>>
      %dma_wait3A_427 = tpu.memref_squeeze %dma_wait3A_426 : memref<1x128x64xf32, #tpu.memory_space<vmem>> -> memref<128x64xf32, #tpu.memory_space<vmem>>
      %dma_wait3A_428 = arith.constant 0 : i32
      %dma_wait3A_429 = tpu.memref_slice %arg6[%dma_wait3A_422, %dma_wait3A_428] : memref<200x128xi32, #tpu.memory_space<vmem>> -> memref<1x128xi32, #tpu.memory_space<vmem>>
      %dma_wait3A_430 = tpu.memref_squeeze %dma_wait3A_429 : memref<1x128xi32, #tpu.memory_space<vmem>> -> memref<128xi32, #tpu.memory_space<vmem>>
      %dma_wait3A_431 = arith.constant 0 : i32
      %dma_wait3A_432 = arith.constant 0 : i32
      %dma_wait3A_433 = tpu.memref_slice %arg3[%dma_wait3A_431, %dma_wait3A_432] : memref<1000000x64xf32, #tpu.memory_space<hbm>> -> memref<1000000x64xf32, #tpu.memory_space<hbm>>
      tpu.wait_indirect_dma semaphore(%arg12 : memref<!tpu.dma_semaphore, #tpu.memory_space<semaphore_mem>>) src(%dma_wait3A_433 : memref<1000000x64xf32, #tpu.memory_space<hbm>>) dst(%dma_wait3A_427 : memref<128x64xf32, #tpu.memory_space<vmem>>)
      %dma_wait3A_434 = arith.constant 0 : i32
      %dma_wait3A_435 = arith.constant 0 : i32
      %dma_wait3A_436 = arith.constant 0 : i32
      %dma_wait3A_437 = arith.constant 0 : i32
      %dma_wait3A_438 = arith.constant 0 : i32
      %dma_wait3A_439 = tpu.memref_slice %arg9[%dma_wait3A_434, %dma_wait3A_436, %dma_wait3A_437, %dma_wait3A_438] : memref<2x8x8x129xf32, #tpu.memory_space<vmem>> -> memref<1x8x8x128xf32, #tpu.memory_space<vmem>>
      %dma_wait3A_440 = tpu.memref_squeeze %dma_wait3A_439 : memref<1x8x8x128xf32, #tpu.memory_space<vmem>> -> memref<8x8x128xf32, #tpu.memory_space<vmem>>
      %dma_wait3A_441 = arith.constant 0 : i32
      %dma_wait3A_442 = arith.constant 0 : i32
      %dma_wait3A_443 = arith.constant 0 : i32
      %dma_wait3A_444 = tpu.memref_slice %arg5[%dma_wait3A_435, %dma_wait3A_441, %add3A, %dma_wait3A_442, %dma_wait3A_443] : memref<200x8x32x8x128xf32, #tpu.memory_space<hbm>> -> memref<1x8x1x8x128xf32, #tpu.memory_space<hbm>>
      %dma_wait3A_445 = tpu.memref_squeeze %dma_wait3A_444 : memref<1x8x1x8x128xf32, #tpu.memory_space<hbm>> -> memref<8x8x128xf32, #tpu.memory_space<hbm>>
      %dma_wait3A_446 = arith.constant 0 : i32
      %dma_wait3A_447 = arith.constant 0 : i32
      %dma_wait3A_448 = arith.constant 0 : i32
      %dma_wait3A_449 = tpu.memref_slice %arg5[%dma_wait3A_435, %dma_wait3A_446, %add3A, %dma_wait3A_447, %dma_wait3A_448] : memref<200x8x32x8x128xf32, #tpu.memory_space<hbm>> -> memref<1x8x1x8x128xf32, #tpu.memory_space<hbm>>
      %dma_wait3A_450 = tpu.memref_squeeze %dma_wait3A_449 : memref<1x8x1x8x128xf32, #tpu.memory_space<hbm>> -> memref<8x8x128xf32, #tpu.memory_space<hbm>>
      %dma_wait3A_451 = arith.constant 0 : i32
      %dma_wait3A_452 = arith.constant 0 : i32
      %dma_wait3A_453 = arith.constant 0 : i32
      %dma_wait3A_454 = tpu.memref_slice %arg9[%dma_wait3A_434, %dma_wait3A_451, %dma_wait3A_452, %dma_wait3A_453] : memref<2x8x8x129xf32, #tpu.memory_space<vmem>> -> memref<1x8x8x128xf32, #tpu.memory_space<vmem>>
      %dma_wait3A_455 = tpu.memref_squeeze %dma_wait3A_454 : memref<1x8x8x128xf32, #tpu.memory_space<vmem>> -> memref<8x8x128xf32, #tpu.memory_space<vmem>>
      tpu.wait_dma2 semaphore(%arg18 : memref<!tpu.dma_semaphore, #tpu.memory_space<semaphore_mem>>) src(%dma_wait3A_455 : memref<8x8x128xf32, #tpu.memory_space<vmem>>) dst(%dma_wait3A_450 : memref<8x8x128xf32, #tpu.memory_space<hbm>>)
      %get3A_456 = arith.index_cast %add3A_417 : i32 to index
      %get3A_457 = arith.constant 0 : index
      %get3A_458 = tpu.vector_load %arg7[%get3A_456, %get3A_457] {strides = array<i32>} : memref<200x64xf32, #tpu.memory_space<vmem>>, vector<16xf32>,
      %get3A_459 = arith.index_cast %add3A_417 : i32 to index
      %get3A_460 = arith.constant 16 : index
      %get3A_461 = tpu.vector_load %arg7[%get3A_459, %get3A_460] {strides = array<i32>} : memref<200x64xf32, #tpu.memory_space<vmem>>, vector<16xf32>,
      %get3A_462 = arith.index_cast %add3A_417 : i32 to index
      %get3A_463 = arith.constant 32 : index
      %get3A_464 = tpu.vector_load %arg7[%get3A_462, %get3A_463] {strides = array<i32>} : memref<200x64xf32, #tpu.memory_space<vmem>>, vector<16xf32>,
      %get3A_465 = arith.index_cast %add3A_417 : i32 to index
      %get3A_466 = arith.constant 48 : index
      %get3A_467 = tpu.vector_load %arg7[%get3A_465, %get3A_466] {strides = array<i32>} : memref<200x64xf32, #tpu.memory_space<vmem>>, vector<16xf32>,
      %parallel_loop3A_468 = arith.constant 0 : i32
      %parallel_loop3A_469 = arith.constant 128 : i32
      %parallel_loop3A_470 = arith.constant 1 : i32
      %parallel_loop3A_471 = arith.constant 2 : i32
      %parallel_loop3A_472 = arith.constant 0 : i32
      scf.for %parallel_loop3A_899 = %parallel_loop3A_468 to %parallel_loop3A_469 step %parallel_loop3A_470  : i32 {
        %parallel_loop3A_900 = vector.broadcast %parallel_loop3A_899 : i32 to vector<16xi32>
        %parallel_loop3A_901 = arith.constant 0 : i32
        %parallel_loop3A_902 = arith.constant 0 : i32
        %parallel_loop3A_903 = tpu.memref_slice %arg8[%parallel_loop3A_471, %parallel_loop3A_901, %parallel_loop3A_902] : memref<8x128x64xf32, #tpu.memory_space<vmem>> -> memref<1x128x64xf32, #tpu.memory_space<vmem>>
        %parallel_loop3A_904 = tpu.memref_squeeze %parallel_loop3A_903 : memref<1x128x64xf32, #tpu.memory_space<vmem>> -> memref<128x64xf32, #tpu.memory_space<vmem>>
        %parallel_loop3A_905 = arith.index_cast %parallel_loop3A_899 : i32 to index
        %parallel_loop3A_906 = arith.constant 0 : index
        %parallel_loop3A_907 = tpu.vector_load %parallel_loop3A_904[%parallel_loop3A_905, %parallel_loop3A_906] {strides = array<i32>} : memref<128x64xf32, #tpu.memory_space<vmem>>, vector<16xf32>,
        %parallel_loop3A_908 = arith.addf %parallel_loop3A_907, %get3A_458 : vector<16xf32>
        %parallel_loop3A_909 = arith.constant 0 : i32
        %parallel_loop3A_910 = arith.constant 0 : i32
        %parallel_loop3A_911 = arith.constant 0 : i32
        %parallel_loop3A_912 = tpu.memref_slice %arg9[%parallel_loop3A_472, %parallel_loop3A_909, %parallel_loop3A_910, %parallel_loop3A_911] : memref<2x8x8x129xf32, #tpu.memory_space<vmem>> -> memref<1x8x8x129xf32, #tpu.memory_space<vmem>>
        %parallel_loop3A_913 = tpu.memref_squeeze %parallel_loop3A_912 : memref<1x8x8x129xf32, #tpu.memory_space<vmem>> -> memref<8x8x129xf32, #tpu.memory_space<vmem>>
        tpu.vector_store_idx %parallel_loop3A_913[%select_n3A, %rem3A_136, %parallel_loop3A_900], %parallel_loop3A_908 : memref<8x8x129xf32, #tpu.memory_space<vmem>>[vector<16xi32>, vector<16xi32>, vector<16xi32>], vector<16xf32>,
        %parallel_loop3A_914 = arith.constant 0 : i32
        %parallel_loop3A_915 = arith.constant 0 : i32
        %parallel_loop3A_916 = tpu.memref_slice %arg8[%parallel_loop3A_471, %parallel_loop3A_914, %parallel_loop3A_915] : memref<8x128x64xf32, #tpu.memory_space<vmem>> -> memref<1x128x64xf32, #tpu.memory_space<vmem>>
        %parallel_loop3A_917 = tpu.memref_squeeze %parallel_loop3A_916 : memref<1x128x64xf32, #tpu.memory_space<vmem>> -> memref<128x64xf32, #tpu.memory_space<vmem>>
        %parallel_loop3A_918 = arith.index_cast %parallel_loop3A_899 : i32 to index
        %parallel_loop3A_919 = arith.constant 16 : index
        %parallel_loop3A_920 = tpu.vector_load %parallel_loop3A_917[%parallel_loop3A_918, %parallel_loop3A_919] {strides = array<i32>} : memref<128x64xf32, #tpu.memory_space<vmem>>, vector<16xf32>,
        %parallel_loop3A_921 = arith.addf %parallel_loop3A_920, %get3A_461 : vector<16xf32>
        %parallel_loop3A_922 = arith.constant 0 : i32
        %parallel_loop3A_923 = arith.constant 0 : i32
        %parallel_loop3A_924 = arith.constant 0 : i32
        %parallel_loop3A_925 = tpu.memref_slice %arg9[%parallel_loop3A_472, %parallel_loop3A_922, %parallel_loop3A_923, %parallel_loop3A_924] : memref<2x8x8x129xf32, #tpu.memory_space<vmem>> -> memref<1x8x8x129xf32, #tpu.memory_space<vmem>>
        %parallel_loop3A_926 = tpu.memref_squeeze %parallel_loop3A_925 : memref<1x8x8x129xf32, #tpu.memory_space<vmem>> -> memref<8x8x129xf32, #tpu.memory_space<vmem>>
        tpu.vector_store_idx %parallel_loop3A_926[%select_n3A_62, %rem3A_142, %parallel_loop3A_900], %parallel_loop3A_921 : memref<8x8x129xf32, #tpu.memory_space<vmem>>[vector<16xi32>, vector<16xi32>, vector<16xi32>], vector<16xf32>,
        %parallel_loop3A_927 = arith.constant 0 : i32
        %parallel_loop3A_928 = arith.constant 0 : i32
        %parallel_loop3A_929 = tpu.memref_slice %arg8[%parallel_loop3A_471, %parallel_loop3A_927, %parallel_loop3A_928] : memref<8x128x64xf32, #tpu.memory_space<vmem>> -> memref<1x128x64xf32, #tpu.memory_space<vmem>>
        %parallel_loop3A_930 = tpu.memref_squeeze %parallel_loop3A_929 : memref<1x128x64xf32, #tpu.memory_space<vmem>> -> memref<128x64xf32, #tpu.memory_space<vmem>>
        %parallel_loop3A_931 = arith.index_cast %parallel_loop3A_899 : i32 to index
        %parallel_loop3A_932 = arith.constant 32 : index
        %parallel_loop3A_933 = tpu.vector_load %parallel_loop3A_930[%parallel_loop3A_931, %parallel_loop3A_932] {strides = array<i32>} : memref<128x64xf32, #tpu.memory_space<vmem>>, vector<16xf32>,
        %parallel_loop3A_934 = arith.addf %parallel_loop3A_933, %get3A_464 : vector<16xf32>
        %parallel_loop3A_935 = arith.constant 0 : i32
        %parallel_loop3A_936 = arith.constant 0 : i32
        %parallel_loop3A_937 = arith.constant 0 : i32
        %parallel_loop3A_938 = tpu.memref_slice %arg9[%parallel_loop3A_472, %parallel_loop3A_935, %parallel_loop3A_936, %parallel_loop3A_937] : memref<2x8x8x129xf32, #tpu.memory_space<vmem>> -> memref<1x8x8x129xf32, #tpu.memory_space<vmem>>
        %parallel_loop3A_939 = tpu.memref_squeeze %parallel_loop3A_938 : memref<1x8x8x129xf32, #tpu.memory_space<vmem>> -> memref<8x8x129xf32, #tpu.memory_space<vmem>>
        tpu.vector_store_idx %parallel_loop3A_939[%select_n3A_96, %rem3A_148, %parallel_loop3A_900], %parallel_loop3A_934 : memref<8x8x129xf32, #tpu.memory_space<vmem>>[vector<16xi32>, vector<16xi32>, vector<16xi32>], vector<16xf32>,
        %parallel_loop3A_940 = arith.constant 0 : i32
        %parallel_loop3A_941 = arith.constant 0 : i32
        %parallel_loop3A_942 = tpu.memref_slice %arg8[%parallel_loop3A_471, %parallel_loop3A_940, %parallel_loop3A_941] : memref<8x128x64xf32, #tpu.memory_space<vmem>> -> memref<1x128x64xf32, #tpu.memory_space<vmem>>
        %parallel_loop3A_943 = tpu.memref_squeeze %parallel_loop3A_942 : memref<1x128x64xf32, #tpu.memory_space<vmem>> -> memref<128x64xf32, #tpu.memory_space<vmem>>
        %parallel_loop3A_944 = arith.index_cast %parallel_loop3A_899 : i32 to index
        %parallel_loop3A_945 = arith.constant 48 : index
        %parallel_loop3A_946 = tpu.vector_load %parallel_loop3A_943[%parallel_loop3A_944, %parallel_loop3A_945] {strides = array<i32>} : memref<128x64xf32, #tpu.memory_space<vmem>>, vector<16xf32>,
        %parallel_loop3A_947 = arith.addf %parallel_loop3A_946, %get3A_467 : vector<16xf32>
        %parallel_loop3A_948 = arith.constant 0 : i32
        %parallel_loop3A_949 = arith.constant 0 : i32
        %parallel_loop3A_950 = arith.constant 0 : i32
        %parallel_loop3A_951 = tpu.memref_slice %arg9[%parallel_loop3A_472, %parallel_loop3A_948, %parallel_loop3A_949, %parallel_loop3A_950] : memref<2x8x8x129xf32, #tpu.memory_space<vmem>> -> memref<1x8x8x129xf32, #tpu.memory_space<vmem>>
        %parallel_loop3A_952 = tpu.memref_squeeze %parallel_loop3A_951 : memref<1x8x8x129xf32, #tpu.memory_space<vmem>> -> memref<8x8x129xf32, #tpu.memory_space<vmem>>
        tpu.vector_store_idx %parallel_loop3A_952[%select_n3A_130, %rem3A_154, %parallel_loop3A_900], %parallel_loop3A_947 : memref<8x8x129xf32, #tpu.memory_space<vmem>>[vector<16xi32>, vector<16xi32>, vector<16xi32>], vector<16xf32>,
      } {sc.loop_unroll_factor = 4 : i64, sc.parallel_access}
      %dma_start3A_473 = arith.constant 0 : i32
      %dma_start3A_474 = arith.constant 0 : i32
      %dma_start3A_475 = arith.constant 0 : i32
      %dma_start3A_476 = arith.constant 0 : i32
      %dma_start3A_477 = tpu.memref_slice %arg9[%dma_start3A_473, %dma_start3A_474, %dma_start3A_475, %dma_start3A_476] : memref<2x8x8x129xf32, #tpu.memory_space<vmem>> -> memref<1x8x8x128xf32, #tpu.memory_space<vmem>>
      %dma_start3A_478 = tpu.memref_squeeze %dma_start3A_477 : memref<1x8x8x128xf32, #tpu.memory_space<vmem>> -> memref<8x8x128xf32, #tpu.memory_space<vmem>>
      %dma_start3A_479 = arith.constant 0 : i32
      %dma_start3A_480 = arith.constant 0 : i32
      %dma_start3A_481 = arith.constant 0 : i32
      %dma_start3A_482 = tpu.memref_slice %arg5[%add3A_417, %dma_start3A_479, %add3A, %dma_start3A_480, %dma_start3A_481] : memref<200x8x32x8x128xf32, #tpu.memory_space<hbm>> -> memref<1x8x1x8x128xf32, #tpu.memory_space<hbm>>
      %dma_start3A_483 = tpu.memref_squeeze %dma_start3A_482 : memref<1x8x1x8x128xf32, #tpu.memory_space<hbm>> -> memref<8x8x128xf32, #tpu.memory_space<hbm>>
      %dma_start3A_484 = arith.constant 0 : i32
      %dma_start3A_485 = arith.constant 0 : i32
      %dma_start3A_486 = arith.constant 0 : i32
      %dma_start3A_487 = tpu.memref_slice %arg5[%add3A_417, %dma_start3A_484, %add3A, %dma_start3A_485, %dma_start3A_486] : memref<200x8x32x8x128xf32, #tpu.memory_space<hbm>> -> memref<1x8x1x8x128xf32, #tpu.memory_space<hbm>>
      %dma_start3A_488 = tpu.memref_squeeze %dma_start3A_487 : memref<1x8x1x8x128xf32, #tpu.memory_space<hbm>> -> memref<8x8x128xf32, #tpu.memory_space<hbm>>
      %dma_start3A_489 = arith.constant 0 : i32
      %dma_start3A_490 = arith.constant 0 : i32
      %dma_start3A_491 = arith.constant 0 : i32
      %dma_start3A_492 = tpu.memref_slice %arg9[%dma_start3A_473, %dma_start3A_489, %dma_start3A_490, %dma_start3A_491] : memref<2x8x8x129xf32, #tpu.memory_space<vmem>> -> memref<1x8x8x128xf32, #tpu.memory_space<vmem>>
      %dma_start3A_493 = tpu.memref_squeeze %dma_start3A_492 : memref<1x8x8x128xf32, #tpu.memory_space<vmem>> -> memref<8x8x128xf32, #tpu.memory_space<vmem>>
      tpu.enqueue_dma source(%dma_start3A_493 : memref<8x8x128xf32, #tpu.memory_space<vmem>>) target(%dma_start3A_488 : memref<8x8x128xf32, #tpu.memory_space<hbm>>) target_semaphore(%arg18 : memref<!tpu.dma_semaphore, #tpu.memory_space<semaphore_mem>>)
      %mul3A_494 = arith.constant 8 : i32
      %mul3A_495 = arith.muli %scan3A_274, %mul3A_494 : i32
      %add3A_496 = arith.constant 3 : i32
      %add3A_497 = arith.addi %mul3A_495, %add3A_496 : i32
      %le3A_498 = arith.constant 23 : i32
      %le3A_499 = arith.cmpi sle, %scan3A_274, %le3A_498 : i32
      %convert_element_type3A_500 = arith.extui %le3A_499 : i1 to i32
      %cond3A_501 = arith.constant 0 : i32
      %cond3A_502 = arith.cmpi ne, %convert_element_type3A_500, %cond3A_501 : i32
      scf.if %cond3A_502 {
        %add3A_899 = arith.constant 6 : i32
        %add3A_900 = arith.addi %add3A_497, %add3A_899 : i32
        %dma_start3A_901 = arith.constant 1 : i32
        %dma_start3A_902 = arith.constant 0 : i32
        %dma_start3A_903 = arith.constant 0 : i32
        %dma_start3A_904 = tpu.memref_slice %arg8[%dma_start3A_901, %dma_start3A_902, %dma_start3A_903] : memref<8x128x64xf32, #tpu.memory_space<vmem>> -> memref<1x128x64xf32, #tpu.memory_space<vmem>>
        %dma_start3A_905 = tpu.memref_squeeze %dma_start3A_904 : memref<1x128x64xf32, #tpu.memory_space<vmem>> -> memref<128x64xf32, #tpu.memory_space<vmem>>
        %dma_start3A_906 = arith.constant 0 : i32
        %dma_start3A_907 = tpu.memref_slice %arg6[%add3A_900, %dma_start3A_906] : memref<200x128xi32, #tpu.memory_space<vmem>> -> memref<1x128xi32, #tpu.memory_space<vmem>>
        %dma_start3A_908 = tpu.memref_squeeze %dma_start3A_907 : memref<1x128xi32, #tpu.memory_space<vmem>> -> memref<128xi32, #tpu.memory_space<vmem>>
        %dma_start3A_909 = arith.constant 0 : i32
        %dma_start3A_910 = arith.constant 0 : i32
        %dma_start3A_911 = tpu.memref_slice %arg3[%dma_start3A_909, %dma_start3A_910] : memref<1000000x64xf32, #tpu.memory_space<hbm>> -> memref<1000000x64xf32, #tpu.memory_space<hbm>>
        tpu.enqueue_indirect_dma source(%dma_start3A_911 : memref<1000000x64xf32, #tpu.memory_space<hbm>>) target(%dma_start3A_905 : memref<128x64xf32, #tpu.memory_space<vmem>>) offsets(%dma_start3A_908 : memref<128xi32, #tpu.memory_space<vmem>>) semaphore(%arg11 : memref<!tpu.dma_semaphore, #tpu.memory_space<semaphore_mem>>)
      } else {
      }
      %dma_wait3A_503 = arith.constant 0 : i32
      %dma_wait3A_504 = arith.constant 3 : i32
      %dma_wait3A_505 = arith.constant 0 : i32
      %dma_wait3A_506 = arith.constant 0 : i32
      %dma_wait3A_507 = tpu.memref_slice %arg8[%dma_wait3A_504, %dma_wait3A_505, %dma_wait3A_506] : memref<8x128x64xf32, #tpu.memory_space<vmem>> -> memref<1x128x64xf32, #tpu.memory_space<vmem>>
      %dma_wait3A_508 = tpu.memref_squeeze %dma_wait3A_507 : memref<1x128x64xf32, #tpu.memory_space<vmem>> -> memref<128x64xf32, #tpu.memory_space<vmem>>
      %dma_wait3A_509 = arith.constant 0 : i32
      %dma_wait3A_510 = tpu.memref_slice %arg6[%dma_wait3A_503, %dma_wait3A_509] : memref<200x128xi32, #tpu.memory_space<vmem>> -> memref<1x128xi32, #tpu.memory_space<vmem>>
      %dma_wait3A_511 = tpu.memref_squeeze %dma_wait3A_510 : memref<1x128xi32, #tpu.memory_space<vmem>> -> memref<128xi32, #tpu.memory_space<vmem>>
      %dma_wait3A_512 = arith.constant 0 : i32
      %dma_wait3A_513 = arith.constant 0 : i32
      %dma_wait3A_514 = tpu.memref_slice %arg3[%dma_wait3A_512, %dma_wait3A_513] : memref<1000000x64xf32, #tpu.memory_space<hbm>> -> memref<1000000x64xf32, #tpu.memory_space<hbm>>
      tpu.wait_indirect_dma semaphore(%arg13 : memref<!tpu.dma_semaphore, #tpu.memory_space<semaphore_mem>>) src(%dma_wait3A_514 : memref<1000000x64xf32, #tpu.memory_space<hbm>>) dst(%dma_wait3A_508 : memref<128x64xf32, #tpu.memory_space<vmem>>)
      %dma_wait3A_515 = arith.constant 1 : i32
      %dma_wait3A_516 = arith.constant 0 : i32
      %dma_wait3A_517 = arith.constant 0 : i32
      %dma_wait3A_518 = arith.constant 0 : i32
      %dma_wait3A_519 = arith.constant 0 : i32
      %dma_wait3A_520 = tpu.memref_slice %arg9[%dma_wait3A_515, %dma_wait3A_517, %dma_wait3A_518, %dma_wait3A_519] : memref<2x8x8x129xf32, #tpu.memory_space<vmem>> -> memref<1x8x8x128xf32, #tpu.memory_space<vmem>>
      %dma_wait3A_521 = tpu.memref_squeeze %dma_wait3A_520 : memref<1x8x8x128xf32, #tpu.memory_space<vmem>> -> memref<8x8x128xf32, #tpu.memory_space<vmem>>
      %dma_wait3A_522 = arith.constant 0 : i32
      %dma_wait3A_523 = arith.constant 0 : i32
      %dma_wait3A_524 = arith.constant 0 : i32
      %dma_wait3A_525 = tpu.memref_slice %arg5[%dma_wait3A_516, %dma_wait3A_522, %add3A, %dma_wait3A_523, %dma_wait3A_524] : memref<200x8x32x8x128xf32, #tpu.memory_space<hbm>> -> memref<1x8x1x8x128xf32, #tpu.memory_space<hbm>>
      %dma_wait3A_526 = tpu.memref_squeeze %dma_wait3A_525 : memref<1x8x1x8x128xf32, #tpu.memory_space<hbm>> -> memref<8x8x128xf32, #tpu.memory_space<hbm>>
      %dma_wait3A_527 = arith.constant 0 : i32
      %dma_wait3A_528 = arith.constant 0 : i32
      %dma_wait3A_529 = arith.constant 0 : i32
      %dma_wait3A_530 = tpu.memref_slice %arg5[%dma_wait3A_516, %dma_wait3A_527, %add3A, %dma_wait3A_528, %dma_wait3A_529] : memref<200x8x32x8x128xf32, #tpu.memory_space<hbm>> -> memref<1x8x1x8x128xf32, #tpu.memory_space<hbm>>
      %dma_wait3A_531 = tpu.memref_squeeze %dma_wait3A_530 : memref<1x8x1x8x128xf32, #tpu.memory_space<hbm>> -> memref<8x8x128xf32, #tpu.memory_space<hbm>>
      %dma_wait3A_532 = arith.constant 0 : i32
      %dma_wait3A_533 = arith.constant 0 : i32
      %dma_wait3A_534 = arith.constant 0 : i32
      %dma_wait3A_535 = tpu.memref_slice %arg9[%dma_wait3A_515, %dma_wait3A_532, %dma_wait3A_533, %dma_wait3A_534] : memref<2x8x8x129xf32, #tpu.memory_space<vmem>> -> memref<1x8x8x128xf32, #tpu.memory_space<vmem>>
      %dma_wait3A_536 = tpu.memref_squeeze %dma_wait3A_535 : memref<1x8x8x128xf32, #tpu.memory_space<vmem>> -> memref<8x8x128xf32, #tpu.memory_space<vmem>>
      tpu.wait_dma2 semaphore(%arg19 : memref<!tpu.dma_semaphore, #tpu.memory_space<semaphore_mem>>) src(%dma_wait3A_536 : memref<8x8x128xf32, #tpu.memory_space<vmem>>) dst(%dma_wait3A_531 : memref<8x8x128xf32, #tpu.memory_space<hbm>>)
      %get3A_537 = arith.index_cast %add3A_497 : i32 to index
      %get3A_538 = arith.constant 0 : index
      %get3A_539 = tpu.vector_load %arg7[%get3A_537, %get3A_538] {strides = array<i32>} : memref<200x64xf32, #tpu.memory_space<vmem>>, vector<16xf32>,
      %get3A_540 = arith.index_cast %add3A_497 : i32 to index
      %get3A_541 = arith.constant 16 : index
      %get3A_542 = tpu.vector_load %arg7[%get3A_540, %get3A_541] {strides = array<i32>} : memref<200x64xf32, #tpu.memory_space<vmem>>, vector<16xf32>,
      %get3A_543 = arith.index_cast %add3A_497 : i32 to index
      %get3A_544 = arith.constant 32 : index
      %get3A_545 = tpu.vector_load %arg7[%get3A_543, %get3A_544] {strides = array<i32>} : memref<200x64xf32, #tpu.memory_space<vmem>>, vector<16xf32>,
      %get3A_546 = arith.index_cast %add3A_497 : i32 to index
      %get3A_547 = arith.constant 48 : index
      %get3A_548 = tpu.vector_load %arg7[%get3A_546, %get3A_547] {strides = array<i32>} : memref<200x64xf32, #tpu.memory_space<vmem>>, vector<16xf32>,
      %parallel_loop3A_549 = arith.constant 0 : i32
      %parallel_loop3A_550 = arith.constant 128 : i32
      %parallel_loop3A_551 = arith.constant 1 : i32
      %parallel_loop3A_552 = arith.constant 3 : i32
      %parallel_loop3A_553 = arith.constant 1 : i32
      scf.for %parallel_loop3A_899 = %parallel_loop3A_549 to %parallel_loop3A_550 step %parallel_loop3A_551  : i32 {
        %parallel_loop3A_900 = vector.broadcast %parallel_loop3A_899 : i32 to vector<16xi32>
        %parallel_loop3A_901 = arith.constant 0 : i32
        %parallel_loop3A_902 = arith.constant 0 : i32
        %parallel_loop3A_903 = tpu.memref_slice %arg8[%parallel_loop3A_552, %parallel_loop3A_901, %parallel_loop3A_902] : memref<8x128x64xf32, #tpu.memory_space<vmem>> -> memref<1x128x64xf32, #tpu.memory_space<vmem>>
        %parallel_loop3A_904 = tpu.memref_squeeze %parallel_loop3A_903 : memref<1x128x64xf32, #tpu.memory_space<vmem>> -> memref<128x64xf32, #tpu.memory_space<vmem>>
        %parallel_loop3A_905 = arith.index_cast %parallel_loop3A_899 : i32 to index
        %parallel_loop3A_906 = arith.constant 0 : index
        %parallel_loop3A_907 = tpu.vector_load %parallel_loop3A_904[%parallel_loop3A_905, %parallel_loop3A_906] {strides = array<i32>} : memref<128x64xf32, #tpu.memory_space<vmem>>, vector<16xf32>,
        %parallel_loop3A_908 = arith.addf %parallel_loop3A_907, %get3A_539 : vector<16xf32>
        %parallel_loop3A_909 = arith.constant 0 : i32
        %parallel_loop3A_910 = arith.constant 0 : i32
        %parallel_loop3A_911 = arith.constant 0 : i32
        %parallel_loop3A_912 = tpu.memref_slice %arg9[%parallel_loop3A_553, %parallel_loop3A_909, %parallel_loop3A_910, %parallel_loop3A_911] : memref<2x8x8x129xf32, #tpu.memory_space<vmem>> -> memref<1x8x8x129xf32, #tpu.memory_space<vmem>>
        %parallel_loop3A_913 = tpu.memref_squeeze %parallel_loop3A_912 : memref<1x8x8x129xf32, #tpu.memory_space<vmem>> -> memref<8x8x129xf32, #tpu.memory_space<vmem>>
        tpu.vector_store_idx %parallel_loop3A_913[%select_n3A, %rem3A_136, %parallel_loop3A_900], %parallel_loop3A_908 : memref<8x8x129xf32, #tpu.memory_space<vmem>>[vector<16xi32>, vector<16xi32>, vector<16xi32>], vector<16xf32>,
        %parallel_loop3A_914 = arith.constant 0 : i32
        %parallel_loop3A_915 = arith.constant 0 : i32
        %parallel_loop3A_916 = tpu.memref_slice %arg8[%parallel_loop3A_552, %parallel_loop3A_914, %parallel_loop3A_915] : memref<8x128x64xf32, #tpu.memory_space<vmem>> -> memref<1x128x64xf32, #tpu.memory_space<vmem>>
        %parallel_loop3A_917 = tpu.memref_squeeze %parallel_loop3A_916 : memref<1x128x64xf32, #tpu.memory_space<vmem>> -> memref<128x64xf32, #tpu.memory_space<vmem>>
        %parallel_loop3A_918 = arith.index_cast %parallel_loop3A_899 : i32 to index
        %parallel_loop3A_919 = arith.constant 16 : index
        %parallel_loop3A_920 = tpu.vector_load %parallel_loop3A_917[%parallel_loop3A_918, %parallel_loop3A_919] {strides = array<i32>} : memref<128x64xf32, #tpu.memory_space<vmem>>, vector<16xf32>,
        %parallel_loop3A_921 = arith.addf %parallel_loop3A_920, %get3A_542 : vector<16xf32>
        %parallel_loop3A_922 = arith.constant 0 : i32
        %parallel_loop3A_923 = arith.constant 0 : i32
        %parallel_loop3A_924 = arith.constant 0 : i32
        %parallel_loop3A_925 = tpu.memref_slice %arg9[%parallel_loop3A_553, %parallel_loop3A_922, %parallel_loop3A_923, %parallel_loop3A_924] : memref<2x8x8x129xf32, #tpu.memory_space<vmem>> -> memref<1x8x8x129xf32, #tpu.memory_space<vmem>>
        %parallel_loop3A_926 = tpu.memref_squeeze %parallel_loop3A_925 : memref<1x8x8x129xf32, #tpu.memory_space<vmem>> -> memref<8x8x129xf32, #tpu.memory_space<vmem>>
        tpu.vector_store_idx %parallel_loop3A_926[%select_n3A_62, %rem3A_142, %parallel_loop3A_900], %parallel_loop3A_921 : memref<8x8x129xf32, #tpu.memory_space<vmem>>[vector<16xi32>, vector<16xi32>, vector<16xi32>], vector<16xf32>,
        %parallel_loop3A_927 = arith.constant 0 : i32
        %parallel_loop3A_928 = arith.constant 0 : i32
        %parallel_loop3A_929 = tpu.memref_slice %arg8[%parallel_loop3A_552, %parallel_loop3A_927, %parallel_loop3A_928] : memref<8x128x64xf32, #tpu.memory_space<vmem>> -> memref<1x128x64xf32, #tpu.memory_space<vmem>>
        %parallel_loop3A_930 = tpu.memref_squeeze %parallel_loop3A_929 : memref<1x128x64xf32, #tpu.memory_space<vmem>> -> memref<128x64xf32, #tpu.memory_space<vmem>>
        %parallel_loop3A_931 = arith.index_cast %parallel_loop3A_899 : i32 to index
        %parallel_loop3A_932 = arith.constant 32 : index
        %parallel_loop3A_933 = tpu.vector_load %parallel_loop3A_930[%parallel_loop3A_931, %parallel_loop3A_932] {strides = array<i32>} : memref<128x64xf32, #tpu.memory_space<vmem>>, vector<16xf32>,
        %parallel_loop3A_934 = arith.addf %parallel_loop3A_933, %get3A_545 : vector<16xf32>
        %parallel_loop3A_935 = arith.constant 0 : i32
        %parallel_loop3A_936 = arith.constant 0 : i32
        %parallel_loop3A_937 = arith.constant 0 : i32
        %parallel_loop3A_938 = tpu.memref_slice %arg9[%parallel_loop3A_553, %parallel_loop3A_935, %parallel_loop3A_936, %parallel_loop3A_937] : memref<2x8x8x129xf32, #tpu.memory_space<vmem>> -> memref<1x8x8x129xf32, #tpu.memory_space<vmem>>
        %parallel_loop3A_939 = tpu.memref_squeeze %parallel_loop3A_938 : memref<1x8x8x129xf32, #tpu.memory_space<vmem>> -> memref<8x8x129xf32, #tpu.memory_space<vmem>>
        tpu.vector_store_idx %parallel_loop3A_939[%select_n3A_96, %rem3A_148, %parallel_loop3A_900], %parallel_loop3A_934 : memref<8x8x129xf32, #tpu.memory_space<vmem>>[vector<16xi32>, vector<16xi32>, vector<16xi32>], vector<16xf32>,
        %parallel_loop3A_940 = arith.constant 0 : i32
        %parallel_loop3A_941 = arith.constant 0 : i32
        %parallel_loop3A_942 = tpu.memref_slice %arg8[%parallel_loop3A_552, %parallel_loop3A_940, %parallel_loop3A_941] : memref<8x128x64xf32, #tpu.memory_space<vmem>> -> memref<1x128x64xf32, #tpu.memory_space<vmem>>
        %parallel_loop3A_943 = tpu.memref_squeeze %parallel_loop3A_942 : memref<1x128x64xf32, #tpu.memory_space<vmem>> -> memref<128x64xf32, #tpu.memory_space<vmem>>
        %parallel_loop3A_944 = arith.index_cast %parallel_loop3A_899 : i32 to index
        %parallel_loop3A_945 = arith.constant 48 : index
        %parallel_loop3A_946 = tpu.vector_load %parallel_loop3A_943[%parallel_loop3A_944, %parallel_loop3A_945] {strides = array<i32>} : memref<128x64xf32, #tpu.memory_space<vmem>>, vector<16xf32>,
        %parallel_loop3A_947 = arith.addf %parallel_loop3A_946, %get3A_548 : vector<16xf32>
        %parallel_loop3A_948 = arith.constant 0 : i32
        %parallel_loop3A_949 = arith.constant 0 : i32
        %parallel_loop3A_950 = arith.constant 0 : i32
        %parallel_loop3A_951 = tpu.memref_slice %arg9[%parallel_loop3A_553, %parallel_loop3A_948, %parallel_loop3A_949, %parallel_loop3A_950] : memref<2x8x8x129xf32, #tpu.memory_space<vmem>> -> memref<1x8x8x129xf32, #tpu.memory_space<vmem>>
        %parallel_loop3A_952 = tpu.memref_squeeze %parallel_loop3A_951 : memref<1x8x8x129xf32, #tpu.memory_space<vmem>> -> memref<8x8x129xf32, #tpu.memory_space<vmem>>
        tpu.vector_store_idx %parallel_loop3A_952[%select_n3A_130, %rem3A_154, %parallel_loop3A_900], %parallel_loop3A_947 : memref<8x8x129xf32, #tpu.memory_space<vmem>>[vector<16xi32>, vector<16xi32>, vector<16xi32>], vector<16xf32>,
      } {sc.loop_unroll_factor = 4 : i64, sc.parallel_access}
      %dma_start3A_554 = arith.constant 1 : i32
      %dma_start3A_555 = arith.constant 0 : i32
      %dma_start3A_556 = arith.constant 0 : i32
      %dma_start3A_557 = arith.constant 0 : i32
      %dma_start3A_558 = tpu.memref_slice %arg9[%dma_start3A_554, %dma_start3A_555, %dma_start3A_556, %dma_start3A_557] : memref<2x8x8x129xf32, #tpu.memory_space<vmem>> -> memref<1x8x8x128xf32, #tpu.memory_space<vmem>>
      %dma_start3A_559 = tpu.memref_squeeze %dma_start3A_558 : memref<1x8x8x128xf32, #tpu.memory_space<vmem>> -> memref<8x8x128xf32, #tpu.memory_space<vmem>>
      %dma_start3A_560 = arith.constant 0 : i32
      %dma_start3A_561 = arith.constant 0 : i32
      %dma_start3A_562 = arith.constant 0 : i32
      %dma_start3A_563 = tpu.memref_slice %arg5[%add3A_497, %dma_start3A_560, %add3A, %dma_start3A_561, %dma_start3A_562] : memref<200x8x32x8x128xf32, #tpu.memory_space<hbm>> -> memref<1x8x1x8x128xf32, #tpu.memory_space<hbm>>
      %dma_start3A_564 = tpu.memref_squeeze %dma_start3A_563 : memref<1x8x1x8x128xf32, #tpu.memory_space<hbm>> -> memref<8x8x128xf32, #tpu.memory_space<hbm>>
      %dma_start3A_565 = arith.constant 0 : i32
      %dma_start3A_566 = arith.constant 0 : i32
      %dma_start3A_567 = arith.constant 0 : i32
      %dma_start3A_568 = tpu.memref_slice %arg5[%add3A_497, %dma_start3A_565, %add3A, %dma_start3A_566, %dma_start3A_567] : memref<200x8x32x8x128xf32, #tpu.memory_space<hbm>> -> memref<1x8x1x8x128xf32, #tpu.memory_space<hbm>>
      %dma_start3A_569 = tpu.memref_squeeze %dma_start3A_568 : memref<1x8x1x8x128xf32, #tpu.memory_space<hbm>> -> memref<8x8x128xf32, #tpu.memory_space<hbm>>
      %dma_start3A_570 = arith.constant 0 : i32
      %dma_start3A_571 = arith.constant 0 : i32
      %dma_start3A_572 = arith.constant 0 : i32
      %dma_start3A_573 = tpu.memref_slice %arg9[%dma_start3A_554, %dma_start3A_570, %dma_start3A_571, %dma_start3A_572] : memref<2x8x8x129xf32, #tpu.memory_space<vmem>> -> memref<1x8x8x128xf32, #tpu.memory_space<vmem>>
      %dma_start3A_574 = tpu.memref_squeeze %dma_start3A_573 : memref<1x8x8x128xf32, #tpu.memory_space<vmem>> -> memref<8x8x128xf32, #tpu.memory_space<vmem>>
      tpu.enqueue_dma source(%dma_start3A_574 : memref<8x8x128xf32, #tpu.memory_space<vmem>>) target(%dma_start3A_569 : memref<8x8x128xf32, #tpu.memory_space<hbm>>) target_semaphore(%arg19 : memref<!tpu.dma_semaphore, #tpu.memory_space<semaphore_mem>>)
      %mul3A_575 = arith.constant 8 : i32
      %mul3A_576 = arith.muli %scan3A_274, %mul3A_575 : i32
      %add3A_577 = arith.constant 4 : i32
      %add3A_578 = arith.addi %mul3A_576, %add3A_577 : i32
      %le3A_579 = arith.constant 23 : i32
      %le3A_580 = arith.cmpi sle, %scan3A_274, %le3A_579 : i32
      %convert_element_type3A_581 = arith.extui %le3A_580 : i1 to i32
      %cond3A_582 = arith.constant 0 : i32
      %cond3A_583 = arith.cmpi ne, %convert_element_type3A_581, %cond3A_582 : i32
      scf.if %cond3A_583 {
        %add3A_899 = arith.constant 6 : i32
        %add3A_900 = arith.addi %add3A_578, %add3A_899 : i32
        %dma_start3A_901 = arith.constant 2 : i32
        %dma_start3A_902 = arith.constant 0 : i32
        %dma_start3A_903 = arith.constant 0 : i32
        %dma_start3A_904 = tpu.memref_slice %arg8[%dma_start3A_901, %dma_start3A_902, %dma_start3A_903] : memref<8x128x64xf32, #tpu.memory_space<vmem>> -> memref<1x128x64xf32, #tpu.memory_space<vmem>>
        %dma_start3A_905 = tpu.memref_squeeze %dma_start3A_904 : memref<1x128x64xf32, #tpu.memory_space<vmem>> -> memref<128x64xf32, #tpu.memory_space<vmem>>
        %dma_start3A_906 = arith.constant 0 : i32
        %dma_start3A_907 = tpu.memref_slice %arg6[%add3A_900, %dma_start3A_906] : memref<200x128xi32, #tpu.memory_space<vmem>> -> memref<1x128xi32, #tpu.memory_space<vmem>>
        %dma_start3A_908 = tpu.memref_squeeze %dma_start3A_907 : memref<1x128xi32, #tpu.memory_space<vmem>> -> memref<128xi32, #tpu.memory_space<vmem>>
        %dma_start3A_909 = arith.constant 0 : i32
        %dma_start3A_910 = arith.constant 0 : i32
        %dma_start3A_911 = tpu.memref_slice %arg3[%dma_start3A_909, %dma_start3A_910] : memref<1000000x64xf32, #tpu.memory_space<hbm>> -> memref<1000000x64xf32, #tpu.memory_space<hbm>>
        tpu.enqueue_indirect_dma source(%dma_start3A_911 : memref<1000000x64xf32, #tpu.memory_space<hbm>>) target(%dma_start3A_905 : memref<128x64xf32, #tpu.memory_space<vmem>>) offsets(%dma_start3A_908 : memref<128xi32, #tpu.memory_space<vmem>>) semaphore(%arg12 : memref<!tpu.dma_semaphore, #tpu.memory_space<semaphore_mem>>)
      } else {
      }
      %dma_wait3A_584 = arith.constant 0 : i32
      %dma_wait3A_585 = arith.constant 4 : i32
      %dma_wait3A_586 = arith.constant 0 : i32
      %dma_wait3A_587 = arith.constant 0 : i32
      %dma_wait3A_588 = tpu.memref_slice %arg8[%dma_wait3A_585, %dma_wait3A_586, %dma_wait3A_587] : memref<8x128x64xf32, #tpu.memory_space<vmem>> -> memref<1x128x64xf32, #tpu.memory_space<vmem>>
      %dma_wait3A_589 = tpu.memref_squeeze %dma_wait3A_588 : memref<1x128x64xf32, #tpu.memory_space<vmem>> -> memref<128x64xf32, #tpu.memory_space<vmem>>
      %dma_wait3A_590 = arith.constant 0 : i32
      %dma_wait3A_591 = tpu.memref_slice %arg6[%dma_wait3A_584, %dma_wait3A_590] : memref<200x128xi32, #tpu.memory_space<vmem>> -> memref<1x128xi32, #tpu.memory_space<vmem>>
      %dma_wait3A_592 = tpu.memref_squeeze %dma_wait3A_591 : memref<1x128xi32, #tpu.memory_space<vmem>> -> memref<128xi32, #tpu.memory_space<vmem>>
      %dma_wait3A_593 = arith.constant 0 : i32
      %dma_wait3A_594 = arith.constant 0 : i32
      %dma_wait3A_595 = tpu.memref_slice %arg3[%dma_wait3A_593, %dma_wait3A_594] : memref<1000000x64xf32, #tpu.memory_space<hbm>> -> memref<1000000x64xf32, #tpu.memory_space<hbm>>
      tpu.wait_indirect_dma semaphore(%arg14 : memref<!tpu.dma_semaphore, #tpu.memory_space<semaphore_mem>>) src(%dma_wait3A_595 : memref<1000000x64xf32, #tpu.memory_space<hbm>>) dst(%dma_wait3A_589 : memref<128x64xf32, #tpu.memory_space<vmem>>)
      %dma_wait3A_596 = arith.constant 0 : i32
      %dma_wait3A_597 = arith.constant 0 : i32
      %dma_wait3A_598 = arith.constant 0 : i32
      %dma_wait3A_599 = arith.constant 0 : i32
      %dma_wait3A_600 = arith.constant 0 : i32
      %dma_wait3A_601 = tpu.memref_slice %arg9[%dma_wait3A_596, %dma_wait3A_598, %dma_wait3A_599, %dma_wait3A_600] : memref<2x8x8x129xf32, #tpu.memory_space<vmem>> -> memref<1x8x8x128xf32, #tpu.memory_space<vmem>>
      %dma_wait3A_602 = tpu.memref_squeeze %dma_wait3A_601 : memref<1x8x8x128xf32, #tpu.memory_space<vmem>> -> memref<8x8x128xf32, #tpu.memory_space<vmem>>
      %dma_wait3A_603 = arith.constant 0 : i32
      %dma_wait3A_604 = arith.constant 0 : i32
      %dma_wait3A_605 = arith.constant 0 : i32
      %dma_wait3A_606 = tpu.memref_slice %arg5[%dma_wait3A_597, %dma_wait3A_603, %add3A, %dma_wait3A_604, %dma_wait3A_605] : memref<200x8x32x8x128xf32, #tpu.memory_space<hbm>> -> memref<1x8x1x8x128xf32, #tpu.memory_space<hbm>>
      %dma_wait3A_607 = tpu.memref_squeeze %dma_wait3A_606 : memref<1x8x1x8x128xf32, #tpu.memory_space<hbm>> -> memref<8x8x128xf32, #tpu.memory_space<hbm>>
      %dma_wait3A_608 = arith.constant 0 : i32
      %dma_wait3A_609 = arith.constant 0 : i32
      %dma_wait3A_610 = arith.constant 0 : i32
      %dma_wait3A_611 = tpu.memref_slice %arg5[%dma_wait3A_597, %dma_wait3A_608, %add3A, %dma_wait3A_609, %dma_wait3A_610] : memref<200x8x32x8x128xf32, #tpu.memory_space<hbm>> -> memref<1x8x1x8x128xf32, #tpu.memory_space<hbm>>
      %dma_wait3A_612 = tpu.memref_squeeze %dma_wait3A_611 : memref<1x8x1x8x128xf32, #tpu.memory_space<hbm>> -> memref<8x8x128xf32, #tpu.memory_space<hbm>>
      %dma_wait3A_613 = arith.constant 0 : i32
      %dma_wait3A_614 = arith.constant 0 : i32
      %dma_wait3A_615 = arith.constant 0 : i32
      %dma_wait3A_616 = tpu.memref_slice %arg9[%dma_wait3A_596, %dma_wait3A_613, %dma_wait3A_614, %dma_wait3A_615] : memref<2x8x8x129xf32, #tpu.memory_space<vmem>> -> memref<1x8x8x128xf32, #tpu.memory_space<vmem>>
      %dma_wait3A_617 = tpu.memref_squeeze %dma_wait3A_616 : memref<1x8x8x128xf32, #tpu.memory_space<vmem>> -> memref<8x8x128xf32, #tpu.memory_space<vmem>>
      tpu.wait_dma2 semaphore(%arg18 : memref<!tpu.dma_semaphore, #tpu.memory_space<semaphore_mem>>) src(%dma_wait3A_617 : memref<8x8x128xf32, #tpu.memory_space<vmem>>) dst(%dma_wait3A_612 : memref<8x8x128xf32, #tpu.memory_space<hbm>>)
      %get3A_618 = arith.index_cast %add3A_578 : i32 to index
      %get3A_619 = arith.constant 0 : index
      %get3A_620 = tpu.vector_load %arg7[%get3A_618, %get3A_619] {strides = array<i32>} : memref<200x64xf32, #tpu.memory_space<vmem>>, vector<16xf32>,
      %get3A_621 = arith.index_cast %add3A_578 : i32 to index
      %get3A_622 = arith.constant 16 : index
      %get3A_623 = tpu.vector_load %arg7[%get3A_621, %get3A_622] {strides = array<i32>} : memref<200x64xf32, #tpu.memory_space<vmem>>, vector<16xf32>,
      %get3A_624 = arith.index_cast %add3A_578 : i32 to index
      %get3A_625 = arith.constant 32 : index
      %get3A_626 = tpu.vector_load %arg7[%get3A_624, %get3A_625] {strides = array<i32>} : memref<200x64xf32, #tpu.memory_space<vmem>>, vector<16xf32>,
      %get3A_627 = arith.index_cast %add3A_578 : i32 to index
      %get3A_628 = arith.constant 48 : index
      %get3A_629 = tpu.vector_load %arg7[%get3A_627, %get3A_628] {strides = array<i32>} : memref<200x64xf32, #tpu.memory_space<vmem>>, vector<16xf32>,
      %parallel_loop3A_630 = arith.constant 0 : i32
      %parallel_loop3A_631 = arith.constant 128 : i32
      %parallel_loop3A_632 = arith.constant 1 : i32
      %parallel_loop3A_633 = arith.constant 4 : i32
      %parallel_loop3A_634 = arith.constant 0 : i32
      scf.for %parallel_loop3A_899 = %parallel_loop3A_630 to %parallel_loop3A_631 step %parallel_loop3A_632  : i32 {
        %parallel_loop3A_900 = vector.broadcast %parallel_loop3A_899 : i32 to vector<16xi32>
        %parallel_loop3A_901 = arith.constant 0 : i32
        %parallel_loop3A_902 = arith.constant 0 : i32
        %parallel_loop3A_903 = tpu.memref_slice %arg8[%parallel_loop3A_633, %parallel_loop3A_901, %parallel_loop3A_902] : memref<8x128x64xf32, #tpu.memory_space<vmem>> -> memref<1x128x64xf32, #tpu.memory_space<vmem>>
        %parallel_loop3A_904 = tpu.memref_squeeze %parallel_loop3A_903 : memref<1x128x64xf32, #tpu.memory_space<vmem>> -> memref<128x64xf32, #tpu.memory_space<vmem>>
        %parallel_loop3A_905 = arith.index_cast %parallel_loop3A_899 : i32 to index
        %parallel_loop3A_906 = arith.constant 0 : index
        %parallel_loop3A_907 = tpu.vector_load %parallel_loop3A_904[%parallel_loop3A_905, %parallel_loop3A_906] {strides = array<i32>} : memref<128x64xf32, #tpu.memory_space<vmem>>, vector<16xf32>,
        %parallel_loop3A_908 = arith.addf %parallel_loop3A_907, %get3A_620 : vector<16xf32>
        %parallel_loop3A_909 = arith.constant 0 : i32
        %parallel_loop3A_910 = arith.constant 0 : i32
        %parallel_loop3A_911 = arith.constant 0 : i32
        %parallel_loop3A_912 = tpu.memref_slice %arg9[%parallel_loop3A_634, %parallel_loop3A_909, %parallel_loop3A_910, %parallel_loop3A_911] : memref<2x8x8x129xf32, #tpu.memory_space<vmem>> -> memref<1x8x8x129xf32, #tpu.memory_space<vmem>>
        %parallel_loop3A_913 = tpu.memref_squeeze %parallel_loop3A_912 : memref<1x8x8x129xf32, #tpu.memory_space<vmem>> -> memref<8x8x129xf32, #tpu.memory_space<vmem>>
        tpu.vector_store_idx %parallel_loop3A_913[%select_n3A, %rem3A_136, %parallel_loop3A_900], %parallel_loop3A_908 : memref<8x8x129xf32, #tpu.memory_space<vmem>>[vector<16xi32>, vector<16xi32>, vector<16xi32>], vector<16xf32>,
        %parallel_loop3A_914 = arith.constant 0 : i32
        %parallel_loop3A_915 = arith.constant 0 : i32
        %parallel_loop3A_916 = tpu.memref_slice %arg8[%parallel_loop3A_633, %parallel_loop3A_914, %parallel_loop3A_915] : memref<8x128x64xf32, #tpu.memory_space<vmem>> -> memref<1x128x64xf32, #tpu.memory_space<vmem>>
        %parallel_loop3A_917 = tpu.memref_squeeze %parallel_loop3A_916 : memref<1x128x64xf32, #tpu.memory_space<vmem>> -> memref<128x64xf32, #tpu.memory_space<vmem>>
        %parallel_loop3A_918 = arith.index_cast %parallel_loop3A_899 : i32 to index
        %parallel_loop3A_919 = arith.constant 16 : index
        %parallel_loop3A_920 = tpu.vector_load %parallel_loop3A_917[%parallel_loop3A_918, %parallel_loop3A_919] {strides = array<i32>} : memref<128x64xf32, #tpu.memory_space<vmem>>, vector<16xf32>,
        %parallel_loop3A_921 = arith.addf %parallel_loop3A_920, %get3A_623 : vector<16xf32>
        %parallel_loop3A_922 = arith.constant 0 : i32
        %parallel_loop3A_923 = arith.constant 0 : i32
        %parallel_loop3A_924 = arith.constant 0 : i32
        %parallel_loop3A_925 = tpu.memref_slice %arg9[%parallel_loop3A_634, %parallel_loop3A_922, %parallel_loop3A_923, %parallel_loop3A_924] : memref<2x8x8x129xf32, #tpu.memory_space<vmem>> -> memref<1x8x8x129xf32, #tpu.memory_space<vmem>>
        %parallel_loop3A_926 = tpu.memref_squeeze %parallel_loop3A_925 : memref<1x8x8x129xf32, #tpu.memory_space<vmem>> -> memref<8x8x129xf32, #tpu.memory_space<vmem>>
        tpu.vector_store_idx %parallel_loop3A_926[%select_n3A_62, %rem3A_142, %parallel_loop3A_900], %parallel_loop3A_921 : memref<8x8x129xf32, #tpu.memory_space<vmem>>[vector<16xi32>, vector<16xi32>, vector<16xi32>], vector<16xf32>,
        %parallel_loop3A_927 = arith.constant 0 : i32
        %parallel_loop3A_928 = arith.constant 0 : i32
        %parallel_loop3A_929 = tpu.memref_slice %arg8[%parallel_loop3A_633, %parallel_loop3A_927, %parallel_loop3A_928] : memref<8x128x64xf32, #tpu.memory_space<vmem>> -> memref<1x128x64xf32, #tpu.memory_space<vmem>>
        %parallel_loop3A_930 = tpu.memref_squeeze %parallel_loop3A_929 : memref<1x128x64xf32, #tpu.memory_space<vmem>> -> memref<128x64xf32, #tpu.memory_space<vmem>>
        %parallel_loop3A_931 = arith.index_cast %parallel_loop3A_899 : i32 to index
        %parallel_loop3A_932 = arith.constant 32 : index
        %parallel_loop3A_933 = tpu.vector_load %parallel_loop3A_930[%parallel_loop3A_931, %parallel_loop3A_932] {strides = array<i32>} : memref<128x64xf32, #tpu.memory_space<vmem>>, vector<16xf32>,
        %parallel_loop3A_934 = arith.addf %parallel_loop3A_933, %get3A_626 : vector<16xf32>
        %parallel_loop3A_935 = arith.constant 0 : i32
        %parallel_loop3A_936 = arith.constant 0 : i32
        %parallel_loop3A_937 = arith.constant 0 : i32
        %parallel_loop3A_938 = tpu.memref_slice %arg9[%parallel_loop3A_634, %parallel_loop3A_935, %parallel_loop3A_936, %parallel_loop3A_937] : memref<2x8x8x129xf32, #tpu.memory_space<vmem>> -> memref<1x8x8x129xf32, #tpu.memory_space<vmem>>
        %parallel_loop3A_939 = tpu.memref_squeeze %parallel_loop3A_938 : memref<1x8x8x129xf32, #tpu.memory_space<vmem>> -> memref<8x8x129xf32, #tpu.memory_space<vmem>>
        tpu.vector_store_idx %parallel_loop3A_939[%select_n3A_96, %rem3A_148, %parallel_loop3A_900], %parallel_loop3A_934 : memref<8x8x129xf32, #tpu.memory_space<vmem>>[vector<16xi32>, vector<16xi32>, vector<16xi32>], vector<16xf32>,
        %parallel_loop3A_940 = arith.constant 0 : i32
        %parallel_loop3A_941 = arith.constant 0 : i32
        %parallel_loop3A_942 = tpu.memref_slice %arg8[%parallel_loop3A_633, %parallel_loop3A_940, %parallel_loop3A_941] : memref<8x128x64xf32, #tpu.memory_space<vmem>> -> memref<1x128x64xf32, #tpu.memory_space<vmem>>
        %parallel_loop3A_943 = tpu.memref_squeeze %parallel_loop3A_942 : memref<1x128x64xf32, #tpu.memory_space<vmem>> -> memref<128x64xf32, #tpu.memory_space<vmem>>
        %parallel_loop3A_944 = arith.index_cast %parallel_loop3A_899 : i32 to index
        %parallel_loop3A_945 = arith.constant 48 : index
        %parallel_loop3A_946 = tpu.vector_load %parallel_loop3A_943[%parallel_loop3A_944, %parallel_loop3A_945] {strides = array<i32>} : memref<128x64xf32, #tpu.memory_space<vmem>>, vector<16xf32>,
        %parallel_loop3A_947 = arith.addf %parallel_loop3A_946, %get3A_629 : vector<16xf32>
        %parallel_loop3A_948 = arith.constant 0 : i32
        %parallel_loop3A_949 = arith.constant 0 : i32
        %parallel_loop3A_950 = arith.constant 0 : i32
        %parallel_loop3A_951 = tpu.memref_slice %arg9[%parallel_loop3A_634, %parallel_loop3A_948, %parallel_loop3A_949, %parallel_loop3A_950] : memref<2x8x8x129xf32, #tpu.memory_space<vmem>> -> memref<1x8x8x129xf32, #tpu.memory_space<vmem>>
        %parallel_loop3A_952 = tpu.memref_squeeze %parallel_loop3A_951 : memref<1x8x8x129xf32, #tpu.memory_space<vmem>> -> memref<8x8x129xf32, #tpu.memory_space<vmem>>
        tpu.vector_store_idx %parallel_loop3A_952[%select_n3A_130, %rem3A_154, %parallel_loop3A_900], %parallel_loop3A_947 : memref<8x8x129xf32, #tpu.memory_space<vmem>>[vector<16xi32>, vector<16xi32>, vector<16xi32>], vector<16xf32>,
      } {sc.loop_unroll_factor = 4 : i64, sc.parallel_access}
      %dma_start3A_635 = arith.constant 0 : i32
      %dma_start3A_636 = arith.constant 0 : i32
      %dma_start3A_637 = arith.constant 0 : i32
      %dma_start3A_638 = arith.constant 0 : i32
      %dma_start3A_639 = tpu.memref_slice %arg9[%dma_start3A_635, %dma_start3A_636, %dma_start3A_637, %dma_start3A_638] : memref<2x8x8x129xf32, #tpu.memory_space<vmem>> -> memref<1x8x8x128xf32, #tpu.memory_space<vmem>>
      %dma_start3A_640 = tpu.memref_squeeze %dma_start3A_639 : memref<1x8x8x128xf32, #tpu.memory_space<vmem>> -> memref<8x8x128xf32, #tpu.memory_space<vmem>>
      %dma_start3A_641 = arith.constant 0 : i32
      %dma_start3A_642 = arith.constant 0 : i32
      %dma_start3A_643 = arith.constant 0 : i32
      %dma_start3A_644 = tpu.memref_slice %arg5[%add3A_578, %dma_start3A_641, %add3A, %dma_start3A_642, %dma_start3A_643] : memref<200x8x32x8x128xf32, #tpu.memory_space<hbm>> -> memref<1x8x1x8x128xf32, #tpu.memory_space<hbm>>
      %dma_start3A_645 = tpu.memref_squeeze %dma_start3A_644 : memref<1x8x1x8x128xf32, #tpu.memory_space<hbm>> -> memref<8x8x128xf32, #tpu.memory_space<hbm>>
      %dma_start3A_646 = arith.constant 0 : i32
      %dma_start3A_647 = arith.constant 0 : i32
      %dma_start3A_648 = arith.constant 0 : i32
      %dma_start3A_649 = tpu.memref_slice %arg5[%add3A_578, %dma_start3A_646, %add3A, %dma_start3A_647, %dma_start3A_648] : memref<200x8x32x8x128xf32, #tpu.memory_space<hbm>> -> memref<1x8x1x8x128xf32, #tpu.memory_space<hbm>>
      %dma_start3A_650 = tpu.memref_squeeze %dma_start3A_649 : memref<1x8x1x8x128xf32, #tpu.memory_space<hbm>> -> memref<8x8x128xf32, #tpu.memory_space<hbm>>
      %dma_start3A_651 = arith.constant 0 : i32
      %dma_start3A_652 = arith.constant 0 : i32
      %dma_start3A_653 = arith.constant 0 : i32
      %dma_start3A_654 = tpu.memref_slice %arg9[%dma_start3A_635, %dma_start3A_651, %dma_start3A_652, %dma_start3A_653] : memref<2x8x8x129xf32, #tpu.memory_space<vmem>> -> memref<1x8x8x128xf32, #tpu.memory_space<vmem>>
      %dma_start3A_655 = tpu.memref_squeeze %dma_start3A_654 : memref<1x8x8x128xf32, #tpu.memory_space<vmem>> -> memref<8x8x128xf32, #tpu.memory_space<vmem>>
      tpu.enqueue_dma source(%dma_start3A_655 : memref<8x8x128xf32, #tpu.memory_space<vmem>>) target(%dma_start3A_650 : memref<8x8x128xf32, #tpu.memory_space<hbm>>) target_semaphore(%arg18 : memref<!tpu.dma_semaphore, #tpu.memory_space<semaphore_mem>>)
      %mul3A_656 = arith.constant 8 : i32
      %mul3A_657 = arith.muli %scan3A_274, %mul3A_656 : i32
      %add3A_658 = arith.constant 5 : i32
      %add3A_659 = arith.addi %mul3A_657, %add3A_658 : i32
      %le3A_660 = arith.constant 23 : i32
      %le3A_661 = arith.cmpi sle, %scan3A_274, %le3A_660 : i32
      %convert_element_type3A_662 = arith.extui %le3A_661 : i1 to i32
      %cond3A_663 = arith.constant 0 : i32
      %cond3A_664 = arith.cmpi ne, %convert_element_type3A_662, %cond3A_663 : i32
      scf.if %cond3A_664 {
        %add3A_899 = arith.constant 6 : i32
        %add3A_900 = arith.addi %add3A_659, %add3A_899 : i32
        %dma_start3A_901 = arith.constant 3 : i32
        %dma_start3A_902 = arith.constant 0 : i32
        %dma_start3A_903 = arith.constant 0 : i32
        %dma_start3A_904 = tpu.memref_slice %arg8[%dma_start3A_901, %dma_start3A_902, %dma_start3A_903] : memref<8x128x64xf32, #tpu.memory_space<vmem>> -> memref<1x128x64xf32, #tpu.memory_space<vmem>>
        %dma_start3A_905 = tpu.memref_squeeze %dma_start3A_904 : memref<1x128x64xf32, #tpu.memory_space<vmem>> -> memref<128x64xf32, #tpu.memory_space<vmem>>
        %dma_start3A_906 = arith.constant 0 : i32
        %dma_start3A_907 = tpu.memref_slice %arg6[%add3A_900, %dma_start3A_906] : memref<200x128xi32, #tpu.memory_space<vmem>> -> memref<1x128xi32, #tpu.memory_space<vmem>>
        %dma_start3A_908 = tpu.memref_squeeze %dma_start3A_907 : memref<1x128xi32, #tpu.memory_space<vmem>> -> memref<128xi32, #tpu.memory_space<vmem>>
        %dma_start3A_909 = arith.constant 0 : i32
        %dma_start3A_910 = arith.constant 0 : i32
        %dma_start3A_911 = tpu.memref_slice %arg3[%dma_start3A_909, %dma_start3A_910] : memref<1000000x64xf32, #tpu.memory_space<hbm>> -> memref<1000000x64xf32, #tpu.memory_space<hbm>>
        tpu.enqueue_indirect_dma source(%dma_start3A_911 : memref<1000000x64xf32, #tpu.memory_space<hbm>>) target(%dma_start3A_905 : memref<128x64xf32, #tpu.memory_space<vmem>>) offsets(%dma_start3A_908 : memref<128xi32, #tpu.memory_space<vmem>>) semaphore(%arg13 : memref<!tpu.dma_semaphore, #tpu.memory_space<semaphore_mem>>)
      } else {
      }
      %dma_wait3A_665 = arith.constant 0 : i32
      %dma_wait3A_666 = arith.constant 5 : i32
      %dma_wait3A_667 = arith.constant 0 : i32
      %dma_wait3A_668 = arith.constant 0 : i32
      %dma_wait3A_669 = tpu.memref_slice %arg8[%dma_wait3A_666, %dma_wait3A_667, %dma_wait3A_668] : memref<8x128x64xf32, #tpu.memory_space<vmem>> -> memref<1x128x64xf32, #tpu.memory_space<vmem>>
      %dma_wait3A_670 = tpu.memref_squeeze %dma_wait3A_669 : memref<1x128x64xf32, #tpu.memory_space<vmem>> -> memref<128x64xf32, #tpu.memory_space<vmem>>
      %dma_wait3A_671 = arith.constant 0 : i32
      %dma_wait3A_672 = tpu.memref_slice %arg6[%dma_wait3A_665, %dma_wait3A_671] : memref<200x128xi32, #tpu.memory_space<vmem>> -> memref<1x128xi32, #tpu.memory_space<vmem>>
      %dma_wait3A_673 = tpu.memref_squeeze %dma_wait3A_672 : memref<1x128xi32, #tpu.memory_space<vmem>> -> memref<128xi32, #tpu.memory_space<vmem>>
      %dma_wait3A_674 = arith.constant 0 : i32
      %dma_wait3A_675 = arith.constant 0 : i32
      %dma_wait3A_676 = tpu.memref_slice %arg3[%dma_wait3A_674, %dma_wait3A_675] : memref<1000000x64xf32, #tpu.memory_space<hbm>> -> memref<1000000x64xf32, #tpu.memory_space<hbm>>
      tpu.wait_indirect_dma semaphore(%arg15 : memref<!tpu.dma_semaphore, #tpu.memory_space<semaphore_mem>>) src(%dma_wait3A_676 : memref<1000000x64xf32, #tpu.memory_space<hbm>>) dst(%dma_wait3A_670 : memref<128x64xf32, #tpu.memory_space<vmem>>)
      %dma_wait3A_677 = arith.constant 1 : i32
      %dma_wait3A_678 = arith.constant 0 : i32
      %dma_wait3A_679 = arith.constant 0 : i32
      %dma_wait3A_680 = arith.constant 0 : i32
      %dma_wait3A_681 = arith.constant 0 : i32
      %dma_wait3A_682 = tpu.memref_slice %arg9[%dma_wait3A_677, %dma_wait3A_679, %dma_wait3A_680, %dma_wait3A_681] : memref<2x8x8x129xf32, #tpu.memory_space<vmem>> -> memref<1x8x8x128xf32, #tpu.memory_space<vmem>>
      %dma_wait3A_683 = tpu.memref_squeeze %dma_wait3A_682 : memref<1x8x8x128xf32, #tpu.memory_space<vmem>> -> memref<8x8x128xf32, #tpu.memory_space<vmem>>
      %dma_wait3A_684 = arith.constant 0 : i32
      %dma_wait3A_685 = arith.constant 0 : i32
      %dma_wait3A_686 = arith.constant 0 : i32
      %dma_wait3A_687 = tpu.memref_slice %arg5[%dma_wait3A_678, %dma_wait3A_684, %add3A, %dma_wait3A_685, %dma_wait3A_686] : memref<200x8x32x8x128xf32, #tpu.memory_space<hbm>> -> memref<1x8x1x8x128xf32, #tpu.memory_space<hbm>>
      %dma_wait3A_688 = tpu.memref_squeeze %dma_wait3A_687 : memref<1x8x1x8x128xf32, #tpu.memory_space<hbm>> -> memref<8x8x128xf32, #tpu.memory_space<hbm>>
      %dma_wait3A_689 = arith.constant 0 : i32
      %dma_wait3A_690 = arith.constant 0 : i32
      %dma_wait3A_691 = arith.constant 0 : i32
      %dma_wait3A_692 = tpu.memref_slice %arg5[%dma_wait3A_678, %dma_wait3A_689, %add3A, %dma_wait3A_690, %dma_wait3A_691] : memref<200x8x32x8x128xf32, #tpu.memory_space<hbm>> -> memref<1x8x1x8x128xf32, #tpu.memory_space<hbm>>
      %dma_wait3A_693 = tpu.memref_squeeze %dma_wait3A_692 : memref<1x8x1x8x128xf32, #tpu.memory_space<hbm>> -> memref<8x8x128xf32, #tpu.memory_space<hbm>>
      %dma_wait3A_694 = arith.constant 0 : i32
      %dma_wait3A_695 = arith.constant 0 : i32
      %dma_wait3A_696 = arith.constant 0 : i32
      %dma_wait3A_697 = tpu.memref_slice %arg9[%dma_wait3A_677, %dma_wait3A_694, %dma_wait3A_695, %dma_wait3A_696] : memref<2x8x8x129xf32, #tpu.memory_space<vmem>> -> memref<1x8x8x128xf32, #tpu.memory_space<vmem>>
      %dma_wait3A_698 = tpu.memref_squeeze %dma_wait3A_697 : memref<1x8x8x128xf32, #tpu.memory_space<vmem>> -> memref<8x8x128xf32, #tpu.memory_space<vmem>>
      tpu.wait_dma2 semaphore(%arg19 : memref<!tpu.dma_semaphore, #tpu.memory_space<semaphore_mem>>) src(%dma_wait3A_698 : memref<8x8x128xf32, #tpu.memory_space<vmem>>) dst(%dma_wait3A_693 : memref<8x8x128xf32, #tpu.memory_space<hbm>>)
      %get3A_699 = arith.index_cast %add3A_659 : i32 to index
      %get3A_700 = arith.constant 0 : index
      %get3A_701 = tpu.vector_load %arg7[%get3A_699, %get3A_700] {strides = array<i32>} : memref<200x64xf32, #tpu.memory_space<vmem>>, vector<16xf32>,
      %get3A_702 = arith.index_cast %add3A_659 : i32 to index
      %get3A_703 = arith.constant 16 : index
      %get3A_704 = tpu.vector_load %arg7[%get3A_702, %get3A_703] {strides = array<i32>} : memref<200x64xf32, #tpu.memory_space<vmem>>, vector<16xf32>,
      %get3A_705 = arith.index_cast %add3A_659 : i32 to index
      %get3A_706 = arith.constant 32 : index
      %get3A_707 = tpu.vector_load %arg7[%get3A_705, %get3A_706] {strides = array<i32>} : memref<200x64xf32, #tpu.memory_space<vmem>>, vector<16xf32>,
      %get3A_708 = arith.index_cast %add3A_659 : i32 to index
      %get3A_709 = arith.constant 48 : index
      %get3A_710 = tpu.vector_load %arg7[%get3A_708, %get3A_709] {strides = array<i32>} : memref<200x64xf32, #tpu.memory_space<vmem>>, vector<16xf32>,
      %parallel_loop3A_711 = arith.constant 0 : i32
      %parallel_loop3A_712 = arith.constant 128 : i32
      %parallel_loop3A_713 = arith.constant 1 : i32
      %parallel_loop3A_714 = arith.constant 5 : i32
      %parallel_loop3A_715 = arith.constant 1 : i32
      scf.for %parallel_loop3A_899 = %parallel_loop3A_711 to %parallel_loop3A_712 step %parallel_loop3A_713  : i32 {
        %parallel_loop3A_900 = vector.broadcast %parallel_loop3A_899 : i32 to vector<16xi32>
        %parallel_loop3A_901 = arith.constant 0 : i32
        %parallel_loop3A_902 = arith.constant 0 : i32
        %parallel_loop3A_903 = tpu.memref_slice %arg8[%parallel_loop3A_714, %parallel_loop3A_901, %parallel_loop3A_902] : memref<8x128x64xf32, #tpu.memory_space<vmem>> -> memref<1x128x64xf32, #tpu.memory_space<vmem>>
        %parallel_loop3A_904 = tpu.memref_squeeze %parallel_loop3A_903 : memref<1x128x64xf32, #tpu.memory_space<vmem>> -> memref<128x64xf32, #tpu.memory_space<vmem>>
        %parallel_loop3A_905 = arith.index_cast %parallel_loop3A_899 : i32 to index
        %parallel_loop3A_906 = arith.constant 0 : index
        %parallel_loop3A_907 = tpu.vector_load %parallel_loop3A_904[%parallel_loop3A_905, %parallel_loop3A_906] {strides = array<i32>} : memref<128x64xf32, #tpu.memory_space<vmem>>, vector<16xf32>,
        %parallel_loop3A_908 = arith.addf %parallel_loop3A_907, %get3A_701 : vector<16xf32>
        %parallel_loop3A_909 = arith.constant 0 : i32
        %parallel_loop3A_910 = arith.constant 0 : i32
        %parallel_loop3A_911 = arith.constant 0 : i32
        %parallel_loop3A_912 = tpu.memref_slice %arg9[%parallel_loop3A_715, %parallel_loop3A_909, %parallel_loop3A_910, %parallel_loop3A_911] : memref<2x8x8x129xf32, #tpu.memory_space<vmem>> -> memref<1x8x8x129xf32, #tpu.memory_space<vmem>>
        %parallel_loop3A_913 = tpu.memref_squeeze %parallel_loop3A_912 : memref<1x8x8x129xf32, #tpu.memory_space<vmem>> -> memref<8x8x129xf32, #tpu.memory_space<vmem>>
        tpu.vector_store_idx %parallel_loop3A_913[%select_n3A, %rem3A_136, %parallel_loop3A_900], %parallel_loop3A_908 : memref<8x8x129xf32, #tpu.memory_space<vmem>>[vector<16xi32>, vector<16xi32>, vector<16xi32>], vector<16xf32>,
        %parallel_loop3A_914 = arith.constant 0 : i32
        %parallel_loop3A_915 = arith.constant 0 : i32
        %parallel_loop3A_916 = tpu.memref_slice %arg8[%parallel_loop3A_714, %parallel_loop3A_914, %parallel_loop3A_915] : memref<8x128x64xf32, #tpu.memory_space<vmem>> -> memref<1x128x64xf32, #tpu.memory_space<vmem>>
        %parallel_loop3A_917 = tpu.memref_squeeze %parallel_loop3A_916 : memref<1x128x64xf32, #tpu.memory_space<vmem>> -> memref<128x64xf32, #tpu.memory_space<vmem>>
        %parallel_loop3A_918 = arith.index_cast %parallel_loop3A_899 : i32 to index
        %parallel_loop3A_919 = arith.constant 16 : index
        %parallel_loop3A_920 = tpu.vector_load %parallel_loop3A_917[%parallel_loop3A_918, %parallel_loop3A_919] {strides = array<i32>} : memref<128x64xf32, #tpu.memory_space<vmem>>, vector<16xf32>,
        %parallel_loop3A_921 = arith.addf %parallel_loop3A_920, %get3A_704 : vector<16xf32>
        %parallel_loop3A_922 = arith.constant 0 : i32
        %parallel_loop3A_923 = arith.constant 0 : i32
        %parallel_loop3A_924 = arith.constant 0 : i32
        %parallel_loop3A_925 = tpu.memref_slice %arg9[%parallel_loop3A_715, %parallel_loop3A_922, %parallel_loop3A_923, %parallel_loop3A_924] : memref<2x8x8x129xf32, #tpu.memory_space<vmem>> -> memref<1x8x8x129xf32, #tpu.memory_space<vmem>>
        %parallel_loop3A_926 = tpu.memref_squeeze %parallel_loop3A_925 : memref<1x8x8x129xf32, #tpu.memory_space<vmem>> -> memref<8x8x129xf32, #tpu.memory_space<vmem>>
        tpu.vector_store_idx %parallel_loop3A_926[%select_n3A_62, %rem3A_142, %parallel_loop3A_900], %parallel_loop3A_921 : memref<8x8x129xf32, #tpu.memory_space<vmem>>[vector<16xi32>, vector<16xi32>, vector<16xi32>], vector<16xf32>,
        %parallel_loop3A_927 = arith.constant 0 : i32
        %parallel_loop3A_928 = arith.constant 0 : i32
        %parallel_loop3A_929 = tpu.memref_slice %arg8[%parallel_loop3A_714, %parallel_loop3A_927, %parallel_loop3A_928] : memref<8x128x64xf32, #tpu.memory_space<vmem>> -> memref<1x128x64xf32, #tpu.memory_space<vmem>>
        %parallel_loop3A_930 = tpu.memref_squeeze %parallel_loop3A_929 : memref<1x128x64xf32, #tpu.memory_space<vmem>> -> memref<128x64xf32, #tpu.memory_space<vmem>>
        %parallel_loop3A_931 = arith.index_cast %parallel_loop3A_899 : i32 to index
        %parallel_loop3A_932 = arith.constant 32 : index
        %parallel_loop3A_933 = tpu.vector_load %parallel_loop3A_930[%parallel_loop3A_931, %parallel_loop3A_932] {strides = array<i32>} : memref<128x64xf32, #tpu.memory_space<vmem>>, vector<16xf32>,
        %parallel_loop3A_934 = arith.addf %parallel_loop3A_933, %get3A_707 : vector<16xf32>
        %parallel_loop3A_935 = arith.constant 0 : i32
        %parallel_loop3A_936 = arith.constant 0 : i32
        %parallel_loop3A_937 = arith.constant 0 : i32
        %parallel_loop3A_938 = tpu.memref_slice %arg9[%parallel_loop3A_715, %parallel_loop3A_935, %parallel_loop3A_936, %parallel_loop3A_937] : memref<2x8x8x129xf32, #tpu.memory_space<vmem>> -> memref<1x8x8x129xf32, #tpu.memory_space<vmem>>
        %parallel_loop3A_939 = tpu.memref_squeeze %parallel_loop3A_938 : memref<1x8x8x129xf32, #tpu.memory_space<vmem>> -> memref<8x8x129xf32, #tpu.memory_space<vmem>>
        tpu.vector_store_idx %parallel_loop3A_939[%select_n3A_96, %rem3A_148, %parallel_loop3A_900], %parallel_loop3A_934 : memref<8x8x129xf32, #tpu.memory_space<vmem>>[vector<16xi32>, vector<16xi32>, vector<16xi32>], vector<16xf32>,
        %parallel_loop3A_940 = arith.constant 0 : i32
        %parallel_loop3A_941 = arith.constant 0 : i32
        %parallel_loop3A_942 = tpu.memref_slice %arg8[%parallel_loop3A_714, %parallel_loop3A_940, %parallel_loop3A_941] : memref<8x128x64xf32, #tpu.memory_space<vmem>> -> memref<1x128x64xf32, #tpu.memory_space<vmem>>
        %parallel_loop3A_943 = tpu.memref_squeeze %parallel_loop3A_942 : memref<1x128x64xf32, #tpu.memory_space<vmem>> -> memref<128x64xf32, #tpu.memory_space<vmem>>
        %parallel_loop3A_944 = arith.index_cast %parallel_loop3A_899 : i32 to index
        %parallel_loop3A_945 = arith.constant 48 : index
        %parallel_loop3A_946 = tpu.vector_load %parallel_loop3A_943[%parallel_loop3A_944, %parallel_loop3A_945] {strides = array<i32>} : memref<128x64xf32, #tpu.memory_space<vmem>>, vector<16xf32>,
        %parallel_loop3A_947 = arith.addf %parallel_loop3A_946, %get3A_710 : vector<16xf32>
        %parallel_loop3A_948 = arith.constant 0 : i32
        %parallel_loop3A_949 = arith.constant 0 : i32
        %parallel_loop3A_950 = arith.constant 0 : i32
        %parallel_loop3A_951 = tpu.memref_slice %arg9[%parallel_loop3A_715, %parallel_loop3A_948, %parallel_loop3A_949, %parallel_loop3A_950] : memref<2x8x8x129xf32, #tpu.memory_space<vmem>> -> memref<1x8x8x129xf32, #tpu.memory_space<vmem>>
        %parallel_loop3A_952 = tpu.memref_squeeze %parallel_loop3A_951 : memref<1x8x8x129xf32, #tpu.memory_space<vmem>> -> memref<8x8x129xf32, #tpu.memory_space<vmem>>
        tpu.vector_store_idx %parallel_loop3A_952[%select_n3A_130, %rem3A_154, %parallel_loop3A_900], %parallel_loop3A_947 : memref<8x8x129xf32, #tpu.memory_space<vmem>>[vector<16xi32>, vector<16xi32>, vector<16xi32>], vector<16xf32>,
      } {sc.loop_unroll_factor = 4 : i64, sc.parallel_access}
      %dma_start3A_716 = arith.constant 1 : i32
      %dma_start3A_717 = arith.constant 0 : i32
      %dma_start3A_718 = arith.constant 0 : i32
      %dma_start3A_719 = arith.constant 0 : i32
      %dma_start3A_720 = tpu.memref_slice %arg9[%dma_start3A_716, %dma_start3A_717, %dma_start3A_718, %dma_start3A_719] : memref<2x8x8x129xf32, #tpu.memory_space<vmem>> -> memref<1x8x8x128xf32, #tpu.memory_space<vmem>>
      %dma_start3A_721 = tpu.memref_squeeze %dma_start3A_720 : memref<1x8x8x128xf32, #tpu.memory_space<vmem>> -> memref<8x8x128xf32, #tpu.memory_space<vmem>>
      %dma_start3A_722 = arith.constant 0 : i32
      %dma_start3A_723 = arith.constant 0 : i32
      %dma_start3A_724 = arith.constant 0 : i32
      %dma_start3A_725 = tpu.memref_slice %arg5[%add3A_659, %dma_start3A_722, %add3A, %dma_start3A_723, %dma_start3A_724] : memref<200x8x32x8x128xf32, #tpu.memory_space<hbm>> -> memref<1x8x1x8x128xf32, #tpu.memory_space<hbm>>
      %dma_start3A_726 = tpu.memref_squeeze %dma_start3A_725 : memref<1x8x1x8x128xf32, #tpu.memory_space<hbm>> -> memref<8x8x128xf32, #tpu.memory_space<hbm>>
      %dma_start3A_727 = arith.constant 0 : i32
      %dma_start3A_728 = arith.constant 0 : i32
      %dma_start3A_729 = arith.constant 0 : i32
      %dma_start3A_730 = tpu.memref_slice %arg5[%add3A_659, %dma_start3A_727, %add3A, %dma_start3A_728, %dma_start3A_729] : memref<200x8x32x8x128xf32, #tpu.memory_space<hbm>> -> memref<1x8x1x8x128xf32, #tpu.memory_space<hbm>>
      %dma_start3A_731 = tpu.memref_squeeze %dma_start3A_730 : memref<1x8x1x8x128xf32, #tpu.memory_space<hbm>> -> memref<8x8x128xf32, #tpu.memory_space<hbm>>
      %dma_start3A_732 = arith.constant 0 : i32
      %dma_start3A_733 = arith.constant 0 : i32
      %dma_start3A_734 = arith.constant 0 : i32
      %dma_start3A_735 = tpu.memref_slice %arg9[%dma_start3A_716, %dma_start3A_732, %dma_start3A_733, %dma_start3A_734] : memref<2x8x8x129xf32, #tpu.memory_space<vmem>> -> memref<1x8x8x128xf32, #tpu.memory_space<vmem>>
      %dma_start3A_736 = tpu.memref_squeeze %dma_start3A_735 : memref<1x8x8x128xf32, #tpu.memory_space<vmem>> -> memref<8x8x128xf32, #tpu.memory_space<vmem>>
      tpu.enqueue_dma source(%dma_start3A_736 : memref<8x8x128xf32, #tpu.memory_space<vmem>>) target(%dma_start3A_731 : memref<8x8x128xf32, #tpu.memory_space<hbm>>) target_semaphore(%arg19 : memref<!tpu.dma_semaphore, #tpu.memory_space<semaphore_mem>>)
      %mul3A_737 = arith.constant 8 : i32
      %mul3A_738 = arith.muli %scan3A_274, %mul3A_737 : i32
      %add3A_739 = arith.constant 6 : i32
      %add3A_740 = arith.addi %mul3A_738, %add3A_739 : i32
      %le3A_741 = arith.constant 23 : i32
      %le3A_742 = arith.cmpi sle, %scan3A_274, %le3A_741 : i32
      %convert_element_type3A_743 = arith.extui %le3A_742 : i1 to i32
      %cond3A_744 = arith.constant 0 : i32
      %cond3A_745 = arith.cmpi ne, %convert_element_type3A_743, %cond3A_744 : i32
      scf.if %cond3A_745 {
        %add3A_899 = arith.constant 6 : i32
        %add3A_900 = arith.addi %add3A_740, %add3A_899 : i32
        %dma_start3A_901 = arith.constant 4 : i32
        %dma_start3A_902 = arith.constant 0 : i32
        %dma_start3A_903 = arith.constant 0 : i32
        %dma_start3A_904 = tpu.memref_slice %arg8[%dma_start3A_901, %dma_start3A_902, %dma_start3A_903] : memref<8x128x64xf32, #tpu.memory_space<vmem>> -> memref<1x128x64xf32, #tpu.memory_space<vmem>>
        %dma_start3A_905 = tpu.memref_squeeze %dma_start3A_904 : memref<1x128x64xf32, #tpu.memory_space<vmem>> -> memref<128x64xf32, #tpu.memory_space<vmem>>
        %dma_start3A_906 = arith.constant 0 : i32
        %dma_start3A_907 = tpu.memref_slice %arg6[%add3A_900, %dma_start3A_906] : memref<200x128xi32, #tpu.memory_space<vmem>> -> memref<1x128xi32, #tpu.memory_space<vmem>>
        %dma_start3A_908 = tpu.memref_squeeze %dma_start3A_907 : memref<1x128xi32, #tpu.memory_space<vmem>> -> memref<128xi32, #tpu.memory_space<vmem>>
        %dma_start3A_909 = arith.constant 0 : i32
        %dma_start3A_910 = arith.constant 0 : i32
        %dma_start3A_911 = tpu.memref_slice %arg3[%dma_start3A_909, %dma_start3A_910] : memref<1000000x64xf32, #tpu.memory_space<hbm>> -> memref<1000000x64xf32, #tpu.memory_space<hbm>>
        tpu.enqueue_indirect_dma source(%dma_start3A_911 : memref<1000000x64xf32, #tpu.memory_space<hbm>>) target(%dma_start3A_905 : memref<128x64xf32, #tpu.memory_space<vmem>>) offsets(%dma_start3A_908 : memref<128xi32, #tpu.memory_space<vmem>>) semaphore(%arg14 : memref<!tpu.dma_semaphore, #tpu.memory_space<semaphore_mem>>)
      } else {
      }
      %dma_wait3A_746 = arith.constant 0 : i32
      %dma_wait3A_747 = arith.constant 6 : i32
      %dma_wait3A_748 = arith.constant 0 : i32
      %dma_wait3A_749 = arith.constant 0 : i32
      %dma_wait3A_750 = tpu.memref_slice %arg8[%dma_wait3A_747, %dma_wait3A_748, %dma_wait3A_749] : memref<8x128x64xf32, #tpu.memory_space<vmem>> -> memref<1x128x64xf32, #tpu.memory_space<vmem>>
      %dma_wait3A_751 = tpu.memref_squeeze %dma_wait3A_750 : memref<1x128x64xf32, #tpu.memory_space<vmem>> -> memref<128x64xf32, #tpu.memory_space<vmem>>
      %dma_wait3A_752 = arith.constant 0 : i32
      %dma_wait3A_753 = tpu.memref_slice %arg6[%dma_wait3A_746, %dma_wait3A_752] : memref<200x128xi32, #tpu.memory_space<vmem>> -> memref<1x128xi32, #tpu.memory_space<vmem>>
      %dma_wait3A_754 = tpu.memref_squeeze %dma_wait3A_753 : memref<1x128xi32, #tpu.memory_space<vmem>> -> memref<128xi32, #tpu.memory_space<vmem>>
      %dma_wait3A_755 = arith.constant 0 : i32
      %dma_wait3A_756 = arith.constant 0 : i32
      %dma_wait3A_757 = tpu.memref_slice %arg3[%dma_wait3A_755, %dma_wait3A_756] : memref<1000000x64xf32, #tpu.memory_space<hbm>> -> memref<1000000x64xf32, #tpu.memory_space<hbm>>
      tpu.wait_indirect_dma semaphore(%arg16 : memref<!tpu.dma_semaphore, #tpu.memory_space<semaphore_mem>>) src(%dma_wait3A_757 : memref<1000000x64xf32, #tpu.memory_space<hbm>>) dst(%dma_wait3A_751 : memref<128x64xf32, #tpu.memory_space<vmem>>)
      %dma_wait3A_758 = arith.constant 0 : i32
      %dma_wait3A_759 = arith.constant 0 : i32
      %dma_wait3A_760 = arith.constant 0 : i32
      %dma_wait3A_761 = arith.constant 0 : i32
      %dma_wait3A_762 = arith.constant 0 : i32
      %dma_wait3A_763 = tpu.memref_slice %arg9[%dma_wait3A_758, %dma_wait3A_760, %dma_wait3A_761, %dma_wait3A_762] : memref<2x8x8x129xf32, #tpu.memory_space<vmem>> -> memref<1x8x8x128xf32, #tpu.memory_space<vmem>>
      %dma_wait3A_764 = tpu.memref_squeeze %dma_wait3A_763 : memref<1x8x8x128xf32, #tpu.memory_space<vmem>> -> memref<8x8x128xf32, #tpu.memory_space<vmem>>
      %dma_wait3A_765 = arith.constant 0 : i32
      %dma_wait3A_766 = arith.constant 0 : i32
      %dma_wait3A_767 = arith.constant 0 : i32
      %dma_wait3A_768 = tpu.memref_slice %arg5[%dma_wait3A_759, %dma_wait3A_765, %add3A, %dma_wait3A_766, %dma_wait3A_767] : memref<200x8x32x8x128xf32, #tpu.memory_space<hbm>> -> memref<1x8x1x8x128xf32, #tpu.memory_space<hbm>>
      %dma_wait3A_769 = tpu.memref_squeeze %dma_wait3A_768 : memref<1x8x1x8x128xf32, #tpu.memory_space<hbm>> -> memref<8x8x128xf32, #tpu.memory_space<hbm>>
      %dma_wait3A_770 = arith.constant 0 : i32
      %dma_wait3A_771 = arith.constant 0 : i32
      %dma_wait3A_772 = arith.constant 0 : i32
      %dma_wait3A_773 = tpu.memref_slice %arg5[%dma_wait3A_759, %dma_wait3A_770, %add3A, %dma_wait3A_771, %dma_wait3A_772] : memref<200x8x32x8x128xf32, #tpu.memory_space<hbm>> -> memref<1x8x1x8x128xf32, #tpu.memory_space<hbm>>
      %dma_wait3A_774 = tpu.memref_squeeze %dma_wait3A_773 : memref<1x8x1x8x128xf32, #tpu.memory_space<hbm>> -> memref<8x8x128xf32, #tpu.memory_space<hbm>>
      %dma_wait3A_775 = arith.constant 0 : i32
      %dma_wait3A_776 = arith.constant 0 : i32
      %dma_wait3A_777 = arith.constant 0 : i32
      %dma_wait3A_778 = tpu.memref_slice %arg9[%dma_wait3A_758, %dma_wait3A_775, %dma_wait3A_776, %dma_wait3A_777] : memref<2x8x8x129xf32, #tpu.memory_space<vmem>> -> memref<1x8x8x128xf32, #tpu.memory_space<vmem>>
      %dma_wait3A_779 = tpu.memref_squeeze %dma_wait3A_778 : memref<1x8x8x128xf32, #tpu.memory_space<vmem>> -> memref<8x8x128xf32, #tpu.memory_space<vmem>>
      tpu.wait_dma2 semaphore(%arg18 : memref<!tpu.dma_semaphore, #tpu.memory_space<semaphore_mem>>) src(%dma_wait3A_779 : memref<8x8x128xf32, #tpu.memory_space<vmem>>) dst(%dma_wait3A_774 : memref<8x8x128xf32, #tpu.memory_space<hbm>>)
      %get3A_780 = arith.index_cast %add3A_740 : i32 to index
      %get3A_781 = arith.constant 0 : index
      %get3A_782 = tpu.vector_load %arg7[%get3A_780, %get3A_781] {strides = array<i32>} : memref<200x64xf32, #tpu.memory_space<vmem>>, vector<16xf32>,
      %get3A_783 = arith.index_cast %add3A_740 : i32 to index
      %get3A_784 = arith.constant 16 : index
      %get3A_785 = tpu.vector_load %arg7[%get3A_783, %get3A_784] {strides = array<i32>} : memref<200x64xf32, #tpu.memory_space<vmem>>, vector<16xf32>,
      %get3A_786 = arith.index_cast %add3A_740 : i32 to index
      %get3A_787 = arith.constant 32 : index
      %get3A_788 = tpu.vector_load %arg7[%get3A_786, %get3A_787] {strides = array<i32>} : memref<200x64xf32, #tpu.memory_space<vmem>>, vector<16xf32>,
      %get3A_789 = arith.index_cast %add3A_740 : i32 to index
      %get3A_790 = arith.constant 48 : index
      %get3A_791 = tpu.vector_load %arg7[%get3A_789, %get3A_790] {strides = array<i32>} : memref<200x64xf32, #tpu.memory_space<vmem>>, vector<16xf32>,
      %parallel_loop3A_792 = arith.constant 0 : i32
      %parallel_loop3A_793 = arith.constant 128 : i32
      %parallel_loop3A_794 = arith.constant 1 : i32
      %parallel_loop3A_795 = arith.constant 6 : i32
      %parallel_loop3A_796 = arith.constant 0 : i32
      scf.for %parallel_loop3A_899 = %parallel_loop3A_792 to %parallel_loop3A_793 step %parallel_loop3A_794  : i32 {
        %parallel_loop3A_900 = vector.broadcast %parallel_loop3A_899 : i32 to vector<16xi32>
        %parallel_loop3A_901 = arith.constant 0 : i32
        %parallel_loop3A_902 = arith.constant 0 : i32
        %parallel_loop3A_903 = tpu.memref_slice %arg8[%parallel_loop3A_795, %parallel_loop3A_901, %parallel_loop3A_902] : memref<8x128x64xf32, #tpu.memory_space<vmem>> -> memref<1x128x64xf32, #tpu.memory_space<vmem>>
        %parallel_loop3A_904 = tpu.memref_squeeze %parallel_loop3A_903 : memref<1x128x64xf32, #tpu.memory_space<vmem>> -> memref<128x64xf32, #tpu.memory_space<vmem>>
        %parallel_loop3A_905 = arith.index_cast %parallel_loop3A_899 : i32 to index
        %parallel_loop3A_906 = arith.constant 0 : index
        %parallel_loop3A_907 = tpu.vector_load %parallel_loop3A_904[%parallel_loop3A_905, %parallel_loop3A_906] {strides = array<i32>} : memref<128x64xf32, #tpu.memory_space<vmem>>, vector<16xf32>,
        %parallel_loop3A_908 = arith.addf %parallel_loop3A_907, %get3A_782 : vector<16xf32>
        %parallel_loop3A_909 = arith.constant 0 : i32
        %parallel_loop3A_910 = arith.constant 0 : i32
        %parallel_loop3A_911 = arith.constant 0 : i32
        %parallel_loop3A_912 = tpu.memref_slice %arg9[%parallel_loop3A_796, %parallel_loop3A_909, %parallel_loop3A_910, %parallel_loop3A_911] : memref<2x8x8x129xf32, #tpu.memory_space<vmem>> -> memref<1x8x8x129xf32, #tpu.memory_space<vmem>>
        %parallel_loop3A_913 = tpu.memref_squeeze %parallel_loop3A_912 : memref<1x8x8x129xf32, #tpu.memory_space<vmem>> -> memref<8x8x129xf32, #tpu.memory_space<vmem>>
        tpu.vector_store_idx %parallel_loop3A_913[%select_n3A, %rem3A_136, %parallel_loop3A_900], %parallel_loop3A_908 : memref<8x8x129xf32, #tpu.memory_space<vmem>>[vector<16xi32>, vector<16xi32>, vector<16xi32>], vector<16xf32>,
        %parallel_loop3A_914 = arith.constant 0 : i32
        %parallel_loop3A_915 = arith.constant 0 : i32
        %parallel_loop3A_916 = tpu.memref_slice %arg8[%parallel_loop3A_795, %parallel_loop3A_914, %parallel_loop3A_915] : memref<8x128x64xf32, #tpu.memory_space<vmem>> -> memref<1x128x64xf32, #tpu.memory_space<vmem>>
        %parallel_loop3A_917 = tpu.memref_squeeze %parallel_loop3A_916 : memref<1x128x64xf32, #tpu.memory_space<vmem>> -> memref<128x64xf32, #tpu.memory_space<vmem>>
        %parallel_loop3A_918 = arith.index_cast %parallel_loop3A_899 : i32 to index
        %parallel_loop3A_919 = arith.constant 16 : index
        %parallel_loop3A_920 = tpu.vector_load %parallel_loop3A_917[%parallel_loop3A_918, %parallel_loop3A_919] {strides = array<i32>} : memref<128x64xf32, #tpu.memory_space<vmem>>, vector<16xf32>,
        %parallel_loop3A_921 = arith.addf %parallel_loop3A_920, %get3A_785 : vector<16xf32>
        %parallel_loop3A_922 = arith.constant 0 : i32
        %parallel_loop3A_923 = arith.constant 0 : i32
        %parallel_loop3A_924 = arith.constant 0 : i32
        %parallel_loop3A_925 = tpu.memref_slice %arg9[%parallel_loop3A_796, %parallel_loop3A_922, %parallel_loop3A_923, %parallel_loop3A_924] : memref<2x8x8x129xf32, #tpu.memory_space<vmem>> -> memref<1x8x8x129xf32, #tpu.memory_space<vmem>>
        %parallel_loop3A_926 = tpu.memref_squeeze %parallel_loop3A_925 : memref<1x8x8x129xf32, #tpu.memory_space<vmem>> -> memref<8x8x129xf32, #tpu.memory_space<vmem>>
        tpu.vector_store_idx %parallel_loop3A_926[%select_n3A_62, %rem3A_142, %parallel_loop3A_900], %parallel_loop3A_921 : memref<8x8x129xf32, #tpu.memory_space<vmem>>[vector<16xi32>, vector<16xi32>, vector<16xi32>], vector<16xf32>,
        %parallel_loop3A_927 = arith.constant 0 : i32
        %parallel_loop3A_928 = arith.constant 0 : i32
        %parallel_loop3A_929 = tpu.memref_slice %arg8[%parallel_loop3A_795, %parallel_loop3A_927, %parallel_loop3A_928] : memref<8x128x64xf32, #tpu.memory_space<vmem>> -> memref<1x128x64xf32, #tpu.memory_space<vmem>>
        %parallel_loop3A_930 = tpu.memref_squeeze %parallel_loop3A_929 : memref<1x128x64xf32, #tpu.memory_space<vmem>> -> memref<128x64xf32, #tpu.memory_space<vmem>>
        %parallel_loop3A_931 = arith.index_cast %parallel_loop3A_899 : i32 to index
        %parallel_loop3A_932 = arith.constant 32 : index
        %parallel_loop3A_933 = tpu.vector_load %parallel_loop3A_930[%parallel_loop3A_931, %parallel_loop3A_932] {strides = array<i32>} : memref<128x64xf32, #tpu.memory_space<vmem>>, vector<16xf32>,
        %parallel_loop3A_934 = arith.addf %parallel_loop3A_933, %get3A_788 : vector<16xf32>
        %parallel_loop3A_935 = arith.constant 0 : i32
        %parallel_loop3A_936 = arith.constant 0 : i32
        %parallel_loop3A_937 = arith.constant 0 : i32
        %parallel_loop3A_938 = tpu.memref_slice %arg9[%parallel_loop3A_796, %parallel_loop3A_935, %parallel_loop3A_936, %parallel_loop3A_937] : memref<2x8x8x129xf32, #tpu.memory_space<vmem>> -> memref<1x8x8x129xf32, #tpu.memory_space<vmem>>
        %parallel_loop3A_939 = tpu.memref_squeeze %parallel_loop3A_938 : memref<1x8x8x129xf32, #tpu.memory_space<vmem>> -> memref<8x8x129xf32, #tpu.memory_space<vmem>>
        tpu.vector_store_idx %parallel_loop3A_939[%select_n3A_96, %rem3A_148, %parallel_loop3A_900], %parallel_loop3A_934 : memref<8x8x129xf32, #tpu.memory_space<vmem>>[vector<16xi32>, vector<16xi32>, vector<16xi32>], vector<16xf32>,
        %parallel_loop3A_940 = arith.constant 0 : i32
        %parallel_loop3A_941 = arith.constant 0 : i32
        %parallel_loop3A_942 = tpu.memref_slice %arg8[%parallel_loop3A_795, %parallel_loop3A_940, %parallel_loop3A_941] : memref<8x128x64xf32, #tpu.memory_space<vmem>> -> memref<1x128x64xf32, #tpu.memory_space<vmem>>
        %parallel_loop3A_943 = tpu.memref_squeeze %parallel_loop3A_942 : memref<1x128x64xf32, #tpu.memory_space<vmem>> -> memref<128x64xf32, #tpu.memory_space<vmem>>
        %parallel_loop3A_944 = arith.index_cast %parallel_loop3A_899 : i32 to index
        %parallel_loop3A_945 = arith.constant 48 : index
        %parallel_loop3A_946 = tpu.vector_load %parallel_loop3A_943[%parallel_loop3A_944, %parallel_loop3A_945] {strides = array<i32>} : memref<128x64xf32, #tpu.memory_space<vmem>>, vector<16xf32>,
        %parallel_loop3A_947 = arith.addf %parallel_loop3A_946, %get3A_791 : vector<16xf32>
        %parallel_loop3A_948 = arith.constant 0 : i32
        %parallel_loop3A_949 = arith.constant 0 : i32
        %parallel_loop3A_950 = arith.constant 0 : i32
        %parallel_loop3A_951 = tpu.memref_slice %arg9[%parallel_loop3A_796, %parallel_loop3A_948, %parallel_loop3A_949, %parallel_loop3A_950] : memref<2x8x8x129xf32, #tpu.memory_space<vmem>> -> memref<1x8x8x129xf32, #tpu.memory_space<vmem>>
        %parallel_loop3A_952 = tpu.memref_squeeze %parallel_loop3A_951 : memref<1x8x8x129xf32, #tpu.memory_space<vmem>> -> memref<8x8x129xf32, #tpu.memory_space<vmem>>
        tpu.vector_store_idx %parallel_loop3A_952[%select_n3A_130, %rem3A_154, %parallel_loop3A_900], %parallel_loop3A_947 : memref<8x8x129xf32, #tpu.memory_space<vmem>>[vector<16xi32>, vector<16xi32>, vector<16xi32>], vector<16xf32>,
      } {sc.loop_unroll_factor = 4 : i64, sc.parallel_access}
      %dma_start3A_797 = arith.constant 0 : i32
      %dma_start3A_798 = arith.constant 0 : i32
      %dma_start3A_799 = arith.constant 0 : i32
      %dma_start3A_800 = arith.constant 0 : i32
      %dma_start3A_801 = tpu.memref_slice %arg9[%dma_start3A_797, %dma_start3A_798, %dma_start3A_799, %dma_start3A_800] : memref<2x8x8x129xf32, #tpu.memory_space<vmem>> -> memref<1x8x8x128xf32, #tpu.memory_space<vmem>>
      %dma_start3A_802 = tpu.memref_squeeze %dma_start3A_801 : memref<1x8x8x128xf32, #tpu.memory_space<vmem>> -> memref<8x8x128xf32, #tpu.memory_space<vmem>>
      %dma_start3A_803 = arith.constant 0 : i32
      %dma_start3A_804 = arith.constant 0 : i32
      %dma_start3A_805 = arith.constant 0 : i32
      %dma_start3A_806 = tpu.memref_slice %arg5[%add3A_740, %dma_start3A_803, %add3A, %dma_start3A_804, %dma_start3A_805] : memref<200x8x32x8x128xf32, #tpu.memory_space<hbm>> -> memref<1x8x1x8x128xf32, #tpu.memory_space<hbm>>
      %dma_start3A_807 = tpu.memref_squeeze %dma_start3A_806 : memref<1x8x1x8x128xf32, #tpu.memory_space<hbm>> -> memref<8x8x128xf32, #tpu.memory_space<hbm>>
      %dma_start3A_808 = arith.constant 0 : i32
      %dma_start3A_809 = arith.constant 0 : i32
      %dma_start3A_810 = arith.constant 0 : i32
      %dma_start3A_811 = tpu.memref_slice %arg5[%add3A_740, %dma_start3A_808, %add3A, %dma_start3A_809, %dma_start3A_810] : memref<200x8x32x8x128xf32, #tpu.memory_space<hbm>> -> memref<1x8x1x8x128xf32, #tpu.memory_space<hbm>>
      %dma_start3A_812 = tpu.memref_squeeze %dma_start3A_811 : memref<1x8x1x8x128xf32, #tpu.memory_space<hbm>> -> memref<8x8x128xf32, #tpu.memory_space<hbm>>
      %dma_start3A_813 = arith.constant 0 : i32
      %dma_start3A_814 = arith.constant 0 : i32
      %dma_start3A_815 = arith.constant 0 : i32
      %dma_start3A_816 = tpu.memref_slice %arg9[%dma_start3A_797, %dma_start3A_813, %dma_start3A_814, %dma_start3A_815] : memref<2x8x8x129xf32, #tpu.memory_space<vmem>> -> memref<1x8x8x128xf32, #tpu.memory_space<vmem>>
      %dma_start3A_817 = tpu.memref_squeeze %dma_start3A_816 : memref<1x8x8x128xf32, #tpu.memory_space<vmem>> -> memref<8x8x128xf32, #tpu.memory_space<vmem>>
      tpu.enqueue_dma source(%dma_start3A_817 : memref<8x8x128xf32, #tpu.memory_space<vmem>>) target(%dma_start3A_812 : memref<8x8x128xf32, #tpu.memory_space<hbm>>) target_semaphore(%arg18 : memref<!tpu.dma_semaphore, #tpu.memory_space<semaphore_mem>>)
      %mul3A_818 = arith.constant 8 : i32
      %mul3A_819 = arith.muli %scan3A_274, %mul3A_818 : i32
      %add3A_820 = arith.constant 7 : i32
      %add3A_821 = arith.addi %mul3A_819, %add3A_820 : i32
      %le3A_822 = arith.constant 23 : i32
      %le3A_823 = arith.cmpi sle, %scan3A_274, %le3A_822 : i32
      %convert_element_type3A_824 = arith.extui %le3A_823 : i1 to i32
      %cond3A_825 = arith.constant 0 : i32
      %cond3A_826 = arith.cmpi ne, %convert_element_type3A_824, %cond3A_825 : i32
      scf.if %cond3A_826 {
        %add3A_899 = arith.constant 6 : i32
        %add3A_900 = arith.addi %add3A_821, %add3A_899 : i32
        %dma_start3A_901 = arith.constant 5 : i32
        %dma_start3A_902 = arith.constant 0 : i32
        %dma_start3A_903 = arith.constant 0 : i32
        %dma_start3A_904 = tpu.memref_slice %arg8[%dma_start3A_901, %dma_start3A_902, %dma_start3A_903] : memref<8x128x64xf32, #tpu.memory_space<vmem>> -> memref<1x128x64xf32, #tpu.memory_space<vmem>>
        %dma_start3A_905 = tpu.memref_squeeze %dma_start3A_904 : memref<1x128x64xf32, #tpu.memory_space<vmem>> -> memref<128x64xf32, #tpu.memory_space<vmem>>
        %dma_start3A_906 = arith.constant 0 : i32
        %dma_start3A_907 = tpu.memref_slice %arg6[%add3A_900, %dma_start3A_906] : memref<200x128xi32, #tpu.memory_space<vmem>> -> memref<1x128xi32, #tpu.memory_space<vmem>>
        %dma_start3A_908 = tpu.memref_squeeze %dma_start3A_907 : memref<1x128xi32, #tpu.memory_space<vmem>> -> memref<128xi32, #tpu.memory_space<vmem>>
        %dma_start3A_909 = arith.constant 0 : i32
        %dma_start3A_910 = arith.constant 0 : i32
        %dma_start3A_911 = tpu.memref_slice %arg3[%dma_start3A_909, %dma_start3A_910] : memref<1000000x64xf32, #tpu.memory_space<hbm>> -> memref<1000000x64xf32, #tpu.memory_space<hbm>>
        tpu.enqueue_indirect_dma source(%dma_start3A_911 : memref<1000000x64xf32, #tpu.memory_space<hbm>>) target(%dma_start3A_905 : memref<128x64xf32, #tpu.memory_space<vmem>>) offsets(%dma_start3A_908 : memref<128xi32, #tpu.memory_space<vmem>>) semaphore(%arg15 : memref<!tpu.dma_semaphore, #tpu.memory_space<semaphore_mem>>)
      } else {
      }
      %dma_wait3A_827 = arith.constant 0 : i32
      %dma_wait3A_828 = arith.constant 7 : i32
      %dma_wait3A_829 = arith.constant 0 : i32
      %dma_wait3A_830 = arith.constant 0 : i32
      %dma_wait3A_831 = tpu.memref_slice %arg8[%dma_wait3A_828, %dma_wait3A_829, %dma_wait3A_830] : memref<8x128x64xf32, #tpu.memory_space<vmem>> -> memref<1x128x64xf32, #tpu.memory_space<vmem>>
      %dma_wait3A_832 = tpu.memref_squeeze %dma_wait3A_831 : memref<1x128x64xf32, #tpu.memory_space<vmem>> -> memref<128x64xf32, #tpu.memory_space<vmem>>
      %dma_wait3A_833 = arith.constant 0 : i32
      %dma_wait3A_834 = tpu.memref_slice %arg6[%dma_wait3A_827, %dma_wait3A_833] : memref<200x128xi32, #tpu.memory_space<vmem>> -> memref<1x128xi32, #tpu.memory_space<vmem>>
      %dma_wait3A_835 = tpu.memref_squeeze %dma_wait3A_834 : memref<1x128xi32, #tpu.memory_space<vmem>> -> memref<128xi32, #tpu.memory_space<vmem>>
      %dma_wait3A_836 = arith.constant 0 : i32
      %dma_wait3A_837 = arith.constant 0 : i32
      %dma_wait3A_838 = tpu.memref_slice %arg3[%dma_wait3A_836, %dma_wait3A_837] : memref<1000000x64xf32, #tpu.memory_space<hbm>> -> memref<1000000x64xf32, #tpu.memory_space<hbm>>
      tpu.wait_indirect_dma semaphore(%arg17 : memref<!tpu.dma_semaphore, #tpu.memory_space<semaphore_mem>>) src(%dma_wait3A_838 : memref<1000000x64xf32, #tpu.memory_space<hbm>>) dst(%dma_wait3A_832 : memref<128x64xf32, #tpu.memory_space<vmem>>)
      %dma_wait3A_839 = arith.constant 1 : i32
      %dma_wait3A_840 = arith.constant 0 : i32
      %dma_wait3A_841 = arith.constant 0 : i32
      %dma_wait3A_842 = arith.constant 0 : i32
      %dma_wait3A_843 = arith.constant 0 : i32
      %dma_wait3A_844 = tpu.memref_slice %arg9[%dma_wait3A_839, %dma_wait3A_841, %dma_wait3A_842, %dma_wait3A_843] : memref<2x8x8x129xf32, #tpu.memory_space<vmem>> -> memref<1x8x8x128xf32, #tpu.memory_space<vmem>>
      %dma_wait3A_845 = tpu.memref_squeeze %dma_wait3A_844 : memref<1x8x8x128xf32, #tpu.memory_space<vmem>> -> memref<8x8x128xf32, #tpu.memory_space<vmem>>
      %dma_wait3A_846 = arith.constant 0 : i32
      %dma_wait3A_847 = arith.constant 0 : i32
      %dma_wait3A_848 = arith.constant 0 : i32
      %dma_wait3A_849 = tpu.memref_slice %arg5[%dma_wait3A_840, %dma_wait3A_846, %add3A, %dma_wait3A_847, %dma_wait3A_848] : memref<200x8x32x8x128xf32, #tpu.memory_space<hbm>> -> memref<1x8x1x8x128xf32, #tpu.memory_space<hbm>>
      %dma_wait3A_850 = tpu.memref_squeeze %dma_wait3A_849 : memref<1x8x1x8x128xf32, #tpu.memory_space<hbm>> -> memref<8x8x128xf32, #tpu.memory_space<hbm>>
      %dma_wait3A_851 = arith.constant 0 : i32
      %dma_wait3A_852 = arith.constant 0 : i32
      %dma_wait3A_853 = arith.constant 0 : i32
      %dma_wait3A_854 = tpu.memref_slice %arg5[%dma_wait3A_840, %dma_wait3A_851, %add3A, %dma_wait3A_852, %dma_wait3A_853] : memref<200x8x32x8x128xf32, #tpu.memory_space<hbm>> -> memref<1x8x1x8x128xf32, #tpu.memory_space<hbm>>
      %dma_wait3A_855 = tpu.memref_squeeze %dma_wait3A_854 : memref<1x8x1x8x128xf32, #tpu.memory_space<hbm>> -> memref<8x8x128xf32, #tpu.memory_space<hbm>>
      %dma_wait3A_856 = arith.constant 0 : i32
      %dma_wait3A_857 = arith.constant 0 : i32
      %dma_wait3A_858 = arith.constant 0 : i32
      %dma_wait3A_859 = tpu.memref_slice %arg9[%dma_wait3A_839, %dma_wait3A_856, %dma_wait3A_857, %dma_wait3A_858] : memref<2x8x8x129xf32, #tpu.memory_space<vmem>> -> memref<1x8x8x128xf32, #tpu.memory_space<vmem>>
      %dma_wait3A_860 = tpu.memref_squeeze %dma_wait3A_859 : memref<1x8x8x128xf32, #tpu.memory_space<vmem>> -> memref<8x8x128xf32, #tpu.memory_space<vmem>>
      tpu.wait_dma2 semaphore(%arg19 : memref<!tpu.dma_semaphore, #tpu.memory_space<semaphore_mem>>) src(%dma_wait3A_860 : memref<8x8x128xf32, #tpu.memory_space<vmem>>) dst(%dma_wait3A_855 : memref<8x8x128xf32, #tpu.memory_space<hbm>>)
      %get3A_861 = arith.index_cast %add3A_821 : i32 to index
      %get3A_862 = arith.constant 0 : index
      %get3A_863 = tpu.vector_load %arg7[%get3A_861, %get3A_862] {strides = array<i32>} : memref<200x64xf32, #tpu.memory_space<vmem>>, vector<16xf32>,
      %get3A_864 = arith.index_cast %add3A_821 : i32 to index
      %get3A_865 = arith.constant 16 : index
      %get3A_866 = tpu.vector_load %arg7[%get3A_864, %get3A_865] {strides = array<i32>} : memref<200x64xf32, #tpu.memory_space<vmem>>, vector<16xf32>,
      %get3A_867 = arith.index_cast %add3A_821 : i32 to index
      %get3A_868 = arith.constant 32 : index
      %get3A_869 = tpu.vector_load %arg7[%get3A_867, %get3A_868] {strides = array<i32>} : memref<200x64xf32, #tpu.memory_space<vmem>>, vector<16xf32>,
      %get3A_870 = arith.index_cast %add3A_821 : i32 to index
      %get3A_871 = arith.constant 48 : index
      %get3A_872 = tpu.vector_load %arg7[%get3A_870, %get3A_871] {strides = array<i32>} : memref<200x64xf32, #tpu.memory_space<vmem>>, vector<16xf32>,
      %parallel_loop3A_873 = arith.constant 0 : i32
      %parallel_loop3A_874 = arith.constant 128 : i32
      %parallel_loop3A_875 = arith.constant 1 : i32
      %parallel_loop3A_876 = arith.constant 7 : i32
      %parallel_loop3A_877 = arith.constant 1 : i32
      scf.for %parallel_loop3A_899 = %parallel_loop3A_873 to %parallel_loop3A_874 step %parallel_loop3A_875  : i32 {
        %parallel_loop3A_900 = vector.broadcast %parallel_loop3A_899 : i32 to vector<16xi32>
        %parallel_loop3A_901 = arith.constant 0 : i32
        %parallel_loop3A_902 = arith.constant 0 : i32
        %parallel_loop3A_903 = tpu.memref_slice %arg8[%parallel_loop3A_876, %parallel_loop3A_901, %parallel_loop3A_902] : memref<8x128x64xf32, #tpu.memory_space<vmem>> -> memref<1x128x64xf32, #tpu.memory_space<vmem>>
        %parallel_loop3A_904 = tpu.memref_squeeze %parallel_loop3A_903 : memref<1x128x64xf32, #tpu.memory_space<vmem>> -> memref<128x64xf32, #tpu.memory_space<vmem>>
        %parallel_loop3A_905 = arith.index_cast %parallel_loop3A_899 : i32 to index
        %parallel_loop3A_906 = arith.constant 0 : index
        %parallel_loop3A_907 = tpu.vector_load %parallel_loop3A_904[%parallel_loop3A_905, %parallel_loop3A_906] {strides = array<i32>} : memref<128x64xf32, #tpu.memory_space<vmem>>, vector<16xf32>,
        %parallel_loop3A_908 = arith.addf %parallel_loop3A_907, %get3A_863 : vector<16xf32>
        %parallel_loop3A_909 = arith.constant 0 : i32
        %parallel_loop3A_910 = arith.constant 0 : i32
        %parallel_loop3A_911 = arith.constant 0 : i32
        %parallel_loop3A_912 = tpu.memref_slice %arg9[%parallel_loop3A_877, %parallel_loop3A_909, %parallel_loop3A_910, %parallel_loop3A_911] : memref<2x8x8x129xf32, #tpu.memory_space<vmem>> -> memref<1x8x8x129xf32, #tpu.memory_space<vmem>>
        %parallel_loop3A_913 = tpu.memref_squeeze %parallel_loop3A_912 : memref<1x8x8x129xf32, #tpu.memory_space<vmem>> -> memref<8x8x129xf32, #tpu.memory_space<vmem>>
        tpu.vector_store_idx %parallel_loop3A_913[%select_n3A, %rem3A_136, %parallel_loop3A_900], %parallel_loop3A_908 : memref<8x8x129xf32, #tpu.memory_space<vmem>>[vector<16xi32>, vector<16xi32>, vector<16xi32>], vector<16xf32>,
        %parallel_loop3A_914 = arith.constant 0 : i32
        %parallel_loop3A_915 = arith.constant 0 : i32
        %parallel_loop3A_916 = tpu.memref_slice %arg8[%parallel_loop3A_876, %parallel_loop3A_914, %parallel_loop3A_915] : memref<8x128x64xf32, #tpu.memory_space<vmem>> -> memref<1x128x64xf32, #tpu.memory_space<vmem>>
        %parallel_loop3A_917 = tpu.memref_squeeze %parallel_loop3A_916 : memref<1x128x64xf32, #tpu.memory_space<vmem>> -> memref<128x64xf32, #tpu.memory_space<vmem>>
        %parallel_loop3A_918 = arith.index_cast %parallel_loop3A_899 : i32 to index
        %parallel_loop3A_919 = arith.constant 16 : index
        %parallel_loop3A_920 = tpu.vector_load %parallel_loop3A_917[%parallel_loop3A_918, %parallel_loop3A_919] {strides = array<i32>} : memref<128x64xf32, #tpu.memory_space<vmem>>, vector<16xf32>,
        %parallel_loop3A_921 = arith.addf %parallel_loop3A_920, %get3A_866 : vector<16xf32>
        %parallel_loop3A_922 = arith.constant 0 : i32
        %parallel_loop3A_923 = arith.constant 0 : i32
        %parallel_loop3A_924 = arith.constant 0 : i32
        %parallel_loop3A_925 = tpu.memref_slice %arg9[%parallel_loop3A_877, %parallel_loop3A_922, %parallel_loop3A_923, %parallel_loop3A_924] : memref<2x8x8x129xf32, #tpu.memory_space<vmem>> -> memref<1x8x8x129xf32, #tpu.memory_space<vmem>>
        %parallel_loop3A_926 = tpu.memref_squeeze %parallel_loop3A_925 : memref<1x8x8x129xf32, #tpu.memory_space<vmem>> -> memref<8x8x129xf32, #tpu.memory_space<vmem>>
        tpu.vector_store_idx %parallel_loop3A_926[%select_n3A_62, %rem3A_142, %parallel_loop3A_900], %parallel_loop3A_921 : memref<8x8x129xf32, #tpu.memory_space<vmem>>[vector<16xi32>, vector<16xi32>, vector<16xi32>], vector<16xf32>,
        %parallel_loop3A_927 = arith.constant 0 : i32
        %parallel_loop3A_928 = arith.constant 0 : i32
        %parallel_loop3A_929 = tpu.memref_slice %arg8[%parallel_loop3A_876, %parallel_loop3A_927, %parallel_loop3A_928] : memref<8x128x64xf32, #tpu.memory_space<vmem>> -> memref<1x128x64xf32, #tpu.memory_space<vmem>>
        %parallel_loop3A_930 = tpu.memref_squeeze %parallel_loop3A_929 : memref<1x128x64xf32, #tpu.memory_space<vmem>> -> memref<128x64xf32, #tpu.memory_space<vmem>>
        %parallel_loop3A_931 = arith.index_cast %parallel_loop3A_899 : i32 to index
        %parallel_loop3A_932 = arith.constant 32 : index
        %parallel_loop3A_933 = tpu.vector_load %parallel_loop3A_930[%parallel_loop3A_931, %parallel_loop3A_932] {strides = array<i32>} : memref<128x64xf32, #tpu.memory_space<vmem>>, vector<16xf32>,
        %parallel_loop3A_934 = arith.addf %parallel_loop3A_933, %get3A_869 : vector<16xf32>
        %parallel_loop3A_935 = arith.constant 0 : i32
        %parallel_loop3A_936 = arith.constant 0 : i32
        %parallel_loop3A_937 = arith.constant 0 : i32
        %parallel_loop3A_938 = tpu.memref_slice %arg9[%parallel_loop3A_877, %parallel_loop3A_935, %parallel_loop3A_936, %parallel_loop3A_937] : memref<2x8x8x129xf32, #tpu.memory_space<vmem>> -> memref<1x8x8x129xf32, #tpu.memory_space<vmem>>
        %parallel_loop3A_939 = tpu.memref_squeeze %parallel_loop3A_938 : memref<1x8x8x129xf32, #tpu.memory_space<vmem>> -> memref<8x8x129xf32, #tpu.memory_space<vmem>>
        tpu.vector_store_idx %parallel_loop3A_939[%select_n3A_96, %rem3A_148, %parallel_loop3A_900], %parallel_loop3A_934 : memref<8x8x129xf32, #tpu.memory_space<vmem>>[vector<16xi32>, vector<16xi32>, vector<16xi32>], vector<16xf32>,
        %parallel_loop3A_940 = arith.constant 0 : i32
        %parallel_loop3A_941 = arith.constant 0 : i32
        %parallel_loop3A_942 = tpu.memref_slice %arg8[%parallel_loop3A_876, %parallel_loop3A_940, %parallel_loop3A_941] : memref<8x128x64xf32, #tpu.memory_space<vmem>> -> memref<1x128x64xf32, #tpu.memory_space<vmem>>
        %parallel_loop3A_943 = tpu.memref_squeeze %parallel_loop3A_942 : memref<1x128x64xf32, #tpu.memory_space<vmem>> -> memref<128x64xf32, #tpu.memory_space<vmem>>
        %parallel_loop3A_944 = arith.index_cast %parallel_loop3A_899 : i32 to index
        %parallel_loop3A_945 = arith.constant 48 : index
        %parallel_loop3A_946 = tpu.vector_load %parallel_loop3A_943[%parallel_loop3A_944, %parallel_loop3A_945] {strides = array<i32>} : memref<128x64xf32, #tpu.memory_space<vmem>>, vector<16xf32>,
        %parallel_loop3A_947 = arith.addf %parallel_loop3A_946, %get3A_872 : vector<16xf32>
        %parallel_loop3A_948 = arith.constant 0 : i32
        %parallel_loop3A_949 = arith.constant 0 : i32
        %parallel_loop3A_950 = arith.constant 0 : i32
        %parallel_loop3A_951 = tpu.memref_slice %arg9[%parallel_loop3A_877, %parallel_loop3A_948, %parallel_loop3A_949, %parallel_loop3A_950] : memref<2x8x8x129xf32, #tpu.memory_space<vmem>> -> memref<1x8x8x129xf32, #tpu.memory_space<vmem>>
        %parallel_loop3A_952 = tpu.memref_squeeze %parallel_loop3A_951 : memref<1x8x8x129xf32, #tpu.memory_space<vmem>> -> memref<8x8x129xf32, #tpu.memory_space<vmem>>
        tpu.vector_store_idx %parallel_loop3A_952[%select_n3A_130, %rem3A_154, %parallel_loop3A_900], %parallel_loop3A_947 : memref<8x8x129xf32, #tpu.memory_space<vmem>>[vector<16xi32>, vector<16xi32>, vector<16xi32>], vector<16xf32>,
      } {sc.loop_unroll_factor = 4 : i64, sc.parallel_access}
      %dma_start3A_878 = arith.constant 1 : i32
      %dma_start3A_879 = arith.constant 0 : i32
      %dma_start3A_880 = arith.constant 0 : i32
      %dma_start3A_881 = arith.constant 0 : i32
      %dma_start3A_882 = tpu.memref_slice %arg9[%dma_start3A_878, %dma_start3A_879, %dma_start3A_880, %dma_start3A_881] : memref<2x8x8x129xf32, #tpu.memory_space<vmem>> -> memref<1x8x8x128xf32, #tpu.memory_space<vmem>>
      %dma_start3A_883 = tpu.memref_squeeze %dma_start3A_882 : memref<1x8x8x128xf32, #tpu.memory_space<vmem>> -> memref<8x8x128xf32, #tpu.memory_space<vmem>>
      %dma_start3A_884 = arith.constant 0 : i32
      %dma_start3A_885 = arith.constant 0 : i32
      %dma_start3A_886 = arith.constant 0 : i32
      %dma_start3A_887 = tpu.memref_slice %arg5[%add3A_821, %dma_start3A_884, %add3A, %dma_start3A_885, %dma_start3A_886] : memref<200x8x32x8x128xf32, #tpu.memory_space<hbm>> -> memref<1x8x1x8x128xf32, #tpu.memory_space<hbm>>
      %dma_start3A_888 = tpu.memref_squeeze %dma_start3A_887 : memref<1x8x1x8x128xf32, #tpu.memory_space<hbm>> -> memref<8x8x128xf32, #tpu.memory_space<hbm>>
      %dma_start3A_889 = arith.constant 0 : i32
      %dma_start3A_890 = arith.constant 0 : i32
      %dma_start3A_891 = arith.constant 0 : i32
      %dma_start3A_892 = tpu.memref_slice %arg5[%add3A_821, %dma_start3A_889, %add3A, %dma_start3A_890, %dma_start3A_891] : memref<200x8x32x8x128xf32, #tpu.memory_space<hbm>> -> memref<1x8x1x8x128xf32, #tpu.memory_space<hbm>>
      %dma_start3A_893 = tpu.memref_squeeze %dma_start3A_892 : memref<1x8x1x8x128xf32, #tpu.memory_space<hbm>> -> memref<8x8x128xf32, #tpu.memory_space<hbm>>
      %dma_start3A_894 = arith.constant 0 : i32
      %dma_start3A_895 = arith.constant 0 : i32
      %dma_start3A_896 = arith.constant 0 : i32
      %dma_start3A_897 = tpu.memref_slice %arg9[%dma_start3A_878, %dma_start3A_894, %dma_start3A_895, %dma_start3A_896] : memref<2x8x8x129xf32, #tpu.memory_space<vmem>> -> memref<1x8x8x128xf32, #tpu.memory_space<vmem>>
      %dma_start3A_898 = tpu.memref_squeeze %dma_start3A_897 : memref<1x8x8x128xf32, #tpu.memory_space<vmem>> -> memref<8x8x128xf32, #tpu.memory_space<vmem>>
      tpu.enqueue_dma source(%dma_start3A_898 : memref<8x8x128xf32, #tpu.memory_space<vmem>>) target(%dma_start3A_893 : memref<8x8x128xf32, #tpu.memory_space<hbm>>) target_semaphore(%arg19 : memref<!tpu.dma_semaphore, #tpu.memory_space<semaphore_mem>>)
    }
    %scan3A_230 = arith.constant 25 : i32
    %dma_wait3A = arith.constant 0 : i32
    %dma_wait3A_231 = arith.constant 0 : i32
    %dma_wait3A_232 = arith.constant 0 : i32
    %dma_wait3A_233 = arith.constant 0 : i32
    %dma_wait3A_234 = arith.constant 0 : i32
    %dma_wait3A_235 = tpu.memref_slice %arg9[%dma_wait3A, %dma_wait3A_232, %dma_wait3A_233, %dma_wait3A_234] : memref<2x8x8x129xf32, #tpu.memory_space<vmem>> -> memref<1x8x8x128xf32, #tpu.memory_space<vmem>>
    %dma_wait3A_236 = tpu.memref_squeeze %dma_wait3A_235 : memref<1x8x8x128xf32, #tpu.memory_space<vmem>> -> memref<8x8x128xf32, #tpu.memory_space<vmem>>
    %dma_wait3A_237 = arith.constant 0 : i32
    %dma_wait3A_238 = arith.constant 0 : i32
    %dma_wait3A_239 = arith.constant 0 : i32
    %dma_wait3A_240 = tpu.memref_slice %arg5[%dma_wait3A_231, %dma_wait3A_237, %add3A, %dma_wait3A_238, %dma_wait3A_239] : memref<200x8x32x8x128xf32, #tpu.memory_space<hbm>> -> memref<1x8x1x8x128xf32, #tpu.memory_space<hbm>>
    %dma_wait3A_241 = tpu.memref_squeeze %dma_wait3A_240 : memref<1x8x1x8x128xf32, #tpu.memory_space<hbm>> -> memref<8x8x128xf32, #tpu.memory_space<hbm>>
    %dma_wait3A_242 = arith.constant 0 : i32
    %dma_wait3A_243 = arith.constant 0 : i32
    %dma_wait3A_244 = arith.constant 0 : i32
    %dma_wait3A_245 = tpu.memref_slice %arg5[%dma_wait3A_231, %dma_wait3A_242, %add3A, %dma_wait3A_243, %dma_wait3A_244] : memref<200x8x32x8x128xf32, #tpu.memory_space<hbm>> -> memref<1x8x1x8x128xf32, #tpu.memory_space<hbm>>
    %dma_wait3A_246 = tpu.memref_squeeze %dma_wait3A_245 : memref<1x8x1x8x128xf32, #tpu.memory_space<hbm>> -> memref<8x8x128xf32, #tpu.memory_space<hbm>>
    %dma_wait3A_247 = arith.constant 0 : i32
    %dma_wait3A_248 = arith.constant 0 : i32
    %dma_wait3A_249 = arith.constant 0 : i32
    %dma_wait3A_250 = tpu.memref_slice %arg9[%dma_wait3A, %dma_wait3A_247, %dma_wait3A_248, %dma_wait3A_249] : memref<2x8x8x129xf32, #tpu.memory_space<vmem>> -> memref<1x8x8x128xf32, #tpu.memory_space<vmem>>
    %dma_wait3A_251 = tpu.memref_squeeze %dma_wait3A_250 : memref<1x8x8x128xf32, #tpu.memory_space<vmem>> -> memref<8x8x128xf32, #tpu.memory_space<vmem>>
    tpu.wait_dma2 semaphore(%arg18 : memref<!tpu.dma_semaphore, #tpu.memory_space<semaphore_mem>>) src(%dma_wait3A_251 : memref<8x8x128xf32, #tpu.memory_space<vmem>>) dst(%dma_wait3A_246 : memref<8x8x128xf32, #tpu.memory_space<hbm>>)
    %dma_wait3A_252 = arith.constant 1 : i32
    %dma_wait3A_253 = arith.constant 0 : i32
    %dma_wait3A_254 = arith.constant 0 : i32
    %dma_wait3A_255 = arith.constant 0 : i32
    %dma_wait3A_256 = arith.constant 0 : i32
    %dma_wait3A_257 = tpu.memref_slice %arg9[%dma_wait3A_252, %dma_wait3A_254, %dma_wait3A_255, %dma_wait3A_256] : memref<2x8x8x129xf32, #tpu.memory_space<vmem>> -> memref<1x8x8x128xf32, #tpu.memory_space<vmem>>
    %dma_wait3A_258 = tpu.memref_squeeze %dma_wait3A_257 : memref<1x8x8x128xf32, #tpu.memory_space<vmem>> -> memref<8x8x128xf32, #tpu.memory_space<vmem>>
    %dma_wait3A_259 = arith.constant 0 : i32
    %dma_wait3A_260 = arith.constant 0 : i32
    %dma_wait3A_261 = arith.constant 0 : i32
    %dma_wait3A_262 = tpu.memref_slice %arg5[%dma_wait3A_253, %dma_wait3A_259, %add3A, %dma_wait3A_260, %dma_wait3A_261] : memref<200x8x32x8x128xf32, #tpu.memory_space<hbm>> -> memref<1x8x1x8x128xf32, #tpu.memory_space<hbm>>
    %dma_wait3A_263 = tpu.memref_squeeze %dma_wait3A_262 : memref<1x8x1x8x128xf32, #tpu.memory_space<hbm>> -> memref<8x8x128xf32, #tpu.memory_space<hbm>>
    %dma_wait3A_264 = arith.constant 0 : i32
    %dma_wait3A_265 = arith.constant 0 : i32
    %dma_wait3A_266 = arith.constant 0 : i32
    %dma_wait3A_267 = tpu.memref_slice %arg5[%dma_wait3A_253, %dma_wait3A_264, %add3A, %dma_wait3A_265, %dma_wait3A_266] : memref<200x8x32x8x128xf32, #tpu.memory_space<hbm>> -> memref<1x8x1x8x128xf32, #tpu.memory_space<hbm>>
    %dma_wait3A_268 = tpu.memref_squeeze %dma_wait3A_267 : memref<1x8x1x8x128xf32, #tpu.memory_space<hbm>> -> memref<8x8x128xf32, #tpu.memory_space<hbm>>
    %dma_wait3A_269 = arith.constant 0 : i32
    %dma_wait3A_270 = arith.constant 0 : i32
    %dma_wait3A_271 = arith.constant 0 : i32
    %dma_wait3A_272 = tpu.memref_slice %arg9[%dma_wait3A_252, %dma_wait3A_269, %dma_wait3A_270, %dma_wait3A_271] : memref<2x8x8x129xf32, #tpu.memory_space<vmem>> -> memref<1x8x8x128xf32, #tpu.memory_space<vmem>>
    %dma_wait3A_273 = tpu.memref_squeeze %dma_wait3A_272 : memref<1x8x8x128xf32, #tpu.memory_space<vmem>> -> memref<8x8x128xf32, #tpu.memory_space<vmem>>
    tpu.wait_dma2 semaphore(%arg19 : memref<!tpu.dma_semaphore, #tpu.memory_space<semaphore_mem>>) src(%dma_wait3A_273 : memref<8x8x128xf32, #tpu.memory_space<vmem>>) dst(%dma_wait3A_268 : memref<8x8x128xf32, #tpu.memory_space<hbm>>)
    return
  }
}

</mosaic_0001>

<sc_bundles>
// kernel: _emb_call.3.cloned.1.call-start
scs
__scs_entry_jumppad:
0x0: {  	(pc) =	sbr.rel $0x88, $3  }
0x1: {  	(tag) =	ssettag $0x0;
	lr =	simm.s32 $0x1  }
0x2: {  	[smem:$0x3F9E] =	sst lr;
	_ =	strace $0xD0000000  }
0x3: {  	_ = 	snop  }
0x4: {  	_ = 	snop  }
0x5: {  	_ = 	snop  }
0x6: {  	_ = 	snop  }
0x7: {  	_ = 	snop  }
__scs_overlays_trampoline_lowered:
0x8: {  	[smem:$0x3FAD] =	sst s0  }
0x9: {  	[smem:$0x3FAE] =	sst s1  }
0xa: {  	[smem:$0x3FAF] =	sst s2  }
0xb: {  	[smem:$0x3FB0] =	sst s3  }
0xc: {  	[smem:$0x3FB1] =	sst s4  }
0xd: {  	[smem:$0x3FB2] =	sst s5  }
0xe: {  	[smem:$0x3FB3] =	sst s6  }
0xf: {  	[smem:$0x3FB4] =	sst s7  }
0x10: {  	[smem:$0x3FB5] =	sst s8  }
0x11: {  	[smem:$0x3FB6] =	sst s9;
	s0 =	simm.s32 @!p0 $0x0  }
0x12: {  	s1 =	sld [smem:$0x3F9C];
	s0 =	simm.s32 @p0 $0x1  }
0x13: {  	[smem:$0x3FB7] =	sst s0;
	s0 =	simm.s32 @!p1 $0x0  }
0x14: {  	s2 =	sld [smem:$0x3F9B];
	s0 =	simm.s32 @p1 $0x1  }
0x15: {  	[smem:$0x3FB8] =	sst s0;
	s0 =	simm.s32 @!p2 $0x0  }
0x16: {  	s3 =	sld [smem:$0x3FDB];
	s0 =	simm.s32 @p2 $0x1  }
0x17: {  	s4 =	simm.s32 $0x1BF5;
	[smem:$0x3FBA] =	sst s0  }
0x18: {  	s0 =	sld [smem:$0x3F9D];
	_ =	swait.ge [sflag:s4], $0x0  }
0x19: {  	s7 =	sld [smem:$0x3F9E]  }
0x1a: {  	s8 =	sadd.s32 $0xFFFFE003, lr  }
0x1b: {  	s9 =	sadd.s32 $0xFFFFFEF7, lr;
	s5 =	simm.s32 $0xFFFFFFFF;
	p2 =	slt.u32 s8, $0xFFFFF086  }
0x1c: {  	p1 =	slt.u32 s9, $0xF7A;
	s5 =	simm.s32 @!p2 $0x0  }
0x1d: {  	s5 =	simm.s32 @p1 $0x1;
	p0 =	seq.s32 s7, s2  }
0x1e: {  	s7 =	smul.u32 @!p0 $0xF7A, s2;
	p2 =	seq.s32 @!p0 s5, $0x0  }
0x1f: {  	s9 =	smul.u32 $0xF7A, s1;
	s8 =	simm.s32 @!p0 $0x1BF5;
	p2 =	por !p2, p0  }
0x20: {  	[sflag:s8] =	ssyncset.s32 @!p0 $0xFFFFF086;
	s6 =	sadd.s32 @!p0 s3, s7;
	s7 =	simm.s32 @!p0 $0x108  }
0x21: {  	s3 =	sadd.s32 s3, s9;
	s6 =	sadd.s32 @!p0 $0x88, s6;
	s7 =	simm.s32 @p2 $0x1082  }
0x22: {  	[simem:s7], [sflag:s8] =	dma.local @!p0 [hbm:s6], $0xF7A  }
0x23: {  	s9 =	sor.u32 $0xD0000000, s2;
	s6 =	simm.s32 $0x108;
	_ =	swait.ge @!p0 [sflag:s8], $0x0  }
0x24: {  	s3 =	sadd.s32 $0x88, s3;
	s6 =	simm.s32 @!p1 $0x1082;
	[sflag:s4] =	ssyncset.s32 $0xFFFFF086  }
0x25: {  	[simem:s6], [sflag:s4] =	dma.local [hbm:s3], $0xF7A  }
0x26: {  	[smem:$0x3F9E] =	sst s1;
	(tag) =	ssettag s2;
	_ =	strace s9  }
0x27: {  	s1 =	sld [smem:$0x3FAE]  }
0x28: {  	s2 =	sld [smem:$0x3FAF]  }
0x29: {  	s4 =	sld [smem:$0x3FB1]  }
0x2a: {  	p0 =	seq.s32 s5, $0x0;
	s5 =	sld [smem:$0x3FB2]  }
0x2b: {  	s6 =	sld [smem:$0x3FB3]  }
0x2c: {  	s7 =	sld [smem:$0x3FB4]  }
0x2d: {  	s3 =	simm.s32 $0x108;
	s8 =	sld [smem:$0x3FB5]  }
0x2e: {  	s3 =	simm.s32 @!p0 $0x1082;
	s9 =	sld [smem:$0x3FB6]  }
0x2f: {  	lr =	sadd.s32 s0, s3;
	s0 =	sld [smem:$0x3FAD]  }
0x30: {  	s3 =	sld [smem:$0x3FB0]  }
0x31: {  	[smem:$0x3FB9] =	sst s10  }
0x32: {  	s10 =	sld [smem:$0x3FB7];
	_ =	sdelay $0x3  }
0x33: {  	p0 =	seq.s32 s10, $0x1;
	s10 =	sld [smem:$0x3FB9];
	_ =	sdelay $0x3  }
0x34: {  	[smem:$0x3FB9] =	sst s10  }
0x35: {  	s10 =	sld [smem:$0x3FB8];
	_ =	sdelay $0x3  }
0x36: {  	p1 =	seq.s32 s10, $0x1;
	s10 =	sld [smem:$0x3FB9];
	_ =	sdelay $0x3  }
0x37: {  	[smem:$0x3FB9] =	sst s10  }
0x38: {  	s10 =	sld [smem:$0x3FBA]  }
0x39: {  	_ = 	snop;
	(pc) =	sbr.ind lr, $3  }
0x3a: {  	_ = 	snop  }
0x3b: {  	_ = 	snop  }
0x3c: {  	p2 =	seq.s32 s10, $0x1;
	s10 =	sld [smem:$0x3FB9]  }
0x3d: {  	_ =	shalt  }
0x3e: {  	_ =	shalt  }
0x3f: {  	_ =	shalt  }
0x40: {  	_ =	shalt  }
0x41: {  	_ =	shalt  }
0x42: {  	_ =	shalt  }
0x43: {  	_ =	shalt  }
0x44: {  	_ =	shalt  }
0x45: {  	_ =	shalt  }
0x46: {  	_ =	shalt  }
0x47: {  	_ =	shalt  }
0x48: {  	_ =	shalt  }
0x49: {  	_ =	shalt  }
0x4a: {  	_ =	shalt  }
0x4b: {  	_ =	shalt  }
0x4c: {  	_ =	shalt  }
0x4d: {  	_ =	shalt  }
0x4e: {  	_ =	shalt  }
0x4f: {  	_ =	shalt  }
0x50: {  	_ =	shalt  }
0x51: {  	_ =	shalt  }
0x52: {  	_ =	shalt  }
0x53: {  	_ =	shalt  }
0x54: {  	_ =	shalt  }
0x55: {  	_ =	shalt  }
0x56: {  	_ =	shalt  }
0x57: {  	_ =	shalt  }
0x58: {  	_ =	shalt  }
0x59: {  	_ =	shalt  }
0x5a: {  	_ =	shalt  }
0x5b: {  	_ =	shalt  }
0x5c: {  	_ =	shalt  }
0x5d: {  	_ =	shalt  }
0x5e: {  	_ =	shalt  }
0x5f: {  	_ =	shalt  }
0x60: {  	_ =	shalt  }
0x61: {  	_ =	shalt  }
0x62: {  	_ =	shalt  }
0x63: {  	_ =	shalt  }
0x64: {  	_ =	shalt  }
0x65: {  	_ =	shalt  }
0x66: {  	_ =	shalt  }
0x67: {  	_ =	shalt  }
0x68: {  	_ =	shalt  }
0x69: {  	_ =	shalt  }
0x6a: {  	_ =	shalt  }
0x6b: {  	_ =	shalt  }
0x6c: {  	_ =	shalt  }
0x6d: {  	_ =	shalt  }
0x6e: {  	_ =	shalt  }
0x6f: {  	_ =	shalt  }
0x70: {  	_ =	shalt  }
0x71: {  	_ =	shalt  }
0x72: {  	_ =	shalt  }
0x73: {  	_ =	shalt  }
0x74: {  	_ =	shalt  }
0x75: {  	_ =	shalt  }
0x76: {  	_ =	shalt  }
0x77: {  	_ =	shalt  }
0x78: {  	_ =	shalt  }
0x79: {  	_ =	shalt  }
0x7a: {  	_ =	shalt  }
0x7b: {  	_ =	shalt  }
0x7c: {  	_ =	shalt  }
0x7d: {  	_ =	shalt  }
0x7e: {  	_ =	shalt  }
0x7f: {  	_ =	shalt  }
0x80: {  	_ =	shalt  }
0x81: {  	_ =	shalt  }
0x82: {  	_ =	shalt  }
0x83: {  	_ =	shalt  }
0x84: {  	_ =	shalt  }
0x85: {  	_ =	shalt  }
0x86: {  	_ =	shalt  }
0x87: {  	_ =	shalt  }
.Lfunc_end0:
.L_simem_size_0:
called_computation_lowered:
.L_overlay_start_0:
0x88: {  	s2 =	sld [smem:$0x3FD9]  }
0x89: {  	s3 =	sld [smem:$0x3FFE];
	_ =	sdelay $0x1  }
0x8a: {  	s1 =	srdreg.scid  }
0x8b: {  	s0 =	sand.u32 $0x1, s1  }
0x8c: {  	s17 =	sshll.u32 s0, $0xA;
	s2 =	sadd.s32 s3, s2  }
0x8d: {  	s2 =	sadd.s32 s2, s17  }
0x8e: {  	[smem:$0x3FC5] =	sst s2  }
0x8f: {  	_ = 	snop  }
0x90: {  	s2 =	sld [smem:$0x3FD0];
	(tm) =	ssettm $0x1  }
0x91: {  	s18 =	sld [smem:$0x3FFB];
	_ =	sdelay $0x3  }
0x92: {  	_ =	strace s18  }
0x93: {  	s3 =	sld [smem:$0x3FFC];
	_ =	sdelay $0x3  }
0x94: {  	_ =	strace s3  }
0x95: {  	s3 =	sld [smem:$0x3FFD];
	_ =	sdelay $0x3  }
0x96: {  	_ =	strace s3  }
0x97: {  	_ =	strace $0x8FFFFFFF  }
0x98: {  	s19 =	sld [smem:$0x3FDB];
	_ =	sdelay $0x1  }
0x99: {  	s4 =	simm.s32 $_scs_section_size  }
0x9a: {  	s5 =	simm.s32 $_size__tile_overlayer_lowered;
	s6 =	simm.s32 $_tile_overlayer_lowered  }
0x9b: {  	s22 =	simm.s32 $0x1BFF;
	s21 =	sshll.u32 s6, $0x1;
	s3 =	sadd.s32 s4, s19  }
0x9c: {  	s7 =	simm.s32 $0x0;
	s20 =	sshll.u32 s5, $0x1;
	s5 =	sadd.s32 s21, s3  }
0x9d: {  	[timem:s7], [sflag:s22] =	dma.local [hbm:s5], s20  }
0x9e: {  	_ =	swait.ge [sflag:s22], s20  }
0x9f: {  	s4 =	ssub.s32 $0x0, s20;
	[sflag:s22] =	ssyncset.done $0x0  }
0xa0: {  	[sflag:s22] =	ssyncadd.s32 s4;
	_ =	sdelay $0x1  }
0xa1: {  	s23 =	simm.s32 $0x1B8B  }
0xa2: {  	_ =	swait.ge [sflag:s23], $0x1  }
0xa3: {  	[sflag:s23] =	ssyncset.done $0x0  }
0xa4: {  	s25 =	simm.s32 $0x1B8E;
	s24 =	sld [smem:$0x3FFE];
	[sflag:s23] =	ssyncadd.s32 $0xFFFFFFFF  }
0xa5: {  	s26 =	simm.s32 $execute0_lowered;
	[smem:$0x3FD2] =	sst s25  }
0xa6: {  	s5 =	sshll.u32 s26, $0x1;
	_ =	strace $0x80000046;
	[dreg:$0x1] =	wrdreg $0xFFFFFFFF  }
0xa7: {  	s28 =	simm.s32 $_size_execute0_lowered;
	s3 =	sadd.s32 s3, s5;
	[dreg:$0x0] =	wrdreg $0x0  }
0xa8: {  	s5 =	sshll.u32 s28, $0x1;
	[dreg:$0x2] =	wrdreg s3  }
0xa9: {  	[dreg:$0x3] =	wrdreg s5  }
0xaa: {  	[dreg:$0x4] =	wrdreg $0xC0  }
0xab: {  	_ =	task [dreg:s7], $0x5FFFF  }
0xac: {  	[dreg:$0x1] =	wrdreg $0xFFFFFFFF  }
0xad: {  	[dreg:$0x0] =	wrdreg $0x60  }
0xae: {  	[dreg:$0x2] =	wrdreg s24  }
0xaf: {  	[dreg:$0x3] =	wrdreg s2  }
0xb0: {  	[dreg:$0x4] =	wrdreg $0x9  }
0xb1: {  	_ =	task.clear_ibuf [dreg:s7], $0x5FFFF;
	_ =	strace $0x90000046  }
0xb2: {  	s29 =	simm.s32 $0x9;
	_ =	strace $0x80000048  }
0xb3: {  	_ =	swait.ge [sflag:s29], $0x1  }
0xb4: {  	[sflag:s29] =	ssyncadd.s32 $0xFFFFFFFF  }
0xb5: {  	_ =	strace $0x90000048  }
0xb6: {  	_ =	sfence  }
0xb7: {  	s30 =	sld [smem:$0x0];
	_ =	sdelay $0x2  }
0xb8: {  	s31 =	sshll.u32 s1, $0xD;
	s1 =	sshrl.u32 s1, $0x2  }
0xb9: {  	s3 =	sand.u32 $0x4000, s31;
	s1 =	sadd.s32 s1, s30  }
0xba: {  	s0 =	sor.u32 s3, s0;
	s1 =	sshll.u32 s1, $0x11  }
0xbb: {  	s0 =	sor.u32 s1, s0  }
0xbc: {  	s0 =	sadd.s32 $0x8F2B, s0  }
0xbd: {  	[sflag:s0] =	ssyncadd.remote.s32 $0x1  }
0xbe: {  	_ =	sfence.sel $0xFFFF  }
0xbf: {  	[dreg:$0x0] =	wrdreg $0xFFFFFFFF;
	(pc) =	sbr.abs _section_cstart, $3  }
0xc0: {  	[dreg:$0x1] =	wrdreg $0xFFFFFFFF  }
0xc1: {  	_ =	task.clear_ibuf [dreg:s7], $0x2FFFF;
	_ =	strace $0x9FFFFFFF  }
0xc2: {  	(tm) =	ssettm $0x7FFFFFFF  }
0xc3: {  	_ =	shalt  }
tec
execute0_lowered:
.L_overlay_start_1:
0x0: {  	(tag) =	ssettag $0x1  }
0x1: {  	s0 =	rddreg [dreg:$0x0]  }
0x2: {  	s1 =	srdreg.scid;
	s3 =	stileid.u32  }
0x3: {  	s2 =	rddreg [dreg:$0x1];
	s9 =	simm.s32 $0x80;
	s23 =	simm.s32 $0x15600  }
0x4: {  	s24 =	simm.s32 $0x1;
	s28 =	simm.s32 $0x2;
	s29 =	simm.s32 $0x1B800  }
0x5: {  	s30 =	simm.s32 $0x3;
	s31 =	simm.s32 $0x9;
	s10 =	simm.s32 $0x5  }
0x6: {  	s12 =	simm.s32 $0x6;
	s13 =	simm.s32 $0x7;
	s14 =	simm.s32 $0x8  }
0x7: {  	s1 =	sand.u32 $0x1, s1;
	s4 =	sshll.u32 s3, $0x1;
	s3 =	simm.s32 $0x0  }
0x8: {  	s5 =	sor.u32 s1, s4;
	[smem:$0x7FF] =	sst s3;
	s1 =	ssub.s32 $0x2, s1  }
0x9: {  	s4 =	sshll.u32 s5, $0x4;
	_ =	strace $0x80000047;
	s25 =	sshrl.u32 s1, $0x1  }
0xa: {  	s6 =	sadd.s32 s4, s0;
	s4 =	sadd.s32 $0xF42C00, s0;
	s0 =	sadd.s32 $0x19800, s0  }
0xb: {  	v0 =	vlaneseq.u32;
	s7 =	sshll.u32 s5, $0xA;
	[dreg:$0x3] =	wrdreg s0;
	s0 =	ssub.s32 s1, s25  }
0xc: {  	v0 =	vmul.u32 $0x88, v0;
	s26 =	sadd.s32 $0x800, s6;
	s25 =	simm.s32 $0x19600;
	s1 =	simm.s32 $0x4  }
0xd: {  	s6 =	simm.s32 $0x0;
	[dreg:$0x4] =	wrdreg s26;
	s0 =	smax.u32 s0, $0x1  }
0xe: {  	v1 =	vadd.s32 $0x880, v0;
	v2 =	vadd.s32 $0x1100, v0;
	v3 =	vadd.s32 $0x1980, v0;
	s26 =	simm.s32 $0x17600;
	[dreg:$0x5] =	wrdreg s0;
	s0 =	simm.s32 $0xA  }
.LBB2_1:
0xf: {  	[dreg:$0x6] =	wrdreg s6  }
0x10: {  	s5 =	rddreg [dreg:$0x4];
	s20 =	simm.s32 $0x1000;
	s21 =	simm.s32 $0xB  }
0x11: {  	[tilespmem:s3], [sflag:$0xB] =	stream.strided.gather [hbm4b:s5+s9], $0x6400, s20, s9, $0x38;
	[tilespmem:$0x1DA00] =	vst v63  }
0x12: {  	_ =	swait.ge [sflag:s21], $0x6400  }
0x13: {  	[sflag:s21] =	ssyncset.done $0x0  }
0x14: {  	s8 =	simm.s32 $0x6400;
	s22 =	rddreg [dreg:$0x3];
	[sflag:s21] =	ssyncadd.s32 $0xFFFF9C00  }
0x15: {  	[tilespmem:s8], [sflag:$0xB] =	stream.linear.gather [hbm4b:s22+s3], $0x3200, $0x38;
	[tilespmem:$0x1DA00] =	vst v63  }
0x16: {  	_ =	swait.ge [sflag:s21], $0x3200  }
0x17: {  	[sflag:s21] =	ssyncset.done $0x0  }
0x18: {  	s8 =	simm.s32 $0x9600;
	[sflag:s21] =	ssyncadd.s32 $0xFFFFCE00  }
0x19: {  	[tilespmem:s8], [sflag:$0x1] =	stream.indirect.gather [hbm4b:s4+s9], $0x40, s3, s9, $0xb8;
	[tilespmem:$0x1DA00] =	vst v63  }
0x1a: {  	s11 =	simm.s32 $0xB600  }
0x1b: {  	[tilespmem:s11], [sflag:$0x2] =	stream.indirect.gather [hbm4b:s4+s9], $0x40, s9, s9, $0xb8;
	[tilespmem:$0x1DA00] =	vst v63  }
0x1c: {  	s15 =	simm.s32 $0x100;
	s16 =	simm.s32 $0xD600  }
0x1d: {  	[tilespmem:s16], [sflag:$0x3] =	stream.indirect.gather [hbm4b:s4+s9], $0x40, s15, s9, $0xb8;
	[tilespmem:$0x1DA00] =	vst v63  }
0x1e: {  	s17 =	simm.s32 $0x180;
	s18 =	simm.s32 $0xF600  }
0x1f: {  	[tilespmem:s18], [sflag:$0x4] =	stream.indirect.gather [hbm4b:s4+s9], $0x40, s17, s9, $0xb8;
	[tilespmem:$0x1DA00] =	vst v63  }
0x20: {  	s19 =	simm.s32 $0x200;
	s20 =	simm.s32 $0x11600  }
0x21: {  	[tilespmem:s20], [sflag:$0x5] =	stream.indirect.gather [hbm4b:s4+s9], $0x40, s19, s9, $0xb8;
	[tilespmem:$0x1DA00] =	vst v63  }
0x22: {  	s22 =	simm.s32 $0x13600;
	s21 =	simm.s32 $0x280;
	s16 =	simm.s32 $0x0  }
0x23: {  	[tilespmem:s22], [sflag:$0x6] =	stream.indirect.gather [hbm4b:s4+s9], $0x40, s21, s9, $0xb8;
	[tilespmem:$0x1DA00] =	vst v63  }
.LBB2_2:
0x24: {  	s19 =	sshll.u32 s16, $0x3  }
0x25: {  	s17 =	sor.u32 $0x6, s19  }
0x26: {  	s5 =	sshll.u32 s17, $0x7  }
0x27: {  	s5 =	sand.u32 $0x3FFFFF00, s5  }
0x28: {  	[tilespmem:s23], [sflag:$0x7] =	stream.indirect.gather [hbm4b:s4+s9], $0x40, s5, s9, $0xb8;
	[tilespmem:$0x1DA00] =	vst v63  }
0x29: {  	_ =	swait.ge [sflag:s24], $0x2000  }
0x2a: {  	p0 =	seq.s32 s16, $0x0;
	[sflag:s24] =	ssyncset.done $0x0  }
0x2b: {  	s5 =	simm.s32 @!p0 $0x9;
	[sflag:s24] =	ssyncadd.s32 $0xFFFFE000  }
0x2c: {  	_ =	swait.ge @!p0 [sflag:s5], $0x2000  }
0x2d: {  	s6 =	sshll.u32 s16, $0x9;
	[sflag:s5] =	ssyncset.done @!p0 $0x0  }
0x2e: {  	s20 =	sand.u32 $0x3FFFFE00, s6;
	[sflag:s5] =	ssyncadd.s32 @!p0 $0xFFFFE000  }
0x2f: {  	s8 =	simm.s32 $0x3;
	s6 =	simm.s32 $0x9680;
	v9 =	vld [tilespmem:s20+$0x6400]  }
0x30: {  	v4 =	vmov s8;
	v7 =	vld [tilespmem:s6+$0x40]  }
0x31: {  	v13 =	vand.u32 $0x7F, v4  }
0x32: {  	s21 =	simm.s32 $0x0;
	v8 =	vadd.s32 v0, v13;
	v6 =	vld [tilespmem:s20+$0x6410]  }
0x33: {  	s22 =	simm.s32 $0x1;
	s18 =	simm.s32 $0x2;
	v4 =	vmov s21;
	v10 =	vld [tilespmem:s6+$0xFFFFFF80]  }
0x34: {  	v14 =	vmov s18;
	v12 =	vand.u32 $0x7C, v4;
	v4 =	vmov s22;
	v11 =	vld [tilespmem:s6+$0xFFFFFFC0]  }
0x35: {  	v15 =	vadd.s32 v0, v12;
	v19 =	vand.u32 $0x7D, v4;
	v16 =	vld [tilespmem:s6+$0x0];
	v7 =	vadd.f32 v7, v9  }
0x36: {  	v20 =	vand.u32 $0x7E, v14;
	v17 =	vadd.s32 v0, v19;
	v5 =	vld [tilespmem:s20+$0x6420]  }
0x37: {  	v14 =	vadd.s32 v0, v20;
	v4 =	vld [tilespmem:s20+$0x6430];
	[tilespmem:v8+s25+$0x0] =	vst.idx.msk $0xffff, v7  }
0x38: {  	v7 =	vadd.f32 v10, v9;
	v8 =	vld [tilespmem:s6+$0x50]  }
0x39: {  	v10 =	vadd.f32 v11, v9  }
0x3a: {  	v11 =	vadd.s32 v1, v13;
	[tilespmem:v15+s25+$0x0] =	vst.idx.msk $0xffff, v7;
	v7 =	vadd.f32 v16, v9  }
0x3b: {  	[tilespmem:v17+s25+$0x0] =	vst.idx.msk $0xffff, v10;
	v15 =	vld [tilespmem:s6+$0xFFFFFF90]  }
0x3c: {  	v10 =	vld [tilespmem:s6+$0xFFFFFFD0];
	[tilespmem:v14+s25+$0x0] =	vst.idx.msk $0xffff, v7  }
0x3d: {  	v14 =	vld [tilespmem:s6+$0x10];
	v7 =	vadd.f32 v8, v6  }
0x3e: {  	s15 =	simm.s32 $0x7;
	s18 =	simm.s32 $0x9780;
	v16 =	vadd.s32 v1, v19  }
0x3f: {  	s11 =	simm.s32 $0x4;
	v26 =	vadd.s32 v2, v13;
	v18 =	vld [tilespmem:s18+$0x40];
	v17 =	vadd.s32 v1, v20;
	[tilespmem:v11+s25+$0x0] =	vst.idx.msk $0xffff, v7;
	v7 =	vmov s15  }
0x40: {  	v21 =	vadd.s32 v1, v12;
	v8 =	vmov s11;
	v7 =	vand.u32 $0x7F, v7;
	v22 =	vld [tilespmem:s6+$0x60]  }
0x41: {  	s20 =	simm.s32 $0x5;
	v23 =	vld [tilespmem:s18+$0xFFFFFF80];
	v8 =	vand.u32 $0x7C, v8;
	v10 =	vadd.f32 v10, v6;
	v24 =	vadd.s32 v0, v7  }
0x42: {  	s21 =	simm.s32 $0x6;
	v25 =	vld [tilespmem:s18+$0xFFFFFFC0];
	v15 =	vadd.f32 v15, v6;
	v11 =	vadd.f32 v14, v6;
	v14 =	vmov s20  }
0x43: {  	v27 =	vadd.s32 v0, v8;
	[tilespmem:v16+s25+$0x0] =	vst.idx.msk $0xffff, v10;
	v16 =	vmov s21;
	v10 =	vand.u32 $0x7D, v14;
	v14 =	vld [tilespmem:s18+$0x0]  }
0x44: {  	[tilespmem:v17+s25+$0x0] =	vst.idx.msk $0xffff, v11;
	v17 =	vadd.s32 v0, v10;
	v11 =	vand.u32 $0x7E, v16;
	v16 =	vadd.f32 v18, v9;
	v18 =	vld [tilespmem:s6+$0xFFFFFFE0]  }
0x45: {  	[tilespmem:v21+s25+$0x0] =	vst.idx.msk $0xffff, v15;
	v15 =	vadd.s32 v0, v11;
	v21 =	vld [tilespmem:s6+$0x20];
	v22 =	vadd.f32 v22, v5  }
0x46: {  	v23 =	vadd.f32 v23, v9;
	[tilespmem:v24+s25+$0x0] =	vst.idx.msk $0xffff, v16;
	v16 =	vld [tilespmem:s6+$0xFFFFFFA0];
	v24 =	vadd.s32 v2, v19  }
0x47: {  	v29 =	vadd.s32 v2, v20;
	v25 =	vadd.f32 v25, v9;
	v28 =	vld [tilespmem:s18+$0x50];
	[tilespmem:v26+s25+$0x0] =	vst.idx.msk $0xffff, v22  }
0x48: {  	[tilespmem:v27+s25+$0x0] =	vst.idx.msk $0xffff, v23;
	v23 =	vadd.s32 v2, v12;
	v14 =	vadd.f32 v14, v9;
	v26 =	vld [tilespmem:s6+$0x70]  }
0x49: {  	v27 =	vld [tilespmem:s18+$0xFFFFFF90];
	[tilespmem:v17+s25+$0x0] =	vst.idx.msk $0xffff, v25;
	v25 =	vadd.s32 v1, v7;
	v18 =	vadd.f32 v18, v5  }
0x4a: {  	v31 =	vadd.s32 v3, v13;
	v30 =	vld [tilespmem:s18+$0xFFFFFFD0];
	[tilespmem:v15+s25+$0x0] =	vst.idx.msk $0xffff, v14;
	v14 =	vadd.f32 v21, v5  }
0x4b: {  	v22 =	vadd.s32 v1, v8;
	v17 =	vld [tilespmem:s18+$0x10];
	v13 =	vadd.f32 v16, v5;
	[tilespmem:v24+s25+$0x0] =	vst.idx.msk $0xffff, v18  }
0x4c: {  	s5 =	simm.s32 $0x8;
	v21 =	vadd.s32 v1, v10;
	[tilespmem:v29+s25+$0x0] =	vst.idx.msk $0xffff, v14;
	v18 =	vadd.f32 v28, v6;
	v16 =	vld [tilespmem:s6+$0xFFFFFFF0]  }
0x4d: {  	v24 =	vmov s5;
	v14 =	vadd.s32 v1, v11;
	v15 =	vld [tilespmem:s6+$0x30];
	[tilespmem:v23+s25+$0x0] =	vst.idx.msk $0xffff, v13;
	v63 =	vadd.f32 v26, v4  }
0x4e: {  	s22 =	simm.s32 $0xB;
	s20 =	simm.s32 $0x9880;
	v19 =	vadd.s32 v3, v19;
	v13 =	vand.u32 $0x7C, v24;
	v24 =	vadd.f32 v27, v6;
	[tilespmem:v25+s25+$0x0] =	vst.idx.msk $0xffff, v18;
	v18 =	vld [tilespmem:s6+$0xFFFFFFB0]  }
0x4f: {  	v20 =	vadd.s32 v3, v20;
	v26 =	vmov s22;
	v23 =	vld [tilespmem:s20+$0x40];
	s6 =	simm.s32 $0xC;
	v25 =	vadd.f32 v30, v6;
	[tilespmem:v31+s25+$0x0] =	vst.idx.msk $0xffff, v63  }
.LBB2_3:
0x50: {  	p1 =	slt.u32 s6, $0x7C;
	s8 =	sadd.s32 $0x1, s5;
	v26 =	vand.u32 $0x7F, v26;
	[tilespmem:v22+s25+$0x0] =	vst.idx.msk $0xffff, v24;
	v17 =	vadd.f32 v17, v6;
	v22 =	vld [tilespmem:s18+$0x60];
	v24 =	vadd.s32 v3, v12  }
0x51: {  	v30 =	vmovc v11;
	v27 =	vld [tilespmem:s20+$0xFFFFFF80];
	v28 =	vmov s8;
	s8 =	sadd.s32 $0x2, s5;
	v29 =	vadd.s32 v0, v26;
	[tilespmem:v21+s25+$0x0] =	vst.idx.msk $0xffff, v25;
	v16 =	vadd.f32 v16, v4;
	s5 =	smov.u32 s6  }
0x52: {  	v12 =	vmovc v8;
	v21 =	vld [tilespmem:s20+$0xFFFFFFC0];
	v11 =	vmov s8;
	[tilespmem:v14+s25+$0x0] =	vst.idx.msk $0xffff, v17;
	v14 =	vadd.s32 v2, v7;
	v15 =	vadd.f32 v15, v4  }
0x53: {  	v17 =	vadd.s32 v0, v13;
	v28 =	vand.u32 $0x7D, v28;
	v25 =	vld [tilespmem:s20+$0x0];
	v31 =	vadd.f32 v18, v4;
	[tilespmem:v19+s25+$0x0] =	vst.idx.msk $0xffff, v16  }
0x54: {  	v16 =	vadd.s32 v0, v28;
	v11 =	vand.u32 $0x7E, v11;
	v18 =	vadd.f32 v23, v9;
	v19 =	vld [tilespmem:s18+$0xFFFFFFE0];
	[tilespmem:v20+s25+$0x0] =	vst.idx.msk $0xffff, v15  }
0x55: {  	v8 =	vmov v13;
	v15 =	vadd.s32 v0, v11;
	v20 =	vld [tilespmem:s18+$0x20];
	v22 =	vadd.f32 v22, v5;
	[tilespmem:v24+s25+$0x0] =	vst.idx.msk $0xffff, v31  }
0x56: {  	v23 =	vadd.s32 v2, v10;
	v13 =	vadd.f32 v27, v9;
	[tilespmem:v29+s25+$0x0] =	vst.idx.msk $0xffff, v18;
	v18 =	vld [tilespmem:s18+$0xFFFFFFA0]  }
0x57: {  	v27 =	vadd.s32 v2, v30;
	v21 =	vadd.f32 v21, v9;
	v24 =	vld [tilespmem:s20+$0x50];
	[tilespmem:v14+s25+$0x0] =	vst.idx.msk $0xffff, v22  }
0x58: {  	[tilespmem:v17+s25+$0x0] =	vst.idx.msk $0xffff, v13;
	v13 =	vadd.f32 v25, v9;
	v25 =	vadd.s32 v2, v12;
	v29 =	vld [tilespmem:s18+$0x70]  }
0x59: {  	v32 =	vadd.s32 v1, v26;
	v31 =	vld [tilespmem:s20+$0xFFFFFF90];
	[tilespmem:v16+s25+$0x0] =	vst.idx.msk $0xffff, v21;
	v14 =	vadd.f32 v19, v5  }
0x5a: {  	v34 =	vadd.s32 v3, v7;
	v7 =	vmov v26;
	v33 =	vld [tilespmem:s20+$0xFFFFFFD0];
	[tilespmem:v15+s25+$0x0] =	vst.idx.msk $0xffff, v13;
	v13 =	vadd.f32 v20, v5  }
.Ltmp0:
0x5b: {  	v22 =	vadd.s32 v1, v8;
	v17 =	vld [tilespmem:s20+$0x10];
	v15 =	vadd.f32 v18, v5;
	[tilespmem:v23+s25+$0x0] =	vst.idx.msk $0xffff, v14;
	(pc) =	sbr.rel @p1 .LBB2_3-.Ltmp0, $4  }
0x5c: {  	v21 =	vadd.s32 v1, v28;
	v18 =	vadd.f32 v24, v6;
	v16 =	vld [tilespmem:s18+$0xFFFFFFF0];
	[tilespmem:v27+s25+$0x0] =	vst.idx.msk $0xffff, v13  }
0x5d: {  	v14 =	vadd.s32 v1, v11;
	v13 =	vmov s6;
	[tilespmem:v25+s25+$0x0] =	vst.idx.msk $0xffff, v15;
	v15 =	vld [tilespmem:s18+$0x30];
	v27 =	vadd.f32 v29, v4  }
0x5e: {  	s8 =	sadd.s32 $0x3, s6;
	v19 =	vadd.s32 v3, v10;
	v13 =	vand.u32 $0x7C, v13;
	v24 =	vadd.f32 v31, v6;
	[tilespmem:v32+s25+$0x0] =	vst.idx.msk $0xffff, v18;
	v18 =	vld [tilespmem:s18+$0xFFFFFFB0];
	s18 =	smov.u32 s20;
	s20 =	sadd.s32 $0x100, s20  }
0x5f: {  	v26 =	vmov s8;
	v10 =	vmovc v28;
	v20 =	vadd.s32 v3, v30;
	s6 =	sadd.s32 $0x4, s6;
	v23 =	vld [tilespmem:s20+$0x40];
	v25 =	vadd.f32 v33, v6;
	[tilespmem:v34+s25+$0x0] =	vst.idx.msk $0xffff, v27  }
0x60: {  	s6 =	sadd.s32 $0x1, s5  }
0x61: {  	v26 =	vand.u32 $0x7F, v26;
	v28 =	vld [tilespmem:s20+$0xFFFFFFC0];
	v27 =	vmov s6;
	s6 =	sadd.s32 $0x2, s5  }
0x62: {  	v31 =	vld [tilespmem:s20+$0x0];
	v29 =	vadd.s32 v0, v26;
	v30 =	vmov s6;
	v27 =	vand.u32 $0x7D, v27  }
0x63: {  	v32 =	vld [tilespmem:s20+$0xFFFFFF80];
	v33 =	vadd.s32 v0, v27;
	v30 =	vand.u32 $0x7E, v30  }
0x64: {  	v34 =	vadd.s32 v0, v30  }
0x65: {  	[tilespmem:v22+s25+$0x0] =	vst.idx.msk $0xffff, v24;
	v44 =	vadd.s32 v0, v13;
	v23 =	vadd.f32 v23, v9  }
0x66: {  	[tilespmem:v21+s25+$0x0] =	vst.idx.msk $0xffff, v25;
	v45 =	vadd.f32 v28, v9  }
0x67: {  	v46 =	vadd.f32 v31, v9;
	[tilespmem:v29+s25+$0x0] =	vst.idx.msk $0xffff, v23  }
0x68: {  	v47 =	vadd.f32 v32, v9;
	v48 =	vld [tilespmem:s20+$0x50];
	[tilespmem:v33+s25+$0x0] =	vst.idx.msk $0xffff, v45  }
0x69: {  	v17 =	vadd.f32 v17, v6;
	v12 =	vadd.s32 v3, v12;
	v21 =	vld [tilespmem:s20+$0xFFFFFFD0];
	[tilespmem:v34+s25+$0x0] =	vst.idx.msk $0xffff, v46  }
0x6a: {  	v16 =	vadd.f32 v16, v4;
	v49 =	vadd.s32 v1, v26;
	[tilespmem:v44+s25+$0x0] =	vst.idx.msk $0xffff, v47;
	v50 =	vld [tilespmem:s20+$0x10]  }
0x6b: {  	[tilespmem:v14+s25+$0x0] =	vst.idx.msk $0xffff, v17;
	v51 =	vadd.f32 v15, v4;
	v53 =	vadd.s32 v1, v27;
	v52 =	vld [tilespmem:s20+$0xFFFFFF90]  }
0x6c: {  	v54 =	vld [tilespmem:s18+$0x60];
	v18 =	vadd.f32 v18, v4;
	[tilespmem:v19+s25+$0x0] =	vst.idx.msk $0xffff, v16;
	v55 =	vadd.s32 v1, v30  }
0x6d: {  	v57 =	vadd.s32 v1, v13;
	v60 =	vld [tilespmem:s18+$0x20];
	[tilespmem:v20+s25+$0x0] =	vst.idx.msk $0xffff, v51;
	v58 =	vadd.f32 v48, v6  }
0x6e: {  	v59 =	vadd.s32 v2, v7;
	v56 =	vld [tilespmem:s18+$0xFFFFFFE0];
	[tilespmem:v12+s25+$0x0] =	vst.idx.msk $0xffff, v18;
	v61 =	vadd.f32 v21, v6  }
0x6f: {  	v62 =	vld [tilespmem:s18+$0xFFFFFFA0];
	v29 =	vadd.s32 v2, v11;
	[tilespmem:v49+s25+$0x0] =	vst.idx.msk $0xffff, v58;
	v28 =	vadd.f32 v50, v6  }
0x70: {  	v63 =	vadd.s32 v2, v10;
	v31 =	vadd.f32 v52, v6;
	v32 =	vld [tilespmem:s20+$0x60];
	[tilespmem:v53+s25+$0x0] =	vst.idx.msk $0xffff, v61  }
0x71: {  	v33 =	vadd.f32 v54, v5;
	v34 =	vadd.s32 v2, v8;
	[tilespmem:v55+s25+$0x0] =	vst.idx.msk $0xffff, v28;
	v35 =	vld [tilespmem:s20+$0xFFFFFFE0]  }
0x72: {  	v37 =	vadd.s32 v2, v26;
	v39 =	vadd.f32 v60, v5;
	[tilespmem:v57+s25+$0x0] =	vst.idx.msk $0xffff, v31;
	v38 =	vld [tilespmem:s20+$0x20]  }
0x73: {  	v41 =	vadd.s32 v2, v27;
	v36 =	vadd.f32 v56, v5;
	[tilespmem:v59+s25+$0x0] =	vst.idx.msk $0xffff, v33;
	v40 =	vld [tilespmem:s20+$0xFFFFFFA0]  }
0x74: {  	v43 =	vadd.s32 v2, v30;
	v18 =	vadd.f32 v62, v5;
	v42 =	vld [tilespmem:s18+$0x70];
	[tilespmem:v29+s25+$0x0] =	vst.idx.msk $0xffff, v39  }
0x75: {  	v45 =	vadd.s32 v2, v13;
	[tilespmem:v63+s25+$0x0] =	vst.idx.msk $0xffff, v36;
	v47 =	vld [tilespmem:s18+$0x30];
	v44 =	vadd.f32 v32, v5  }
0x76: {  	v46 =	vadd.s32 v3, v7;
	v21 =	vld [tilespmem:s18+$0xFFFFFFF0];
	[tilespmem:v34+s25+$0x0] =	vst.idx.msk $0xffff, v18;
	v9 =	vadd.f32 v35, v5  }
0x77: {  	v18 =	vld [tilespmem:s18+$0xFFFFFFB0];
	v50 =	vadd.s32 v3, v11;
	[tilespmem:v37+s25+$0x0] =	vst.idx.msk $0xffff, v44;
	v49 =	vadd.f32 v38, v5  }
0x78: {  	v48 =	vadd.s32 v3, v10;
	v12 =	vld [tilespmem:s20+$0x70];
	v5 =	vadd.f32 v40, v5;
	[tilespmem:v41+s25+$0x0] =	vst.idx.msk $0xffff, v9  }
0x79: {  	v52 =	vadd.s32 v3, v8;
	v51 =	vadd.f32 v42, v4;
	v53 =	vld [tilespmem:s20+$0xFFFFFFF0];
	[tilespmem:v43+s25+$0x0] =	vst.idx.msk $0xffff, v49  }
0x7a: {  	v55 =	vadd.s32 v3, v26;
	v56 =	vadd.f32 v47, v4;
	[tilespmem:v45+s25+$0x0] =	vst.idx.msk $0xffff, v5;
	v5 =	vld [tilespmem:s20+$0x30]  }
0x7b: {  	v58 =	vadd.s32 v3, v27;
	[tilespmem:v46+s25+$0x0] =	vst.idx.msk $0xffff, v51;
	v54 =	vadd.f32 v21, v4;
	v57 =	vld [tilespmem:s20+$0xFFFFFFB0]  }
0x7c: {  	v60 =	vadd.s32 v3, v30;
	v59 =	vadd.f32 v18, v4;
	[tilespmem:v50+s25+$0x0] =	vst.idx.msk $0xffff, v56  }
0x7d: {  	v62 =	vadd.s32 v3, v13;
	[tilespmem:v48+s25+$0x0] =	vst.idx.msk $0xffff, v54;
	v61 =	vadd.f32 v12, v4  }
0x7e: {  	[tilespmem:v52+s25+$0x0] =	vst.idx.msk $0xffff, v59;
	v63 =	vadd.f32 v53, v4  }
0x7f: {  	s8 =	sshll.u32 s16, $0x15;
	[tilespmem:v55+s25+$0x0] =	vst.idx.msk $0xffff, v61;
	v5 =	vadd.f32 v5, v4  }
0x80: {  	s5 =	sor.u32 s7, s8;
	v4 =	vadd.f32 v57, v4;
	[tilespmem:v58+s25+$0x0] =	vst.idx.msk $0xffff, v63  }
0x81: {  	s5 =	sshrl.u32 s5, $0x3;
	[tilespmem:v60+s25+$0x0] =	vst.idx.msk $0xffff, v5  }
0x82: {  	s11 =	simm.s32 $0x19600;
	s6 =	sadd.s32 s2, s5;
	[tilespmem:v62+s25+$0x0] =	vst.idx.msk $0xffff, v4  }
0x83: {  	[hbm4b:s6+s3] =	stream.linear.scatter [tilespmem:s11], [sflag:$0x9], $0x80, $0x38;
	[tilespmem:$0x1DA00] =	vst v63  }
0x84: {  	s15 =	simm.s32 $0x19688;
	s8 =	sadd.s32 $0x10, s6  }
0x85: {  	[hbm4b:s8+s3] =	stream.linear.scatter [tilespmem:s15], [sflag:$0x9], $0x80, $0x38;
	[tilespmem:$0x1DA00] =	vst v63  }
0x86: {  	s21 =	simm.s32 $0x19798;
	s18 =	simm.s32 $0x19710;
	s20 =	sadd.s32 $0x20, s6  }
0x87: {  	[hbm4b:s20+s3] =	stream.linear.scatter [tilespmem:s18], [sflag:$0x9], $0x80, $0x38;
	[tilespmem:$0x1DA00] =	vst v63  }
0x88: {  	s5 =	simm.s32 $0x440;
	s22 =	sadd.s32 $0x30, s6;
	s11 =	simm.s32 $0x19820  }
0x89: {  	[hbm4b:s22+s3] =	stream.linear.scatter [tilespmem:s21], [sflag:$0x9], $0x80, $0x38;
	[tilespmem:$0x1DA00] =	vst v63  }
0x8a: {  	s15 =	sadd.s32 $0x40, s6;
	s8 =	simm.s32 $0x2200;
	s18 =	simm.s32 $0x198A8  }
0x8b: {  	[hbm4b:s15+s3] =	stream.linear.scatter [tilespmem:s11], [sflag:$0x9], $0x80, $0x38;
	[tilespmem:$0x1DA00] =	vst v63  }
0x8c: {  	s20 =	sadd.s32 $0x50, s6;
	s21 =	simm.s32 $0x19930;
	s22 =	sadd.s32 $0x60, s6  }
0x8d: {  	[hbm4b:s20+s3] =	stream.linear.scatter [tilespmem:s18], [sflag:$0x9], $0x80, $0x38;
	[tilespmem:$0x1DA00] =	vst v63  }
0x8e: {  	s18 =	simm.s32 $0x199B8;
	s20 =	sadd.s32 $0x70, s6;
	s6 =	sadd.s32 $0x1000, s6  }
0x8f: {  	[hbm4b:s22+s3] =	stream.linear.scatter [tilespmem:s21], [sflag:$0x9], $0x80, $0x38;
	[tilespmem:$0x1DA00] =	vst v63  }
.LBB2_5:
0x90: {  	[hbm4b:s20+s3] =	stream.linear.scatter [tilespmem:s18], [sflag:$0x9], $0x80, $0x38;
	[tilespmem:$0x1DA00] =	vst v63  }
0x91: {  	s18 =	smov.u32 s5;
	s5 =	smov.u32 s8  }
0x92: {  	s21 =	sadd.s32 $0x1100, s8;
	s5 =	sshra.s32 s5, $0x2;
	s20 =	sadd.s32 $0x19600, s18  }
0x93: {  	[hbm4b:s6+s3] =	stream.linear.scatter [tilespmem:s20], [sflag:$0x9], $0x80, $0x38;
	[tilespmem:$0x1DA00] =	vst v63  }
0x94: {  	p1 =	sne.s32 s8, $0x7700;
	s8 =	sadd.s32 $0x19688, s18;
	s20 =	sadd.s32 $0x10, s6  }
0x95: {  	[hbm4b:s20+s3] =	stream.linear.scatter [tilespmem:s8], [sflag:$0x9], $0x80, $0x38;
	[tilespmem:$0x1DA00] =	vst v63  }
0x96: {  	s8 =	sadd.s32 $0x19710, s18;
	s20 =	sadd.s32 $0x20, s6  }
0x97: {  	[hbm4b:s20+s3] =	stream.linear.scatter [tilespmem:s8], [sflag:$0x9], $0x80, $0x38;
	[tilespmem:$0x1DA00] =	vst v63  }
0x98: {  	s8 =	sadd.s32 $0x19798, s18;
	s20 =	sadd.s32 $0x30, s6  }
0x99: {  	[hbm4b:s20+s3] =	stream.linear.scatter [tilespmem:s8], [sflag:$0x9], $0x80, $0x38;
	[tilespmem:$0x1DA00] =	vst v63  }
0x9a: {  	s8 =	sadd.s32 $0x19820, s18;
	s20 =	sadd.s32 $0x40, s6  }
0x9b: {  	[hbm4b:s20+s3] =	stream.linear.scatter [tilespmem:s8], [sflag:$0x9], $0x80, $0x38;
	[tilespmem:$0x1DA00] =	vst v63  }
.Ltmp1:
0x9c: {  	s8 =	sadd.s32 $0x198A8, s18;
	s20 =	sadd.s32 $0x50, s6;
	(pc) =	sbr.rel @p1 .LBB2_5-.Ltmp1, $4  }
0x9d: {  	[hbm4b:s20+s3] =	stream.linear.scatter [tilespmem:s8], [sflag:$0x9], $0x80, $0x38;
	[tilespmem:$0x1DA00] =	vst v63  }
0x9e: {  	s8 =	sadd.s32 $0x19930, s18;
	s20 =	sadd.s32 $0x60, s6;
	s18 =	sadd.s32 $0x199B8, s18  }
0x9f: {  	[hbm4b:s20+s3] =	stream.linear.scatter [tilespmem:s8], [sflag:$0x9], $0x80, $0x38;
	[tilespmem:$0x1DA00] =	vst v63  }
0xa0: {  	s20 =	sadd.s32 $0x70, s6;
	s6 =	sadd.s32 $0x1000, s6;
	s8 =	smov.u32 s21  }
0xa1: {  	[hbm4b:s20+s3] =	stream.linear.scatter [tilespmem:s18], [sflag:$0x9], $0x80, $0x38;
	[tilespmem:$0x1DA00] =	vst v63  }
0xa2: {  	s8 =	sadd.s32 $0x19600, s5  }
0xa3: {  	[hbm4b:s6+s3] =	stream.linear.scatter [tilespmem:s8], [sflag:$0x9], $0x80, $0x38;
	[tilespmem:$0x1DA00] =	vst v63  }
0xa4: {  	s21 =	sadd.s32 $0x19688, s5;
	s22 =	sadd.s32 $0x10, s6  }
0xa5: {  	[hbm4b:s22+s3] =	stream.linear.scatter [tilespmem:s21], [sflag:$0x9], $0x80, $0x38;
	[tilespmem:$0x1DA00] =	vst v63  }
0xa6: {  	s11 =	sadd.s32 $0x19710, s5;
	s15 =	sadd.s32 $0x20, s6  }
0xa7: {  	[hbm4b:s15+s3] =	stream.linear.scatter [tilespmem:s11], [sflag:$0x9], $0x80, $0x38;
	[tilespmem:$0x1DA00] =	vst v63  }
0xa8: {  	s18 =	sadd.s32 $0x19798, s5;
	s20 =	sadd.s32 $0x30, s6  }
0xa9: {  	[hbm4b:s20+s3] =	stream.linear.scatter [tilespmem:s18], [sflag:$0x9], $0x80, $0x38;
	[tilespmem:$0x1DA00] =	vst v63  }
0xaa: {  	s21 =	sadd.s32 $0x19820, s5;
	s22 =	sadd.s32 $0x40, s6  }
0xab: {  	[hbm4b:s22+s3] =	stream.linear.scatter [tilespmem:s21], [sflag:$0x9], $0x80, $0x38;
	[tilespmem:$0x1DA00] =	vst v63  }
0xac: {  	s11 =	sadd.s32 $0x198A8, s5;
	s15 =	sadd.s32 $0x50, s6  }
0xad: {  	[hbm4b:s15+s3] =	stream.linear.scatter [tilespmem:s11], [sflag:$0x9], $0x80, $0x38;
	[tilespmem:$0x1DA00] =	vst v63  }
0xae: {  	s18 =	sadd.s32 $0x19930, s5;
	s20 =	sadd.s32 $0x60, s6  }
0xaf: {  	[hbm4b:s20+s3] =	stream.linear.scatter [tilespmem:s18], [sflag:$0x9], $0x80, $0x38;
	[tilespmem:$0x1DA00] =	vst v63  }
0xb0: {  	s18 =	sor.u32 $0x7, s19  }
0xb1: {  	s21 =	sadd.s32 $0x199B8, s5;
	s22 =	sadd.s32 $0x70, s6;
	s8 =	sshll.u32 s18, $0x7  }
0xb2: {  	[hbm4b:s22+s3] =	stream.linear.scatter [tilespmem:s21], [sflag:$0x9], $0x80, $0x38;
	[tilespmem:$0x1DA00] =	vst v63  }
0xb3: {  	s5 =	sand.u32 $0x3FFFFF80, s8  }
0xb4: {  	[tilespmem:s26], [sflag:$0x8] =	stream.indirect.gather [hbm4b:s4+s9], $0x40, s5, s9, $0xb8;
	[tilespmem:$0x1DA00] =	vst v63  }
0xb5: {  	_ =	swait.ge [sflag:s28], $0x2000  }
0xb6: {  	[sflag:s28] =	ssyncset.done $0x0  }
0xb7: {  	s5 =	simm.s32 @!p0 $0xA;
	[sflag:s28] =	ssyncadd.s32 $0xFFFFE000  }
0xb8: {  	s20 =	sor.u32 $0x1, s19;
	_ =	swait.ge @!p0 [sflag:s5], $0x2000  }
0xb9: {  	s11 =	sshll.u32 s20, $0x6;
	[sflag:s5] =	ssyncset.done @!p0 $0x0  }
0xba: {  	s15 =	sand.u32 $0x3FFFFFC0, s11;
	[sflag:s5] =	ssyncadd.s32 @!p0 $0xFFFFE000  }
0xbb: {  	s6 =	simm.s32 $0xB6F0;
	s21 =	simm.s32 $0x3;
	v9 =	vld [tilespmem:s15+$0x6400]  }
0xbc: {  	v4 =	vmov s21;
	v7 =	vld [tilespmem:s6+$0xFFFFFFD0]  }
0xbd: {  	v13 =	vand.u32 $0x7F, v4  }
0xbe: {  	s22 =	simm.s32 $0x0;
	v8 =	vadd.s32 v0, v13;
	v6 =	vld [tilespmem:s15+$0x6410]  }
0xbf: {  	s11 =	simm.s32 $0x1;
	s21 =	simm.s32 $0x2;
	v4 =	vmov s22;
	v10 =	vld [tilespmem:s6+$0xFFFFFF10]  }
0xc0: {  	v14 =	vmov s21;
	v12 =	vand.u32 $0x7C, v4;
	v4 =	vmov s11;
	v11 =	vld [tilespmem:s6+$0xFFFFFF50]  }
0xc1: {  	v15 =	vadd.s32 v0, v12;
	v19 =	vand.u32 $0x7D, v4;
	v16 =	vld [tilespmem:s6+$0xFFFFFF90];
	v7 =	vadd.f32 v7, v9  }
0xc2: {  	v20 =	vand.u32 $0x7E, v14;
	v17 =	vadd.s32 v0, v19;
	v5 =	vld [tilespmem:s15+$0x6420]  }
0xc3: {  	v14 =	vadd.s32 v0, v20;
	v4 =	vld [tilespmem:s15+$0x6430];
	[tilespmem:v8+s29+$0x0] =	vst.idx.msk $0xffff, v7  }
0xc4: {  	v7 =	vadd.f32 v10, v9;
	v8 =	vld [tilespmem:s6+$0xFFFFFFE0]  }
0xc5: {  	v10 =	vadd.f32 v11, v9  }
0xc6: {  	v11 =	vadd.s32 v1, v13;
	[tilespmem:v15+s29+$0x0] =	vst.idx.msk $0xffff, v7;
	v7 =	vadd.f32 v16, v9  }
0xc7: {  	[tilespmem:v17+s29+$0x0] =	vst.idx.msk $0xffff, v10;
	v15 =	vld [tilespmem:s6+$0xFFFFFF20]  }
0xc8: {  	v10 =	vld [tilespmem:s6+$0xFFFFFF60];
	[tilespmem:v14+s29+$0x0] =	vst.idx.msk $0xffff, v7  }
0xc9: {  	v14 =	vld [tilespmem:s6+$0xFFFFFFA0];
	v7 =	vadd.f32 v8, v6  }
0xca: {  	s22 =	simm.s32 $0x7;
	s21 =	simm.s32 $0xB7F0;
	v16 =	vadd.s32 v1, v19  }
0xcb: {  	v26 =	vadd.s32 v2, v13;
	s15 =	simm.s32 $0x4;
	v18 =	vld [tilespmem:s21+$0xFFFFFFD0];
	v17 =	vadd.s32 v1, v20;
	[tilespmem:v11+s29+$0x0] =	vst.idx.msk $0xffff, v7;
	v7 =	vmov s22  }
0xcc: {  	v21 =	vadd.s32 v1, v12;
	v8 =	vmov s15;
	v7 =	vand.u32 $0x7F, v7;
	v22 =	vld [tilespmem:s6+$0xFFFFFFF0]  }
0xcd: {  	s8 =	simm.s32 $0x5;
	v23 =	vld [tilespmem:s21+$0xFFFFFF10];
	v8 =	vand.u32 $0x7C, v8;
	v10 =	vadd.f32 v10, v6;
	v24 =	vadd.s32 v0, v7  }
0xce: {  	s11 =	simm.s32 $0x6;
	v25 =	vld [tilespmem:s21+$0xFFFFFF50];
	v15 =	vadd.f32 v15, v6;
	v11 =	vadd.f32 v14, v6;
	v14 =	vmov s8  }
0xcf: {  	v27 =	vadd.s32 v0, v8;
	[tilespmem:v16+s29+$0x0] =	vst.idx.msk $0xffff, v10;
	v16 =	vmov s11;
	v10 =	vand.u32 $0x7D, v14;
	v14 =	vld [tilespmem:s21+$0xFFFFFF90]  }
0xd0: {  	[tilespmem:v17+s29+$0x0] =	vst.idx.msk $0xffff, v11;
	v17 =	vadd.s32 v0, v10;
	v11 =	vand.u32 $0x7E, v16;
	v16 =	vadd.f32 v18, v9;
	v18 =	vld [tilespmem:s6+$0xFFFFFF70]  }
0xd1: {  	[tilespmem:v21+s29+$0x0] =	vst.idx.msk $0xffff, v15;
	v15 =	vadd.s32 v0, v11;
	v21 =	vld [tilespmem:s6+$0xFFFFFFB0];
	v22 =	vadd.f32 v22, v5  }
0xd2: {  	v23 =	vadd.f32 v23, v9;
	[tilespmem:v24+s29+$0x0] =	vst.idx.msk $0xffff, v16;
	v16 =	vld [tilespmem:s6+$0xFFFFFF30];
	v24 =	vadd.s32 v2, v19  }
0xd3: {  	v29 =	vadd.s32 v2, v20;
	v25 =	vadd.f32 v25, v9;
	v28 =	vld [tilespmem:s21+$0xFFFFFFE0];
	[tilespmem:v26+s29+$0x0] =	vst.idx.msk $0xffff, v22  }
0xd4: {  	[tilespmem:v27+s29+$0x0] =	vst.idx.msk $0xffff, v23;
	v23 =	vadd.s32 v2, v12;
	v14 =	vadd.f32 v14, v9;
	v26 =	vld [tilespmem:s6+$0x0]  }
0xd5: {  	v27 =	vld [tilespmem:s21+$0xFFFFFF20];
	[tilespmem:v17+s29+$0x0] =	vst.idx.msk $0xffff, v25;
	v25 =	vadd.s32 v1, v7;
	v18 =	vadd.f32 v18, v5  }
0xd6: {  	v31 =	vadd.s32 v3, v13;
	v30 =	vld [tilespmem:s21+$0xFFFFFF60];
	[tilespmem:v15+s29+$0x0] =	vst.idx.msk $0xffff, v14;
	v14 =	vadd.f32 v21, v5  }
0xd7: {  	v22 =	vadd.s32 v1, v8;
	v17 =	vld [tilespmem:s21+$0xFFFFFFA0];
	v13 =	vadd.f32 v16, v5;
	[tilespmem:v24+s29+$0x0] =	vst.idx.msk $0xffff, v18  }
0xd8: {  	s5 =	simm.s32 $0x8;
	v21 =	vadd.s32 v1, v10;
	[tilespmem:v29+s29+$0x0] =	vst.idx.msk $0xffff, v14;
	v18 =	vadd.f32 v28, v6;
	v16 =	vld [tilespmem:s6+$0xFFFFFF80]  }
0xd9: {  	v24 =	vmov s5;
	v14 =	vadd.s32 v1, v11;
	v15 =	vld [tilespmem:s6+$0xFFFFFFC0];
	[tilespmem:v23+s29+$0x0] =	vst.idx.msk $0xffff, v13;
	v63 =	vadd.f32 v26, v4  }
0xda: {  	s15 =	simm.s32 $0xB;
	s22 =	simm.s32 $0xB8F0;
	v19 =	vadd.s32 v3, v19;
	v13 =	vand.u32 $0x7C, v24;
	v24 =	vadd.f32 v27, v6;
	[tilespmem:v25+s29+$0x0] =	vst.idx.msk $0xffff, v18;
	v18 =	vld [tilespmem:s6+$0xFFFFFF40]  }
0xdb: {  	v20 =	vadd.s32 v3, v20;
	v26 =	vmov s15;
	v23 =	vld [tilespmem:s22+$0xFFFFFFD0];
	s6 =	simm.s32 $0xC;
	v25 =	vadd.f32 v30, v6;
	[tilespmem:v31+s29+$0x0] =	vst.idx.msk $0xffff, v63  }
.LBB2_7:
0xdc: {  	p0 =	slt.u32 s6, $0x7C;
	s8 =	sadd.s32 $0x1, s5;
	v26 =	vand.u32 $0x7F, v26;
	[tilespmem:v22+s29+$0x0] =	vst.idx.msk $0xffff, v24;
	v17 =	vadd.f32 v17, v6;
	v22 =	vld [tilespmem:s21+$0xFFFFFFF0];
	v24 =	vadd.s32 v3, v12  }
0xdd: {  	v30 =	vmovc v11;
	v27 =	vld [tilespmem:s22+$0xFFFFFF10];
	v28 =	vmov s8;
	s8 =	sadd.s32 $0x2, s5;
	v29 =	vadd.s32 v0, v26;
	[tilespmem:v21+s29+$0x0] =	vst.idx.msk $0xffff, v25;
	v16 =	vadd.f32 v16, v4;
	s5 =	smov.u32 s6  }
0xde: {  	v12 =	vmovc v8;
	v21 =	vld [tilespmem:s22+$0xFFFFFF50];
	v11 =	vmov s8;
	[tilespmem:v14+s29+$0x0] =	vst.idx.msk $0xffff, v17;
	v14 =	vadd.s32 v2, v7;
	v15 =	vadd.f32 v15, v4  }
0xdf: {  	v17 =	vadd.s32 v0, v13;
	v28 =	vand.u32 $0x7D, v28;
	v25 =	vld [tilespmem:s22+$0xFFFFFF90];
	v31 =	vadd.f32 v18, v4;
	[tilespmem:v19+s29+$0x0] =	vst.idx.msk $0xffff, v16  }
0xe0: {  	v16 =	vadd.s32 v0, v28;
	v11 =	vand.u32 $0x7E, v11;
	v18 =	vadd.f32 v23, v9;
	v19 =	vld [tilespmem:s21+$0xFFFFFF70];
	[tilespmem:v20+s29+$0x0] =	vst.idx.msk $0xffff, v15  }
0xe1: {  	v8 =	vmov v13;
	v15 =	vadd.s32 v0, v11;
	v20 =	vld [tilespmem:s21+$0xFFFFFFB0];
	v22 =	vadd.f32 v22, v5;
	[tilespmem:v24+s29+$0x0] =	vst.idx.msk $0xffff, v31  }
0xe2: {  	v23 =	vadd.s32 v2, v10;
	v13 =	vadd.f32 v27, v9;
	[tilespmem:v29+s29+$0x0] =	vst.idx.msk $0xffff, v18;
	v18 =	vld [tilespmem:s21+$0xFFFFFF30]  }
0xe3: {  	v27 =	vadd.s32 v2, v30;
	v21 =	vadd.f32 v21, v9;
	v24 =	vld [tilespmem:s22+$0xFFFFFFE0];
	[tilespmem:v14+s29+$0x0] =	vst.idx.msk $0xffff, v22  }
0xe4: {  	[tilespmem:v17+s29+$0x0] =	vst.idx.msk $0xffff, v13;
	v13 =	vadd.f32 v25, v9;
	v25 =	vadd.s32 v2, v12;
	v29 =	vld [tilespmem:s21+$0x0]  }
0xe5: {  	v32 =	vadd.s32 v1, v26;
	v31 =	vld [tilespmem:s22+$0xFFFFFF20];
	[tilespmem:v16+s29+$0x0] =	vst.idx.msk $0xffff, v21;
	v14 =	vadd.f32 v19, v5  }
0xe6: {  	v34 =	vadd.s32 v3, v7;
	v7 =	vmov v26;
	v33 =	vld [tilespmem:s22+$0xFFFFFF60];
	[tilespmem:v15+s29+$0x0] =	vst.idx.msk $0xffff, v13;
	v13 =	vadd.f32 v20, v5  }
.Ltmp2:
0xe7: {  	v22 =	vadd.s32 v1, v8;
	v17 =	vld [tilespmem:s22+$0xFFFFFFA0];
	v15 =	vadd.f32 v18, v5;
	[tilespmem:v23+s29+$0x0] =	vst.idx.msk $0xffff, v14;
	(pc) =	sbr.rel @p0 .LBB2_7-.Ltmp2, $4  }
0xe8: {  	v21 =	vadd.s32 v1, v28;
	v18 =	vadd.f32 v24, v6;
	v16 =	vld [tilespmem:s21+$0xFFFFFF80];
	[tilespmem:v27+s29+$0x0] =	vst.idx.msk $0xffff, v13  }
0xe9: {  	v14 =	vadd.s32 v1, v11;
	v13 =	vmov s6;
	[tilespmem:v25+s29+$0x0] =	vst.idx.msk $0xffff, v15;
	v15 =	vld [tilespmem:s21+$0xFFFFFFC0];
	v27 =	vadd.f32 v29, v4  }
0xea: {  	s8 =	sadd.s32 $0x3, s6;
	v19 =	vadd.s32 v3, v10;
	v13 =	vand.u32 $0x7C, v13;
	v24 =	vadd.f32 v31, v6;
	[tilespmem:v32+s29+$0x0] =	vst.idx.msk $0xffff, v18;
	v18 =	vld [tilespmem:s21+$0xFFFFFF40];
	s21 =	smov.u32 s22;
	s22 =	sadd.s32 $0x100, s22  }
0xeb: {  	v26 =	vmov s8;
	v10 =	vmovc v28;
	v20 =	vadd.s32 v3, v30;
	s6 =	sadd.s32 $0x4, s6;
	v23 =	vld [tilespmem:s22+$0xFFFFFFD0];
	v25 =	vadd.f32 v33, v6;
	[tilespmem:v34+s29+$0x0] =	vst.idx.msk $0xffff, v27  }
0xec: {  	s6 =	sadd.s32 $0x1, s5  }
0xed: {  	v26 =	vand.u32 $0x7F, v26;
	s15 =	sadd.s32 $0x2, s5;
	v28 =	vld [tilespmem:s22+$0xFFFFFF50];
	v27 =	vmov s6  }
0xee: {  	v31 =	vld [tilespmem:s22+$0xFFFFFF90];
	v29 =	vadd.s32 v0, v26;
	v30 =	vmov s15;
	v27 =	vand.u32 $0x7D, v27  }
0xef: {  	v32 =	vld [tilespmem:s22+$0xFFFFFF10];
	v30 =	vand.u32 $0x7E, v30;
	v33 =	vadd.s32 v0, v27  }
0xf0: {  	v34 =	vadd.s32 v0, v30  }
0xf1: {  	[tilespmem:v22+s29+$0x0] =	vst.idx.msk $0xffff, v24;
	v44 =	vadd.s32 v0, v13;
	v23 =	vadd.f32 v23, v9  }
0xf2: {  	[tilespmem:v21+s29+$0x0] =	vst.idx.msk $0xffff, v25;
	v45 =	vadd.f32 v28, v9  }
0xf3: {  	v46 =	vadd.f32 v31, v9;
	[tilespmem:v29+s29+$0x0] =	vst.idx.msk $0xffff, v23  }
0xf4: {  	v47 =	vadd.f32 v32, v9;
	v48 =	vld [tilespmem:s22+$0xFFFFFFE0];
	[tilespmem:v33+s29+$0x0] =	vst.idx.msk $0xffff, v45  }
0xf5: {  	v17 =	vadd.f32 v17, v6;
	v12 =	vadd.s32 v3, v12;
	[tilespmem:v34+s29+$0x0] =	vst.idx.msk $0xffff, v46;
	v21 =	vld [tilespmem:s22+$0xFFFFFF60]  }
0xf6: {  	v16 =	vadd.f32 v16, v4;
	v49 =	vadd.s32 v1, v26;
	[tilespmem:v44+s29+$0x0] =	vst.idx.msk $0xffff, v47;
	v50 =	vld [tilespmem:s22+$0xFFFFFFA0]  }
0xf7: {  	[tilespmem:v14+s29+$0x0] =	vst.idx.msk $0xffff, v17;
	v51 =	vadd.f32 v15, v4;
	v53 =	vadd.s32 v1, v27;
	v52 =	vld [tilespmem:s22+$0xFFFFFF20]  }
0xf8: {  	v54 =	vld [tilespmem:s21+$0xFFFFFFF0];
	v18 =	vadd.f32 v18, v4;
	[tilespmem:v19+s29+$0x0] =	vst.idx.msk $0xffff, v16;
	v55 =	vadd.s32 v1, v30  }
0xf9: {  	v57 =	vadd.s32 v1, v13;
	v60 =	vld [tilespmem:s21+$0xFFFFFFB0];
	[tilespmem:v20+s29+$0x0] =	vst.idx.msk $0xffff, v51;
	v58 =	vadd.f32 v48, v6  }
0xfa: {  	v59 =	vadd.s32 v2, v7;
	v56 =	vld [tilespmem:s21+$0xFFFFFF70];
	[tilespmem:v12+s29+$0x0] =	vst.idx.msk $0xffff, v18;
	v61 =	vadd.f32 v21, v6  }
0xfb: {  	v62 =	vld [tilespmem:s21+$0xFFFFFF30];
	v29 =	vadd.s32 v2, v11;
	[tilespmem:v49+s29+$0x0] =	vst.idx.msk $0xffff, v58;
	v28 =	vadd.f32 v50, v6  }
0xfc: {  	v63 =	vadd.s32 v2, v10;
	v31 =	vadd.f32 v52, v6;
	v32 =	vld [tilespmem:s22+$0xFFFFFFF0];
	[tilespmem:v53+s29+$0x0] =	vst.idx.msk $0xffff, v61  }
0xfd: {  	v33 =	vadd.f32 v54, v5;
	v34 =	vadd.s32 v2, v8;
	[tilespmem:v55+s29+$0x0] =	vst.idx.msk $0xffff, v28;
	v35 =	vld [tilespmem:s22+$0xFFFFFF70]  }
0xfe: {  	v37 =	vadd.s32 v2, v26;
	v39 =	vadd.f32 v60, v5;
	[tilespmem:v57+s29+$0x0] =	vst.idx.msk $0xffff, v31;
	v38 =	vld [tilespmem:s22+$0xFFFFFFB0]  }
0xff: {  	v41 =	vadd.s32 v2, v27;
	v36 =	vadd.f32 v56, v5;
	[tilespmem:v59+s29+$0x0] =	vst.idx.msk $0xffff, v33;
	v40 =	vld [tilespmem:s22+$0xFFFFFF30]  }
0x100: {  	v43 =	vadd.s32 v2, v30;
	v18 =	vadd.f32 v62, v5;
	v42 =	vld [tilespmem:s21+$0x0];
	[tilespmem:v29+s29+$0x0] =	vst.idx.msk $0xffff, v39  }
0x101: {  	v45 =	vadd.s32 v2, v13;
	[tilespmem:v63+s29+$0x0] =	vst.idx.msk $0xffff, v36;
	v47 =	vld [tilespmem:s21+$0xFFFFFFC0];
	v44 =	vadd.f32 v32, v5  }
0x102: {  	v46 =	vadd.s32 v3, v7;
	[tilespmem:v34+s29+$0x0] =	vst.idx.msk $0xffff, v18;
	v21 =	vld [tilespmem:s21+$0xFFFFFF80];
	v9 =	vadd.f32 v35, v5  }
0x103: {  	v18 =	vld [tilespmem:s21+$0xFFFFFF40];
	v50 =	vadd.s32 v3, v11;
	[tilespmem:v37+s29+$0x0] =	vst.idx.msk $0xffff, v44;
	v49 =	vadd.f32 v38, v5  }
0x104: {  	v48 =	vadd.s32 v3, v10;
	v5 =	vadd.f32 v40, v5;
	v12 =	vld [tilespmem:s22+$0x0];
	[tilespmem:v41+s29+$0x0] =	vst.idx.msk $0xffff, v9  }
0x105: {  	v52 =	vadd.s32 v3, v8;
	v51 =	vadd.f32 v42, v4;
	[tilespmem:v43+s29+$0x0] =	vst.idx.msk $0xffff, v49;
	v53 =	vld [tilespmem:s22+$0xFFFFFF80]  }
0x106: {  	v55 =	vadd.s32 v3, v26;
	v56 =	vadd.f32 v47, v4;
	[tilespmem:v45+s29+$0x0] =	vst.idx.msk $0xffff, v5;
	v5 =	vld [tilespmem:s22+$0xFFFFFFC0]  }
0x107: {  	v58 =	vadd.s32 v3, v27;
	[tilespmem:v46+s29+$0x0] =	vst.idx.msk $0xffff, v51;
	v54 =	vadd.f32 v21, v4;
	v57 =	vld [tilespmem:s22+$0xFFFFFF40]  }
0x108: {  	v60 =	vadd.s32 v3, v30;
	v59 =	vadd.f32 v18, v4;
	[tilespmem:v50+s29+$0x0] =	vst.idx.msk $0xffff, v56  }
0x109: {  	v62 =	vadd.s32 v3, v13;
	[tilespmem:v48+s29+$0x0] =	vst.idx.msk $0xffff, v54;
	v61 =	vadd.f32 v12, v4  }
0x10a: {  	[tilespmem:v52+s29+$0x0] =	vst.idx.msk $0xffff, v59;
	v63 =	vadd.f32 v53, v4  }
0x10b: {  	s6 =	sshll.u32 s20, $0x12;
	[tilespmem:v55+s29+$0x0] =	vst.idx.msk $0xffff, v61;
	v5 =	vadd.f32 v5, v4  }
0x10c: {  	s5 =	sor.u32 s7, s6;
	v4 =	vadd.f32 v57, v4;
	[tilespmem:v58+s29+$0x0] =	vst.idx.msk $0xffff, v63  }
0x10d: {  	s5 =	sshrl.u32 s5, $0x3;
	[tilespmem:v60+s29+$0x0] =	vst.idx.msk $0xffff, v5  }
0x10e: {  	s8 =	simm.s32 $0x1B800;
	s6 =	sadd.s32 s2, s5;
	[tilespmem:v62+s29+$0x0] =	vst.idx.msk $0xffff, v4  }
0x10f: {  	[hbm4b:s6+s3] =	stream.linear.scatter [tilespmem:s8], [sflag:$0xA], $0x80, $0x38;
	[tilespmem:$0x1DA00] =	vst v63  }
0x110: {  	s11 =	simm.s32 $0x1B888;
	s8 =	sadd.s32 $0x10, s6  }
0x111: {  	[hbm4b:s8+s3] =	stream.linear.scatter [tilespmem:s11], [sflag:$0xA], $0x80, $0x38;
	[tilespmem:$0x1DA00] =	vst v63  }
0x112: {  	s15 =	simm.s32 $0x1B910;
	s20 =	sadd.s32 $0x20, s6  }
0x113: {  	[hbm4b:s20+s3] =	stream.linear.scatter [tilespmem:s15], [sflag:$0xA], $0x80, $0x38;
	[tilespmem:$0x1DA00] =	vst v63  }
0x114: {  	s21 =	simm.s32 $0x1B998;
	s22 =	sadd.s32 $0x30, s6  }
0x115: {  	[hbm4b:s22+s3] =	stream.linear.scatter [tilespmem:s21], [sflag:$0xA], $0x80, $0x38;
	[tilespmem:$0x1DA00] =	vst v63  }
0x116: {  	s8 =	simm.s32 $0x1BA20;
	s11 =	sadd.s32 $0x40, s6  }
0x117: {  	[hbm4b:s11+s3] =	stream.linear.scatter [tilespmem:s8], [sflag:$0xA], $0x80, $0x38;
	[tilespmem:$0x1DA00] =	vst v63  }
0x118: {  	s5 =	simm.s32 $0x440;
	s15 =	simm.s32 $0x1BAA8;
	s20 =	sadd.s32 $0x50, s6  }
0x119: {  	[hbm4b:s20+s3] =	stream.linear.scatter [tilespmem:s15], [sflag:$0xA], $0x80, $0x38;
	[tilespmem:$0x1DA00] =	vst v63  }
0x11a: {  	s21 =	simm.s32 $0x1BB30;
	s22 =	sadd.s32 $0x60, s6;
	s8 =	simm.s32 $0x2200  }
0x11b: {  	[hbm4b:s22+s3] =	stream.linear.scatter [tilespmem:s21], [sflag:$0xA], $0x80, $0x38;
	[tilespmem:$0x1DA00] =	vst v63  }
0x11c: {  	s20 =	simm.s32 $0x1BBB8;
	s21 =	sadd.s32 $0x70, s6;
	s6 =	sadd.s32 $0x1000, s6  }
.LBB2_9:
0x11d: {  	[hbm4b:s21+s3] =	stream.linear.scatter [tilespmem:s20], [sflag:$0xA], $0x80, $0x38;
	[tilespmem:$0x1DA00] =	vst v63  }
0x11e: {  	s20 =	smov.u32 s5;
	s5 =	smov.u32 s8  }
0x11f: {  	s22 =	sadd.s32 $0x1100, s8;
	s5 =	sshra.s32 s5, $0x2;
	s21 =	sadd.s32 $0x1B800, s20  }
0x120: {  	[hbm4b:s6+s3] =	stream.linear.scatter [tilespmem:s21], [sflag:$0xA], $0x80, $0x38;
	[tilespmem:$0x1DA00] =	vst v63  }
0x121: {  	p0 =	sne.s32 s8, $0x7700;
	s8 =	sadd.s32 $0x1B888, s20;
	s21 =	sadd.s32 $0x10, s6  }
0x122: {  	[hbm4b:s21+s3] =	stream.linear.scatter [tilespmem:s8], [sflag:$0xA], $0x80, $0x38;
	[tilespmem:$0x1DA00] =	vst v63  }
0x123: {  	s8 =	sadd.s32 $0x1B910, s20;
	s21 =	sadd.s32 $0x20, s6  }
0x124: {  	[hbm4b:s21+s3] =	stream.linear.scatter [tilespmem:s8], [sflag:$0xA], $0x80, $0x38;
	[tilespmem:$0x1DA00] =	vst v63  }
0x125: {  	s8 =	sadd.s32 $0x1B998, s20;
	s21 =	sadd.s32 $0x30, s6  }
0x126: {  	[hbm4b:s21+s3] =	stream.linear.scatter [tilespmem:s8], [sflag:$0xA], $0x80, $0x38;
	[tilespmem:$0x1DA00] =	vst v63  }
0x127: {  	s8 =	sadd.s32 $0x1BA20, s20;
	s21 =	sadd.s32 $0x40, s6  }
0x128: {  	[hbm4b:s21+s3] =	stream.linear.scatter [tilespmem:s8], [sflag:$0xA], $0x80, $0x38;
	[tilespmem:$0x1DA00] =	vst v63  }
.Ltmp3:
0x129: {  	s8 =	sadd.s32 $0x1BAA8, s20;
	s21 =	sadd.s32 $0x50, s6;
	(pc) =	sbr.rel @p0 .LBB2_9-.Ltmp3, $4  }
0x12a: {  	[hbm4b:s21+s3] =	stream.linear.scatter [tilespmem:s8], [sflag:$0xA], $0x80, $0x38;
	[tilespmem:$0x1DA00] =	vst v63  }
0x12b: {  	s8 =	sadd.s32 $0x1BB30, s20;
	s21 =	sadd.s32 $0x60, s6;
	s20 =	sadd.s32 $0x1BBB8, s20  }
0x12c: {  	[hbm4b:s21+s3] =	stream.linear.scatter [tilespmem:s8], [sflag:$0xA], $0x80, $0x38;
	[tilespmem:$0x1DA00] =	vst v63  }
0x12d: {  	s21 =	sadd.s32 $0x70, s6;
	s6 =	sadd.s32 $0x1000, s6;
	s8 =	smov.u32 s22  }
0x12e: {  	[hbm4b:s21+s3] =	stream.linear.scatter [tilespmem:s20], [sflag:$0xA], $0x80, $0x38;
	[tilespmem:$0x1DA00] =	vst v63  }
0x12f: {  	s8 =	sadd.s32 $0x1B800, s5  }
0x130: {  	[hbm4b:s6+s3] =	stream.linear.scatter [tilespmem:s8], [sflag:$0xA], $0x80, $0x38;
	[tilespmem:$0x1DA00] =	vst v63  }
0x131: {  	s11 =	sadd.s32 $0x1B888, s5;
	s15 =	sadd.s32 $0x10, s6  }
0x132: {  	[hbm4b:s15+s3] =	stream.linear.scatter [tilespmem:s11], [sflag:$0xA], $0x80, $0x38;
	[tilespmem:$0x1DA00] =	vst v63  }
0x133: {  	s21 =	sadd.s32 $0x1B910, s5;
	s22 =	sadd.s32 $0x20, s6  }
0x134: {  	[hbm4b:s22+s3] =	stream.linear.scatter [tilespmem:s21], [sflag:$0xA], $0x80, $0x38;
	[tilespmem:$0x1DA00] =	vst v63  }
0x135: {  	s11 =	sadd.s32 $0x1B998, s5;
	s15 =	sadd.s32 $0x30, s6  }
0x136: {  	[hbm4b:s15+s3] =	stream.linear.scatter [tilespmem:s11], [sflag:$0xA], $0x80, $0x38;
	[tilespmem:$0x1DA00] =	vst v63  }
0x137: {  	p0 =	seq.s32 s16, $0x18;
	s21 =	sadd.s32 $0x1BA20, s5;
	s22 =	sadd.s32 $0x40, s6  }
0x138: {  	[hbm4b:s22+s3] =	stream.linear.scatter [tilespmem:s21], [sflag:$0xA], $0x80, $0x38;
	[tilespmem:$0x1DA00] =	vst v63  }
0x139: {  	s8 =	sadd.s32 $0x1BBB8, s5;
	s11 =	sadd.s32 $0x1BAA8, s5;
	s15 =	sadd.s32 $0x50, s6  }
0x13a: {  	[hbm4b:s15+s3] =	stream.linear.scatter [tilespmem:s11], [sflag:$0xA], $0x80, $0x38;
	[tilespmem:$0x1DA00] =	vst v63  }
0x13b: {  	s21 =	sadd.s32 $0x1BB30, s5;
	s22 =	sadd.s32 $0x60, s6;
	s5 =	sshll.u32 @!p0 s16, $0xA  }
0x13c: {  	[hbm4b:s22+s3] =	stream.linear.scatter [tilespmem:s21], [sflag:$0xA], $0x80, $0x38;
	[tilespmem:$0x1DA00] =	vst v63  }
0x13d: {  	s20 =	sand.u32 @!p0 $0x3FFFFC00, s5;
	s11 =	sadd.s32 $0x70, s6  }
0x13e: {  	[hbm4b:s11+s3] =	stream.linear.scatter [tilespmem:s8], [sflag:$0xA], $0x80, $0x38;
	[tilespmem:$0x1DA00] =	vst v63  }
0x13f: {  	s5 =	sadd.s32 @!p0 $0x400, s20;
	s6 =	simm.s32 @!p0 $0x80;
	s8 =	simm.s32 @!p0 $0x9600  }
0x140: {  	[tilespmem:s8], [sflag:$0x1] =	stream.indirect.gather @!p0 [hbm4b:s4+s6], $0x40, s5, s6, $0xb8;
	[tilespmem:$0x1DA00] =	vst v63  }
0x141: {  	_ =	swait.ge [sflag:s30], $0x2000  }
0x142: {  	[sflag:s30] =	ssyncset.done $0x0  }
0x143: {  	[sflag:s30] =	ssyncadd.s32 $0xFFFFE000  }
0x144: {  	s21 =	sor.u32 $0x2, s19;
	_ =	swait.ge [sflag:s31], $0x2000  }
0x145: {  	s15 =	sshll.u32 s21, $0x6;
	[sflag:s31] =	ssyncset.done $0x0  }
0x146: {  	s5 =	sand.u32 $0x3FFFFFC0, s15;
	[sflag:s31] =	ssyncadd.s32 $0xFFFFE000  }
0x147: {  	s22 =	simm.s32 $0x3;
	s8 =	simm.s32 $0xD6F0;
	v9 =	vld [tilespmem:s5+$0x6400]  }
0x148: {  	v4 =	vmov s22;
	v7 =	vld [tilespmem:s8+$0xFFFFFFD0]  }
0x149: {  	v13 =	vand.u32 $0x7F, v4  }
0x14a: {  	s11 =	simm.s32 $0x0;
	v8 =	vadd.s32 v0, v13;
	v6 =	vld [tilespmem:s5+$0x6410]  }
0x14b: {  	s22 =	simm.s32 $0x2;
	v4 =	vmov s11;
	s15 =	simm.s32 $0x1;
	v10 =	vld [tilespmem:s8+$0xFFFFFF10]  }
0x14c: {  	v14 =	vmov s22;
	v12 =	vand.u32 $0x7C, v4;
	v4 =	vmov s15;
	v11 =	vld [tilespmem:s8+$0xFFFFFF50]  }
0x14d: {  	v15 =	vadd.s32 v0, v12;
	v19 =	vand.u32 $0x7D, v4;
	v16 =	vld [tilespmem:s8+$0xFFFFFF90];
	v7 =	vadd.f32 v7, v9  }
0x14e: {  	v20 =	vand.u32 $0x7E, v14;
	v17 =	vadd.s32 v0, v19;
	v5 =	vld [tilespmem:s5+$0x6420]  }
0x14f: {  	v14 =	vadd.s32 v0, v20;
	v4 =	vld [tilespmem:s5+$0x6430];
	[tilespmem:v8+s25+$0x0] =	vst.idx.msk $0xffff, v7  }
0x150: {  	v7 =	vadd.f32 v10, v9;
	v8 =	vld [tilespmem:s8+$0xFFFFFFE0]  }
0x151: {  	v10 =	vadd.f32 v11, v9  }
0x152: {  	v11 =	vadd.s32 v1, v13;
	[tilespmem:v15+s25+$0x0] =	vst.idx.msk $0xffff, v7;
	v7 =	vadd.f32 v16, v9  }
0x153: {  	[tilespmem:v17+s25+$0x0] =	vst.idx.msk $0xffff, v10;
	v15 =	vld [tilespmem:s8+$0xFFFFFF20]  }
0x154: {  	v10 =	vld [tilespmem:s8+$0xFFFFFF60];
	[tilespmem:v14+s25+$0x0] =	vst.idx.msk $0xffff, v7  }
0x155: {  	v14 =	vld [tilespmem:s8+$0xFFFFFFA0];
	v7 =	vadd.f32 v8, v6  }
0x156: {  	s22 =	simm.s32 $0xD7F0;
	s15 =	simm.s32 $0x7;
	v16 =	vadd.s32 v1, v19  }
0x157: {  	s11 =	simm.s32 $0x4;
	v26 =	vadd.s32 v2, v13;
	v18 =	vld [tilespmem:s22+$0xFFFFFFD0];
	v17 =	vadd.s32 v1, v20;
	[tilespmem:v11+s25+$0x0] =	vst.idx.msk $0xffff, v7;
	v7 =	vmov s15  }
0x158: {  	v21 =	vadd.s32 v1, v12;
	v8 =	vmov s11;
	v7 =	vand.u32 $0x7F, v7;
	v22 =	vld [tilespmem:s8+$0xFFFFFFF0]  }
0x159: {  	v23 =	vld [tilespmem:s22+$0xFFFFFF10];
	s11 =	simm.s32 $0x5;
	v8 =	vand.u32 $0x7C, v8;
	v10 =	vadd.f32 v10, v6;
	v24 =	vadd.s32 v0, v7  }
0x15a: {  	v25 =	vld [tilespmem:s22+$0xFFFFFF50];
	v15 =	vadd.f32 v15, v6;
	s15 =	simm.s32 $0x6;
	v11 =	vadd.f32 v14, v6;
	v14 =	vmov s11  }
0x15b: {  	v27 =	vadd.s32 v0, v8;
	[tilespmem:v16+s25+$0x0] =	vst.idx.msk $0xffff, v10;
	v16 =	vmov s15;
	v10 =	vand.u32 $0x7D, v14;
	v14 =	vld [tilespmem:s22+$0xFFFFFF90]  }
0x15c: {  	[tilespmem:v17+s25+$0x0] =	vst.idx.msk $0xffff, v11;
	v17 =	vadd.s32 v0, v10;
	v11 =	vand.u32 $0x7E, v16;
	v16 =	vadd.f32 v18, v9;
	v18 =	vld [tilespmem:s8+$0xFFFFFF70]  }
0x15d: {  	[tilespmem:v21+s25+$0x0] =	vst.idx.msk $0xffff, v15;
	v15 =	vadd.s32 v0, v11;
	v21 =	vld [tilespmem:s8+$0xFFFFFFB0];
	v22 =	vadd.f32 v22, v5  }
0x15e: {  	v23 =	vadd.f32 v23, v9;
	[tilespmem:v24+s25+$0x0] =	vst.idx.msk $0xffff, v16;
	v16 =	vld [tilespmem:s8+$0xFFFFFF30];
	v24 =	vadd.s32 v2, v19  }
0x15f: {  	v29 =	vadd.s32 v2, v20;
	v25 =	vadd.f32 v25, v9;
	v28 =	vld [tilespmem:s22+$0xFFFFFFE0];
	[tilespmem:v26+s25+$0x0] =	vst.idx.msk $0xffff, v22  }
0x160: {  	[tilespmem:v27+s25+$0x0] =	vst.idx.msk $0xffff, v23;
	v23 =	vadd.s32 v2, v12;
	v14 =	vadd.f32 v14, v9;
	v26 =	vld [tilespmem:s8+$0x0]  }
0x161: {  	v27 =	vld [tilespmem:s22+$0xFFFFFF20];
	[tilespmem:v17+s25+$0x0] =	vst.idx.msk $0xffff, v25;
	v25 =	vadd.s32 v1, v7;
	v18 =	vadd.f32 v18, v5  }
0x162: {  	v31 =	vadd.s32 v3, v13;
	v30 =	vld [tilespmem:s22+$0xFFFFFF60];
	[tilespmem:v15+s25+$0x0] =	vst.idx.msk $0xffff, v14;
	v14 =	vadd.f32 v21, v5  }
0x163: {  	v22 =	vadd.s32 v1, v8;
	v17 =	vld [tilespmem:s22+$0xFFFFFFA0];
	v13 =	vadd.f32 v16, v5;
	[tilespmem:v24+s25+$0x0] =	vst.idx.msk $0xffff, v18  }
0x164: {  	s6 =	simm.s32 $0x8;
	v21 =	vadd.s32 v1, v10;
	[tilespmem:v29+s25+$0x0] =	vst.idx.msk $0xffff, v14;
	v18 =	vadd.f32 v28, v6;
	v16 =	vld [tilespmem:s8+$0xFFFFFF80]  }
0x165: {  	v24 =	vmov s6;
	v14 =	vadd.s32 v1, v11;
	v15 =	vld [tilespmem:s8+$0xFFFFFFC0];
	[tilespmem:v23+s25+$0x0] =	vst.idx.msk $0xffff, v13;
	v63 =	vadd.f32 v26, v4  }
0x166: {  	s5 =	simm.s32 $0xD8F0;
	s11 =	simm.s32 $0xB;
	v19 =	vadd.s32 v3, v19;
	v13 =	vand.u32 $0x7C, v24;
	v24 =	vadd.f32 v27, v6;
	[tilespmem:v25+s25+$0x0] =	vst.idx.msk $0xffff, v18;
	v18 =	vld [tilespmem:s8+$0xFFFFFF40]  }
0x167: {  	v20 =	vadd.s32 v3, v20;
	v26 =	vmov s11;
	v23 =	vld [tilespmem:s5+$0xFFFFFFD0];
	s8 =	simm.s32 $0xC;
	v25 =	vadd.f32 v30, v6;
	[tilespmem:v31+s25+$0x0] =	vst.idx.msk $0xffff, v63  }
.LBB2_11:
0x168: {  	p1 =	slt.u32 s8, $0x7C;
	s11 =	sadd.s32 $0x1, s6;
	v26 =	vand.u32 $0x7F, v26;
	[tilespmem:v22+s25+$0x0] =	vst.idx.msk $0xffff, v24;
	v17 =	vadd.f32 v17, v6;
	v22 =	vld [tilespmem:s22+$0xFFFFFFF0];
	v24 =	vadd.s32 v3, v12  }
0x169: {  	v30 =	vmovc v11;
	v27 =	vld [tilespmem:s5+$0xFFFFFF10];
	v28 =	vmov s11;
	s11 =	sadd.s32 $0x2, s6;
	v29 =	vadd.s32 v0, v26;
	[tilespmem:v21+s25+$0x0] =	vst.idx.msk $0xffff, v25;
	v16 =	vadd.f32 v16, v4;
	s6 =	smov.u32 s8  }
0x16a: {  	v12 =	vmovc v8;
	v21 =	vld [tilespmem:s5+$0xFFFFFF50];
	v11 =	vmov s11;
	[tilespmem:v14+s25+$0x0] =	vst.idx.msk $0xffff, v17;
	v14 =	vadd.s32 v2, v7;
	v15 =	vadd.f32 v15, v4  }
0x16b: {  	v17 =	vadd.s32 v0, v13;
	v28 =	vand.u32 $0x7D, v28;
	v25 =	vld [tilespmem:s5+$0xFFFFFF90];
	v31 =	vadd.f32 v18, v4;
	[tilespmem:v19+s25+$0x0] =	vst.idx.msk $0xffff, v16  }
0x16c: {  	v16 =	vadd.s32 v0, v28;
	v11 =	vand.u32 $0x7E, v11;
	v18 =	vadd.f32 v23, v9;
	v19 =	vld [tilespmem:s22+$0xFFFFFF70];
	[tilespmem:v20+s25+$0x0] =	vst.idx.msk $0xffff, v15  }
0x16d: {  	v8 =	vmov v13;
	v15 =	vadd.s32 v0, v11;
	v20 =	vld [tilespmem:s22+$0xFFFFFFB0];
	v22 =	vadd.f32 v22, v5;
	[tilespmem:v24+s25+$0x0] =	vst.idx.msk $0xffff, v31  }
0x16e: {  	v23 =	vadd.s32 v2, v10;
	v13 =	vadd.f32 v27, v9;
	[tilespmem:v29+s25+$0x0] =	vst.idx.msk $0xffff, v18;
	v18 =	vld [tilespmem:s22+$0xFFFFFF30]  }
0x16f: {  	v27 =	vadd.s32 v2, v30;
	v21 =	vadd.f32 v21, v9;
	v24 =	vld [tilespmem:s5+$0xFFFFFFE0];
	[tilespmem:v14+s25+$0x0] =	vst.idx.msk $0xffff, v22  }
0x170: {  	[tilespmem:v17+s25+$0x0] =	vst.idx.msk $0xffff, v13;
	v13 =	vadd.f32 v25, v9;
	v25 =	vadd.s32 v2, v12;
	v29 =	vld [tilespmem:s22+$0x0]  }
0x171: {  	v32 =	vadd.s32 v1, v26;
	v31 =	vld [tilespmem:s5+$0xFFFFFF20];
	[tilespmem:v16+s25+$0x0] =	vst.idx.msk $0xffff, v21;
	v14 =	vadd.f32 v19, v5  }
0x172: {  	v34 =	vadd.s32 v3, v7;
	v7 =	vmov v26;
	v33 =	vld [tilespmem:s5+$0xFFFFFF60];
	[tilespmem:v15+s25+$0x0] =	vst.idx.msk $0xffff, v13;
	v13 =	vadd.f32 v20, v5  }
.Ltmp4:
0x173: {  	v22 =	vadd.s32 v1, v8;
	v17 =	vld [tilespmem:s5+$0xFFFFFFA0];
	v15 =	vadd.f32 v18, v5;
	[tilespmem:v23+s25+$0x0] =	vst.idx.msk $0xffff, v14;
	(pc) =	sbr.rel @p1 .LBB2_11-.Ltmp4, $4  }
0x174: {  	v21 =	vadd.s32 v1, v28;
	v18 =	vadd.f32 v24, v6;
	v16 =	vld [tilespmem:s22+$0xFFFFFF80];
	[tilespmem:v27+s25+$0x0] =	vst.idx.msk $0xffff, v13  }
0x175: {  	v14 =	vadd.s32 v1, v11;
	v13 =	vmov s8;
	[tilespmem:v25+s25+$0x0] =	vst.idx.msk $0xffff, v15;
	v15 =	vld [tilespmem:s22+$0xFFFFFFC0];
	v27 =	vadd.f32 v29, v4  }
0x176: {  	s11 =	sadd.s32 $0x3, s8;
	v19 =	vadd.s32 v3, v10;
	v13 =	vand.u32 $0x7C, v13;
	v24 =	vadd.f32 v31, v6;
	[tilespmem:v32+s25+$0x0] =	vst.idx.msk $0xffff, v18;
	v18 =	vld [tilespmem:s22+$0xFFFFFF40];
	s22 =	smov.u32 s5;
	s5 =	sadd.s32 $0x100, s5  }
0x177: {  	v26 =	vmov s11;
	v10 =	vmovc v28;
	v20 =	vadd.s32 v3, v30;
	s8 =	sadd.s32 $0x4, s8;
	v23 =	vld [tilespmem:s5+$0xFFFFFFD0];
	v25 =	vadd.f32 v33, v6;
	[tilespmem:v34+s25+$0x0] =	vst.idx.msk $0xffff, v27  }
0x178: {  	s8 =	sadd.s32 $0x1, s6  }
0x179: {  	v26 =	vand.u32 $0x7F, v26;
	s15 =	sadd.s32 $0x2, s6;
	v28 =	vld [tilespmem:s5+$0xFFFFFF50];
	v27 =	vmov s8  }
0x17a: {  	v31 =	vld [tilespmem:s5+$0xFFFFFF90];
	v29 =	vadd.s32 v0, v26;
	v30 =	vmov s15;
	v27 =	vand.u32 $0x7D, v27  }
0x17b: {  	v32 =	vld [tilespmem:s5+$0xFFFFFF10];
	v30 =	vand.u32 $0x7E, v30;
	v33 =	vadd.s32 v0, v27  }
0x17c: {  	v34 =	vadd.s32 v0, v30  }
0x17d: {  	[tilespmem:v22+s25+$0x0] =	vst.idx.msk $0xffff, v24;
	v44 =	vadd.s32 v0, v13;
	v23 =	vadd.f32 v23, v9  }
0x17e: {  	[tilespmem:v21+s25+$0x0] =	vst.idx.msk $0xffff, v25;
	v45 =	vadd.f32 v28, v9  }
0x17f: {  	v46 =	vadd.f32 v31, v9;
	[tilespmem:v29+s25+$0x0] =	vst.idx.msk $0xffff, v23  }
0x180: {  	v47 =	vadd.f32 v32, v9;
	v48 =	vld [tilespmem:s5+$0xFFFFFFE0];
	[tilespmem:v33+s25+$0x0] =	vst.idx.msk $0xffff, v45  }
0x181: {  	v17 =	vadd.f32 v17, v6;
	v12 =	vadd.s32 v3, v12;
	[tilespmem:v34+s25+$0x0] =	vst.idx.msk $0xffff, v46;
	v21 =	vld [tilespmem:s5+$0xFFFFFF60]  }
0x182: {  	v16 =	vadd.f32 v16, v4;
	v49 =	vadd.s32 v1, v26;
	[tilespmem:v44+s25+$0x0] =	vst.idx.msk $0xffff, v47;
	v50 =	vld [tilespmem:s5+$0xFFFFFFA0]  }
0x183: {  	[tilespmem:v14+s25+$0x0] =	vst.idx.msk $0xffff, v17;
	v51 =	vadd.f32 v15, v4;
	v53 =	vadd.s32 v1, v27;
	v52 =	vld [tilespmem:s5+$0xFFFFFF20]  }
0x184: {  	v54 =	vld [tilespmem:s22+$0xFFFFFFF0];
	v18 =	vadd.f32 v18, v4;
	[tilespmem:v19+s25+$0x0] =	vst.idx.msk $0xffff, v16;
	v55 =	vadd.s32 v1, v30  }
0x185: {  	v57 =	vadd.s32 v1, v13;
	v60 =	vld [tilespmem:s22+$0xFFFFFFB0];
	[tilespmem:v20+s25+$0x0] =	vst.idx.msk $0xffff, v51;
	v58 =	vadd.f32 v48, v6  }
0x186: {  	v59 =	vadd.s32 v2, v7;
	v56 =	vld [tilespmem:s22+$0xFFFFFF70];
	[tilespmem:v12+s25+$0x0] =	vst.idx.msk $0xffff, v18;
	v61 =	vadd.f32 v21, v6  }
0x187: {  	v62 =	vld [tilespmem:s22+$0xFFFFFF30];
	v29 =	vadd.s32 v2, v11;
	[tilespmem:v49+s25+$0x0] =	vst.idx.msk $0xffff, v58;
	v28 =	vadd.f32 v50, v6  }
0x188: {  	v63 =	vadd.s32 v2, v10;
	v31 =	vadd.f32 v52, v6;
	v32 =	vld [tilespmem:s5+$0xFFFFFFF0];
	[tilespmem:v53+s25+$0x0] =	vst.idx.msk $0xffff, v61  }
0x189: {  	v33 =	vadd.f32 v54, v5;
	v34 =	vadd.s32 v2, v8;
	[tilespmem:v55+s25+$0x0] =	vst.idx.msk $0xffff, v28;
	v35 =	vld [tilespmem:s5+$0xFFFFFF70]  }
0x18a: {  	v37 =	vadd.s32 v2, v26;
	v39 =	vadd.f32 v60, v5;
	[tilespmem:v57+s25+$0x0] =	vst.idx.msk $0xffff, v31;
	v38 =	vld [tilespmem:s5+$0xFFFFFFB0]  }
0x18b: {  	v41 =	vadd.s32 v2, v27;
	v36 =	vadd.f32 v56, v5;
	[tilespmem:v59+s25+$0x0] =	vst.idx.msk $0xffff, v33;
	v40 =	vld [tilespmem:s5+$0xFFFFFF30]  }
0x18c: {  	v43 =	vadd.s32 v2, v30;
	v18 =	vadd.f32 v62, v5;
	v42 =	vld [tilespmem:s22+$0x0];
	[tilespmem:v29+s25+$0x0] =	vst.idx.msk $0xffff, v39  }
0x18d: {  	v45 =	vadd.s32 v2, v13;
	[tilespmem:v63+s25+$0x0] =	vst.idx.msk $0xffff, v36;
	v47 =	vld [tilespmem:s22+$0xFFFFFFC0];
	v44 =	vadd.f32 v32, v5  }
0x18e: {  	v46 =	vadd.s32 v3, v7;
	[tilespmem:v34+s25+$0x0] =	vst.idx.msk $0xffff, v18;
	v21 =	vld [tilespmem:s22+$0xFFFFFF80];
	v9 =	vadd.f32 v35, v5  }
0x18f: {  	v18 =	vld [tilespmem:s22+$0xFFFFFF40];
	v50 =	vadd.s32 v3, v11;
	[tilespmem:v37+s25+$0x0] =	vst.idx.msk $0xffff, v44;
	v49 =	vadd.f32 v38, v5  }
0x190: {  	v48 =	vadd.s32 v3, v10;
	v5 =	vadd.f32 v40, v5;
	v12 =	vld [tilespmem:s5+$0x0];
	[tilespmem:v41+s25+$0x0] =	vst.idx.msk $0xffff, v9  }
0x191: {  	v52 =	vadd.s32 v3, v8;
	v51 =	vadd.f32 v42, v4;
	[tilespmem:v43+s25+$0x0] =	vst.idx.msk $0xffff, v49;
	v53 =	vld [tilespmem:s5+$0xFFFFFF80]  }
0x192: {  	v55 =	vadd.s32 v3, v26;
	v56 =	vadd.f32 v47, v4;
	[tilespmem:v45+s25+$0x0] =	vst.idx.msk $0xffff, v5;
	v5 =	vld [tilespmem:s5+$0xFFFFFFC0]  }
0x193: {  	v58 =	vadd.s32 v3, v27;
	[tilespmem:v46+s25+$0x0] =	vst.idx.msk $0xffff, v51;
	v54 =	vadd.f32 v21, v4;
	v57 =	vld [tilespmem:s5+$0xFFFFFF40]  }
0x194: {  	v60 =	vadd.s32 v3, v30;
	v59 =	vadd.f32 v18, v4;
	[tilespmem:v50+s25+$0x0] =	vst.idx.msk $0xffff, v56  }
0x195: {  	v62 =	vadd.s32 v3, v13;
	[tilespmem:v48+s25+$0x0] =	vst.idx.msk $0xffff, v54;
	v61 =	vadd.f32 v12, v4  }
0x196: {  	[tilespmem:v52+s25+$0x0] =	vst.idx.msk $0xffff, v59;
	v63 =	vadd.f32 v53, v4  }
0x197: {  	s6 =	sshll.u32 s21, $0x12;
	[tilespmem:v55+s25+$0x0] =	vst.idx.msk $0xffff, v61;
	v5 =	vadd.f32 v5, v4  }
0x198: {  	s5 =	sor.u32 s7, s6;
	v4 =	vadd.f32 v57, v4;
	[tilespmem:v58+s25+$0x0] =	vst.idx.msk $0xffff, v63  }
0x199: {  	s5 =	sshrl.u32 s5, $0x3;
	[tilespmem:v60+s25+$0x0] =	vst.idx.msk $0xffff, v5  }
0x19a: {  	s8 =	simm.s32 $0x19600;
	s6 =	sadd.s32 s2, s5;
	[tilespmem:v62+s25+$0x0] =	vst.idx.msk $0xffff, v4  }
0x19b: {  	[hbm4b:s6+s3] =	stream.linear.scatter [tilespmem:s8], [sflag:$0x9], $0x80, $0x38;
	[tilespmem:$0x1DA00] =	vst v63  }
0x19c: {  	s11 =	simm.s32 $0x19688;
	s15 =	sadd.s32 $0x10, s6  }
0x19d: {  	[hbm4b:s15+s3] =	stream.linear.scatter [tilespmem:s11], [sflag:$0x9], $0x80, $0x38;
	[tilespmem:$0x1DA00] =	vst v63  }
0x19e: {  	s21 =	simm.s32 $0x19710;
	s22 =	sadd.s32 $0x20, s6  }
0x19f: {  	[hbm4b:s22+s3] =	stream.linear.scatter [tilespmem:s21], [sflag:$0x9], $0x80, $0x38;
	[tilespmem:$0x1DA00] =	vst v63  }
0x1a0: {  	s11 =	simm.s32 $0x19798;
	s15 =	sadd.s32 $0x30, s6  }
0x1a1: {  	[hbm4b:s15+s3] =	stream.linear.scatter [tilespmem:s11], [sflag:$0x9], $0x80, $0x38;
	[tilespmem:$0x1DA00] =	vst v63  }
0x1a2: {  	s21 =	simm.s32 $0x19820;
	s22 =	sadd.s32 $0x40, s6  }
0x1a3: {  	[hbm4b:s22+s3] =	stream.linear.scatter [tilespmem:s21], [sflag:$0x9], $0x80, $0x38;
	[tilespmem:$0x1DA00] =	vst v63  }
0x1a4: {  	s5 =	simm.s32 $0x440;
	s11 =	simm.s32 $0x198A8;
	s15 =	sadd.s32 $0x50, s6  }
0x1a5: {  	[hbm4b:s15+s3] =	stream.linear.scatter [tilespmem:s11], [sflag:$0x9], $0x80, $0x38;
	[tilespmem:$0x1DA00] =	vst v63  }
0x1a6: {  	s8 =	simm.s32 $0x2200;
	s21 =	simm.s32 $0x19930;
	s22 =	sadd.s32 $0x60, s6  }
0x1a7: {  	[hbm4b:s22+s3] =	stream.linear.scatter [tilespmem:s21], [sflag:$0x9], $0x80, $0x38;
	[tilespmem:$0x1DA00] =	vst v63  }
0x1a8: {  	s21 =	simm.s32 $0x199B8;
	s22 =	sadd.s32 $0x70, s6;
	s6 =	sadd.s32 $0x1000, s6  }
.LBB2_13:
0x1a9: {  	[hbm4b:s22+s3] =	stream.linear.scatter [tilespmem:s21], [sflag:$0x9], $0x80, $0x38;
	[tilespmem:$0x1DA00] =	vst v63  }
0x1aa: {  	s11 =	smov.u32 s5;
	s5 =	smov.u32 s8  }
0x1ab: {  	s15 =	sadd.s32 $0x1100, s8;
	s5 =	sshra.s32 s5, $0x2;
	s21 =	sadd.s32 $0x19600, s11  }
0x1ac: {  	[hbm4b:s6+s3] =	stream.linear.scatter [tilespmem:s21], [sflag:$0x9], $0x80, $0x38;
	[tilespmem:$0x1DA00] =	vst v63  }
0x1ad: {  	p1 =	sne.s32 s8, $0x7700;
	s8 =	sadd.s32 $0x19688, s11;
	s21 =	sadd.s32 $0x10, s6  }
0x1ae: {  	[hbm4b:s21+s3] =	stream.linear.scatter [tilespmem:s8], [sflag:$0x9], $0x80, $0x38;
	[tilespmem:$0x1DA00] =	vst v63  }
0x1af: {  	s8 =	sadd.s32 $0x19710, s11;
	s21 =	sadd.s32 $0x20, s6  }
0x1b0: {  	[hbm4b:s21+s3] =	stream.linear.scatter [tilespmem:s8], [sflag:$0x9], $0x80, $0x38;
	[tilespmem:$0x1DA00] =	vst v63  }
0x1b1: {  	s8 =	sadd.s32 $0x19798, s11;
	s21 =	sadd.s32 $0x30, s6  }
0x1b2: {  	[hbm4b:s21+s3] =	stream.linear.scatter [tilespmem:s8], [sflag:$0x9], $0x80, $0x38;
	[tilespmem:$0x1DA00] =	vst v63  }
0x1b3: {  	s8 =	sadd.s32 $0x19820, s11;
	s21 =	sadd.s32 $0x40, s6  }
0x1b4: {  	[hbm4b:s21+s3] =	stream.linear.scatter [tilespmem:s8], [sflag:$0x9], $0x80, $0x38;
	[tilespmem:$0x1DA00] =	vst v63  }
.Ltmp5:
0x1b5: {  	s8 =	sadd.s32 $0x198A8, s11;
	s21 =	sadd.s32 $0x50, s6;
	(pc) =	sbr.rel @p1 .LBB2_13-.Ltmp5, $4  }
0x1b6: {  	[hbm4b:s21+s3] =	stream.linear.scatter [tilespmem:s8], [sflag:$0x9], $0x80, $0x38;
	[tilespmem:$0x1DA00] =	vst v63  }
0x1b7: {  	s22 =	sadd.s32 $0x70, s6;
	s8 =	sadd.s32 $0x19930, s11;
	s21 =	sadd.s32 $0x60, s6  }
0x1b8: {  	[hbm4b:s21+s3] =	stream.linear.scatter [tilespmem:s8], [sflag:$0x9], $0x80, $0x38;
	[tilespmem:$0x1DA00] =	vst v63  }
0x1b9: {  	s6 =	sadd.s32 $0x1000, s6;
	s21 =	sadd.s32 $0x199B8, s11;
	s8 =	smov.u32 s15  }
0x1ba: {  	[hbm4b:s22+s3] =	stream.linear.scatter [tilespmem:s21], [sflag:$0x9], $0x80, $0x38;
	[tilespmem:$0x1DA00] =	vst v63  }
0x1bb: {  	s8 =	sadd.s32 $0x19600, s5  }
0x1bc: {  	[hbm4b:s6+s3] =	stream.linear.scatter [tilespmem:s8], [sflag:$0x9], $0x80, $0x38;
	[tilespmem:$0x1DA00] =	vst v63  }
0x1bd: {  	s15 =	sadd.s32 $0x19688, s5;
	s11 =	sadd.s32 $0x10, s6  }
0x1be: {  	[hbm4b:s11+s3] =	stream.linear.scatter [tilespmem:s15], [sflag:$0x9], $0x80, $0x38;
	[tilespmem:$0x1DA00] =	vst v63  }
0x1bf: {  	s21 =	sadd.s32 $0x19710, s5;
	s22 =	sadd.s32 $0x20, s6  }
0x1c0: {  	[hbm4b:s22+s3] =	stream.linear.scatter [tilespmem:s21], [sflag:$0x9], $0x80, $0x38;
	[tilespmem:$0x1DA00] =	vst v63  }
0x1c1: {  	s11 =	sadd.s32 $0x19798, s5;
	s15 =	sadd.s32 $0x30, s6  }
0x1c2: {  	[hbm4b:s15+s3] =	stream.linear.scatter [tilespmem:s11], [sflag:$0x9], $0x80, $0x38;
	[tilespmem:$0x1DA00] =	vst v63  }
0x1c3: {  	s21 =	sadd.s32 $0x19820, s5;
	s22 =	sadd.s32 $0x40, s6  }
0x1c4: {  	[hbm4b:s22+s3] =	stream.linear.scatter [tilespmem:s21], [sflag:$0x9], $0x80, $0x38;
	[tilespmem:$0x1DA00] =	vst v63  }
0x1c5: {  	s11 =	sadd.s32 $0x198A8, s5;
	s15 =	sadd.s32 $0x50, s6  }
0x1c6: {  	[hbm4b:s15+s3] =	stream.linear.scatter [tilespmem:s11], [sflag:$0x9], $0x80, $0x38;
	[tilespmem:$0x1DA00] =	vst v63  }
0x1c7: {  	s21 =	sadd.s32 $0x19930, s5;
	s22 =	sadd.s32 $0x60, s6  }
0x1c8: {  	[hbm4b:s22+s3] =	stream.linear.scatter [tilespmem:s21], [sflag:$0x9], $0x80, $0x38;
	[tilespmem:$0x1DA00] =	vst v63  }
0x1c9: {  	s8 =	sadd.s32 $0x199B8, s5;
	s11 =	sadd.s32 $0x70, s6  }
0x1ca: {  	[hbm4b:s11+s3] =	stream.linear.scatter [tilespmem:s8], [sflag:$0x9], $0x80, $0x38;
	[tilespmem:$0x1DA00] =	vst v63  }
0x1cb: {  	s5 =	sadd.s32 @!p0 $0x480, s20;
	s6 =	simm.s32 @!p0 $0x80;
	s8 =	simm.s32 @!p0 $0xB600  }
0x1cc: {  	[tilespmem:s8], [sflag:$0x2] =	stream.indirect.gather @!p0 [hbm4b:s4+s6], $0x40, s5, s6, $0xb8;
	[tilespmem:$0x1DA00] =	vst v63  }
0x1cd: {  	_ =	swait.ge [sflag:s1], $0x2000  }
0x1ce: {  	[sflag:s1] =	ssyncset.done $0x0  }
0x1cf: {  	[sflag:s1] =	ssyncadd.s32 $0xFFFFE000  }
0x1d0: {  	s21 =	sor.u32 $0x3, s19;
	_ =	swait.ge [sflag:s0], $0x2000  }
0x1d1: {  	s15 =	sshll.u32 s21, $0x6;
	[sflag:s0] =	ssyncset.done $0x0  }
0x1d2: {  	s5 =	sand.u32 $0x3FFFFFC0, s15;
	[sflag:s0] =	ssyncadd.s32 $0xFFFFE000  }
0x1d3: {  	s22 =	simm.s32 $0x3;
	s8 =	simm.s32 $0xF6F0;
	v9 =	vld [tilespmem:s5+$0x6400]  }
0x1d4: {  	v4 =	vmov s22;
	v7 =	vld [tilespmem:s8+$0xFFFFFFD0]  }
0x1d5: {  	v13 =	vand.u32 $0x7F, v4  }
0x1d6: {  	s11 =	simm.s32 $0x0;
	v8 =	vadd.s32 v0, v13;
	v6 =	vld [tilespmem:s5+$0x6410]  }
0x1d7: {  	s22 =	simm.s32 $0x2;
	v4 =	vmov s11;
	s15 =	simm.s32 $0x1;
	v10 =	vld [tilespmem:s8+$0xFFFFFF10]  }
0x1d8: {  	v14 =	vmov s22;
	v12 =	vand.u32 $0x7C, v4;
	v4 =	vmov s15;
	v11 =	vld [tilespmem:s8+$0xFFFFFF50]  }
0x1d9: {  	v15 =	vadd.s32 v0, v12;
	v19 =	vand.u32 $0x7D, v4;
	v16 =	vld [tilespmem:s8+$0xFFFFFF90];
	v7 =	vadd.f32 v7, v9  }
0x1da: {  	v20 =	vand.u32 $0x7E, v14;
	v17 =	vadd.s32 v0, v19;
	v5 =	vld [tilespmem:s5+$0x6420]  }
0x1db: {  	v14 =	vadd.s32 v0, v20;
	v4 =	vld [tilespmem:s5+$0x6430];
	[tilespmem:v8+s29+$0x0] =	vst.idx.msk $0xffff, v7  }
0x1dc: {  	v7 =	vadd.f32 v10, v9;
	v8 =	vld [tilespmem:s8+$0xFFFFFFE0]  }
0x1dd: {  	v10 =	vadd.f32 v11, v9  }
0x1de: {  	v11 =	vadd.s32 v1, v13;
	[tilespmem:v15+s29+$0x0] =	vst.idx.msk $0xffff, v7;
	v7 =	vadd.f32 v16, v9  }
0x1df: {  	[tilespmem:v17+s29+$0x0] =	vst.idx.msk $0xffff, v10;
	v15 =	vld [tilespmem:s8+$0xFFFFFF20]  }
0x1e0: {  	v10 =	vld [tilespmem:s8+$0xFFFFFF60];
	[tilespmem:v14+s29+$0x0] =	vst.idx.msk $0xffff, v7  }
0x1e1: {  	v14 =	vld [tilespmem:s8+$0xFFFFFFA0];
	v7 =	vadd.f32 v8, v6  }
0x1e2: {  	s22 =	simm.s32 $0xF7F0;
	s15 =	simm.s32 $0x7;
	v16 =	vadd.s32 v1, v19  }
0x1e3: {  	s11 =	simm.s32 $0x4;
	v26 =	vadd.s32 v2, v13;
	v18 =	vld [tilespmem:s22+$0xFFFFFFD0];
	v17 =	vadd.s32 v1, v20;
	[tilespmem:v11+s29+$0x0] =	vst.idx.msk $0xffff, v7;
	v7 =	vmov s15  }
0x1e4: {  	v21 =	vadd.s32 v1, v12;
	v8 =	vmov s11;
	v7 =	vand.u32 $0x7F, v7;
	v22 =	vld [tilespmem:s8+$0xFFFFFFF0]  }
0x1e5: {  	s6 =	simm.s32 $0x5;
	v23 =	vld [tilespmem:s22+$0xFFFFFF10];
	v8 =	vand.u32 $0x7C, v8;
	v10 =	vadd.f32 v10, v6;
	v24 =	vadd.s32 v0, v7  }
0x1e6: {  	v25 =	vld [tilespmem:s22+$0xFFFFFF50];
	s11 =	simm.s32 $0x6;
	v15 =	vadd.f32 v15, v6;
	v11 =	vadd.f32 v14, v6;
	v14 =	vmov s6  }
0x1e7: {  	v27 =	vadd.s32 v0, v8;
	[tilespmem:v16+s29+$0x0] =	vst.idx.msk $0xffff, v10;
	v16 =	vmov s11;
	v10 =	vand.u32 $0x7D, v14;
	v14 =	vld [tilespmem:s22+$0xFFFFFF90]  }
0x1e8: {  	[tilespmem:v17+s29+$0x0] =	vst.idx.msk $0xffff, v11;
	v17 =	vadd.s32 v0, v10;
	v11 =	vand.u32 $0x7E, v16;
	v16 =	vadd.f32 v18, v9;
	v18 =	vld [tilespmem:s8+$0xFFFFFF70]  }
0x1e9: {  	[tilespmem:v21+s29+$0x0] =	vst.idx.msk $0xffff, v15;
	v15 =	vadd.s32 v0, v11;
	v21 =	vld [tilespmem:s8+$0xFFFFFFB0];
	v22 =	vadd.f32 v22, v5  }
0x1ea: {  	v23 =	vadd.f32 v23, v9;
	[tilespmem:v24+s29+$0x0] =	vst.idx.msk $0xffff, v16;
	v16 =	vld [tilespmem:s8+$0xFFFFFF30];
	v24 =	vadd.s32 v2, v19  }
0x1eb: {  	v29 =	vadd.s32 v2, v20;
	v25 =	vadd.f32 v25, v9;
	v28 =	vld [tilespmem:s22+$0xFFFFFFE0];
	[tilespmem:v26+s29+$0x0] =	vst.idx.msk $0xffff, v22  }
0x1ec: {  	[tilespmem:v27+s29+$0x0] =	vst.idx.msk $0xffff, v23;
	v23 =	vadd.s32 v2, v12;
	v14 =	vadd.f32 v14, v9;
	v26 =	vld [tilespmem:s8+$0x0]  }
0x1ed: {  	v27 =	vld [tilespmem:s22+$0xFFFFFF20];
	[tilespmem:v17+s29+$0x0] =	vst.idx.msk $0xffff, v25;
	v25 =	vadd.s32 v1, v7;
	v18 =	vadd.f32 v18, v5  }
0x1ee: {  	v31 =	vadd.s32 v3, v13;
	v30 =	vld [tilespmem:s22+$0xFFFFFF60];
	[tilespmem:v15+s29+$0x0] =	vst.idx.msk $0xffff, v14;
	v14 =	vadd.f32 v21, v5  }
0x1ef: {  	v22 =	vadd.s32 v1, v8;
	v17 =	vld [tilespmem:s22+$0xFFFFFFA0];
	v13 =	vadd.f32 v16, v5;
	[tilespmem:v24+s29+$0x0] =	vst.idx.msk $0xffff, v18  }
0x1f0: {  	s6 =	simm.s32 $0x8;
	v21 =	vadd.s32 v1, v10;
	[tilespmem:v29+s29+$0x0] =	vst.idx.msk $0xffff, v14;
	v18 =	vadd.f32 v28, v6;
	v16 =	vld [tilespmem:s8+$0xFFFFFF80]  }
0x1f1: {  	v24 =	vmov s6;
	v14 =	vadd.s32 v1, v11;
	v15 =	vld [tilespmem:s8+$0xFFFFFFC0];
	[tilespmem:v23+s29+$0x0] =	vst.idx.msk $0xffff, v13;
	v63 =	vadd.f32 v26, v4  }
0x1f2: {  	s5 =	simm.s32 $0xF8F0;
	s15 =	simm.s32 $0xB;
	v19 =	vadd.s32 v3, v19;
	v13 =	vand.u32 $0x7C, v24;
	v24 =	vadd.f32 v27, v6;
	[tilespmem:v25+s29+$0x0] =	vst.idx.msk $0xffff, v18;
	v18 =	vld [tilespmem:s8+$0xFFFFFF40]  }
0x1f3: {  	v20 =	vadd.s32 v3, v20;
	v26 =	vmov s15;
	v23 =	vld [tilespmem:s5+$0xFFFFFFD0];
	s8 =	simm.s32 $0xC;
	v25 =	vadd.f32 v30, v6;
	[tilespmem:v31+s29+$0x0] =	vst.idx.msk $0xffff, v63  }
.LBB2_15:
0x1f4: {  	p1 =	slt.u32 s8, $0x7C;
	s11 =	sadd.s32 $0x1, s6;
	v26 =	vand.u32 $0x7F, v26;
	[tilespmem:v22+s29+$0x0] =	vst.idx.msk $0xffff, v24;
	v17 =	vadd.f32 v17, v6;
	v22 =	vld [tilespmem:s22+$0xFFFFFFF0];
	v24 =	vadd.s32 v3, v12  }
0x1f5: {  	v30 =	vmovc v11;
	v27 =	vld [tilespmem:s5+$0xFFFFFF10];
	v28 =	vmov s11;
	s11 =	sadd.s32 $0x2, s6;
	v29 =	vadd.s32 v0, v26;
	[tilespmem:v21+s29+$0x0] =	vst.idx.msk $0xffff, v25;
	v16 =	vadd.f32 v16, v4;
	s6 =	smov.u32 s8  }
0x1f6: {  	v12 =	vmovc v8;
	v21 =	vld [tilespmem:s5+$0xFFFFFF50];
	v11 =	vmov s11;
	[tilespmem:v14+s29+$0x0] =	vst.idx.msk $0xffff, v17;
	v14 =	vadd.s32 v2, v7;
	v15 =	vadd.f32 v15, v4  }
0x1f7: {  	v17 =	vadd.s32 v0, v13;
	v28 =	vand.u32 $0x7D, v28;
	v25 =	vld [tilespmem:s5+$0xFFFFFF90];
	v31 =	vadd.f32 v18, v4;
	[tilespmem:v19+s29+$0x0] =	vst.idx.msk $0xffff, v16  }
0x1f8: {  	v16 =	vadd.s32 v0, v28;
	v11 =	vand.u32 $0x7E, v11;
	v18 =	vadd.f32 v23, v9;
	v19 =	vld [tilespmem:s22+$0xFFFFFF70];
	[tilespmem:v20+s29+$0x0] =	vst.idx.msk $0xffff, v15  }
0x1f9: {  	v8 =	vmov v13;
	v15 =	vadd.s32 v0, v11;
	v20 =	vld [tilespmem:s22+$0xFFFFFFB0];
	v22 =	vadd.f32 v22, v5;
	[tilespmem:v24+s29+$0x0] =	vst.idx.msk $0xffff, v31  }
0x1fa: {  	v23 =	vadd.s32 v2, v10;
	v13 =	vadd.f32 v27, v9;
	[tilespmem:v29+s29+$0x0] =	vst.idx.msk $0xffff, v18;
	v18 =	vld [tilespmem:s22+$0xFFFFFF30]  }
0x1fb: {  	v27 =	vadd.s32 v2, v30;
	v21 =	vadd.f32 v21, v9;
	v24 =	vld [tilespmem:s5+$0xFFFFFFE0];
	[tilespmem:v14+s29+$0x0] =	vst.idx.msk $0xffff, v22  }
0x1fc: {  	[tilespmem:v17+s29+$0x0] =	vst.idx.msk $0xffff, v13;
	v13 =	vadd.f32 v25, v9;
	v25 =	vadd.s32 v2, v12;
	v29 =	vld [tilespmem:s22+$0x0]  }
0x1fd: {  	v32 =	vadd.s32 v1, v26;
	v31 =	vld [tilespmem:s5+$0xFFFFFF20];
	[tilespmem:v16+s29+$0x0] =	vst.idx.msk $0xffff, v21;
	v14 =	vadd.f32 v19, v5  }
0x1fe: {  	v34 =	vadd.s32 v3, v7;
	v7 =	vmov v26;
	v33 =	vld [tilespmem:s5+$0xFFFFFF60];
	[tilespmem:v15+s29+$0x0] =	vst.idx.msk $0xffff, v13;
	v13 =	vadd.f32 v20, v5  }
.Ltmp6:
0x1ff: {  	v22 =	vadd.s32 v1, v8;
	v17 =	vld [tilespmem:s5+$0xFFFFFFA0];
	v15 =	vadd.f32 v18, v5;
	[tilespmem:v23+s29+$0x0] =	vst.idx.msk $0xffff, v14;
	(pc) =	sbr.rel @p1 .LBB2_15-.Ltmp6, $4  }
0x200: {  	v21 =	vadd.s32 v1, v28;
	v18 =	vadd.f32 v24, v6;
	v16 =	vld [tilespmem:s22+$0xFFFFFF80];
	[tilespmem:v27+s29+$0x0] =	vst.idx.msk $0xffff, v13  }
0x201: {  	v14 =	vadd.s32 v1, v11;
	v13 =	vmov s8;
	[tilespmem:v25+s29+$0x0] =	vst.idx.msk $0xffff, v15;
	v15 =	vld [tilespmem:s22+$0xFFFFFFC0];
	v27 =	vadd.f32 v29, v4  }
0x202: {  	s11 =	sadd.s32 $0x3, s8;
	v19 =	vadd.s32 v3, v10;
	v13 =	vand.u32 $0x7C, v13;
	v24 =	vadd.f32 v31, v6;
	[tilespmem:v32+s29+$0x0] =	vst.idx.msk $0xffff, v18;
	v18 =	vld [tilespmem:s22+$0xFFFFFF40];
	s22 =	smov.u32 s5;
	s5 =	sadd.s32 $0x100, s5  }
0x203: {  	v26 =	vmov s11;
	v10 =	vmovc v28;
	v20 =	vadd.s32 v3, v30;
	s8 =	sadd.s32 $0x4, s8;
	v23 =	vld [tilespmem:s5+$0xFFFFFFD0];
	v25 =	vadd.f32 v33, v6;
	[tilespmem:v34+s29+$0x0] =	vst.idx.msk $0xffff, v27  }
0x204: {  	s8 =	sadd.s32 $0x1, s6  }
0x205: {  	v26 =	vand.u32 $0x7F, v26;
	s15 =	sadd.s32 $0x2, s6;
	v28 =	vld [tilespmem:s5+$0xFFFFFF50];
	v27 =	vmov s8  }
0x206: {  	v31 =	vld [tilespmem:s5+$0xFFFFFF90];
	v29 =	vadd.s32 v0, v26;
	v30 =	vmov s15;
	v27 =	vand.u32 $0x7D, v27  }
0x207: {  	v32 =	vld [tilespmem:s5+$0xFFFFFF10];
	v30 =	vand.u32 $0x7E, v30;
	v33 =	vadd.s32 v0, v27  }
0x208: {  	v34 =	vadd.s32 v0, v30  }
0x209: {  	[tilespmem:v22+s29+$0x0] =	vst.idx.msk $0xffff, v24;
	v44 =	vadd.s32 v0, v13;
	v23 =	vadd.f32 v23, v9  }
0x20a: {  	[tilespmem:v21+s29+$0x0] =	vst.idx.msk $0xffff, v25;
	v45 =	vadd.f32 v28, v9  }
0x20b: {  	v46 =	vadd.f32 v31, v9;
	[tilespmem:v29+s29+$0x0] =	vst.idx.msk $0xffff, v23  }
0x20c: {  	v47 =	vadd.f32 v32, v9;
	v48 =	vld [tilespmem:s5+$0xFFFFFFE0];
	[tilespmem:v33+s29+$0x0] =	vst.idx.msk $0xffff, v45  }
0x20d: {  	v17 =	vadd.f32 v17, v6;
	v12 =	vadd.s32 v3, v12;
	[tilespmem:v34+s29+$0x0] =	vst.idx.msk $0xffff, v46;
	v21 =	vld [tilespmem:s5+$0xFFFFFF60]  }
0x20e: {  	v16 =	vadd.f32 v16, v4;
	v49 =	vadd.s32 v1, v26;
	[tilespmem:v44+s29+$0x0] =	vst.idx.msk $0xffff, v47;
	v50 =	vld [tilespmem:s5+$0xFFFFFFA0]  }
0x20f: {  	[tilespmem:v14+s29+$0x0] =	vst.idx.msk $0xffff, v17;
	v51 =	vadd.f32 v15, v4;
	v53 =	vadd.s32 v1, v27;
	v52 =	vld [tilespmem:s5+$0xFFFFFF20]  }
0x210: {  	v54 =	vld [tilespmem:s22+$0xFFFFFFF0];
	v18 =	vadd.f32 v18, v4;
	[tilespmem:v19+s29+$0x0] =	vst.idx.msk $0xffff, v16;
	v55 =	vadd.s32 v1, v30  }
0x211: {  	v57 =	vadd.s32 v1, v13;
	v60 =	vld [tilespmem:s22+$0xFFFFFFB0];
	[tilespmem:v20+s29+$0x0] =	vst.idx.msk $0xffff, v51;
	v58 =	vadd.f32 v48, v6  }
0x212: {  	v59 =	vadd.s32 v2, v7;
	v56 =	vld [tilespmem:s22+$0xFFFFFF70];
	[tilespmem:v12+s29+$0x0] =	vst.idx.msk $0xffff, v18;
	v61 =	vadd.f32 v21, v6  }
0x213: {  	v62 =	vld [tilespmem:s22+$0xFFFFFF30];
	v29 =	vadd.s32 v2, v11;
	[tilespmem:v49+s29+$0x0] =	vst.idx.msk $0xffff, v58;
	v28 =	vadd.f32 v50, v6  }
0x214: {  	v63 =	vadd.s32 v2, v10;
	v31 =	vadd.f32 v52, v6;
	v32 =	vld [tilespmem:s5+$0xFFFFFFF0];
	[tilespmem:v53+s29+$0x0] =	vst.idx.msk $0xffff, v61  }
0x215: {  	v33 =	vadd.f32 v54, v5;
	v34 =	vadd.s32 v2, v8;
	[tilespmem:v55+s29+$0x0] =	vst.idx.msk $0xffff, v28;
	v35 =	vld [tilespmem:s5+$0xFFFFFF70]  }
0x216: {  	v37 =	vadd.s32 v2, v26;
	v39 =	vadd.f32 v60, v5;
	[tilespmem:v57+s29+$0x0] =	vst.idx.msk $0xffff, v31;
	v38 =	vld [tilespmem:s5+$0xFFFFFFB0]  }
0x217: {  	v41 =	vadd.s32 v2, v27;
	v36 =	vadd.f32 v56, v5;
	[tilespmem:v59+s29+$0x0] =	vst.idx.msk $0xffff, v33;
	v40 =	vld [tilespmem:s5+$0xFFFFFF30]  }
0x218: {  	v43 =	vadd.s32 v2, v30;
	v18 =	vadd.f32 v62, v5;
	v42 =	vld [tilespmem:s22+$0x0];
	[tilespmem:v29+s29+$0x0] =	vst.idx.msk $0xffff, v39  }
0x219: {  	v45 =	vadd.s32 v2, v13;
	[tilespmem:v63+s29+$0x0] =	vst.idx.msk $0xffff, v36;
	v47 =	vld [tilespmem:s22+$0xFFFFFFC0];
	v44 =	vadd.f32 v32, v5  }
0x21a: {  	v46 =	vadd.s32 v3, v7;
	[tilespmem:v34+s29+$0x0] =	vst.idx.msk $0xffff, v18;
	v21 =	vld [tilespmem:s22+$0xFFFFFF80];
	v9 =	vadd.f32 v35, v5  }
0x21b: {  	v18 =	vld [tilespmem:s22+$0xFFFFFF40];
	v50 =	vadd.s32 v3, v11;
	[tilespmem:v37+s29+$0x0] =	vst.idx.msk $0xffff, v44;
	v49 =	vadd.f32 v38, v5  }
0x21c: {  	v48 =	vadd.s32 v3, v10;
	v5 =	vadd.f32 v40, v5;
	v12 =	vld [tilespmem:s5+$0x0];
	[tilespmem:v41+s29+$0x0] =	vst.idx.msk $0xffff, v9  }
0x21d: {  	v52 =	vadd.s32 v3, v8;
	v51 =	vadd.f32 v42, v4;
	[tilespmem:v43+s29+$0x0] =	vst.idx.msk $0xffff, v49;
	v53 =	vld [tilespmem:s5+$0xFFFFFF80]  }
0x21e: {  	v55 =	vadd.s32 v3, v26;
	v56 =	vadd.f32 v47, v4;
	[tilespmem:v45+s29+$0x0] =	vst.idx.msk $0xffff, v5;
	v5 =	vld [tilespmem:s5+$0xFFFFFFC0]  }
0x21f: {  	v58 =	vadd.s32 v3, v27;
	[tilespmem:v46+s29+$0x0] =	vst.idx.msk $0xffff, v51;
	v54 =	vadd.f32 v21, v4;
	v57 =	vld [tilespmem:s5+$0xFFFFFF40]  }
0x220: {  	v60 =	vadd.s32 v3, v30;
	v59 =	vadd.f32 v18, v4;
	[tilespmem:v50+s29+$0x0] =	vst.idx.msk $0xffff, v56  }
0x221: {  	v62 =	vadd.s32 v3, v13;
	[tilespmem:v48+s29+$0x0] =	vst.idx.msk $0xffff, v54;
	v61 =	vadd.f32 v12, v4  }
0x222: {  	[tilespmem:v52+s29+$0x0] =	vst.idx.msk $0xffff, v59;
	v63 =	vadd.f32 v53, v4  }
0x223: {  	s6 =	sshll.u32 s21, $0x12;
	[tilespmem:v55+s29+$0x0] =	vst.idx.msk $0xffff, v61;
	v5 =	vadd.f32 v5, v4  }
0x224: {  	s5 =	sor.u32 s7, s6;
	v4 =	vadd.f32 v57, v4;
	[tilespmem:v58+s29+$0x0] =	vst.idx.msk $0xffff, v63  }
0x225: {  	s5 =	sshrl.u32 s5, $0x3;
	[tilespmem:v60+s29+$0x0] =	vst.idx.msk $0xffff, v5  }
0x226: {  	s8 =	simm.s32 $0x1B800;
	s6 =	sadd.s32 s2, s5;
	[tilespmem:v62+s29+$0x0] =	vst.idx.msk $0xffff, v4  }
0x227: {  	[hbm4b:s6+s3] =	stream.linear.scatter [tilespmem:s8], [sflag:$0xA], $0x80, $0x38;
	[tilespmem:$0x1DA00] =	vst v63  }
0x228: {  	s11 =	simm.s32 $0x1B888;
	s15 =	sadd.s32 $0x10, s6  }
0x229: {  	[hbm4b:s15+s3] =	stream.linear.scatter [tilespmem:s11], [sflag:$0xA], $0x80, $0x38;
	[tilespmem:$0x1DA00] =	vst v63  }
0x22a: {  	s21 =	simm.s32 $0x1B910;
	s22 =	sadd.s32 $0x20, s6  }
0x22b: {  	[hbm4b:s22+s3] =	stream.linear.scatter [tilespmem:s21], [sflag:$0xA], $0x80, $0x38;
	[tilespmem:$0x1DA00] =	vst v63  }
0x22c: {  	s11 =	simm.s32 $0x1B998;
	s15 =	sadd.s32 $0x30, s6  }
0x22d: {  	[hbm4b:s15+s3] =	stream.linear.scatter [tilespmem:s11], [sflag:$0xA], $0x80, $0x38;
	[tilespmem:$0x1DA00] =	vst v63  }
0x22e: {  	s21 =	simm.s32 $0x1BA20;
	s22 =	sadd.s32 $0x40, s6  }
0x22f: {  	[hbm4b:s22+s3] =	stream.linear.scatter [tilespmem:s21], [sflag:$0xA], $0x80, $0x38;
	[tilespmem:$0x1DA00] =	vst v63  }
0x230: {  	s5 =	simm.s32 $0x440;
	s11 =	simm.s32 $0x1BAA8;
	s15 =	sadd.s32 $0x50, s6  }
0x231: {  	[hbm4b:s15+s3] =	stream.linear.scatter [tilespmem:s11], [sflag:$0xA], $0x80, $0x38;
	[tilespmem:$0x1DA00] =	vst v63  }
0x232: {  	s8 =	simm.s32 $0x2200;
	s21 =	simm.s32 $0x1BB30;
	s22 =	sadd.s32 $0x60, s6  }
0x233: {  	[hbm4b:s22+s3] =	stream.linear.scatter [tilespmem:s21], [sflag:$0xA], $0x80, $0x38;
	[tilespmem:$0x1DA00] =	vst v63  }
0x234: {  	s21 =	simm.s32 $0x1BBB8;
	s22 =	sadd.s32 $0x70, s6;
	s6 =	sadd.s32 $0x1000, s6  }
.LBB2_17:
0x235: {  	[hbm4b:s22+s3] =	stream.linear.scatter [tilespmem:s21], [sflag:$0xA], $0x80, $0x38;
	[tilespmem:$0x1DA00] =	vst v63  }
0x236: {  	s11 =	smov.u32 s5;
	s5 =	smov.u32 s8  }
0x237: {  	s15 =	sadd.s32 $0x1100, s8;
	s5 =	sshra.s32 s5, $0x2;
	s21 =	sadd.s32 $0x1B800, s11  }
0x238: {  	[hbm4b:s6+s3] =	stream.linear.scatter [tilespmem:s21], [sflag:$0xA], $0x80, $0x38;
	[tilespmem:$0x1DA00] =	vst v63  }
0x239: {  	p1 =	sne.s32 s8, $0x7700;
	s8 =	sadd.s32 $0x1B888, s11;
	s21 =	sadd.s32 $0x10, s6  }
0x23a: {  	[hbm4b:s21+s3] =	stream.linear.scatter [tilespmem:s8], [sflag:$0xA], $0x80, $0x38;
	[tilespmem:$0x1DA00] =	vst v63  }
0x23b: {  	s8 =	sadd.s32 $0x1B910, s11;
	s21 =	sadd.s32 $0x20, s6  }
0x23c: {  	[hbm4b:s21+s3] =	stream.linear.scatter [tilespmem:s8], [sflag:$0xA], $0x80, $0x38;
	[tilespmem:$0x1DA00] =	vst v63  }
0x23d: {  	s8 =	sadd.s32 $0x1B998, s11;
	s21 =	sadd.s32 $0x30, s6  }
0x23e: {  	[hbm4b:s21+s3] =	stream.linear.scatter [tilespmem:s8], [sflag:$0xA], $0x80, $0x38;
	[tilespmem:$0x1DA00] =	vst v63  }
0x23f: {  	s8 =	sadd.s32 $0x1BA20, s11;
	s21 =	sadd.s32 $0x40, s6  }
0x240: {  	[hbm4b:s21+s3] =	stream.linear.scatter [tilespmem:s8], [sflag:$0xA], $0x80, $0x38;
	[tilespmem:$0x1DA00] =	vst v63  }
.Ltmp7:
0x241: {  	s8 =	sadd.s32 $0x1BAA8, s11;
	s21 =	sadd.s32 $0x50, s6;
	(pc) =	sbr.rel @p1 .LBB2_17-.Ltmp7, $4  }
0x242: {  	[hbm4b:s21+s3] =	stream.linear.scatter [tilespmem:s8], [sflag:$0xA], $0x80, $0x38;
	[tilespmem:$0x1DA00] =	vst v63  }
0x243: {  	s22 =	sadd.s32 $0x70, s6;
	s8 =	sadd.s32 $0x1BB30, s11;
	s21 =	sadd.s32 $0x60, s6  }
0x244: {  	[hbm4b:s21+s3] =	stream.linear.scatter [tilespmem:s8], [sflag:$0xA], $0x80, $0x38;
	[tilespmem:$0x1DA00] =	vst v63  }
0x245: {  	s6 =	sadd.s32 $0x1000, s6;
	s21 =	sadd.s32 $0x1BBB8, s11;
	s8 =	smov.u32 s15  }
0x246: {  	[hbm4b:s22+s3] =	stream.linear.scatter [tilespmem:s21], [sflag:$0xA], $0x80, $0x38;
	[tilespmem:$0x1DA00] =	vst v63  }
0x247: {  	s8 =	sadd.s32 $0x1B800, s5  }
0x248: {  	[hbm4b:s6+s3] =	stream.linear.scatter [tilespmem:s8], [sflag:$0xA], $0x80, $0x38;
	[tilespmem:$0x1DA00] =	vst v63  }
0x249: {  	s15 =	sadd.s32 $0x1B888, s5;
	s11 =	sadd.s32 $0x10, s6  }
0x24a: {  	[hbm4b:s11+s3] =	stream.linear.scatter [tilespmem:s15], [sflag:$0xA], $0x80, $0x38;
	[tilespmem:$0x1DA00] =	vst v63  }
0x24b: {  	s21 =	sadd.s32 $0x1B910, s5;
	s22 =	sadd.s32 $0x20, s6  }
0x24c: {  	[hbm4b:s22+s3] =	stream.linear.scatter [tilespmem:s21], [sflag:$0xA], $0x80, $0x38;
	[tilespmem:$0x1DA00] =	vst v63  }
0x24d: {  	s11 =	sadd.s32 $0x1B998, s5;
	s15 =	sadd.s32 $0x30, s6  }
0x24e: {  	[hbm4b:s15+s3] =	stream.linear.scatter [tilespmem:s11], [sflag:$0xA], $0x80, $0x38;
	[tilespmem:$0x1DA00] =	vst v63  }
0x24f: {  	s21 =	sadd.s32 $0x1BA20, s5;
	s22 =	sadd.s32 $0x40, s6  }
0x250: {  	[hbm4b:s22+s3] =	stream.linear.scatter [tilespmem:s21], [sflag:$0xA], $0x80, $0x38;
	[tilespmem:$0x1DA00] =	vst v63  }
0x251: {  	s11 =	sadd.s32 $0x1BAA8, s5;
	s15 =	sadd.s32 $0x50, s6  }
0x252: {  	[hbm4b:s15+s3] =	stream.linear.scatter [tilespmem:s11], [sflag:$0xA], $0x80, $0x38;
	[tilespmem:$0x1DA00] =	vst v63  }
0x253: {  	s21 =	sadd.s32 $0x1BB30, s5;
	s22 =	sadd.s32 $0x60, s6  }
0x254: {  	[hbm4b:s22+s3] =	stream.linear.scatter [tilespmem:s21], [sflag:$0xA], $0x80, $0x38;
	[tilespmem:$0x1DA00] =	vst v63  }
0x255: {  	s8 =	sadd.s32 $0x1BBB8, s5;
	s11 =	sadd.s32 $0x70, s6  }
0x256: {  	[hbm4b:s11+s3] =	stream.linear.scatter [tilespmem:s8], [sflag:$0xA], $0x80, $0x38;
	[tilespmem:$0x1DA00] =	vst v63  }
0x257: {  	s5 =	sadd.s32 @!p0 $0x500, s20;
	s6 =	simm.s32 @!p0 $0x80;
	s8 =	simm.s32 @!p0 $0xD600  }
0x258: {  	[tilespmem:s8], [sflag:$0x3] =	stream.indirect.gather @!p0 [hbm4b:s4+s6], $0x40, s5, s6, $0xb8;
	[tilespmem:$0x1DA00] =	vst v63  }
0x259: {  	_ =	swait.ge [sflag:s10], $0x2000  }
0x25a: {  	[sflag:s10] =	ssyncset.done $0x0  }
0x25b: {  	[sflag:s10] =	ssyncadd.s32 $0xFFFFE000  }
0x25c: {  	s21 =	sor.u32 $0x4, s19;
	_ =	swait.ge [sflag:s31], $0x2000  }
0x25d: {  	s15 =	sshll.u32 s21, $0x6;
	[sflag:s31] =	ssyncset.done $0x0  }
0x25e: {  	s5 =	sand.u32 $0x3FFFFFC0, s15;
	[sflag:s31] =	ssyncadd.s32 $0xFFFFE000  }
0x25f: {  	s22 =	simm.s32 $0x3;
	s8 =	simm.s32 $0x116F0;
	v9 =	vld [tilespmem:s5+$0x6400]  }
0x260: {  	v4 =	vmov s22;
	v7 =	vld [tilespmem:s8+$0xFFFFFFD0]  }
0x261: {  	v13 =	vand.u32 $0x7F, v4  }
0x262: {  	s11 =	simm.s32 $0x0;
	v8 =	vadd.s32 v0, v13;
	v6 =	vld [tilespmem:s5+$0x6410]  }
0x263: {  	s22 =	simm.s32 $0x2;
	v4 =	vmov s11;
	s15 =	simm.s32 $0x1;
	v10 =	vld [tilespmem:s8+$0xFFFFFF10]  }
0x264: {  	v14 =	vmov s22;
	v12 =	vand.u32 $0x7C, v4;
	v4 =	vmov s15;
	v11 =	vld [tilespmem:s8+$0xFFFFFF50]  }
0x265: {  	v15 =	vadd.s32 v0, v12;
	v19 =	vand.u32 $0x7D, v4;
	v16 =	vld [tilespmem:s8+$0xFFFFFF90];
	v7 =	vadd.f32 v7, v9  }
0x266: {  	v20 =	vand.u32 $0x7E, v14;
	v17 =	vadd.s32 v0, v19;
	v5 =	vld [tilespmem:s5+$0x6420]  }
0x267: {  	v14 =	vadd.s32 v0, v20;
	v4 =	vld [tilespmem:s5+$0x6430];
	[tilespmem:v8+s25+$0x0] =	vst.idx.msk $0xffff, v7  }
0x268: {  	v7 =	vadd.f32 v10, v9;
	v8 =	vld [tilespmem:s8+$0xFFFFFFE0]  }
0x269: {  	v10 =	vadd.f32 v11, v9  }
0x26a: {  	v11 =	vadd.s32 v1, v13;
	[tilespmem:v15+s25+$0x0] =	vst.idx.msk $0xffff, v7;
	v7 =	vadd.f32 v16, v9  }
0x26b: {  	[tilespmem:v17+s25+$0x0] =	vst.idx.msk $0xffff, v10;
	v15 =	vld [tilespmem:s8+$0xFFFFFF20]  }
0x26c: {  	v10 =	vld [tilespmem:s8+$0xFFFFFF60];
	[tilespmem:v14+s25+$0x0] =	vst.idx.msk $0xffff, v7  }
0x26d: {  	v14 =	vld [tilespmem:s8+$0xFFFFFFA0];
	v7 =	vadd.f32 v8, v6  }
0x26e: {  	s22 =	simm.s32 $0x117F0;
	s15 =	simm.s32 $0x7;
	v16 =	vadd.s32 v1, v19  }
0x26f: {  	s11 =	simm.s32 $0x4;
	v26 =	vadd.s32 v2, v13;
	v18 =	vld [tilespmem:s22+$0xFFFFFFD0];
	v17 =	vadd.s32 v1, v20;
	[tilespmem:v11+s25+$0x0] =	vst.idx.msk $0xffff, v7;
	v7 =	vmov s15  }
0x270: {  	v21 =	vadd.s32 v1, v12;
	v8 =	vmov s11;
	v7 =	vand.u32 $0x7F, v7;
	v22 =	vld [tilespmem:s8+$0xFFFFFFF0]  }
0x271: {  	s6 =	simm.s32 $0x5;
	v23 =	vld [tilespmem:s22+$0xFFFFFF10];
	v8 =	vand.u32 $0x7C, v8;
	v10 =	vadd.f32 v10, v6;
	v24 =	vadd.s32 v0, v7  }
0x272: {  	v25 =	vld [tilespmem:s22+$0xFFFFFF50];
	s11 =	simm.s32 $0x6;
	v15 =	vadd.f32 v15, v6;
	v11 =	vadd.f32 v14, v6;
	v14 =	vmov s6  }
0x273: {  	v27 =	vadd.s32 v0, v8;
	[tilespmem:v16+s25+$0x0] =	vst.idx.msk $0xffff, v10;
	v16 =	vmov s11;
	v10 =	vand.u32 $0x7D, v14;
	v14 =	vld [tilespmem:s22+$0xFFFFFF90]  }
0x274: {  	[tilespmem:v17+s25+$0x0] =	vst.idx.msk $0xffff, v11;
	v17 =	vadd.s32 v0, v10;
	v11 =	vand.u32 $0x7E, v16;
	v16 =	vadd.f32 v18, v9;
	v18 =	vld [tilespmem:s8+$0xFFFFFF70]  }
0x275: {  	[tilespmem:v21+s25+$0x0] =	vst.idx.msk $0xffff, v15;
	v15 =	vadd.s32 v0, v11;
	v21 =	vld [tilespmem:s8+$0xFFFFFFB0];
	v22 =	vadd.f32 v22, v5  }
0x276: {  	v23 =	vadd.f32 v23, v9;
	[tilespmem:v24+s25+$0x0] =	vst.idx.msk $0xffff, v16;
	v16 =	vld [tilespmem:s8+$0xFFFFFF30];
	v24 =	vadd.s32 v2, v19  }
0x277: {  	v29 =	vadd.s32 v2, v20;
	v25 =	vadd.f32 v25, v9;
	v28 =	vld [tilespmem:s22+$0xFFFFFFE0];
	[tilespmem:v26+s25+$0x0] =	vst.idx.msk $0xffff, v22  }
0x278: {  	[tilespmem:v27+s25+$0x0] =	vst.idx.msk $0xffff, v23;
	v23 =	vadd.s32 v2, v12;
	v14 =	vadd.f32 v14, v9;
	v26 =	vld [tilespmem:s8+$0x0]  }
0x279: {  	v27 =	vld [tilespmem:s22+$0xFFFFFF20];
	[tilespmem:v17+s25+$0x0] =	vst.idx.msk $0xffff, v25;
	v25 =	vadd.s32 v1, v7;
	v18 =	vadd.f32 v18, v5  }
0x27a: {  	v31 =	vadd.s32 v3, v13;
	v30 =	vld [tilespmem:s22+$0xFFFFFF60];
	[tilespmem:v15+s25+$0x0] =	vst.idx.msk $0xffff, v14;
	v14 =	vadd.f32 v21, v5  }
0x27b: {  	v22 =	vadd.s32 v1, v8;
	v17 =	vld [tilespmem:s22+$0xFFFFFFA0];
	v13 =	vadd.f32 v16, v5;
	[tilespmem:v24+s25+$0x0] =	vst.idx.msk $0xffff, v18  }
0x27c: {  	s6 =	simm.s32 $0x8;
	v21 =	vadd.s32 v1, v10;
	[tilespmem:v29+s25+$0x0] =	vst.idx.msk $0xffff, v14;
	v18 =	vadd.f32 v28, v6;
	v16 =	vld [tilespmem:s8+$0xFFFFFF80]  }
0x27d: {  	v24 =	vmov s6;
	v14 =	vadd.s32 v1, v11;
	v15 =	vld [tilespmem:s8+$0xFFFFFFC0];
	[tilespmem:v23+s25+$0x0] =	vst.idx.msk $0xffff, v13;
	v63 =	vadd.f32 v26, v4  }
0x27e: {  	s5 =	simm.s32 $0x118F0;
	s15 =	simm.s32 $0xB;
	v19 =	vadd.s32 v3, v19;
	v13 =	vand.u32 $0x7C, v24;
	v24 =	vadd.f32 v27, v6;
	[tilespmem:v25+s25+$0x0] =	vst.idx.msk $0xffff, v18;
	v18 =	vld [tilespmem:s8+$0xFFFFFF40]  }
0x27f: {  	v20 =	vadd.s32 v3, v20;
	v26 =	vmov s15;
	v23 =	vld [tilespmem:s5+$0xFFFFFFD0];
	s8 =	simm.s32 $0xC;
	v25 =	vadd.f32 v30, v6;
	[tilespmem:v31+s25+$0x0] =	vst.idx.msk $0xffff, v63  }
.LBB2_19:
0x280: {  	p1 =	slt.u32 s8, $0x7C;
	s11 =	sadd.s32 $0x1, s6;
	v26 =	vand.u32 $0x7F, v26;
	[tilespmem:v22+s25+$0x0] =	vst.idx.msk $0xffff, v24;
	v17 =	vadd.f32 v17, v6;
	v22 =	vld [tilespmem:s22+$0xFFFFFFF0];
	v24 =	vadd.s32 v3, v12  }
0x281: {  	v30 =	vmovc v11;
	v27 =	vld [tilespmem:s5+$0xFFFFFF10];
	v28 =	vmov s11;
	s11 =	sadd.s32 $0x2, s6;
	v29 =	vadd.s32 v0, v26;
	[tilespmem:v21+s25+$0x0] =	vst.idx.msk $0xffff, v25;
	v16 =	vadd.f32 v16, v4;
	s6 =	smov.u32 s8  }
0x282: {  	v12 =	vmovc v8;
	v21 =	vld [tilespmem:s5+$0xFFFFFF50];
	v11 =	vmov s11;
	[tilespmem:v14+s25+$0x0] =	vst.idx.msk $0xffff, v17;
	v14 =	vadd.s32 v2, v7;
	v15 =	vadd.f32 v15, v4  }
0x283: {  	v17 =	vadd.s32 v0, v13;
	v28 =	vand.u32 $0x7D, v28;
	v25 =	vld [tilespmem:s5+$0xFFFFFF90];
	v31 =	vadd.f32 v18, v4;
	[tilespmem:v19+s25+$0x0] =	vst.idx.msk $0xffff, v16  }
0x284: {  	v16 =	vadd.s32 v0, v28;
	v11 =	vand.u32 $0x7E, v11;
	v18 =	vadd.f32 v23, v9;
	v19 =	vld [tilespmem:s22+$0xFFFFFF70];
	[tilespmem:v20+s25+$0x0] =	vst.idx.msk $0xffff, v15  }
0x285: {  	v8 =	vmov v13;
	v15 =	vadd.s32 v0, v11;
	v20 =	vld [tilespmem:s22+$0xFFFFFFB0];
	v22 =	vadd.f32 v22, v5;
	[tilespmem:v24+s25+$0x0] =	vst.idx.msk $0xffff, v31  }
0x286: {  	v23 =	vadd.s32 v2, v10;
	v13 =	vadd.f32 v27, v9;
	[tilespmem:v29+s25+$0x0] =	vst.idx.msk $0xffff, v18;
	v18 =	vld [tilespmem:s22+$0xFFFFFF30]  }
0x287: {  	v27 =	vadd.s32 v2, v30;
	v21 =	vadd.f32 v21, v9;
	v24 =	vld [tilespmem:s5+$0xFFFFFFE0];
	[tilespmem:v14+s25+$0x0] =	vst.idx.msk $0xffff, v22  }
0x288: {  	[tilespmem:v17+s25+$0x0] =	vst.idx.msk $0xffff, v13;
	v13 =	vadd.f32 v25, v9;
	v25 =	vadd.s32 v2, v12;
	v29 =	vld [tilespmem:s22+$0x0]  }
0x289: {  	v32 =	vadd.s32 v1, v26;
	v31 =	vld [tilespmem:s5+$0xFFFFFF20];
	[tilespmem:v16+s25+$0x0] =	vst.idx.msk $0xffff, v21;
	v14 =	vadd.f32 v19, v5  }
0x28a: {  	v34 =	vadd.s32 v3, v7;
	v7 =	vmov v26;
	v33 =	vld [tilespmem:s5+$0xFFFFFF60];
	[tilespmem:v15+s25+$0x0] =	vst.idx.msk $0xffff, v13;
	v13 =	vadd.f32 v20, v5  }
.Ltmp8:
0x28b: {  	v22 =	vadd.s32 v1, v8;
	v17 =	vld [tilespmem:s5+$0xFFFFFFA0];
	v15 =	vadd.f32 v18, v5;
	[tilespmem:v23+s25+$0x0] =	vst.idx.msk $0xffff, v14;
	(pc) =	sbr.rel @p1 .LBB2_19-.Ltmp8, $4  }
0x28c: {  	v21 =	vadd.s32 v1, v28;
	v18 =	vadd.f32 v24, v6;
	v16 =	vld [tilespmem:s22+$0xFFFFFF80];
	[tilespmem:v27+s25+$0x0] =	vst.idx.msk $0xffff, v13  }
0x28d: {  	v14 =	vadd.s32 v1, v11;
	v13 =	vmov s8;
	[tilespmem:v25+s25+$0x0] =	vst.idx.msk $0xffff, v15;
	v15 =	vld [tilespmem:s22+$0xFFFFFFC0];
	v27 =	vadd.f32 v29, v4  }
0x28e: {  	s11 =	sadd.s32 $0x3, s8;
	v19 =	vadd.s32 v3, v10;
	v13 =	vand.u32 $0x7C, v13;
	v24 =	vadd.f32 v31, v6;
	[tilespmem:v32+s25+$0x0] =	vst.idx.msk $0xffff, v18;
	v18 =	vld [tilespmem:s22+$0xFFFFFF40];
	s22 =	smov.u32 s5;
	s5 =	sadd.s32 $0x100, s5  }
0x28f: {  	v26 =	vmov s11;
	v10 =	vmovc v28;
	v20 =	vadd.s32 v3, v30;
	s8 =	sadd.s32 $0x4, s8;
	v23 =	vld [tilespmem:s5+$0xFFFFFFD0];
	v25 =	vadd.f32 v33, v6;
	[tilespmem:v34+s25+$0x0] =	vst.idx.msk $0xffff, v27  }
0x290: {  	s8 =	sadd.s32 $0x1, s6  }
0x291: {  	v26 =	vand.u32 $0x7F, v26;
	s15 =	sadd.s32 $0x2, s6;
	v28 =	vld [tilespmem:s5+$0xFFFFFF50];
	v27 =	vmov s8  }
0x292: {  	v31 =	vld [tilespmem:s5+$0xFFFFFF90];
	v29 =	vadd.s32 v0, v26;
	v30 =	vmov s15;
	v27 =	vand.u32 $0x7D, v27  }
0x293: {  	v32 =	vld [tilespmem:s5+$0xFFFFFF10];
	v30 =	vand.u32 $0x7E, v30;
	v33 =	vadd.s32 v0, v27  }
0x294: {  	v34 =	vadd.s32 v0, v30  }
0x295: {  	[tilespmem:v22+s25+$0x0] =	vst.idx.msk $0xffff, v24;
	v44 =	vadd.s32 v0, v13;
	v23 =	vadd.f32 v23, v9  }
0x296: {  	[tilespmem:v21+s25+$0x0] =	vst.idx.msk $0xffff, v25;
	v45 =	vadd.f32 v28, v9  }
0x297: {  	v46 =	vadd.f32 v31, v9;
	[tilespmem:v29+s25+$0x0] =	vst.idx.msk $0xffff, v23  }
0x298: {  	v47 =	vadd.f32 v32, v9;
	v48 =	vld [tilespmem:s5+$0xFFFFFFE0];
	[tilespmem:v33+s25+$0x0] =	vst.idx.msk $0xffff, v45  }
0x299: {  	v17 =	vadd.f32 v17, v6;
	v12 =	vadd.s32 v3, v12;
	[tilespmem:v34+s25+$0x0] =	vst.idx.msk $0xffff, v46;
	v21 =	vld [tilespmem:s5+$0xFFFFFF60]  }
0x29a: {  	v16 =	vadd.f32 v16, v4;
	v49 =	vadd.s32 v1, v26;
	[tilespmem:v44+s25+$0x0] =	vst.idx.msk $0xffff, v47;
	v50 =	vld [tilespmem:s5+$0xFFFFFFA0]  }
0x29b: {  	[tilespmem:v14+s25+$0x0] =	vst.idx.msk $0xffff, v17;
	v51 =	vadd.f32 v15, v4;
	v53 =	vadd.s32 v1, v27;
	v52 =	vld [tilespmem:s5+$0xFFFFFF20]  }
0x29c: {  	v54 =	vld [tilespmem:s22+$0xFFFFFFF0];
	v18 =	vadd.f32 v18, v4;
	[tilespmem:v19+s25+$0x0] =	vst.idx.msk $0xffff, v16;
	v55 =	vadd.s32 v1, v30  }
0x29d: {  	v57 =	vadd.s32 v1, v13;
	v60 =	vld [tilespmem:s22+$0xFFFFFFB0];
	[tilespmem:v20+s25+$0x0] =	vst.idx.msk $0xffff, v51;
	v58 =	vadd.f32 v48, v6  }
0x29e: {  	v59 =	vadd.s32 v2, v7;
	v56 =	vld [tilespmem:s22+$0xFFFFFF70];
	[tilespmem:v12+s25+$0x0] =	vst.idx.msk $0xffff, v18;
	v61 =	vadd.f32 v21, v6  }
0x29f: {  	v62 =	vld [tilespmem:s22+$0xFFFFFF30];
	v29 =	vadd.s32 v2, v11;
	[tilespmem:v49+s25+$0x0] =	vst.idx.msk $0xffff, v58;
	v28 =	vadd.f32 v50, v6  }
0x2a0: {  	v63 =	vadd.s32 v2, v10;
	v31 =	vadd.f32 v52, v6;
	v32 =	vld [tilespmem:s5+$0xFFFFFFF0];
	[tilespmem:v53+s25+$0x0] =	vst.idx.msk $0xffff, v61  }
0x2a1: {  	v33 =	vadd.f32 v54, v5;
	v34 =	vadd.s32 v2, v8;
	[tilespmem:v55+s25+$0x0] =	vst.idx.msk $0xffff, v28;
	v35 =	vld [tilespmem:s5+$0xFFFFFF70]  }
0x2a2: {  	v37 =	vadd.s32 v2, v26;
	v39 =	vadd.f32 v60, v5;
	[tilespmem:v57+s25+$0x0] =	vst.idx.msk $0xffff, v31;
	v38 =	vld [tilespmem:s5+$0xFFFFFFB0]  }
0x2a3: {  	v41 =	vadd.s32 v2, v27;
	v36 =	vadd.f32 v56, v5;
	[tilespmem:v59+s25+$0x0] =	vst.idx.msk $0xffff, v33;
	v40 =	vld [tilespmem:s5+$0xFFFFFF30]  }
0x2a4: {  	v43 =	vadd.s32 v2, v30;
	v18 =	vadd.f32 v62, v5;
	v42 =	vld [tilespmem:s22+$0x0];
	[tilespmem:v29+s25+$0x0] =	vst.idx.msk $0xffff, v39  }
0x2a5: {  	v45 =	vadd.s32 v2, v13;
	[tilespmem:v63+s25+$0x0] =	vst.idx.msk $0xffff, v36;
	v47 =	vld [tilespmem:s22+$0xFFFFFFC0];
	v44 =	vadd.f32 v32, v5  }
0x2a6: {  	v46 =	vadd.s32 v3, v7;
	[tilespmem:v34+s25+$0x0] =	vst.idx.msk $0xffff, v18;
	v21 =	vld [tilespmem:s22+$0xFFFFFF80];
	v9 =	vadd.f32 v35, v5  }
0x2a7: {  	v18 =	vld [tilespmem:s22+$0xFFFFFF40];
	v50 =	vadd.s32 v3, v11;
	[tilespmem:v37+s25+$0x0] =	vst.idx.msk $0xffff, v44;
	v49 =	vadd.f32 v38, v5  }
0x2a8: {  	v48 =	vadd.s32 v3, v10;
	v5 =	vadd.f32 v40, v5;
	v12 =	vld [tilespmem:s5+$0x0];
	[tilespmem:v41+s25+$0x0] =	vst.idx.msk $0xffff, v9  }
0x2a9: {  	v52 =	vadd.s32 v3, v8;
	v51 =	vadd.f32 v42, v4;
	[tilespmem:v43+s25+$0x0] =	vst.idx.msk $0xffff, v49;
	v53 =	vld [tilespmem:s5+$0xFFFFFF80]  }
0x2aa: {  	v55 =	vadd.s32 v3, v26;
	v56 =	vadd.f32 v47, v4;
	[tilespmem:v45+s25+$0x0] =	vst.idx.msk $0xffff, v5;
	v5 =	vld [tilespmem:s5+$0xFFFFFFC0]  }
0x2ab: {  	v58 =	vadd.s32 v3, v27;
	[tilespmem:v46+s25+$0x0] =	vst.idx.msk $0xffff, v51;
	v54 =	vadd.f32 v21, v4;
	v57 =	vld [tilespmem:s5+$0xFFFFFF40]  }
0x2ac: {  	v60 =	vadd.s32 v3, v30;
	v59 =	vadd.f32 v18, v4;
	[tilespmem:v50+s25+$0x0] =	vst.idx.msk $0xffff, v56  }
0x2ad: {  	v62 =	vadd.s32 v3, v13;
	[tilespmem:v48+s25+$0x0] =	vst.idx.msk $0xffff, v54;
	v61 =	vadd.f32 v12, v4  }
0x2ae: {  	[tilespmem:v52+s25+$0x0] =	vst.idx.msk $0xffff, v59;
	v63 =	vadd.f32 v53, v4  }
0x2af: {  	s6 =	sshll.u32 s21, $0x12;
	[tilespmem:v55+s25+$0x0] =	vst.idx.msk $0xffff, v61;
	v5 =	vadd.f32 v5, v4  }
0x2b0: {  	s5 =	sor.u32 s7, s6;
	v4 =	vadd.f32 v57, v4;
	[tilespmem:v58+s25+$0x0] =	vst.idx.msk $0xffff, v63  }
0x2b1: {  	s5 =	sshrl.u32 s5, $0x3;
	[tilespmem:v60+s25+$0x0] =	vst.idx.msk $0xffff, v5  }
0x2b2: {  	s8 =	simm.s32 $0x19600;
	s6 =	sadd.s32 s2, s5;
	[tilespmem:v62+s25+$0x0] =	vst.idx.msk $0xffff, v4  }
0x2b3: {  	[hbm4b:s6+s3] =	stream.linear.scatter [tilespmem:s8], [sflag:$0x9], $0x80, $0x38;
	[tilespmem:$0x1DA00] =	vst v63  }
0x2b4: {  	s11 =	simm.s32 $0x19688;
	s15 =	sadd.s32 $0x10, s6  }
0x2b5: {  	[hbm4b:s15+s3] =	stream.linear.scatter [tilespmem:s11], [sflag:$0x9], $0x80, $0x38;
	[tilespmem:$0x1DA00] =	vst v63  }
0x2b6: {  	s21 =	simm.s32 $0x19710;
	s22 =	sadd.s32 $0x20, s6  }
0x2b7: {  	[hbm4b:s22+s3] =	stream.linear.scatter [tilespmem:s21], [sflag:$0x9], $0x80, $0x38;
	[tilespmem:$0x1DA00] =	vst v63  }
0x2b8: {  	s11 =	simm.s32 $0x19798;
	s15 =	sadd.s32 $0x30, s6  }
0x2b9: {  	[hbm4b:s15+s3] =	stream.linear.scatter [tilespmem:s11], [sflag:$0x9], $0x80, $0x38;
	[tilespmem:$0x1DA00] =	vst v63  }
0x2ba: {  	s21 =	simm.s32 $0x19820;
	s22 =	sadd.s32 $0x40, s6  }
0x2bb: {  	[hbm4b:s22+s3] =	stream.linear.scatter [tilespmem:s21], [sflag:$0x9], $0x80, $0x38;
	[tilespmem:$0x1DA00] =	vst v63  }
0x2bc: {  	s5 =	simm.s32 $0x440;
	s11 =	simm.s32 $0x198A8;
	s15 =	sadd.s32 $0x50, s6  }
0x2bd: {  	[hbm4b:s15+s3] =	stream.linear.scatter [tilespmem:s11], [sflag:$0x9], $0x80, $0x38;
	[tilespmem:$0x1DA00] =	vst v63  }
0x2be: {  	s8 =	simm.s32 $0x2200;
	s21 =	simm.s32 $0x19930;
	s22 =	sadd.s32 $0x60, s6  }
0x2bf: {  	[hbm4b:s22+s3] =	stream.linear.scatter [tilespmem:s21], [sflag:$0x9], $0x80, $0x38;
	[tilespmem:$0x1DA00] =	vst v63  }
0x2c0: {  	s21 =	simm.s32 $0x199B8;
	s22 =	sadd.s32 $0x70, s6;
	s6 =	sadd.s32 $0x1000, s6  }
.LBB2_21:
0x2c1: {  	[hbm4b:s22+s3] =	stream.linear.scatter [tilespmem:s21], [sflag:$0x9], $0x80, $0x38;
	[tilespmem:$0x1DA00] =	vst v63  }
0x2c2: {  	s11 =	smov.u32 s5;
	s5 =	smov.u32 s8  }
0x2c3: {  	s15 =	sadd.s32 $0x1100, s8;
	s5 =	sshra.s32 s5, $0x2;
	s21 =	sadd.s32 $0x19600, s11  }
0x2c4: {  	[hbm4b:s6+s3] =	stream.linear.scatter [tilespmem:s21], [sflag:$0x9], $0x80, $0x38;
	[tilespmem:$0x1DA00] =	vst v63  }
0x2c5: {  	p1 =	sne.s32 s8, $0x7700;
	s8 =	sadd.s32 $0x19688, s11;
	s21 =	sadd.s32 $0x10, s6  }
0x2c6: {  	[hbm4b:s21+s3] =	stream.linear.scatter [tilespmem:s8], [sflag:$0x9], $0x80, $0x38;
	[tilespmem:$0x1DA00] =	vst v63  }
0x2c7: {  	s8 =	sadd.s32 $0x19710, s11;
	s21 =	sadd.s32 $0x20, s6  }
0x2c8: {  	[hbm4b:s21+s3] =	stream.linear.scatter [tilespmem:s8], [sflag:$0x9], $0x80, $0x38;
	[tilespmem:$0x1DA00] =	vst v63  }
0x2c9: {  	s8 =	sadd.s32 $0x19798, s11;
	s21 =	sadd.s32 $0x30, s6  }
0x2ca: {  	[hbm4b:s21+s3] =	stream.linear.scatter [tilespmem:s8], [sflag:$0x9], $0x80, $0x38;
	[tilespmem:$0x1DA00] =	vst v63  }
0x2cb: {  	s8 =	sadd.s32 $0x19820, s11;
	s21 =	sadd.s32 $0x40, s6  }
0x2cc: {  	[hbm4b:s21+s3] =	stream.linear.scatter [tilespmem:s8], [sflag:$0x9], $0x80, $0x38;
	[tilespmem:$0x1DA00] =	vst v63  }
.Ltmp9:
0x2cd: {  	s8 =	sadd.s32 $0x198A8, s11;
	s21 =	sadd.s32 $0x50, s6;
	(pc) =	sbr.rel @p1 .LBB2_21-.Ltmp9, $4  }
0x2ce: {  	[hbm4b:s21+s3] =	stream.linear.scatter [tilespmem:s8], [sflag:$0x9], $0x80, $0x38;
	[tilespmem:$0x1DA00] =	vst v63  }
0x2cf: {  	s22 =	sadd.s32 $0x70, s6;
	s8 =	sadd.s32 $0x19930, s11;
	s21 =	sadd.s32 $0x60, s6  }
0x2d0: {  	[hbm4b:s21+s3] =	stream.linear.scatter [tilespmem:s8], [sflag:$0x9], $0x80, $0x38;
	[tilespmem:$0x1DA00] =	vst v63  }
0x2d1: {  	s6 =	sadd.s32 $0x1000, s6;
	s21 =	sadd.s32 $0x199B8, s11;
	s8 =	smov.u32 s15  }
0x2d2: {  	[hbm4b:s22+s3] =	stream.linear.scatter [tilespmem:s21], [sflag:$0x9], $0x80, $0x38;
	[tilespmem:$0x1DA00] =	vst v63  }
0x2d3: {  	s8 =	sadd.s32 $0x19600, s5  }
0x2d4: {  	[hbm4b:s6+s3] =	stream.linear.scatter [tilespmem:s8], [sflag:$0x9], $0x80, $0x38;
	[tilespmem:$0x1DA00] =	vst v63  }
0x2d5: {  	s22 =	sadd.s32 $0x19688, s5;
	s11 =	sadd.s32 $0x10, s6  }
0x2d6: {  	[hbm4b:s11+s3] =	stream.linear.scatter [tilespmem:s22], [sflag:$0x9], $0x80, $0x38;
	[tilespmem:$0x1DA00] =	vst v63  }
0x2d7: {  	s15 =	sadd.s32 $0x20, s6;
	s11 =	sadd.s32 $0x19710, s5  }
0x2d8: {  	[hbm4b:s15+s3] =	stream.linear.scatter [tilespmem:s11], [sflag:$0x9], $0x80, $0x38;
	[tilespmem:$0x1DA00] =	vst v63  }
0x2d9: {  	s21 =	sadd.s32 $0x19798, s5;
	s22 =	sadd.s32 $0x30, s6  }
0x2da: {  	[hbm4b:s22+s3] =	stream.linear.scatter [tilespmem:s21], [sflag:$0x9], $0x80, $0x38;
	[tilespmem:$0x1DA00] =	vst v63  }
0x2db: {  	s11 =	sadd.s32 $0x19820, s5;
	s15 =	sadd.s32 $0x40, s6  }
0x2dc: {  	[hbm4b:s15+s3] =	stream.linear.scatter [tilespmem:s11], [sflag:$0x9], $0x80, $0x38;
	[tilespmem:$0x1DA00] =	vst v63  }
0x2dd: {  	s21 =	sadd.s32 $0x198A8, s5;
	s22 =	sadd.s32 $0x50, s6  }
0x2de: {  	[hbm4b:s22+s3] =	stream.linear.scatter [tilespmem:s21], [sflag:$0x9], $0x80, $0x38;
	[tilespmem:$0x1DA00] =	vst v63  }
0x2df: {  	s11 =	sadd.s32 $0x19930, s5;
	s15 =	sadd.s32 $0x60, s6  }
0x2e0: {  	[hbm4b:s15+s3] =	stream.linear.scatter [tilespmem:s11], [sflag:$0x9], $0x80, $0x38;
	[tilespmem:$0x1DA00] =	vst v63  }
0x2e1: {  	s21 =	sadd.s32 $0x199B8, s5;
	s22 =	sadd.s32 $0x70, s6  }
0x2e2: {  	[hbm4b:s22+s3] =	stream.linear.scatter [tilespmem:s21], [sflag:$0x9], $0x80, $0x38;
	[tilespmem:$0x1DA00] =	vst v63  }
0x2e3: {  	s8 =	simm.s32 @!p0 $0xF600;
	s5 =	sadd.s32 @!p0 $0x580, s20;
	s6 =	simm.s32 @!p0 $0x80  }
0x2e4: {  	[tilespmem:s8], [sflag:$0x4] =	stream.indirect.gather @!p0 [hbm4b:s4+s6], $0x40, s5, s6, $0xb8;
	[tilespmem:$0x1DA00] =	vst v63  }
0x2e5: {  	_ =	swait.ge [sflag:s12], $0x2000  }
0x2e6: {  	[sflag:s12] =	ssyncset.done $0x0  }
0x2e7: {  	[sflag:s12] =	ssyncadd.s32 $0xFFFFE000  }
0x2e8: {  	s19 =	sor.u32 $0x5, s19;
	_ =	swait.ge [sflag:s0], $0x2000  }
0x2e9: {  	s8 =	sshll.u32 s19, $0x6;
	[sflag:s0] =	ssyncset.done $0x0  }
0x2ea: {  	s5 =	sand.u32 $0x3FFFFFC0, s8;
	[sflag:s0] =	ssyncadd.s32 $0xFFFFE000  }
0x2eb: {  	s11 =	simm.s32 $0x3;
	s8 =	simm.s32 $0x136F0;
	v9 =	vld [tilespmem:s5+$0x6400]  }
0x2ec: {  	v4 =	vmov s11;
	v7 =	vld [tilespmem:s8+$0xFFFFFFD0]  }
0x2ed: {  	v13 =	vand.u32 $0x7F, v4  }
0x2ee: {  	s15 =	simm.s32 $0x0;
	v8 =	vadd.s32 v0, v13;
	v6 =	vld [tilespmem:s5+$0x6410]  }
0x2ef: {  	v4 =	vmov s15;
	s21 =	simm.s32 $0x1;
	s22 =	simm.s32 $0x2;
	v10 =	vld [tilespmem:s8+$0xFFFFFF10]  }
0x2f0: {  	v12 =	vand.u32 $0x7C, v4;
	v4 =	vmov s21;
	v14 =	vmov s22;
	v11 =	vld [tilespmem:s8+$0xFFFFFF50]  }
0x2f1: {  	v15 =	vadd.s32 v0, v12;
	v19 =	vand.u32 $0x7D, v4;
	v16 =	vld [tilespmem:s8+$0xFFFFFF90];
	v7 =	vadd.f32 v7, v9  }
0x2f2: {  	v20 =	vand.u32 $0x7E, v14;
	v17 =	vadd.s32 v0, v19;
	v5 =	vld [tilespmem:s5+$0x6420]  }
0x2f3: {  	v14 =	vadd.s32 v0, v20;
	v4 =	vld [tilespmem:s5+$0x6430];
	[tilespmem:v8+s29+$0x0] =	vst.idx.msk $0xffff, v7  }
0x2f4: {  	v7 =	vadd.f32 v10, v9;
	v8 =	vld [tilespmem:s8+$0xFFFFFFE0]  }
0x2f5: {  	v10 =	vadd.f32 v11, v9  }
0x2f6: {  	v11 =	vadd.s32 v1, v13;
	[tilespmem:v15+s29+$0x0] =	vst.idx.msk $0xffff, v7;
	v7 =	vadd.f32 v16, v9  }
0x2f7: {  	[tilespmem:v17+s29+$0x0] =	vst.idx.msk $0xffff, v10;
	v15 =	vld [tilespmem:s8+$0xFFFFFF20]  }
0x2f8: {  	v10 =	vld [tilespmem:s8+$0xFFFFFF60];
	[tilespmem:v14+s29+$0x0] =	vst.idx.msk $0xffff, v7  }
0x2f9: {  	v14 =	vld [tilespmem:s8+$0xFFFFFFA0];
	v7 =	vadd.f32 v8, v6  }
0x2fa: {  	s22 =	simm.s32 $0x7;
	s21 =	simm.s32 $0x137F0;
	v16 =	vadd.s32 v1, v19  }
0x2fb: {  	s15 =	simm.s32 $0x4;
	v26 =	vadd.s32 v2, v13;
	v18 =	vld [tilespmem:s21+$0xFFFFFFD0];
	v17 =	vadd.s32 v1, v20;
	[tilespmem:v11+s29+$0x0] =	vst.idx.msk $0xffff, v7;
	v7 =	vmov s22  }
0x2fc: {  	v21 =	vadd.s32 v1, v12;
	v8 =	vmov s15;
	v7 =	vand.u32 $0x7F, v7;
	v22 =	vld [tilespmem:s8+$0xFFFFFFF0]  }
0x2fd: {  	s11 =	simm.s32 $0x5;
	v23 =	vld [tilespmem:s21+$0xFFFFFF10];
	v8 =	vand.u32 $0x7C, v8;
	v10 =	vadd.f32 v10, v6;
	v24 =	vadd.s32 v0, v7  }
0x2fe: {  	v25 =	vld [tilespmem:s21+$0xFFFFFF50];
	s15 =	simm.s32 $0x6;
	v15 =	vadd.f32 v15, v6;
	v11 =	vadd.f32 v14, v6;
	v14 =	vmov s11  }
0x2ff: {  	v27 =	vadd.s32 v0, v8;
	[tilespmem:v16+s29+$0x0] =	vst.idx.msk $0xffff, v10;
	v16 =	vmov s15;
	v10 =	vand.u32 $0x7D, v14;
	v14 =	vld [tilespmem:s21+$0xFFFFFF90]  }
0x300: {  	[tilespmem:v17+s29+$0x0] =	vst.idx.msk $0xffff, v11;
	v17 =	vadd.s32 v0, v10;
	v11 =	vand.u32 $0x7E, v16;
	v16 =	vadd.f32 v18, v9;
	v18 =	vld [tilespmem:s8+$0xFFFFFF70]  }
0x301: {  	[tilespmem:v21+s29+$0x0] =	vst.idx.msk $0xffff, v15;
	v15 =	vadd.s32 v0, v11;
	v21 =	vld [tilespmem:s8+$0xFFFFFFB0];
	v22 =	vadd.f32 v22, v5  }
0x302: {  	v23 =	vadd.f32 v23, v9;
	[tilespmem:v24+s29+$0x0] =	vst.idx.msk $0xffff, v16;
	v16 =	vld [tilespmem:s8+$0xFFFFFF30];
	v24 =	vadd.s32 v2, v19  }
0x303: {  	v29 =	vadd.s32 v2, v20;
	v25 =	vadd.f32 v25, v9;
	v28 =	vld [tilespmem:s21+$0xFFFFFFE0];
	[tilespmem:v26+s29+$0x0] =	vst.idx.msk $0xffff, v22  }
0x304: {  	[tilespmem:v27+s29+$0x0] =	vst.idx.msk $0xffff, v23;
	v23 =	vadd.s32 v2, v12;
	v14 =	vadd.f32 v14, v9;
	v26 =	vld [tilespmem:s8+$0x0]  }
0x305: {  	v27 =	vld [tilespmem:s21+$0xFFFFFF20];
	[tilespmem:v17+s29+$0x0] =	vst.idx.msk $0xffff, v25;
	v25 =	vadd.s32 v1, v7;
	v18 =	vadd.f32 v18, v5  }
0x306: {  	v31 =	vadd.s32 v3, v13;
	v30 =	vld [tilespmem:s21+$0xFFFFFF60];
	[tilespmem:v15+s29+$0x0] =	vst.idx.msk $0xffff, v14;
	v14 =	vadd.f32 v21, v5  }
0x307: {  	v22 =	vadd.s32 v1, v8;
	v17 =	vld [tilespmem:s21+$0xFFFFFFA0];
	v13 =	vadd.f32 v16, v5;
	[tilespmem:v24+s29+$0x0] =	vst.idx.msk $0xffff, v18  }
0x308: {  	s6 =	simm.s32 $0x8;
	v21 =	vadd.s32 v1, v10;
	[tilespmem:v29+s29+$0x0] =	vst.idx.msk $0xffff, v14;
	v18 =	vadd.f32 v28, v6;
	v16 =	vld [tilespmem:s8+$0xFFFFFF80]  }
0x309: {  	v24 =	vmov s6;
	v14 =	vadd.s32 v1, v11;
	v15 =	vld [tilespmem:s8+$0xFFFFFFC0];
	[tilespmem:v23+s29+$0x0] =	vst.idx.msk $0xffff, v13;
	v63 =	vadd.f32 v26, v4  }
0x30a: {  	s5 =	simm.s32 $0x138F0;
	s22 =	simm.s32 $0xB;
	v19 =	vadd.s32 v3, v19;
	v13 =	vand.u32 $0x7C, v24;
	v24 =	vadd.f32 v27, v6;
	[tilespmem:v25+s29+$0x0] =	vst.idx.msk $0xffff, v18;
	v18 =	vld [tilespmem:s8+$0xFFFFFF40]  }
0x30b: {  	v20 =	vadd.s32 v3, v20;
	v26 =	vmov s22;
	v23 =	vld [tilespmem:s5+$0xFFFFFFD0];
	s8 =	simm.s32 $0xC;
	v25 =	vadd.f32 v30, v6;
	[tilespmem:v31+s29+$0x0] =	vst.idx.msk $0xffff, v63  }
.LBB2_23:
0x30c: {  	p1 =	slt.u32 s8, $0x7C;
	s11 =	sadd.s32 $0x1, s6;
	v26 =	vand.u32 $0x7F, v26;
	[tilespmem:v22+s29+$0x0] =	vst.idx.msk $0xffff, v24;
	v17 =	vadd.f32 v17, v6;
	v22 =	vld [tilespmem:s21+$0xFFFFFFF0];
	v24 =	vadd.s32 v3, v12  }
0x30d: {  	v30 =	vmovc v11;
	v27 =	vld [tilespmem:s5+$0xFFFFFF10];
	v28 =	vmov s11;
	s11 =	sadd.s32 $0x2, s6;
	v29 =	vadd.s32 v0, v26;
	[tilespmem:v21+s29+$0x0] =	vst.idx.msk $0xffff, v25;
	v16 =	vadd.f32 v16, v4;
	s6 =	smov.u32 s8  }
0x30e: {  	v12 =	vmovc v8;
	v21 =	vld [tilespmem:s5+$0xFFFFFF50];
	v11 =	vmov s11;
	[tilespmem:v14+s29+$0x0] =	vst.idx.msk $0xffff, v17;
	v14 =	vadd.s32 v2, v7;
	v15 =	vadd.f32 v15, v4  }
0x30f: {  	v17 =	vadd.s32 v0, v13;
	v28 =	vand.u32 $0x7D, v28;
	v25 =	vld [tilespmem:s5+$0xFFFFFF90];
	v31 =	vadd.f32 v18, v4;
	[tilespmem:v19+s29+$0x0] =	vst.idx.msk $0xffff, v16  }
0x310: {  	v16 =	vadd.s32 v0, v28;
	v11 =	vand.u32 $0x7E, v11;
	v18 =	vadd.f32 v23, v9;
	v19 =	vld [tilespmem:s21+$0xFFFFFF70];
	[tilespmem:v20+s29+$0x0] =	vst.idx.msk $0xffff, v15  }
0x311: {  	v8 =	vmov v13;
	v15 =	vadd.s32 v0, v11;
	v20 =	vld [tilespmem:s21+$0xFFFFFFB0];
	v22 =	vadd.f32 v22, v5;
	[tilespmem:v24+s29+$0x0] =	vst.idx.msk $0xffff, v31  }
0x312: {  	v23 =	vadd.s32 v2, v10;
	v13 =	vadd.f32 v27, v9;
	[tilespmem:v29+s29+$0x0] =	vst.idx.msk $0xffff, v18;
	v18 =	vld [tilespmem:s21+$0xFFFFFF30]  }
0x313: {  	v27 =	vadd.s32 v2, v30;
	v21 =	vadd.f32 v21, v9;
	v24 =	vld [tilespmem:s5+$0xFFFFFFE0];
	[tilespmem:v14+s29+$0x0] =	vst.idx.msk $0xffff, v22  }
0x314: {  	[tilespmem:v17+s29+$0x0] =	vst.idx.msk $0xffff, v13;
	v13 =	vadd.f32 v25, v9;
	v25 =	vadd.s32 v2, v12;
	v29 =	vld [tilespmem:s21+$0x0]  }
0x315: {  	v32 =	vadd.s32 v1, v26;
	v31 =	vld [tilespmem:s5+$0xFFFFFF20];
	[tilespmem:v16+s29+$0x0] =	vst.idx.msk $0xffff, v21;
	v14 =	vadd.f32 v19, v5  }
0x316: {  	v34 =	vadd.s32 v3, v7;
	v7 =	vmov v26;
	v33 =	vld [tilespmem:s5+$0xFFFFFF60];
	[tilespmem:v15+s29+$0x0] =	vst.idx.msk $0xffff, v13;
	v13 =	vadd.f32 v20, v5  }
.Ltmp10:
0x317: {  	v22 =	vadd.s32 v1, v8;
	v17 =	vld [tilespmem:s5+$0xFFFFFFA0];
	v15 =	vadd.f32 v18, v5;
	[tilespmem:v23+s29+$0x0] =	vst.idx.msk $0xffff, v14;
	(pc) =	sbr.rel @p1 .LBB2_23-.Ltmp10, $4  }
0x318: {  	v21 =	vadd.s32 v1, v28;
	v18 =	vadd.f32 v24, v6;
	v16 =	vld [tilespmem:s21+$0xFFFFFF80];
	[tilespmem:v27+s29+$0x0] =	vst.idx.msk $0xffff, v13  }
0x319: {  	v14 =	vadd.s32 v1, v11;
	v13 =	vmov s8;
	[tilespmem:v25+s29+$0x0] =	vst.idx.msk $0xffff, v15;
	v15 =	vld [tilespmem:s21+$0xFFFFFFC0];
	v27 =	vadd.f32 v29, v4  }
0x31a: {  	s11 =	sadd.s32 $0x3, s8;
	v19 =	vadd.s32 v3, v10;
	v13 =	vand.u32 $0x7C, v13;
	v24 =	vadd.f32 v31, v6;
	[tilespmem:v32+s29+$0x0] =	vst.idx.msk $0xffff, v18;
	v18 =	vld [tilespmem:s21+$0xFFFFFF40];
	s21 =	smov.u32 s5;
	s5 =	sadd.s32 $0x100, s5  }
0x31b: {  	v26 =	vmov s11;
	v10 =	vmovc v28;
	v20 =	vadd.s32 v3, v30;
	s8 =	sadd.s32 $0x4, s8;
	v23 =	vld [tilespmem:s5+$0xFFFFFFD0];
	v25 =	vadd.f32 v33, v6;
	[tilespmem:v34+s29+$0x0] =	vst.idx.msk $0xffff, v27  }
0x31c: {  	s8 =	sadd.s32 $0x1, s6  }
0x31d: {  	v26 =	vand.u32 $0x7F, v26;
	s15 =	sadd.s32 $0x2, s6;
	v28 =	vld [tilespmem:s5+$0xFFFFFF50];
	v27 =	vmov s8  }
0x31e: {  	v31 =	vld [tilespmem:s5+$0xFFFFFF90];
	v29 =	vadd.s32 v0, v26;
	v30 =	vmov s15;
	v27 =	vand.u32 $0x7D, v27  }
0x31f: {  	v32 =	vld [tilespmem:s5+$0xFFFFFF10];
	v30 =	vand.u32 $0x7E, v30;
	v33 =	vadd.s32 v0, v27  }
0x320: {  	v34 =	vadd.s32 v0, v30  }
0x321: {  	[tilespmem:v22+s29+$0x0] =	vst.idx.msk $0xffff, v24;
	v44 =	vadd.s32 v0, v13;
	v23 =	vadd.f32 v23, v9  }
0x322: {  	[tilespmem:v21+s29+$0x0] =	vst.idx.msk $0xffff, v25;
	v45 =	vadd.f32 v28, v9  }
0x323: {  	v46 =	vadd.f32 v31, v9;
	[tilespmem:v29+s29+$0x0] =	vst.idx.msk $0xffff, v23  }
0x324: {  	v47 =	vadd.f32 v32, v9;
	v48 =	vld [tilespmem:s5+$0xFFFFFFE0];
	[tilespmem:v33+s29+$0x0] =	vst.idx.msk $0xffff, v45  }
0x325: {  	v17 =	vadd.f32 v17, v6;
	v12 =	vadd.s32 v3, v12;
	[tilespmem:v34+s29+$0x0] =	vst.idx.msk $0xffff, v46;
	v21 =	vld [tilespmem:s5+$0xFFFFFF60]  }
0x326: {  	v16 =	vadd.f32 v16, v4;
	v49 =	vadd.s32 v1, v26;
	[tilespmem:v44+s29+$0x0] =	vst.idx.msk $0xffff, v47;
	v50 =	vld [tilespmem:s5+$0xFFFFFFA0]  }
0x327: {  	[tilespmem:v14+s29+$0x0] =	vst.idx.msk $0xffff, v17;
	v51 =	vadd.f32 v15, v4;
	v53 =	vadd.s32 v1, v27;
	v52 =	vld [tilespmem:s5+$0xFFFFFF20]  }
0x328: {  	v54 =	vld [tilespmem:s21+$0xFFFFFFF0];
	v18 =	vadd.f32 v18, v4;
	[tilespmem:v19+s29+$0x0] =	vst.idx.msk $0xffff, v16;
	v55 =	vadd.s32 v1, v30  }
0x329: {  	v57 =	vadd.s32 v1, v13;
	v60 =	vld [tilespmem:s21+$0xFFFFFFB0];
	[tilespmem:v20+s29+$0x0] =	vst.idx.msk $0xffff, v51;
	v58 =	vadd.f32 v48, v6  }
0x32a: {  	v59 =	vadd.s32 v2, v7;
	v56 =	vld [tilespmem:s21+$0xFFFFFF70];
	[tilespmem:v12+s29+$0x0] =	vst.idx.msk $0xffff, v18;
	v61 =	vadd.f32 v21, v6  }
0x32b: {  	v62 =	vld [tilespmem:s21+$0xFFFFFF30];
	v29 =	vadd.s32 v2, v11;
	[tilespmem:v49+s29+$0x0] =	vst.idx.msk $0xffff, v58;
	v28 =	vadd.f32 v50, v6  }
0x32c: {  	v63 =	vadd.s32 v2, v10;
	v31 =	vadd.f32 v52, v6;
	v32 =	vld [tilespmem:s5+$0xFFFFFFF0];
	[tilespmem:v53+s29+$0x0] =	vst.idx.msk $0xffff, v61  }
0x32d: {  	v33 =	vadd.f32 v54, v5;
	v34 =	vadd.s32 v2, v8;
	[tilespmem:v55+s29+$0x0] =	vst.idx.msk $0xffff, v28;
	v35 =	vld [tilespmem:s5+$0xFFFFFF70]  }
0x32e: {  	v37 =	vadd.s32 v2, v26;
	v39 =	vadd.f32 v60, v5;
	[tilespmem:v57+s29+$0x0] =	vst.idx.msk $0xffff, v31;
	v38 =	vld [tilespmem:s5+$0xFFFFFFB0]  }
0x32f: {  	v41 =	vadd.s32 v2, v27;
	v36 =	vadd.f32 v56, v5;
	[tilespmem:v59+s29+$0x0] =	vst.idx.msk $0xffff, v33;
	v40 =	vld [tilespmem:s5+$0xFFFFFF30]  }
0x330: {  	v43 =	vadd.s32 v2, v30;
	v18 =	vadd.f32 v62, v5;
	v42 =	vld [tilespmem:s21+$0x0];
	[tilespmem:v29+s29+$0x0] =	vst.idx.msk $0xffff, v39  }
0x331: {  	v45 =	vadd.s32 v2, v13;
	[tilespmem:v63+s29+$0x0] =	vst.idx.msk $0xffff, v36;
	v47 =	vld [tilespmem:s21+$0xFFFFFFC0];
	v44 =	vadd.f32 v32, v5  }
0x332: {  	v46 =	vadd.s32 v3, v7;
	[tilespmem:v34+s29+$0x0] =	vst.idx.msk $0xffff, v18;
	v21 =	vld [tilespmem:s21+$0xFFFFFF80];
	v9 =	vadd.f32 v35, v5  }
0x333: {  	v18 =	vld [tilespmem:s21+$0xFFFFFF40];
	v50 =	vadd.s32 v3, v11;
	[tilespmem:v37+s29+$0x0] =	vst.idx.msk $0xffff, v44;
	v49 =	vadd.f32 v38, v5  }
0x334: {  	v48 =	vadd.s32 v3, v10;
	v5 =	vadd.f32 v40, v5;
	v12 =	vld [tilespmem:s5+$0x0];
	[tilespmem:v41+s29+$0x0] =	vst.idx.msk $0xffff, v9  }
0x335: {  	v52 =	vadd.s32 v3, v8;
	v51 =	vadd.f32 v42, v4;
	[tilespmem:v43+s29+$0x0] =	vst.idx.msk $0xffff, v49;
	v53 =	vld [tilespmem:s5+$0xFFFFFF80]  }
0x336: {  	v55 =	vadd.s32 v3, v26;
	v56 =	vadd.f32 v47, v4;
	[tilespmem:v45+s29+$0x0] =	vst.idx.msk $0xffff, v5;
	v5 =	vld [tilespmem:s5+$0xFFFFFFC0]  }
0x337: {  	v58 =	vadd.s32 v3, v27;
	[tilespmem:v46+s29+$0x0] =	vst.idx.msk $0xffff, v51;
	v54 =	vadd.f32 v21, v4;
	v57 =	vld [tilespmem:s5+$0xFFFFFF40]  }
0x338: {  	v60 =	vadd.s32 v3, v30;
	v59 =	vadd.f32 v18, v4;
	[tilespmem:v50+s29+$0x0] =	vst.idx.msk $0xffff, v56  }
0x339: {  	v62 =	vadd.s32 v3, v13;
	[tilespmem:v48+s29+$0x0] =	vst.idx.msk $0xffff, v54;
	v61 =	vadd.f32 v12, v4  }
0x33a: {  	[tilespmem:v52+s29+$0x0] =	vst.idx.msk $0xffff, v59;
	v63 =	vadd.f32 v53, v4  }
0x33b: {  	s21 =	sshll.u32 s19, $0x12;
	[tilespmem:v55+s29+$0x0] =	vst.idx.msk $0xffff, v61;
	v5 =	vadd.f32 v5, v4  }
0x33c: {  	s5 =	sor.u32 s7, s21;
	v4 =	vadd.f32 v57, v4;
	[tilespmem:v58+s29+$0x0] =	vst.idx.msk $0xffff, v63  }
0x33d: {  	s5 =	sshrl.u32 s5, $0x3;
	[tilespmem:v60+s29+$0x0] =	vst.idx.msk $0xffff, v5  }
0x33e: {  	s22 =	simm.s32 $0x1B800;
	s6 =	sadd.s32 s2, s5;
	[tilespmem:v62+s29+$0x0] =	vst.idx.msk $0xffff, v4  }
0x33f: {  	[hbm4b:s6+s3] =	stream.linear.scatter [tilespmem:s22], [sflag:$0xA], $0x80, $0x38;
	[tilespmem:$0x1DA00] =	vst v63  }
0x340: {  	s8 =	simm.s32 $0x1B888;
	s11 =	sadd.s32 $0x10, s6  }
0x341: {  	[hbm4b:s11+s3] =	stream.linear.scatter [tilespmem:s8], [sflag:$0xA], $0x80, $0x38;
	[tilespmem:$0x1DA00] =	vst v63  }
0x342: {  	s15 =	simm.s32 $0x1B910;
	s19 =	sadd.s32 $0x20, s6  }
0x343: {  	[hbm4b:s19+s3] =	stream.linear.scatter [tilespmem:s15], [sflag:$0xA], $0x80, $0x38;
	[tilespmem:$0x1DA00] =	vst v63  }
0x344: {  	s21 =	simm.s32 $0x1B998;
	s22 =	sadd.s32 $0x30, s6  }
0x345: {  	[hbm4b:s22+s3] =	stream.linear.scatter [tilespmem:s21], [sflag:$0xA], $0x80, $0x38;
	[tilespmem:$0x1DA00] =	vst v63  }
0x346: {  	s8 =	simm.s32 $0x1BA20;
	s11 =	sadd.s32 $0x40, s6  }
0x347: {  	[hbm4b:s11+s3] =	stream.linear.scatter [tilespmem:s8], [sflag:$0xA], $0x80, $0x38;
	[tilespmem:$0x1DA00] =	vst v63  }
0x348: {  	s5 =	simm.s32 $0x440;
	s15 =	simm.s32 $0x1BAA8;
	s19 =	sadd.s32 $0x50, s6  }
0x349: {  	[hbm4b:s19+s3] =	stream.linear.scatter [tilespmem:s15], [sflag:$0xA], $0x80, $0x38;
	[tilespmem:$0x1DA00] =	vst v63  }
0x34a: {  	s21 =	simm.s32 $0x1BB30;
	s22 =	sadd.s32 $0x60, s6;
	s8 =	simm.s32 $0x2200  }
0x34b: {  	[hbm4b:s22+s3] =	stream.linear.scatter [tilespmem:s21], [sflag:$0xA], $0x80, $0x38;
	[tilespmem:$0x1DA00] =	vst v63  }
0x34c: {  	s19 =	simm.s32 $0x1BBB8;
	s21 =	sadd.s32 $0x70, s6;
	s6 =	sadd.s32 $0x1000, s6  }
.LBB2_25:
0x34d: {  	[hbm4b:s21+s3] =	stream.linear.scatter [tilespmem:s19], [sflag:$0xA], $0x80, $0x38;
	[tilespmem:$0x1DA00] =	vst v63  }
0x34e: {  	s11 =	smov.u32 s5;
	s5 =	smov.u32 s8  }
0x34f: {  	s15 =	sadd.s32 $0x1100, s8;
	s5 =	sshra.s32 s5, $0x2;
	s19 =	sadd.s32 $0x1B800, s11  }
0x350: {  	[hbm4b:s6+s3] =	stream.linear.scatter [tilespmem:s19], [sflag:$0xA], $0x80, $0x38;
	[tilespmem:$0x1DA00] =	vst v63  }
0x351: {  	p1 =	sne.s32 s8, $0x7700;
	s8 =	sadd.s32 $0x1B888, s11;
	s19 =	sadd.s32 $0x10, s6  }
0x352: {  	[hbm4b:s19+s3] =	stream.linear.scatter [tilespmem:s8], [sflag:$0xA], $0x80, $0x38;
	[tilespmem:$0x1DA00] =	vst v63  }
0x353: {  	s8 =	sadd.s32 $0x1B910, s11;
	s19 =	sadd.s32 $0x20, s6  }
0x354: {  	[hbm4b:s19+s3] =	stream.linear.scatter [tilespmem:s8], [sflag:$0xA], $0x80, $0x38;
	[tilespmem:$0x1DA00] =	vst v63  }
0x355: {  	s8 =	sadd.s32 $0x1B998, s11;
	s19 =	sadd.s32 $0x30, s6  }
0x356: {  	[hbm4b:s19+s3] =	stream.linear.scatter [tilespmem:s8], [sflag:$0xA], $0x80, $0x38;
	[tilespmem:$0x1DA00] =	vst v63  }
0x357: {  	s8 =	sadd.s32 $0x1BA20, s11;
	s19 =	sadd.s32 $0x40, s6  }
0x358: {  	[hbm4b:s19+s3] =	stream.linear.scatter [tilespmem:s8], [sflag:$0xA], $0x80, $0x38;
	[tilespmem:$0x1DA00] =	vst v63  }
.Ltmp11:
0x359: {  	s8 =	sadd.s32 $0x1BAA8, s11;
	s19 =	sadd.s32 $0x50, s6;
	(pc) =	sbr.rel @p1 .LBB2_25-.Ltmp11, $4  }
0x35a: {  	[hbm4b:s19+s3] =	stream.linear.scatter [tilespmem:s8], [sflag:$0xA], $0x80, $0x38;
	[tilespmem:$0x1DA00] =	vst v63  }
0x35b: {  	s21 =	sadd.s32 $0x70, s6;
	s8 =	sadd.s32 $0x1BB30, s11;
	s19 =	sadd.s32 $0x60, s6  }
0x35c: {  	[hbm4b:s19+s3] =	stream.linear.scatter [tilespmem:s8], [sflag:$0xA], $0x80, $0x38;
	[tilespmem:$0x1DA00] =	vst v63  }
0x35d: {  	s6 =	sadd.s32 $0x1000, s6;
	s19 =	sadd.s32 $0x1BBB8, s11;
	s8 =	smov.u32 s15  }
0x35e: {  	[hbm4b:s21+s3] =	stream.linear.scatter [tilespmem:s19], [sflag:$0xA], $0x80, $0x38;
	[tilespmem:$0x1DA00] =	vst v63  }
0x35f: {  	s8 =	sadd.s32 $0x1B800, s5  }
0x360: {  	[hbm4b:s6+s3] =	stream.linear.scatter [tilespmem:s8], [sflag:$0xA], $0x80, $0x38;
	[tilespmem:$0x1DA00] =	vst v63  }
0x361: {  	s19 =	sadd.s32 $0x1B888, s5;
	s11 =	sadd.s32 $0x10, s6  }
0x362: {  	[hbm4b:s11+s3] =	stream.linear.scatter [tilespmem:s19], [sflag:$0xA], $0x80, $0x38;
	[tilespmem:$0x1DA00] =	vst v63  }
0x363: {  	s21 =	sadd.s32 $0x1B910, s5;
	s22 =	sadd.s32 $0x20, s6  }
0x364: {  	[hbm4b:s22+s3] =	stream.linear.scatter [tilespmem:s21], [sflag:$0xA], $0x80, $0x38;
	[tilespmem:$0x1DA00] =	vst v63  }
0x365: {  	s15 =	sadd.s32 $0x1B998, s5;
	s19 =	sadd.s32 $0x30, s6  }
0x366: {  	[hbm4b:s19+s3] =	stream.linear.scatter [tilespmem:s15], [sflag:$0xA], $0x80, $0x38;
	[tilespmem:$0x1DA00] =	vst v63  }
0x367: {  	s21 =	sadd.s32 $0x1BA20, s5;
	s22 =	sadd.s32 $0x40, s6  }
0x368: {  	[hbm4b:s22+s3] =	stream.linear.scatter [tilespmem:s21], [sflag:$0xA], $0x80, $0x38;
	[tilespmem:$0x1DA00] =	vst v63  }
0x369: {  	s11 =	sadd.s32 $0x1BAA8, s5;
	s15 =	sadd.s32 $0x50, s6  }
0x36a: {  	[hbm4b:s15+s3] =	stream.linear.scatter [tilespmem:s11], [sflag:$0xA], $0x80, $0x38;
	[tilespmem:$0x1DA00] =	vst v63  }
0x36b: {  	s19 =	sadd.s32 $0x1BB30, s5;
	s21 =	sadd.s32 $0x60, s6  }
0x36c: {  	[hbm4b:s21+s3] =	stream.linear.scatter [tilespmem:s19], [sflag:$0xA], $0x80, $0x38;
	[tilespmem:$0x1DA00] =	vst v63  }
0x36d: {  	s8 =	sadd.s32 $0x70, s6;
	s22 =	sadd.s32 $0x1BBB8, s5  }
0x36e: {  	[hbm4b:s8+s3] =	stream.linear.scatter [tilespmem:s22], [sflag:$0xA], $0x80, $0x38;
	[tilespmem:$0x1DA00] =	vst v63  }
0x36f: {  	s5 =	sadd.s32 @!p0 $0x600, s20;
	s6 =	simm.s32 @!p0 $0x80;
	s8 =	simm.s32 @!p0 $0x11600  }
0x370: {  	[tilespmem:s8], [sflag:$0x5] =	stream.indirect.gather @!p0 [hbm4b:s4+s6], $0x40, s5, s6, $0xb8;
	[tilespmem:$0x1DA00] =	vst v63  }
0x371: {  	_ =	swait.ge [sflag:s13], $0x2000  }
0x372: {  	[sflag:s13] =	ssyncset.done $0x0  }
0x373: {  	[sflag:s13] =	ssyncadd.s32 $0xFFFFE000  }
0x374: {  	_ =	swait.ge [sflag:s31], $0x2000  }
0x375: {  	s11 =	sshll.u32 s17, $0x6;
	[sflag:s31] =	ssyncset.done $0x0  }
0x376: {  	s5 =	sand.u32 $0x3FFFFFC0, s11;
	[sflag:s31] =	ssyncadd.s32 $0xFFFFE000  }
0x377: {  	s15 =	simm.s32 $0x3;
	s8 =	simm.s32 $0x156F0;
	v9 =	vld [tilespmem:s5+$0x6400]  }
0x378: {  	v4 =	vmov s15;
	v7 =	vld [tilespmem:s8+$0xFFFFFFD0]  }
0x379: {  	v13 =	vand.u32 $0x7F, v4  }
0x37a: {  	s19 =	simm.s32 $0x0;
	v8 =	vadd.s32 v0, v13;
	v6 =	vld [tilespmem:s5+$0x6410]  }
0x37b: {  	s21 =	simm.s32 $0x1;
	v4 =	vmov s19;
	s22 =	simm.s32 $0x2;
	v10 =	vld [tilespmem:s8+$0xFFFFFF10]  }
0x37c: {  	v12 =	vand.u32 $0x7C, v4;
	v4 =	vmov s21;
	v14 =	vmov s22;
	v11 =	vld [tilespmem:s8+$0xFFFFFF50]  }
0x37d: {  	v15 =	vadd.s32 v0, v12;
	v19 =	vand.u32 $0x7D, v4;
	v16 =	vld [tilespmem:s8+$0xFFFFFF90];
	v7 =	vadd.f32 v7, v9  }
0x37e: {  	v17 =	vadd.s32 v0, v19;
	v20 =	vand.u32 $0x7E, v14;
	v5 =	vld [tilespmem:s5+$0x6420]  }
0x37f: {  	v14 =	vadd.s32 v0, v20;
	v4 =	vld [tilespmem:s5+$0x6430];
	[tilespmem:v8+s25+$0x0] =	vst.idx.msk $0xffff, v7  }
0x380: {  	v7 =	vadd.f32 v10, v9;
	v8 =	vld [tilespmem:s8+$0xFFFFFFE0]  }
0x381: {  	v10 =	vadd.f32 v11, v9  }
0x382: {  	v11 =	vadd.s32 v1, v13;
	[tilespmem:v15+s25+$0x0] =	vst.idx.msk $0xffff, v7;
	v7 =	vadd.f32 v16, v9  }
0x383: {  	[tilespmem:v17+s25+$0x0] =	vst.idx.msk $0xffff, v10;
	v15 =	vld [tilespmem:s8+$0xFFFFFF20]  }
0x384: {  	v10 =	vld [tilespmem:s8+$0xFFFFFF60];
	[tilespmem:v14+s25+$0x0] =	vst.idx.msk $0xffff, v7  }
0x385: {  	v14 =	vld [tilespmem:s8+$0xFFFFFFA0];
	v7 =	vadd.f32 v8, v6  }
0x386: {  	s19 =	simm.s32 $0x157F0;
	s11 =	simm.s32 $0x7;
	v16 =	vadd.s32 v1, v19  }
0x387: {  	v26 =	vadd.s32 v2, v13;
	s6 =	simm.s32 $0x4;
	v18 =	vld [tilespmem:s19+$0xFFFFFFD0];
	v17 =	vadd.s32 v1, v20;
	[tilespmem:v11+s25+$0x0] =	vst.idx.msk $0xffff, v7;
	v7 =	vmov s11  }
0x388: {  	v21 =	vadd.s32 v1, v12;
	v8 =	vmov s6;
	v7 =	vand.u32 $0x7F, v7;
	v22 =	vld [tilespmem:s8+$0xFFFFFFF0]  }
0x389: {  	s15 =	simm.s32 $0x5;
	v23 =	vld [tilespmem:s19+$0xFFFFFF10];
	v8 =	vand.u32 $0x7C, v8;
	v10 =	vadd.f32 v10, v6;
	v24 =	vadd.s32 v0, v7  }
0x38a: {  	s21 =	simm.s32 $0x6;
	v25 =	vld [tilespmem:s19+$0xFFFFFF50];
	v15 =	vadd.f32 v15, v6;
	v11 =	vadd.f32 v14, v6;
	v14 =	vmov s15  }
0x38b: {  	v27 =	vadd.s32 v0, v8;
	[tilespmem:v16+s25+$0x0] =	vst.idx.msk $0xffff, v10;
	v16 =	vmov s21;
	v10 =	vand.u32 $0x7D, v14;
	v14 =	vld [tilespmem:s19+$0xFFFFFF90]  }
0x38c: {  	[tilespmem:v17+s25+$0x0] =	vst.idx.msk $0xffff, v11;
	v17 =	vadd.s32 v0, v10;
	v11 =	vand.u32 $0x7E, v16;
	v16 =	vadd.f32 v18, v9;
	v18 =	vld [tilespmem:s8+$0xFFFFFF70]  }
0x38d: {  	[tilespmem:v21+s25+$0x0] =	vst.idx.msk $0xffff, v15;
	v15 =	vadd.s32 v0, v11;
	v21 =	vld [tilespmem:s8+$0xFFFFFFB0];
	v22 =	vadd.f32 v22, v5  }
0x38e: {  	v23 =	vadd.f32 v23, v9;
	[tilespmem:v24+s25+$0x0] =	vst.idx.msk $0xffff, v16;
	v16 =	vld [tilespmem:s8+$0xFFFFFF30];
	v24 =	vadd.s32 v2, v19  }
0x38f: {  	v29 =	vadd.s32 v2, v20;
	v25 =	vadd.f32 v25, v9;
	v28 =	vld [tilespmem:s19+$0xFFFFFFE0];
	[tilespmem:v26+s25+$0x0] =	vst.idx.msk $0xffff, v22  }
0x390: {  	[tilespmem:v27+s25+$0x0] =	vst.idx.msk $0xffff, v23;
	v23 =	vadd.s32 v2, v12;
	v14 =	vadd.f32 v14, v9;
	v26 =	vld [tilespmem:s8+$0x0]  }
0x391: {  	v27 =	vld [tilespmem:s19+$0xFFFFFF20];
	[tilespmem:v17+s25+$0x0] =	vst.idx.msk $0xffff, v25;
	v25 =	vadd.s32 v1, v7;
	v18 =	vadd.f32 v18, v5  }
0x392: {  	v31 =	vadd.s32 v3, v13;
	v30 =	vld [tilespmem:s19+$0xFFFFFF60];
	[tilespmem:v15+s25+$0x0] =	vst.idx.msk $0xffff, v14;
	v14 =	vadd.f32 v21, v5  }
0x393: {  	v22 =	vadd.s32 v1, v8;
	v17 =	vld [tilespmem:s19+$0xFFFFFFA0];
	v13 =	vadd.f32 v16, v5;
	[tilespmem:v24+s25+$0x0] =	vst.idx.msk $0xffff, v18  }
0x394: {  	s6 =	simm.s32 $0x8;
	v21 =	vadd.s32 v1, v10;
	[tilespmem:v29+s25+$0x0] =	vst.idx.msk $0xffff, v14;
	v18 =	vadd.f32 v28, v6;
	v16 =	vld [tilespmem:s8+$0xFFFFFF80]  }
0x395: {  	v24 =	vmov s6;
	v14 =	vadd.s32 v1, v11;
	v15 =	vld [tilespmem:s8+$0xFFFFFFC0];
	[tilespmem:v23+s25+$0x0] =	vst.idx.msk $0xffff, v13;
	v63 =	vadd.f32 v26, v4  }
0x396: {  	s22 =	simm.s32 $0xB;
	s5 =	simm.s32 $0x158F0;
	v19 =	vadd.s32 v3, v19;
	v13 =	vand.u32 $0x7C, v24;
	v24 =	vadd.f32 v27, v6;
	[tilespmem:v25+s25+$0x0] =	vst.idx.msk $0xffff, v18;
	v18 =	vld [tilespmem:s8+$0xFFFFFF40]  }
0x397: {  	v20 =	vadd.s32 v3, v20;
	v26 =	vmov s22;
	v23 =	vld [tilespmem:s5+$0xFFFFFFD0];
	s8 =	simm.s32 $0xC;
	v25 =	vadd.f32 v30, v6;
	[tilespmem:v31+s25+$0x0] =	vst.idx.msk $0xffff, v63  }
.LBB2_27:
0x398: {  	p1 =	slt.u32 s8, $0x7C;
	s11 =	sadd.s32 $0x1, s6;
	v26 =	vand.u32 $0x7F, v26;
	[tilespmem:v22+s25+$0x0] =	vst.idx.msk $0xffff, v24;
	v17 =	vadd.f32 v17, v6;
	v22 =	vld [tilespmem:s19+$0xFFFFFFF0];
	v24 =	vadd.s32 v3, v12  }
0x399: {  	v30 =	vmovc v11;
	v27 =	vld [tilespmem:s5+$0xFFFFFF10];
	v28 =	vmov s11;
	s11 =	sadd.s32 $0x2, s6;
	v29 =	vadd.s32 v0, v26;
	[tilespmem:v21+s25+$0x0] =	vst.idx.msk $0xffff, v25;
	v16 =	vadd.f32 v16, v4;
	s6 =	smov.u32 s8  }
0x39a: {  	v12 =	vmovc v8;
	v21 =	vld [tilespmem:s5+$0xFFFFFF50];
	v11 =	vmov s11;
	[tilespmem:v14+s25+$0x0] =	vst.idx.msk $0xffff, v17;
	v14 =	vadd.s32 v2, v7;
	v15 =	vadd.f32 v15, v4  }
0x39b: {  	v17 =	vadd.s32 v0, v13;
	v28 =	vand.u32 $0x7D, v28;
	v25 =	vld [tilespmem:s5+$0xFFFFFF90];
	v31 =	vadd.f32 v18, v4;
	[tilespmem:v19+s25+$0x0] =	vst.idx.msk $0xffff, v16  }
0x39c: {  	v16 =	vadd.s32 v0, v28;
	v11 =	vand.u32 $0x7E, v11;
	v18 =	vadd.f32 v23, v9;
	v19 =	vld [tilespmem:s19+$0xFFFFFF70];
	[tilespmem:v20+s25+$0x0] =	vst.idx.msk $0xffff, v15  }
0x39d: {  	v8 =	vmov v13;
	v15 =	vadd.s32 v0, v11;
	v20 =	vld [tilespmem:s19+$0xFFFFFFB0];
	v22 =	vadd.f32 v22, v5;
	[tilespmem:v24+s25+$0x0] =	vst.idx.msk $0xffff, v31  }
0x39e: {  	v23 =	vadd.s32 v2, v10;
	v13 =	vadd.f32 v27, v9;
	[tilespmem:v29+s25+$0x0] =	vst.idx.msk $0xffff, v18;
	v18 =	vld [tilespmem:s19+$0xFFFFFF30]  }
0x39f: {  	v27 =	vadd.s32 v2, v30;
	v21 =	vadd.f32 v21, v9;
	v24 =	vld [tilespmem:s5+$0xFFFFFFE0];
	[tilespmem:v14+s25+$0x0] =	vst.idx.msk $0xffff, v22  }
0x3a0: {  	[tilespmem:v17+s25+$0x0] =	vst.idx.msk $0xffff, v13;
	v13 =	vadd.f32 v25, v9;
	v25 =	vadd.s32 v2, v12;
	v29 =	vld [tilespmem:s19+$0x0]  }
0x3a1: {  	v32 =	vadd.s32 v1, v26;
	v31 =	vld [tilespmem:s5+$0xFFFFFF20];
	[tilespmem:v16+s25+$0x0] =	vst.idx.msk $0xffff, v21;
	v14 =	vadd.f32 v19, v5  }
0x3a2: {  	v34 =	vadd.s32 v3, v7;
	v7 =	vmov v26;
	v33 =	vld [tilespmem:s5+$0xFFFFFF60];
	[tilespmem:v15+s25+$0x0] =	vst.idx.msk $0xffff, v13;
	v13 =	vadd.f32 v20, v5  }
.Ltmp12:
0x3a3: {  	v22 =	vadd.s32 v1, v8;
	v17 =	vld [tilespmem:s5+$0xFFFFFFA0];
	v15 =	vadd.f32 v18, v5;
	[tilespmem:v23+s25+$0x0] =	vst.idx.msk $0xffff, v14;
	(pc) =	sbr.rel @p1 .LBB2_27-.Ltmp12, $4  }
0x3a4: {  	v21 =	vadd.s32 v1, v28;
	v18 =	vadd.f32 v24, v6;
	v16 =	vld [tilespmem:s19+$0xFFFFFF80];
	[tilespmem:v27+s25+$0x0] =	vst.idx.msk $0xffff, v13  }
0x3a5: {  	v14 =	vadd.s32 v1, v11;
	v13 =	vmov s8;
	[tilespmem:v25+s25+$0x0] =	vst.idx.msk $0xffff, v15;
	v15 =	vld [tilespmem:s19+$0xFFFFFFC0];
	v27 =	vadd.f32 v29, v4  }
0x3a6: {  	s11 =	sadd.s32 $0x3, s8;
	v19 =	vadd.s32 v3, v10;
	v13 =	vand.u32 $0x7C, v13;
	v24 =	vadd.f32 v31, v6;
	[tilespmem:v32+s25+$0x0] =	vst.idx.msk $0xffff, v18;
	v18 =	vld [tilespmem:s19+$0xFFFFFF40];
	s19 =	smov.u32 s5;
	s5 =	sadd.s32 $0x100, s5  }
0x3a7: {  	v26 =	vmov s11;
	v10 =	vmovc v28;
	v20 =	vadd.s32 v3, v30;
	s8 =	sadd.s32 $0x4, s8;
	v23 =	vld [tilespmem:s5+$0xFFFFFFD0];
	v25 =	vadd.f32 v33, v6;
	[tilespmem:v34+s25+$0x0] =	vst.idx.msk $0xffff, v27  }
0x3a8: {  	s8 =	sadd.s32 $0x1, s6  }
0x3a9: {  	v26 =	vand.u32 $0x7F, v26;
	s22 =	sadd.s32 $0x2, s6;
	v28 =	vld [tilespmem:s5+$0xFFFFFF50];
	v27 =	vmov s8  }
0x3aa: {  	v31 =	vld [tilespmem:s5+$0xFFFFFF90];
	v29 =	vadd.s32 v0, v26;
	v30 =	vmov s22;
	v27 =	vand.u32 $0x7D, v27  }
0x3ab: {  	v32 =	vld [tilespmem:s5+$0xFFFFFF10];
	v30 =	vand.u32 $0x7E, v30;
	v33 =	vadd.s32 v0, v27  }
0x3ac: {  	v34 =	vadd.s32 v0, v30  }
0x3ad: {  	[tilespmem:v22+s25+$0x0] =	vst.idx.msk $0xffff, v24;
	v44 =	vadd.s32 v0, v13;
	v23 =	vadd.f32 v23, v9  }
0x3ae: {  	[tilespmem:v21+s25+$0x0] =	vst.idx.msk $0xffff, v25;
	v45 =	vadd.f32 v28, v9  }
0x3af: {  	v46 =	vadd.f32 v31, v9;
	[tilespmem:v29+s25+$0x0] =	vst.idx.msk $0xffff, v23  }
0x3b0: {  	v47 =	vadd.f32 v32, v9;
	v48 =	vld [tilespmem:s5+$0xFFFFFFE0];
	[tilespmem:v33+s25+$0x0] =	vst.idx.msk $0xffff, v45  }
0x3b1: {  	v17 =	vadd.f32 v17, v6;
	v12 =	vadd.s32 v3, v12;
	[tilespmem:v34+s25+$0x0] =	vst.idx.msk $0xffff, v46;
	v21 =	vld [tilespmem:s5+$0xFFFFFF60]  }
0x3b2: {  	v16 =	vadd.f32 v16, v4;
	v49 =	vadd.s32 v1, v26;
	[tilespmem:v44+s25+$0x0] =	vst.idx.msk $0xffff, v47;
	v50 =	vld [tilespmem:s5+$0xFFFFFFA0]  }
0x3b3: {  	[tilespmem:v14+s25+$0x0] =	vst.idx.msk $0xffff, v17;
	v51 =	vadd.f32 v15, v4;
	v53 =	vadd.s32 v1, v27;
	v52 =	vld [tilespmem:s5+$0xFFFFFF20]  }
0x3b4: {  	v54 =	vld [tilespmem:s19+$0xFFFFFFF0];
	v18 =	vadd.f32 v18, v4;
	[tilespmem:v19+s25+$0x0] =	vst.idx.msk $0xffff, v16;
	v55 =	vadd.s32 v1, v30  }
0x3b5: {  	v57 =	vadd.s32 v1, v13;
	v60 =	vld [tilespmem:s19+$0xFFFFFFB0];
	[tilespmem:v20+s25+$0x0] =	vst.idx.msk $0xffff, v51;
	v58 =	vadd.f32 v48, v6  }
0x3b6: {  	v59 =	vadd.s32 v2, v7;
	v56 =	vld [tilespmem:s19+$0xFFFFFF70];
	[tilespmem:v12+s25+$0x0] =	vst.idx.msk $0xffff, v18;
	v61 =	vadd.f32 v21, v6  }
0x3b7: {  	v62 =	vld [tilespmem:s19+$0xFFFFFF30];
	v29 =	vadd.s32 v2, v11;
	[tilespmem:v49+s25+$0x0] =	vst.idx.msk $0xffff, v58;
	v28 =	vadd.f32 v50, v6  }
0x3b8: {  	v63 =	vadd.s32 v2, v10;
	v31 =	vadd.f32 v52, v6;
	v32 =	vld [tilespmem:s5+$0xFFFFFFF0];
	[tilespmem:v53+s25+$0x0] =	vst.idx.msk $0xffff, v61  }
0x3b9: {  	v33 =	vadd.f32 v54, v5;
	v34 =	vadd.s32 v2, v8;
	[tilespmem:v55+s25+$0x0] =	vst.idx.msk $0xffff, v28;
	v35 =	vld [tilespmem:s5+$0xFFFFFF70]  }
0x3ba: {  	v37 =	vadd.s32 v2, v26;
	v39 =	vadd.f32 v60, v5;
	[tilespmem:v57+s25+$0x0] =	vst.idx.msk $0xffff, v31;
	v38 =	vld [tilespmem:s5+$0xFFFFFFB0]  }
0x3bb: {  	v41 =	vadd.s32 v2, v27;
	v36 =	vadd.f32 v56, v5;
	[tilespmem:v59+s25+$0x0] =	vst.idx.msk $0xffff, v33;
	v40 =	vld [tilespmem:s5+$0xFFFFFF30]  }
0x3bc: {  	v43 =	vadd.s32 v2, v30;
	v18 =	vadd.f32 v62, v5;
	v42 =	vld [tilespmem:s19+$0x0];
	[tilespmem:v29+s25+$0x0] =	vst.idx.msk $0xffff, v39  }
0x3bd: {  	v45 =	vadd.s32 v2, v13;
	[tilespmem:v63+s25+$0x0] =	vst.idx.msk $0xffff, v36;
	v47 =	vld [tilespmem:s19+$0xFFFFFFC0];
	v44 =	vadd.f32 v32, v5  }
0x3be: {  	v46 =	vadd.s32 v3, v7;
	[tilespmem:v34+s25+$0x0] =	vst.idx.msk $0xffff, v18;
	v21 =	vld [tilespmem:s19+$0xFFFFFF80];
	v9 =	vadd.f32 v35, v5  }
0x3bf: {  	v18 =	vld [tilespmem:s19+$0xFFFFFF40];
	v50 =	vadd.s32 v3, v11;
	[tilespmem:v37+s25+$0x0] =	vst.idx.msk $0xffff, v44;
	v49 =	vadd.f32 v38, v5  }
0x3c0: {  	v48 =	vadd.s32 v3, v10;
	v5 =	vadd.f32 v40, v5;
	v12 =	vld [tilespmem:s5+$0x0];
	[tilespmem:v41+s25+$0x0] =	vst.idx.msk $0xffff, v9  }
0x3c1: {  	v52 =	vadd.s32 v3, v8;
	v51 =	vadd.f32 v42, v4;
	[tilespmem:v43+s25+$0x0] =	vst.idx.msk $0xffff, v49;
	v53 =	vld [tilespmem:s5+$0xFFFFFF80]  }
0x3c2: {  	v55 =	vadd.s32 v3, v26;
	v56 =	vadd.f32 v47, v4;
	[tilespmem:v45+s25+$0x0] =	vst.idx.msk $0xffff, v5;
	v5 =	vld [tilespmem:s5+$0xFFFFFFC0]  }
0x3c3: {  	v58 =	vadd.s32 v3, v27;
	[tilespmem:v46+s25+$0x0] =	vst.idx.msk $0xffff, v51;
	v54 =	vadd.f32 v21, v4;
	v57 =	vld [tilespmem:s5+$0xFFFFFF40]  }
0x3c4: {  	v60 =	vadd.s32 v3, v30;
	v59 =	vadd.f32 v18, v4;
	[tilespmem:v50+s25+$0x0] =	vst.idx.msk $0xffff, v56  }
0x3c5: {  	v62 =	vadd.s32 v3, v13;
	[tilespmem:v48+s25+$0x0] =	vst.idx.msk $0xffff, v54;
	v61 =	vadd.f32 v12, v4  }
0x3c6: {  	[tilespmem:v52+s25+$0x0] =	vst.idx.msk $0xffff, v59;
	v63 =	vadd.f32 v53, v4  }
0x3c7: {  	s6 =	sshll.u32 s17, $0x12;
	[tilespmem:v55+s25+$0x0] =	vst.idx.msk $0xffff, v61;
	v5 =	vadd.f32 v5, v4  }
0x3c8: {  	s5 =	sor.u32 s7, s6;
	v4 =	vadd.f32 v57, v4;
	[tilespmem:v58+s25+$0x0] =	vst.idx.msk $0xffff, v63  }
0x3c9: {  	s5 =	sshrl.u32 s5, $0x3;
	[tilespmem:v60+s25+$0x0] =	vst.idx.msk $0xffff, v5  }
0x3ca: {  	s8 =	simm.s32 $0x19600;
	s6 =	sadd.s32 s2, s5;
	[tilespmem:v62+s25+$0x0] =	vst.idx.msk $0xffff, v4  }
0x3cb: {  	[hbm4b:s6+s3] =	stream.linear.scatter [tilespmem:s8], [sflag:$0x9], $0x80, $0x38;
	[tilespmem:$0x1DA00] =	vst v63  }
0x3cc: {  	s11 =	simm.s32 $0x19688;
	s15 =	sadd.s32 $0x10, s6  }
0x3cd: {  	[hbm4b:s15+s3] =	stream.linear.scatter [tilespmem:s11], [sflag:$0x9], $0x80, $0x38;
	[tilespmem:$0x1DA00] =	vst v63  }
0x3ce: {  	s17 =	simm.s32 $0x19710;
	s21 =	simm.s32 $0x19798;
	s19 =	sadd.s32 $0x20, s6  }
0x3cf: {  	[hbm4b:s19+s3] =	stream.linear.scatter [tilespmem:s17], [sflag:$0x9], $0x80, $0x38;
	[tilespmem:$0x1DA00] =	vst v63  }
0x3d0: {  	s5 =	simm.s32 $0x440;
	s22 =	sadd.s32 $0x30, s6;
	s8 =	simm.s32 $0x2200  }
0x3d1: {  	[hbm4b:s22+s3] =	stream.linear.scatter [tilespmem:s21], [sflag:$0x9], $0x80, $0x38;
	[tilespmem:$0x1DA00] =	vst v63  }
0x3d2: {  	s11 =	simm.s32 $0x19820;
	s15 =	sadd.s32 $0x40, s6;
	s17 =	simm.s32 $0x198A8  }
0x3d3: {  	[hbm4b:s15+s3] =	stream.linear.scatter [tilespmem:s11], [sflag:$0x9], $0x80, $0x38;
	[tilespmem:$0x1DA00] =	vst v63  }
0x3d4: {  	s19 =	sadd.s32 $0x50, s6;
	s21 =	simm.s32 $0x19930;
	s22 =	sadd.s32 $0x60, s6  }
0x3d5: {  	[hbm4b:s19+s3] =	stream.linear.scatter [tilespmem:s17], [sflag:$0x9], $0x80, $0x38;
	[tilespmem:$0x1DA00] =	vst v63  }
0x3d6: {  	s17 =	simm.s32 $0x199B8;
	s19 =	sadd.s32 $0x70, s6;
	s6 =	sadd.s32 $0x1000, s6  }
0x3d7: {  	[hbm4b:s22+s3] =	stream.linear.scatter [tilespmem:s21], [sflag:$0x9], $0x80, $0x38;
	[tilespmem:$0x1DA00] =	vst v63  }
.LBB2_29:
0x3d8: {  	[hbm4b:s19+s3] =	stream.linear.scatter [tilespmem:s17], [sflag:$0x9], $0x80, $0x38;
	[tilespmem:$0x1DA00] =	vst v63  }
0x3d9: {  	s11 =	smov.u32 s5;
	s5 =	smov.u32 s8  }
0x3da: {  	s15 =	sadd.s32 $0x1100, s8;
	s5 =	sshra.s32 s5, $0x2;
	s17 =	sadd.s32 $0x19600, s11  }
0x3db: {  	[hbm4b:s6+s3] =	stream.linear.scatter [tilespmem:s17], [sflag:$0x9], $0x80, $0x38;
	[tilespmem:$0x1DA00] =	vst v63  }
0x3dc: {  	p1 =	sne.s32 s8, $0x7700;
	s8 =	sadd.s32 $0x19688, s11;
	s17 =	sadd.s32 $0x10, s6  }
0x3dd: {  	[hbm4b:s17+s3] =	stream.linear.scatter [tilespmem:s8], [sflag:$0x9], $0x80, $0x38;
	[tilespmem:$0x1DA00] =	vst v63  }
0x3de: {  	s8 =	sadd.s32 $0x19710, s11;
	s17 =	sadd.s32 $0x20, s6  }
0x3df: {  	[hbm4b:s17+s3] =	stream.linear.scatter [tilespmem:s8], [sflag:$0x9], $0x80, $0x38;
	[tilespmem:$0x1DA00] =	vst v63  }
0x3e0: {  	s8 =	sadd.s32 $0x19798, s11;
	s17 =	sadd.s32 $0x30, s6  }
0x3e1: {  	[hbm4b:s17+s3] =	stream.linear.scatter [tilespmem:s8], [sflag:$0x9], $0x80, $0x38;
	[tilespmem:$0x1DA00] =	vst v63  }
0x3e2: {  	s8 =	sadd.s32 $0x19820, s11;
	s17 =	sadd.s32 $0x40, s6  }
0x3e3: {  	[hbm4b:s17+s3] =	stream.linear.scatter [tilespmem:s8], [sflag:$0x9], $0x80, $0x38;
	[tilespmem:$0x1DA00] =	vst v63  }
.Ltmp13:
0x3e4: {  	s8 =	sadd.s32 $0x198A8, s11;
	s17 =	sadd.s32 $0x50, s6;
	(pc) =	sbr.rel @p1 .LBB2_29-.Ltmp13, $4  }
0x3e5: {  	[hbm4b:s17+s3] =	stream.linear.scatter [tilespmem:s8], [sflag:$0x9], $0x80, $0x38;
	[tilespmem:$0x1DA00] =	vst v63  }
0x3e6: {  	s19 =	sadd.s32 $0x70, s6;
	s8 =	sadd.s32 $0x19930, s11;
	s17 =	sadd.s32 $0x60, s6  }
0x3e7: {  	[hbm4b:s17+s3] =	stream.linear.scatter [tilespmem:s8], [sflag:$0x9], $0x80, $0x38;
	[tilespmem:$0x1DA00] =	vst v63  }
0x3e8: {  	s6 =	sadd.s32 $0x1000, s6;
	s17 =	sadd.s32 $0x199B8, s11;
	s8 =	smov.u32 s15  }
0x3e9: {  	[hbm4b:s19+s3] =	stream.linear.scatter [tilespmem:s17], [sflag:$0x9], $0x80, $0x38;
	[tilespmem:$0x1DA00] =	vst v63  }
0x3ea: {  	s8 =	sadd.s32 $0x19600, s5  }
0x3eb: {  	[hbm4b:s6+s3] =	stream.linear.scatter [tilespmem:s8], [sflag:$0x9], $0x80, $0x38;
	[tilespmem:$0x1DA00] =	vst v63  }
0x3ec: {  	s15 =	sadd.s32 $0x19688, s5;
	s11 =	sadd.s32 $0x10, s6  }
0x3ed: {  	[hbm4b:s11+s3] =	stream.linear.scatter [tilespmem:s15], [sflag:$0x9], $0x80, $0x38;
	[tilespmem:$0x1DA00] =	vst v63  }
0x3ee: {  	s17 =	sadd.s32 $0x19710, s5;
	s19 =	sadd.s32 $0x20, s6  }
0x3ef: {  	[hbm4b:s19+s3] =	stream.linear.scatter [tilespmem:s17], [sflag:$0x9], $0x80, $0x38;
	[tilespmem:$0x1DA00] =	vst v63  }
0x3f0: {  	s21 =	sadd.s32 $0x19798, s5;
	s22 =	sadd.s32 $0x30, s6  }
0x3f1: {  	[hbm4b:s22+s3] =	stream.linear.scatter [tilespmem:s21], [sflag:$0x9], $0x80, $0x38;
	[tilespmem:$0x1DA00] =	vst v63  }
0x3f2: {  	s11 =	sadd.s32 $0x19820, s5;
	s15 =	sadd.s32 $0x40, s6  }
0x3f3: {  	[hbm4b:s15+s3] =	stream.linear.scatter [tilespmem:s11], [sflag:$0x9], $0x80, $0x38;
	[tilespmem:$0x1DA00] =	vst v63  }
0x3f4: {  	s17 =	sadd.s32 $0x198A8, s5;
	s19 =	sadd.s32 $0x50, s6  }
0x3f5: {  	[hbm4b:s19+s3] =	stream.linear.scatter [tilespmem:s17], [sflag:$0x9], $0x80, $0x38;
	[tilespmem:$0x1DA00] =	vst v63  }
0x3f6: {  	s21 =	sadd.s32 $0x19930, s5;
	s22 =	sadd.s32 $0x60, s6  }
0x3f7: {  	[hbm4b:s22+s3] =	stream.linear.scatter [tilespmem:s21], [sflag:$0x9], $0x80, $0x38;
	[tilespmem:$0x1DA00] =	vst v63  }
0x3f8: {  	s11 =	sadd.s32 $0x199B8, s5;
	s15 =	sadd.s32 $0x70, s6  }
0x3f9: {  	[hbm4b:s15+s3] =	stream.linear.scatter [tilespmem:s11], [sflag:$0x9], $0x80, $0x38;
	[tilespmem:$0x1DA00] =	vst v63  }
0x3fa: {  	s8 =	simm.s32 @!p0 $0x13600;
	s5 =	sadd.s32 @!p0 $0x680, s20;
	s6 =	simm.s32 @!p0 $0x80  }
0x3fb: {  	[tilespmem:s8], [sflag:$0x6] =	stream.indirect.gather @!p0 [hbm4b:s4+s6], $0x40, s5, s6, $0xb8;
	[tilespmem:$0x1DA00] =	vst v63  }
0x3fc: {  	_ =	swait.ge [sflag:s14], $0x2000  }
0x3fd: {  	[sflag:s14] =	ssyncset.done $0x0  }
0x3fe: {  	[sflag:s14] =	ssyncadd.s32 $0xFFFFE000  }
0x3ff: {  	_ =	swait.ge [sflag:s0], $0x2000  }
0x400: {  	s17 =	sshll.u32 s18, $0x6;
	[sflag:s0] =	ssyncset.done $0x0  }
0x401: {  	s5 =	sand.u32 $0x3FFFFFC0, s17;
	[sflag:s0] =	ssyncadd.s32 $0xFFFFE000  }
0x402: {  	s19 =	simm.s32 $0x3;
	s8 =	simm.s32 $0x176F0;
	v9 =	vld [tilespmem:s5+$0x6400]  }
0x403: {  	v4 =	vmov s19;
	v7 =	vld [tilespmem:s8+$0xFFFFFFD0]  }
0x404: {  	v13 =	vand.u32 $0x7F, v4  }
0x405: {  	s20 =	simm.s32 $0x0;
	v8 =	vadd.s32 v0, v13;
	v6 =	vld [tilespmem:s5+$0x6410]  }
0x406: {  	v4 =	vmov s20;
	s21 =	simm.s32 $0x1;
	s22 =	simm.s32 $0x2;
	v10 =	vld [tilespmem:s8+$0xFFFFFF10]  }
0x407: {  	v12 =	vand.u32 $0x7C, v4;
	v4 =	vmov s21;
	v14 =	vmov s22;
	v11 =	vld [tilespmem:s8+$0xFFFFFF50]  }
0x408: {  	v15 =	vadd.s32 v0, v12;
	v19 =	vand.u32 $0x7D, v4;
	v16 =	vld [tilespmem:s8+$0xFFFFFF90];
	v7 =	vadd.f32 v7, v9  }
0x409: {  	v20 =	vand.u32 $0x7E, v14;
	v17 =	vadd.s32 v0, v19;
	v5 =	vld [tilespmem:s5+$0x6420]  }
0x40a: {  	v14 =	vadd.s32 v0, v20;
	v4 =	vld [tilespmem:s5+$0x6430];
	[tilespmem:v8+s29+$0x0] =	vst.idx.msk $0xffff, v7  }
0x40b: {  	v7 =	vadd.f32 v10, v9;
	v8 =	vld [tilespmem:s8+$0xFFFFFFE0]  }
0x40c: {  	v10 =	vadd.f32 v11, v9  }
0x40d: {  	v11 =	vadd.s32 v1, v13;
	[tilespmem:v15+s29+$0x0] =	vst.idx.msk $0xffff, v7;
	v7 =	vadd.f32 v16, v9  }
0x40e: {  	[tilespmem:v17+s29+$0x0] =	vst.idx.msk $0xffff, v10;
	v15 =	vld [tilespmem:s8+$0xFFFFFF20]  }
0x40f: {  	v10 =	vld [tilespmem:s8+$0xFFFFFF60];
	[tilespmem:v14+s29+$0x0] =	vst.idx.msk $0xffff, v7  }
0x410: {  	v14 =	vld [tilespmem:s8+$0xFFFFFFA0];
	v7 =	vadd.f32 v8, v6  }
0x411: {  	s19 =	simm.s32 $0x7;
	s17 =	simm.s32 $0x177F0;
	v16 =	vadd.s32 v1, v19  }
0x412: {  	v26 =	vadd.s32 v2, v13;
	s15 =	simm.s32 $0x4;
	v18 =	vld [tilespmem:s17+$0xFFFFFFD0];
	v17 =	vadd.s32 v1, v20;
	[tilespmem:v11+s29+$0x0] =	vst.idx.msk $0xffff, v7;
	v7 =	vmov s19  }
0x413: {  	v21 =	vadd.s32 v1, v12;
	v8 =	vmov s15;
	v7 =	vand.u32 $0x7F, v7;
	v22 =	vld [tilespmem:s8+$0xFFFFFFF0]  }
0x414: {  	s20 =	simm.s32 $0x5;
	v23 =	vld [tilespmem:s17+$0xFFFFFF10];
	v8 =	vand.u32 $0x7C, v8;
	v10 =	vadd.f32 v10, v6;
	v24 =	vadd.s32 v0, v7  }
0x415: {  	s21 =	simm.s32 $0x6;
	v25 =	vld [tilespmem:s17+$0xFFFFFF50];
	v15 =	vadd.f32 v15, v6;
	v11 =	vadd.f32 v14, v6;
	v14 =	vmov s20  }
0x416: {  	v27 =	vadd.s32 v0, v8;
	[tilespmem:v16+s29+$0x0] =	vst.idx.msk $0xffff, v10;
	v16 =	vmov s21;
	v10 =	vand.u32 $0x7D, v14;
	v14 =	vld [tilespmem:s17+$0xFFFFFF90]  }
0x417: {  	[tilespmem:v17+s29+$0x0] =	vst.idx.msk $0xffff, v11;
	v17 =	vadd.s32 v0, v10;
	v11 =	vand.u32 $0x7E, v16;
	v16 =	vadd.f32 v18, v9;
	v18 =	vld [tilespmem:s8+$0xFFFFFF70]  }
0x418: {  	[tilespmem:v21+s29+$0x0] =	vst.idx.msk $0xffff, v15;
	v15 =	vadd.s32 v0, v11;
	v21 =	vld [tilespmem:s8+$0xFFFFFFB0];
	v22 =	vadd.f32 v22, v5  }
0x419: {  	v23 =	vadd.f32 v23, v9;
	[tilespmem:v24+s29+$0x0] =	vst.idx.msk $0xffff, v16;
	v16 =	vld [tilespmem:s8+$0xFFFFFF30];
	v24 =	vadd.s32 v2, v19  }
0x41a: {  	v29 =	vadd.s32 v2, v20;
	v25 =	vadd.f32 v25, v9;
	v28 =	vld [tilespmem:s17+$0xFFFFFFE0];
	[tilespmem:v26+s29+$0x0] =	vst.idx.msk $0xffff, v22  }
0x41b: {  	[tilespmem:v27+s29+$0x0] =	vst.idx.msk $0xffff, v23;
	v23 =	vadd.s32 v2, v12;
	v14 =	vadd.f32 v14, v9;
	v26 =	vld [tilespmem:s8+$0x0]  }
0x41c: {  	v27 =	vld [tilespmem:s17+$0xFFFFFF20];
	[tilespmem:v17+s29+$0x0] =	vst.idx.msk $0xffff, v25;
	v25 =	vadd.s32 v1, v7;
	v18 =	vadd.f32 v18, v5  }
0x41d: {  	v31 =	vadd.s32 v3, v13;
	v30 =	vld [tilespmem:s17+$0xFFFFFF60];
	[tilespmem:v15+s29+$0x0] =	vst.idx.msk $0xffff, v14;
	v14 =	vadd.f32 v21, v5  }
0x41e: {  	v22 =	vadd.s32 v1, v8;
	v17 =	vld [tilespmem:s17+$0xFFFFFFA0];
	v13 =	vadd.f32 v16, v5;
	[tilespmem:v24+s29+$0x0] =	vst.idx.msk $0xffff, v18  }
0x41f: {  	s6 =	simm.s32 $0x8;
	v21 =	vadd.s32 v1, v10;
	[tilespmem:v29+s29+$0x0] =	vst.idx.msk $0xffff, v14;
	v18 =	vadd.f32 v28, v6;
	v16 =	vld [tilespmem:s8+$0xFFFFFF80]  }
0x420: {  	v24 =	vmov s6;
	v14 =	vadd.s32 v1, v11;
	v15 =	vld [tilespmem:s8+$0xFFFFFFC0];
	[tilespmem:v23+s29+$0x0] =	vst.idx.msk $0xffff, v13;
	v63 =	vadd.f32 v26, v4  }
0x421: {  	s22 =	simm.s32 $0xB;
	s5 =	simm.s32 $0x178F0;
	v19 =	vadd.s32 v3, v19;
	v13 =	vand.u32 $0x7C, v24;
	v24 =	vadd.f32 v27, v6;
	[tilespmem:v25+s29+$0x0] =	vst.idx.msk $0xffff, v18;
	v18 =	vld [tilespmem:s8+$0xFFFFFF40]  }
0x422: {  	v20 =	vadd.s32 v3, v20;
	v26 =	vmov s22;
	v23 =	vld [tilespmem:s5+$0xFFFFFFD0];
	s8 =	simm.s32 $0xC;
	v25 =	vadd.f32 v30, v6;
	[tilespmem:v31+s29+$0x0] =	vst.idx.msk $0xffff, v63  }
.LBB2_31:
0x423: {  	p0 =	slt.u32 s8, $0x7C;
	s11 =	sadd.s32 $0x1, s6;
	v26 =	vand.u32 $0x7F, v26;
	[tilespmem:v22+s29+$0x0] =	vst.idx.msk $0xffff, v24;
	v17 =	vadd.f32 v17, v6;
	v22 =	vld [tilespmem:s17+$0xFFFFFFF0];
	v24 =	vadd.s32 v3, v12  }
0x424: {  	v30 =	vmovc v11;
	v27 =	vld [tilespmem:s5+$0xFFFFFF10];
	v28 =	vmov s11;
	s11 =	sadd.s32 $0x2, s6;
	v29 =	vadd.s32 v0, v26;
	[tilespmem:v21+s29+$0x0] =	vst.idx.msk $0xffff, v25;
	v16 =	vadd.f32 v16, v4;
	s6 =	smov.u32 s8  }
0x425: {  	v12 =	vmovc v8;
	v21 =	vld [tilespmem:s5+$0xFFFFFF50];
	v11 =	vmov s11;
	[tilespmem:v14+s29+$0x0] =	vst.idx.msk $0xffff, v17;
	v14 =	vadd.s32 v2, v7;
	v15 =	vadd.f32 v15, v4  }
0x426: {  	v17 =	vadd.s32 v0, v13;
	v28 =	vand.u32 $0x7D, v28;
	v25 =	vld [tilespmem:s5+$0xFFFFFF90];
	v31 =	vadd.f32 v18, v4;
	[tilespmem:v19+s29+$0x0] =	vst.idx.msk $0xffff, v16  }
0x427: {  	v16 =	vadd.s32 v0, v28;
	v11 =	vand.u32 $0x7E, v11;
	v18 =	vadd.f32 v23, v9;
	v19 =	vld [tilespmem:s17+$0xFFFFFF70];
	[tilespmem:v20+s29+$0x0] =	vst.idx.msk $0xffff, v15  }
0x428: {  	v8 =	vmov v13;
	v15 =	vadd.s32 v0, v11;
	v20 =	vld [tilespmem:s17+$0xFFFFFFB0];
	v22 =	vadd.f32 v22, v5;
	[tilespmem:v24+s29+$0x0] =	vst.idx.msk $0xffff, v31  }
0x429: {  	v23 =	vadd.s32 v2, v10;
	v13 =	vadd.f32 v27, v9;
	[tilespmem:v29+s29+$0x0] =	vst.idx.msk $0xffff, v18;
	v18 =	vld [tilespmem:s17+$0xFFFFFF30]  }
0x42a: {  	v27 =	vadd.s32 v2, v30;
	v21 =	vadd.f32 v21, v9;
	v24 =	vld [tilespmem:s5+$0xFFFFFFE0];
	[tilespmem:v14+s29+$0x0] =	vst.idx.msk $0xffff, v22  }
0x42b: {  	[tilespmem:v17+s29+$0x0] =	vst.idx.msk $0xffff, v13;
	v13 =	vadd.f32 v25, v9;
	v25 =	vadd.s32 v2, v12;
	v29 =	vld [tilespmem:s17+$0x0]  }
0x42c: {  	v32 =	vadd.s32 v1, v26;
	v31 =	vld [tilespmem:s5+$0xFFFFFF20];
	[tilespmem:v16+s29+$0x0] =	vst.idx.msk $0xffff, v21;
	v14 =	vadd.f32 v19, v5  }
0x42d: {  	v34 =	vadd.s32 v3, v7;
	v7 =	vmov v26;
	v33 =	vld [tilespmem:s5+$0xFFFFFF60];
	[tilespmem:v15+s29+$0x0] =	vst.idx.msk $0xffff, v13;
	v13 =	vadd.f32 v20, v5  }
.Ltmp14:
0x42e: {  	v22 =	vadd.s32 v1, v8;
	v17 =	vld [tilespmem:s5+$0xFFFFFFA0];
	v15 =	vadd.f32 v18, v5;
	[tilespmem:v23+s29+$0x0] =	vst.idx.msk $0xffff, v14;
	(pc) =	sbr.rel @p0 .LBB2_31-.Ltmp14, $4  }
0x42f: {  	v21 =	vadd.s32 v1, v28;
	v18 =	vadd.f32 v24, v6;
	v16 =	vld [tilespmem:s17+$0xFFFFFF80];
	[tilespmem:v27+s29+$0x0] =	vst.idx.msk $0xffff, v13  }
0x430: {  	v14 =	vadd.s32 v1, v11;
	v13 =	vmov s8;
	[tilespmem:v25+s29+$0x0] =	vst.idx.msk $0xffff, v15;
	v15 =	vld [tilespmem:s17+$0xFFFFFFC0];
	v27 =	vadd.f32 v29, v4  }
0x431: {  	s11 =	sadd.s32 $0x3, s8;
	v19 =	vadd.s32 v3, v10;
	v13 =	vand.u32 $0x7C, v13;
	v24 =	vadd.f32 v31, v6;
	[tilespmem:v32+s29+$0x0] =	vst.idx.msk $0xffff, v18;
	v18 =	vld [tilespmem:s17+$0xFFFFFF40];
	s17 =	smov.u32 s5;
	s5 =	sadd.s32 $0x100, s5  }
0x432: {  	v26 =	vmov s11;
	v10 =	vmovc v28;
	v20 =	vadd.s32 v3, v30;
	s8 =	sadd.s32 $0x4, s8;
	v23 =	vld [tilespmem:s5+$0xFFFFFFD0];
	v25 =	vadd.f32 v33, v6;
	[tilespmem:v34+s29+$0x0] =	vst.idx.msk $0xffff, v27  }
0x433: {  	s8 =	sadd.s32 $0x1, s6  }
0x434: {  	v26 =	vand.u32 $0x7F, v26;
	s15 =	sadd.s32 $0x2, s6;
	v28 =	vld [tilespmem:s5+$0xFFFFFF50];
	v27 =	vmov s8  }
0x435: {  	v31 =	vld [tilespmem:s5+$0xFFFFFF90];
	v29 =	vadd.s32 v0, v26;
	v30 =	vmov s15;
	v27 =	vand.u32 $0x7D, v27  }
0x436: {  	v32 =	vld [tilespmem:s5+$0xFFFFFF10];
	v30 =	vand.u32 $0x7E, v30;
	v33 =	vadd.s32 v0, v27  }
0x437: {  	v34 =	vadd.s32 v0, v30  }
0x438: {  	[tilespmem:v22+s29+$0x0] =	vst.idx.msk $0xffff, v24;
	v44 =	vadd.s32 v0, v13;
	v23 =	vadd.f32 v23, v9  }
0x439: {  	[tilespmem:v21+s29+$0x0] =	vst.idx.msk $0xffff, v25;
	v45 =	vadd.f32 v28, v9  }
0x43a: {  	v46 =	vadd.f32 v31, v9;
	[tilespmem:v29+s29+$0x0] =	vst.idx.msk $0xffff, v23  }
0x43b: {  	v47 =	vadd.f32 v32, v9;
	v48 =	vld [tilespmem:s5+$0xFFFFFFE0];
	[tilespmem:v33+s29+$0x0] =	vst.idx.msk $0xffff, v45  }
0x43c: {  	v17 =	vadd.f32 v17, v6;
	v12 =	vadd.s32 v3, v12;
	[tilespmem:v34+s29+$0x0] =	vst.idx.msk $0xffff, v46;
	v21 =	vld [tilespmem:s5+$0xFFFFFF60]  }
0x43d: {  	v16 =	vadd.f32 v16, v4;
	v49 =	vadd.s32 v1, v26;
	[tilespmem:v44+s29+$0x0] =	vst.idx.msk $0xffff, v47;
	v50 =	vld [tilespmem:s5+$0xFFFFFFA0]  }
0x43e: {  	[tilespmem:v14+s29+$0x0] =	vst.idx.msk $0xffff, v17;
	v51 =	vadd.f32 v15, v4;
	v53 =	vadd.s32 v1, v27;
	v52 =	vld [tilespmem:s5+$0xFFFFFF20]  }
0x43f: {  	v54 =	vld [tilespmem:s17+$0xFFFFFFF0];
	v18 =	vadd.f32 v18, v4;
	[tilespmem:v19+s29+$0x0] =	vst.idx.msk $0xffff, v16;
	v55 =	vadd.s32 v1, v30  }
0x440: {  	v57 =	vadd.s32 v1, v13;
	v60 =	vld [tilespmem:s17+$0xFFFFFFB0];
	[tilespmem:v20+s29+$0x0] =	vst.idx.msk $0xffff, v51;
	v58 =	vadd.f32 v48, v6  }
0x441: {  	v59 =	vadd.s32 v2, v7;
	v56 =	vld [tilespmem:s17+$0xFFFFFF70];
	[tilespmem:v12+s29+$0x0] =	vst.idx.msk $0xffff, v18;
	v61 =	vadd.f32 v21, v6  }
0x442: {  	v62 =	vld [tilespmem:s17+$0xFFFFFF30];
	v29 =	vadd.s32 v2, v11;
	[tilespmem:v49+s29+$0x0] =	vst.idx.msk $0xffff, v58;
	v28 =	vadd.f32 v50, v6  }
0x443: {  	v63 =	vadd.s32 v2, v10;
	v31 =	vadd.f32 v52, v6;
	v32 =	vld [tilespmem:s5+$0xFFFFFFF0];
	[tilespmem:v53+s29+$0x0] =	vst.idx.msk $0xffff, v61  }
0x444: {  	v33 =	vadd.f32 v54, v5;
	v34 =	vadd.s32 v2, v8;
	[tilespmem:v55+s29+$0x0] =	vst.idx.msk $0xffff, v28;
	v35 =	vld [tilespmem:s5+$0xFFFFFF70]  }
0x445: {  	v37 =	vadd.s32 v2, v26;
	v39 =	vadd.f32 v60, v5;
	[tilespmem:v57+s29+$0x0] =	vst.idx.msk $0xffff, v31;
	v38 =	vld [tilespmem:s5+$0xFFFFFFB0]  }
0x446: {  	v41 =	vadd.s32 v2, v27;
	v36 =	vadd.f32 v56, v5;
	[tilespmem:v59+s29+$0x0] =	vst.idx.msk $0xffff, v33;
	v40 =	vld [tilespmem:s5+$0xFFFFFF30]  }
0x447: {  	v43 =	vadd.s32 v2, v30;
	v18 =	vadd.f32 v62, v5;
	v42 =	vld [tilespmem:s17+$0x0];
	[tilespmem:v29+s29+$0x0] =	vst.idx.msk $0xffff, v39  }
0x448: {  	v45 =	vadd.s32 v2, v13;
	[tilespmem:v63+s29+$0x0] =	vst.idx.msk $0xffff, v36;
	v47 =	vld [tilespmem:s17+$0xFFFFFFC0];
	v44 =	vadd.f32 v32, v5  }
0x449: {  	v46 =	vadd.s32 v3, v7;
	[tilespmem:v34+s29+$0x0] =	vst.idx.msk $0xffff, v18;
	v21 =	vld [tilespmem:s17+$0xFFFFFF80];
	v9 =	vadd.f32 v35, v5  }
0x44a: {  	v18 =	vld [tilespmem:s17+$0xFFFFFF40];
	v50 =	vadd.s32 v3, v11;
	[tilespmem:v37+s29+$0x0] =	vst.idx.msk $0xffff, v44;
	v49 =	vadd.f32 v38, v5  }
0x44b: {  	v48 =	vadd.s32 v3, v10;
	v5 =	vadd.f32 v40, v5;
	v12 =	vld [tilespmem:s5+$0x0];
	[tilespmem:v41+s29+$0x0] =	vst.idx.msk $0xffff, v9  }
0x44c: {  	v52 =	vadd.s32 v3, v8;
	v51 =	vadd.f32 v42, v4;
	[tilespmem:v43+s29+$0x0] =	vst.idx.msk $0xffff, v49;
	v53 =	vld [tilespmem:s5+$0xFFFFFF80]  }
0x44d: {  	v55 =	vadd.s32 v3, v26;
	v56 =	vadd.f32 v47, v4;
	[tilespmem:v45+s29+$0x0] =	vst.idx.msk $0xffff, v5;
	v5 =	vld [tilespmem:s5+$0xFFFFFFC0]  }
0x44e: {  	v58 =	vadd.s32 v3, v27;
	[tilespmem:v46+s29+$0x0] =	vst.idx.msk $0xffff, v51;
	v54 =	vadd.f32 v21, v4;
	v57 =	vld [tilespmem:s5+$0xFFFFFF40]  }
0x44f: {  	v60 =	vadd.s32 v3, v30;
	v59 =	vadd.f32 v18, v4;
	[tilespmem:v50+s29+$0x0] =	vst.idx.msk $0xffff, v56  }
0x450: {  	v62 =	vadd.s32 v3, v13;
	[tilespmem:v48+s29+$0x0] =	vst.idx.msk $0xffff, v54;
	v61 =	vadd.f32 v12, v4  }
0x451: {  	[tilespmem:v52+s29+$0x0] =	vst.idx.msk $0xffff, v59;
	v63 =	vadd.f32 v53, v4  }
0x452: {  	s17 =	sshll.u32 s18, $0x12;
	[tilespmem:v55+s29+$0x0] =	vst.idx.msk $0xffff, v61;
	v5 =	vadd.f32 v5, v4  }
0x453: {  	s5 =	sor.u32 s7, s17;
	v4 =	vadd.f32 v57, v4;
	[tilespmem:v58+s29+$0x0] =	vst.idx.msk $0xffff, v63  }
0x454: {  	s5 =	sshrl.u32 s5, $0x3;
	[tilespmem:v60+s29+$0x0] =	vst.idx.msk $0xffff, v5  }
0x455: {  	s18 =	simm.s32 $0x1B800;
	s6 =	sadd.s32 s2, s5;
	[tilespmem:v62+s29+$0x0] =	vst.idx.msk $0xffff, v4  }
0x456: {  	[hbm4b:s6+s3] =	stream.linear.scatter [tilespmem:s18], [sflag:$0xA], $0x80, $0x38;
	[tilespmem:$0x1DA00] =	vst v63  }
0x457: {  	s19 =	simm.s32 $0x1B888;
	s20 =	sadd.s32 $0x10, s6  }
0x458: {  	[hbm4b:s20+s3] =	stream.linear.scatter [tilespmem:s19], [sflag:$0xA], $0x80, $0x38;
	[tilespmem:$0x1DA00] =	vst v63  }
0x459: {  	s21 =	simm.s32 $0x1B910;
	s11 =	simm.s32 $0x1B998;
	s22 =	sadd.s32 $0x20, s6  }
0x45a: {  	[hbm4b:s22+s3] =	stream.linear.scatter [tilespmem:s21], [sflag:$0xA], $0x80, $0x38;
	[tilespmem:$0x1DA00] =	vst v63  }
0x45b: {  	s8 =	simm.s32 $0x2200;
	s17 =	simm.s32 $0x1BA20;
	s15 =	sadd.s32 $0x30, s6  }
0x45c: {  	[hbm4b:s15+s3] =	stream.linear.scatter [tilespmem:s11], [sflag:$0xA], $0x80, $0x38;
	[tilespmem:$0x1DA00] =	vst v63  }
0x45d: {  	s5 =	simm.s32 $0x440;
	s18 =	sadd.s32 $0x40, s6;
	s19 =	simm.s32 $0x1BAA8  }
0x45e: {  	[hbm4b:s18+s3] =	stream.linear.scatter [tilespmem:s17], [sflag:$0xA], $0x80, $0x38;
	[tilespmem:$0x1DA00] =	vst v63  }
0x45f: {  	s20 =	sadd.s32 $0x50, s6;
	s21 =	simm.s32 $0x1BB30;
	s22 =	sadd.s32 $0x60, s6  }
0x460: {  	[hbm4b:s20+s3] =	stream.linear.scatter [tilespmem:s19], [sflag:$0xA], $0x80, $0x38;
	[tilespmem:$0x1DA00] =	vst v63  }
0x461: {  	s17 =	simm.s32 $0x1BBB8;
	s18 =	sadd.s32 $0x70, s6;
	s6 =	sadd.s32 $0x1000, s6  }
0x462: {  	[hbm4b:s22+s3] =	stream.linear.scatter [tilespmem:s21], [sflag:$0xA], $0x80, $0x38;
	[tilespmem:$0x1DA00] =	vst v63  }
.LBB2_33:
0x463: {  	[hbm4b:s18+s3] =	stream.linear.scatter [tilespmem:s17], [sflag:$0xA], $0x80, $0x38;
	[tilespmem:$0x1DA00] =	vst v63  }
0x464: {  	s11 =	smov.u32 s5;
	s5 =	smov.u32 s8  }
0x465: {  	s15 =	sadd.s32 $0x1100, s8;
	s5 =	sshra.s32 s5, $0x2;
	s17 =	sadd.s32 $0x1B800, s11  }
0x466: {  	[hbm4b:s6+s3] =	stream.linear.scatter [tilespmem:s17], [sflag:$0xA], $0x80, $0x38;
	[tilespmem:$0x1DA00] =	vst v63  }
0x467: {  	p0 =	sne.s32 s8, $0x7700;
	s8 =	sadd.s32 $0x1B888, s11;
	s17 =	sadd.s32 $0x10, s6  }
0x468: {  	[hbm4b:s17+s3] =	stream.linear.scatter [tilespmem:s8], [sflag:$0xA], $0x80, $0x38;
	[tilespmem:$0x1DA00] =	vst v63  }
0x469: {  	s8 =	sadd.s32 $0x1B910, s11;
	s17 =	sadd.s32 $0x20, s6  }
0x46a: {  	[hbm4b:s17+s3] =	stream.linear.scatter [tilespmem:s8], [sflag:$0xA], $0x80, $0x38;
	[tilespmem:$0x1DA00] =	vst v63  }
0x46b: {  	s8 =	sadd.s32 $0x1B998, s11;
	s17 =	sadd.s32 $0x30, s6  }
0x46c: {  	[hbm4b:s17+s3] =	stream.linear.scatter [tilespmem:s8], [sflag:$0xA], $0x80, $0x38;
	[tilespmem:$0x1DA00] =	vst v63  }
0x46d: {  	s8 =	sadd.s32 $0x1BA20, s11;
	s17 =	sadd.s32 $0x40, s6  }
0x46e: {  	[hbm4b:s17+s3] =	stream.linear.scatter [tilespmem:s8], [sflag:$0xA], $0x80, $0x38;
	[tilespmem:$0x1DA00] =	vst v63  }
.Ltmp15:
0x46f: {  	s8 =	sadd.s32 $0x1BAA8, s11;
	s17 =	sadd.s32 $0x50, s6;
	(pc) =	sbr.rel @p0 .LBB2_33-.Ltmp15, $4  }
0x470: {  	[hbm4b:s17+s3] =	stream.linear.scatter [tilespmem:s8], [sflag:$0xA], $0x80, $0x38;
	[tilespmem:$0x1DA00] =	vst v63  }
0x471: {  	s18 =	sadd.s32 $0x70, s6;
	s8 =	sadd.s32 $0x1BB30, s11;
	s17 =	sadd.s32 $0x60, s6  }
0x472: {  	[hbm4b:s17+s3] =	stream.linear.scatter [tilespmem:s8], [sflag:$0xA], $0x80, $0x38;
	[tilespmem:$0x1DA00] =	vst v63  }
0x473: {  	s6 =	sadd.s32 $0x1000, s6;
	s17 =	sadd.s32 $0x1BBB8, s11;
	s8 =	smov.u32 s15  }
0x474: {  	[hbm4b:s18+s3] =	stream.linear.scatter [tilespmem:s17], [sflag:$0xA], $0x80, $0x38;
	[tilespmem:$0x1DA00] =	vst v63  }
0x475: {  	s8 =	sadd.s32 $0x1B800, s5  }
0x476: {  	[hbm4b:s6+s3] =	stream.linear.scatter [tilespmem:s8], [sflag:$0xA], $0x80, $0x38;
	[tilespmem:$0x1DA00] =	vst v63  }
0x477: {  	s18 =	sadd.s32 $0x1B888, s5;
	s11 =	sadd.s32 $0x10, s6  }
0x478: {  	[hbm4b:s11+s3] =	stream.linear.scatter [tilespmem:s18], [sflag:$0xA], $0x80, $0x38;
	[tilespmem:$0x1DA00] =	vst v63  }
0x479: {  	s19 =	sadd.s32 $0x1B910, s5;
	s20 =	sadd.s32 $0x20, s6  }
0x47a: {  	[hbm4b:s20+s3] =	stream.linear.scatter [tilespmem:s19], [sflag:$0xA], $0x80, $0x38;
	[tilespmem:$0x1DA00] =	vst v63  }
0x47b: {  	s21 =	sadd.s32 $0x1B998, s5;
	s22 =	sadd.s32 $0x30, s6  }
0x47c: {  	[hbm4b:s22+s3] =	stream.linear.scatter [tilespmem:s21], [sflag:$0xA], $0x80, $0x38;
	[tilespmem:$0x1DA00] =	vst v63  }
0x47d: {  	s15 =	sadd.s32 $0x40, s6;
	s16 =	sadd.s32 $0x1, s16;
	s11 =	sadd.s32 $0x1BA20, s5  }
0x47e: {  	[hbm4b:s15+s3] =	stream.linear.scatter [tilespmem:s11], [sflag:$0xA], $0x80, $0x38;
	[tilespmem:$0x1DA00] =	vst v63  }
0x47f: {  	s17 =	sadd.s32 $0x1BAA8, s5;
	p0 =	sne.s32 s16, $0x19;
	s18 =	sadd.s32 $0x50, s6  }
0x480: {  	[hbm4b:s18+s3] =	stream.linear.scatter [tilespmem:s17], [sflag:$0xA], $0x80, $0x38;
	[tilespmem:$0x1DA00] =	vst v63  }
.Ltmp16:
0x481: {  	_ = 	snop;
	(pc) =	sbr.rel @p0 .LBB2_2-.Ltmp16, $4  }
0x482: {  	s19 =	sadd.s32 $0x1BB30, s5;
	s20 =	sadd.s32 $0x60, s6  }
0x483: {  	[hbm4b:s20+s3] =	stream.linear.scatter [tilespmem:s19], [sflag:$0xA], $0x80, $0x38;
	[tilespmem:$0x1DA00] =	vst v63  }
0x484: {  	s21 =	sadd.s32 $0x1BBB8, s5;
	s22 =	sadd.s32 $0x70, s6  }
0x485: {  	[hbm4b:s22+s3] =	stream.linear.scatter [tilespmem:s21], [sflag:$0xA], $0x80, $0x38;
	[tilespmem:$0x1DA00] =	vst v63  }
0x486: {  	_ =	swait.ge [sflag:s31], $0x2000  }
0x487: {  	[sflag:s31] =	ssyncset.done $0x0  }
0x488: {  	[sflag:s31] =	ssyncadd.s32 $0xFFFFE000  }
0x489: {  	_ =	swait.ge [sflag:s0], $0x2000  }
0x48a: {  	s6 =	rddreg [dreg:$0x6]  }
0x48b: {  	s5 =	rddreg [dreg:$0x5];
	s6 =	sadd.s32 $0x1, s6  }
0x48c: {  	p0 =	sne.s32 s6, s5  }
.Ltmp17:
0x48d: {  	_ = 	snop;
	(pc) =	sbr.rel @p0 .LBB2_1-.Ltmp17, $3  }
0x48e: {  	_ =	sdelay $0x1  }
0x48f: {  	[sflag:s0] =	ssyncset.done $0x0  }
0x490: {  	[sflag:s0] =	ssyncadd.s32 $0xFFFFE000  }
0x491: {  	_ =	sfence.sel $0x180000  }
0x492: {  	[bflag:$0x0] =	sbarrier.arrive $0xFFFF  }
0x493: {  	_ =	strace $0x90000047  }
0x494: {  	s0 =	stileid.u32;
	[bflag:$0x2] =	sbarrier.arrive $0xFFFF  }
0x495: {  	p0 =	sne.s32 s0, $0x0;
	s0 =	rddreg [dreg:$0x2]  }
0x496: {  	s0 =	sadd.s32 @!p0 $0x100000, s0  }
0x497: {  	[sflag:s0] =	ssyncadd.tile.s32 @!p0 $0x1;
	_ =	shalt  }
.Lfunc_end2:
_tile_overlayer_lowered:
.L_overlay_start_2:
0x498: {  	(tag) =	ssettag $0x2  }
0x499: {  	s0 =	rddreg [dreg:$0x0];
	s2 =	stileid.u32  }
0x49a: {  	s1 =	rddreg [dreg:$0x1];
	p0 =	sne.s32 s2, $0x0  }
0x49b: {  	s3 =	rddreg [dreg:$0x2];
	[bflag:$0x3] =	sbarrier.arrive $0xFFFF;
	s2 =	simm.s32 @!p0 $0x1C0B  }
0x49c: {  	[timem:s3], [sflag:s2] =	dma.local @!p0 [hbm:s0], s1  }
0x49d: {  	s0 =	simm.s32 @!p0 $0xB  }
0x49e: {  	_ =	swait.ge @!p0 [sflag:s0], s1  }
0x49f: {  	s1 =	ssub.s32 @!p0 $0x0, s1;
	[sflag:s0] =	ssyncset.done @!p0 $0x0  }
0x4a0: {  	[sflag:s0] =	ssyncadd.s32 @!p0 s1  }
0x4a1: {  	[bflag:$0x3] =	sbarrier.arrive $0xFFFF  }
0x4a2: {  	_ =	shalt  }

</sc_bundles>
